<compile_context>
chip_gen: v7x
topology: tpu7x:2x2x1
jax: 0.10.2.dev20260603
libtpu: 0.0.44.dev20260713+nightly
codegen_flags: <defaults>
</compile_context>

<pallas_src>
import functools

import jax
import jax.numpy as jnp
from jax import lax
from jax.experimental import pallas as pl
from jax.experimental.pallas import tpu as pltpu
from jax.experimental.pallas import tpu_sc as plsc

_NUM_ROWS = 424
_PAIR_DIM = 128
_LAG_DIM = 16
_OUT_DIM = _PAIR_DIM + _LAG_DIM
_NUM_LAGS = 4
_CHUNK = 32
_GROUPS = _CHUNK // 16
_ACTIVE = (_NUM_ROWS + _CHUNK - 1) // _CHUNK
_NUM_CORES = 1


def _take(v, i):
    dnums = lax.GatherDimensionNumbers(
        offset_dims=(), collapsed_slice_dims=(0,), start_index_map=(0,))
    return lax.gather(v, i[:, None], dnums, slice_sizes=(1,),
                      mode=lax.GatherScatterMode.PROMISE_IN_BOUNDS)


def _body(idxp_hbm, idxl_hbm, pair_hbm, lag_hbm, out_hbm,
          idxp_v, idxl_v, lag_t_v, pair_v, out_v,
          sem_i, sem_l, sem_t, sem_p, sem_o):
    wid = lax.axis_index("s") * _NUM_CORES + lax.axis_index("c")

    @pl.when(wid < _ACTIVE)
    def _():
        base = lax.min(wid * _CHUNK, _NUM_ROWS - _CHUNK)
        ci = pltpu.async_copy(idxp_hbm.at[pl.ds(base, _CHUNK)],
                              idxp_v, sem_i)
        cl = pltpu.async_copy(idxl_hbm.at[pl.ds(base, _CHUNK)],
                              idxl_v, sem_l)
        ct = pltpu.async_copy(lag_hbm, lag_t_v, sem_t)
        ci.wait()

        gathers = []
        for g in range(_GROUPS):
            gathers.append(pltpu.async_copy(
                pair_hbm.at[idxp_v[pl.ds(16 * g, 16)]],
                pair_v.at[pl.ds(16 * g, 16)], sem_p))
        cl.wait()
        lidx = [idxl_v[pl.ds(16 * g, 16)] for g in range(_GROUPS)]

        ct.wait()
        lr = [lag_t_v[i, :] for i in range(_NUM_LAGS)]
        d01 = lr[1] - lr[0]
        d23 = lr[3] - lr[2]
        one = jnp.ones((16,), jnp.int32)
        for r in range(_CHUNK):
            bc = _take(lidx[r // 16], jnp.full((16,), r % 16, jnp.int32))
            b0 = (bc & one).astype(jnp.float32)
            b1 = ((bc >> 1) & one).astype(jnp.float32)
            lo = lr[0] + b0 * d01
            hi = lr[2] + b0 * d23
            sel = lo + b1 * (hi - lo)
            out_v[r, pl.ds(_PAIR_DIM, _LAG_DIM)] = sel

        outs = []
        for g in range(_GROUPS):
            gathers[g].wait()
            for r in range(16 * g, 16 * g + 16):
                for j in range(_PAIR_DIM // 16):
                    out_v[r, pl.ds(j * 16, 16)] = pair_v[r, pl.ds(j * 16, 16)]
            outs.append(pltpu.async_copy(
                out_v.at[pl.ds(16 * g, 16)],
                out_hbm.at[pl.ds(base + 16 * g, 16)], sem_o))
        for c in outs:
            c.wait()


@jax.jit
def _emb(idxp, idxl, pair_table, lag_table):
    mesh = plsc.VectorSubcoreMesh(core_axis_name="c", subcore_axis_name="s",
                                  num_cores=_NUM_CORES)
    run = functools.partial(
        pl.kernel,
        out_type=jax.ShapeDtypeStruct((_NUM_ROWS, _OUT_DIM), jnp.float32),
        mesh=mesh,
        scratch_types=[
            pltpu.VMEM((_CHUNK,), jnp.int32),
            pltpu.VMEM((_CHUNK,), jnp.int32),
            pltpu.VMEM((_NUM_LAGS, _LAG_DIM), jnp.float32),
            pltpu.VMEM((_CHUNK, _PAIR_DIM), jnp.float32),
            pltpu.VMEM((_CHUNK, _OUT_DIM), jnp.float32),
            pltpu.SemaphoreType.DMA,
            pltpu.SemaphoreType.DMA,
            pltpu.SemaphoreType.DMA,
            pltpu.SemaphoreType.DMA,
            pltpu.SemaphoreType.DMA,
        ],
    )(_body)
    return run(idxp, idxl, pair_table, lag_table)


def kernel(target_indices, pair_table, lag_table):
    idx = target_indices.astype(jnp.int32)
    return _emb(idx[:, 0], idx[:, 1], pair_table, lag_table)

# --- scband reference (transcript-rebuilt; emitter-appended) ---
"""Pipeline reference for scband-target-embedding-73057393705021 (READ-ONLY COPY).

The authoritative reference and input builder live on the scoring server;
editing this copy changes nothing except your own understanding.
"""

import jax, jax.numpy as jnp
import numpy as np

LAGS = [1, 5, 10, 20]
NUM_PAIRS = 106
PAIR_EMB_DIM = 128
LAG_EMB_DIM = 16


def _build_indices():
    pairs = [f"A{i}" for i in range(NUM_PAIRS)]
    specs = [(lag, p) for lag in LAGS for p in pairs]
    unique_pairs = sorted({p.strip() for _, p in specs})
    unique_lags = sorted({l for l, _ in specs})
    pair_to_idx = {p: j for j, p in enumerate(unique_pairs)}
    lag_to_idx = {l: j for j, l in enumerate(unique_lags)}
    idx = np.array([[pair_to_idx[p.strip()], lag_to_idx[l]] for l, p in specs], dtype=np.int64)
    return idx


def setup_inputs(seed: int = 0) -> dict:
    key = jax.random.key(seed)
    k1, k2 = jax.random.split(key)
    target_indices = jnp.asarray(_build_indices())
    pair_table = jax.random.normal(k1, (NUM_PAIRS, PAIR_EMB_DIM), dtype=jnp.float32)
    lag_table = jax.random.normal(k2, (len(LAGS), LAG_EMB_DIM), dtype=jnp.float32)
    return {"target_indices": target_indices, "pair_table": pair_table, "lag_table": lag_table}


def reference(target_indices, pair_table, lag_table):
    pair_emb = jnp.take(pair_table, target_indices[:, 0], axis=0)
    lag_emb = jnp.take(lag_table, target_indices[:, 1], axis=0)
    target_emb = jnp.concatenate([pair_emb, lag_emb], axis=-1)
    return target_emb

if __name__ == "__main__":
    import jax
    _d = setup_inputs()
    print(jax.jit(kernel)(*tuple(_d.values())))

</pallas_src>

<mosaic_0001>
#map = affine_map<(d0, d1) -> (0)>
#map1 = affine_map<(d0, d1) -> (0, 0)>
module attributes {stable_mosaic.version = 14 : i64} {
  func.func @_body(%arg0: i32, %arg1: i32, %arg2: memref<424xi32, #tpu.memory_space<hbm>>, %arg3: memref<424xi32, #tpu.memory_space<hbm>>, %arg4: memref<106x128xf32, #tpu.memory_space<hbm>>, %arg5: memref<4x16xf32, #tpu.memory_space<hbm>>, %arg6: memref<424x144xf32, #tpu.memory_space<hbm>>, %arg7: memref<32xi32, #tpu.memory_space<vmem>>, %arg8: memref<32xi32, #tpu.memory_space<vmem>>, %arg9: memref<4x16xf32, #tpu.memory_space<vmem>>, %arg10: memref<32x128xf32, #tpu.memory_space<vmem>>, %arg11: memref<32x144xf32, #tpu.memory_space<vmem>>, %arg12: memref<!tpu.dma_semaphore, #tpu.memory_space<semaphore_mem>>, %arg13: memref<!tpu.dma_semaphore, #tpu.memory_space<semaphore_mem>>, %arg14: memref<!tpu.dma_semaphore, #tpu.memory_space<semaphore_mem>>, %arg15: memref<!tpu.dma_semaphore, #tpu.memory_space<semaphore_mem>>, %arg16: memref<!tpu.dma_semaphore, #tpu.memory_space<semaphore_mem>>) attributes {dimension_semantics = [#tpu.dimension_semantics<core_parallel>, #tpu.dimension_semantics<subcore_parallel>], iteration_bounds = array<i64: 1, 16>, scalar_prefetch = 0 : i64, scratch_operands = 10 : i64, tpu.core_type = #tpu.core_type<sc_vector_subcore>, window_params = [{transform_indices = #map}, {transform_indices = #map}, {transform_indices = #map1}, {transform_indices = #map1}, {transform_indices = #map1}]} {
    %mul3A = arith.constant 1 : i32
    %mul3A_0 = arith.muli %arg1, %mul3A : i32
    %add3A = arith.addi %mul3A_0, %arg0 : i32
    %lt3A = arith.constant 14 : i32
    %lt3A_1 = arith.cmpi slt, %add3A, %lt3A : i32
    %convert_element_type3A = arith.extui %lt3A_1 : i1 to i32
    %cond3A = arith.constant 0 : i32
    %cond3A_2 = arith.cmpi ne, %convert_element_type3A, %cond3A : i32
    scf.if %cond3A_2 {
      %mul3A_3 = arith.constant 32 : i32
      %mul3A_4 = arith.muli %add3A, %mul3A_3 : i32
      %min3A = arith.constant 392 : i32
      %min3A_5 = arith.minsi %mul3A_4, %min3A : i32
      %dma_start3A = tpu.memref_slice %arg2[%min3A_5] : memref<424xi32, #tpu.memory_space<hbm>> -> memref<32xi32, #tpu.memory_space<hbm>>
      %dma_start3A_6 = tpu.memref_slice %arg2[%min3A_5] : memref<424xi32, #tpu.memory_space<hbm>> -> memref<32xi32, #tpu.memory_space<hbm>>
      tpu.enqueue_dma source(%dma_start3A_6 : memref<32xi32, #tpu.memory_space<hbm>>) target(%arg7 : memref<32xi32, #tpu.memory_space<vmem>>) target_semaphore(%arg12 : memref<!tpu.dma_semaphore, #tpu.memory_space<semaphore_mem>>)
      %dma_start3A_7 = tpu.memref_slice %arg3[%min3A_5] : memref<424xi32, #tpu.memory_space<hbm>> -> memref<32xi32, #tpu.memory_space<hbm>>
      %dma_start3A_8 = tpu.memref_slice %arg3[%min3A_5] : memref<424xi32, #tpu.memory_space<hbm>> -> memref<32xi32, #tpu.memory_space<hbm>>
      tpu.enqueue_dma source(%dma_start3A_8 : memref<32xi32, #tpu.memory_space<hbm>>) target(%arg8 : memref<32xi32, #tpu.memory_space<vmem>>) target_semaphore(%arg13 : memref<!tpu.dma_semaphore, #tpu.memory_space<semaphore_mem>>)
      tpu.enqueue_dma source(%arg5 : memref<4x16xf32, #tpu.memory_space<hbm>>) target(%arg9 : memref<4x16xf32, #tpu.memory_space<vmem>>) target_semaphore(%arg14 : memref<!tpu.dma_semaphore, #tpu.memory_space<semaphore_mem>>)
      %dma_wait3A = tpu.memref_slice %arg2[%min3A_5] : memref<424xi32, #tpu.memory_space<hbm>> -> memref<32xi32, #tpu.memory_space<hbm>>
      %dma_wait3A_9 = tpu.memref_slice %arg2[%min3A_5] : memref<424xi32, #tpu.memory_space<hbm>> -> memref<32xi32, #tpu.memory_space<hbm>>
      tpu.wait_dma2 semaphore(%arg12 : memref<!tpu.dma_semaphore, #tpu.memory_space<semaphore_mem>>) src(%dma_wait3A_9 : memref<32xi32, #tpu.memory_space<hbm>>) dst(%arg7 : memref<32xi32, #tpu.memory_space<vmem>>)
      %get3A = arith.constant 0 : index
      %get3A_10 = tpu.vector_load %arg7[%get3A] {strides = array<i32>} : memref<32xi32, #tpu.memory_space<vmem>>, vector<16xi32>,
      %get3A_11 = vector.shape_cast %get3A_10 : vector<16xi32> to vector<16xi32>
      %dma_start3A_12 = arith.constant 0 : i32
      %dma_start3A_13 = arith.constant 0 : i32
      %dma_start3A_14 = tpu.memref_slice %arg10[%dma_start3A_12, %dma_start3A_13] : memref<32x128xf32, #tpu.memory_space<vmem>> -> memref<16x128xf32, #tpu.memory_space<vmem>>
      %dma_start3A_15 = arith.constant 0 : i32
      %dma_start3A_16 = arith.constant 0 : i32
      %dma_start3A_17 = tpu.memref_slice %arg4[%dma_start3A_15, %dma_start3A_16] : memref<106x128xf32, #tpu.memory_space<hbm>> -> memref<106x128xf32, #tpu.memory_space<hbm>>
      tpu.enqueue_indirect_dma source(%dma_start3A_17 : memref<106x128xf32, #tpu.memory_space<hbm>>) target(%dma_start3A_14 : memref<16x128xf32, #tpu.memory_space<vmem>>) offsets(%get3A_11 : vector<16xi32>) semaphore(%arg15 : memref<!tpu.dma_semaphore, #tpu.memory_space<semaphore_mem>>)
      %get3A_18 = arith.constant 16 : index
      %get3A_19 = tpu.vector_load %arg7[%get3A_18] {strides = array<i32>} : memref<32xi32, #tpu.memory_space<vmem>>, vector<16xi32>,
      %get3A_20 = vector.shape_cast %get3A_19 : vector<16xi32> to vector<16xi32>
      %dma_start3A_21 = arith.constant 16 : i32
      %dma_start3A_22 = arith.constant 0 : i32
      %dma_start3A_23 = tpu.memref_slice %arg10[%dma_start3A_21, %dma_start3A_22] : memref<32x128xf32, #tpu.memory_space<vmem>> -> memref<16x128xf32, #tpu.memory_space<vmem>>
      %dma_start3A_24 = arith.constant 0 : i32
      %dma_start3A_25 = arith.constant 0 : i32
      %dma_start3A_26 = tpu.memref_slice %arg4[%dma_start3A_24, %dma_start3A_25] : memref<106x128xf32, #tpu.memory_space<hbm>> -> memref<106x128xf32, #tpu.memory_space<hbm>>
      tpu.enqueue_indirect_dma source(%dma_start3A_26 : memref<106x128xf32, #tpu.memory_space<hbm>>) target(%dma_start3A_23 : memref<16x128xf32, #tpu.memory_space<vmem>>) offsets(%get3A_20 : vector<16xi32>) semaphore(%arg15 : memref<!tpu.dma_semaphore, #tpu.memory_space<semaphore_mem>>)
      %dma_wait3A_27 = tpu.memref_slice %arg3[%min3A_5] : memref<424xi32, #tpu.memory_space<hbm>> -> memref<32xi32, #tpu.memory_space<hbm>>
      %dma_wait3A_28 = tpu.memref_slice %arg3[%min3A_5] : memref<424xi32, #tpu.memory_space<hbm>> -> memref<32xi32, #tpu.memory_space<hbm>>
      tpu.wait_dma2 semaphore(%arg13 : memref<!tpu.dma_semaphore, #tpu.memory_space<semaphore_mem>>) src(%dma_wait3A_28 : memref<32xi32, #tpu.memory_space<hbm>>) dst(%arg8 : memref<32xi32, #tpu.memory_space<vmem>>)
      %get3A_29 = arith.constant 0 : index
      %get3A_30 = tpu.vector_load %arg8[%get3A_29] {strides = array<i32>} : memref<32xi32, #tpu.memory_space<vmem>>, vector<16xi32>,
      %get3A_31 = vector.shape_cast %get3A_30 : vector<16xi32> to vector<16xi32>
      %get3A_32 = arith.constant 16 : index
      %get3A_33 = tpu.vector_load %arg8[%get3A_32] {strides = array<i32>} : memref<32xi32, #tpu.memory_space<vmem>>, vector<16xi32>,
      %get3A_34 = vector.shape_cast %get3A_33 : vector<16xi32> to vector<16xi32>
      tpu.wait_dma2 semaphore(%arg14 : memref<!tpu.dma_semaphore, #tpu.memory_space<semaphore_mem>>) src(%arg5 : memref<4x16xf32, #tpu.memory_space<hbm>>) dst(%arg9 : memref<4x16xf32, #tpu.memory_space<vmem>>)
      %get3A_35 = arith.constant 0 : i32
      %get3A_36 = arith.index_cast %get3A_35 : i32 to index
      %get3A_37 = arith.constant 0 : index
      %get3A_38 = tpu.vector_load %arg9[%get3A_36, %get3A_37] {strides = array<i32>} : memref<4x16xf32, #tpu.memory_space<vmem>>, vector<1x16xf32>,
      %get3A_39 = vector.shape_cast %get3A_38 : vector<1x16xf32> to vector<16xf32>
      %get3A_40 = arith.constant 1 : i32
      %get3A_41 = arith.index_cast %get3A_40 : i32 to index
      %get3A_42 = arith.constant 0 : index
      %get3A_43 = tpu.vector_load %arg9[%get3A_41, %get3A_42] {strides = array<i32>} : memref<4x16xf32, #tpu.memory_space<vmem>>, vector<1x16xf32>,
      %get3A_44 = vector.shape_cast %get3A_43 : vector<1x16xf32> to vector<16xf32>
      %get3A_45 = arith.constant 2 : i32
      %get3A_46 = arith.index_cast %get3A_45 : i32 to index
      %get3A_47 = arith.constant 0 : index
      %get3A_48 = tpu.vector_load %arg9[%get3A_46, %get3A_47] {strides = array<i32>} : memref<4x16xf32, #tpu.memory_space<vmem>>, vector<1x16xf32>,
      %get3A_49 = vector.shape_cast %get3A_48 : vector<1x16xf32> to vector<16xf32>
      %get3A_50 = arith.constant 3 : i32
      %get3A_51 = arith.index_cast %get3A_50 : i32 to index
      %get3A_52 = arith.constant 0 : index
      %get3A_53 = tpu.vector_load %arg9[%get3A_51, %get3A_52] {strides = array<i32>} : memref<4x16xf32, #tpu.memory_space<vmem>>, vector<1x16xf32>,
      %get3A_54 = vector.shape_cast %get3A_53 : vector<1x16xf32> to vector<16xf32>
      %sub3A = arith.subf %get3A_44, %get3A_39 : vector<16xf32>
      %sub3A_55 = arith.subf %get3A_54, %get3A_49 : vector<16xf32>
      %broadcast_in_dim3A = arith.constant 1 : i32
      %broadcast_in_dim3A_56 = vector.broadcast %broadcast_in_dim3A : i32 to vector<16xi32>
      %broadcast_in_dim3A_57 = arith.constant 0 : i32
      %broadcast_in_dim3A_58 = vector.broadcast %broadcast_in_dim3A_57 : i32 to vector<16xi32>
      %broadcast_in_dim3A_59 = vector.shape_cast %broadcast_in_dim3A_58 : vector<16xi32> to vector<16x1xi32>
      %gather3A = vector.shape_cast %broadcast_in_dim3A_59 : vector<16x1xi32> to vector<16xi32>
      %gather3A_60 = tpu.dynamic_gather %get3A_31[%gather3A] in [0] : vector<16xi32>, vector<16xi32> -> vector<16xi32>
      %and3A = arith.andi %gather3A_60, %broadcast_in_dim3A_56 : vector<16xi32>
      %convert_element_type3A_61 = arith.sitofp %and3A : vector<16xi32> to vector<16xf32>
      %shift_right_arithmetic3A = arith.constant 1 : i32
      %shift_right_arithmetic3A_62 = vector.broadcast %shift_right_arithmetic3A : i32 to vector<16xi32>
      %shift_right_arithmetic3A_63 = arith.shrsi %gather3A_60, %shift_right_arithmetic3A_62 : vector<16xi32>
      %and3A_64 = arith.andi %shift_right_arithmetic3A_63, %broadcast_in_dim3A_56 : vector<16xi32>
      %convert_element_type3A_65 = arith.sitofp %and3A_64 : vector<16xi32> to vector<16xf32>
      %mul3A_66 = arith.mulf %convert_element_type3A_61, %sub3A : vector<16xf32>
      %add3A_67 = arith.addf %get3A_39, %mul3A_66 : vector<16xf32>
      %mul3A_68 = arith.mulf %convert_element_type3A_61, %sub3A_55 : vector<16xf32>
      %add3A_69 = arith.addf %get3A_49, %mul3A_68 : vector<16xf32>
      %sub3A_70 = arith.subf %add3A_69, %add3A_67 : vector<16xf32>
      %mul3A_71 = arith.mulf %convert_element_type3A_65, %sub3A_70 : vector<16xf32>
      %add3A_72 = arith.addf %add3A_67, %mul3A_71 : vector<16xf32>
      %swap3A = arith.constant 0 : i32
      %swap3A_73 = arith.index_cast %swap3A : i32 to index
      %swap3A_74 = arith.constant 128 : index
      %swap3A_75 = tpu.vector_load %arg11[%swap3A_73, %swap3A_74] {strides = array<i32>} : memref<32x144xf32, #tpu.memory_space<vmem>>, vector<1x16xf32>,
      %swap3A_76 = vector.shape_cast %swap3A_75 : vector<1x16xf32> to vector<16xf32>
      %swap3A_77 = vector.shape_cast %add3A_72 : vector<16xf32> to vector<1x16xf32>
      tpu.vector_store %arg11[%swap3A_73, %swap3A_74], %swap3A_77 {strides = array<i32>} : memref<32x144xf32, #tpu.memory_space<vmem>>, vector<1x16xf32>,
      %broadcast_in_dim3A_78 = arith.constant 1 : i32
      %broadcast_in_dim3A_79 = vector.broadcast %broadcast_in_dim3A_78 : i32 to vector<16xi32>
      %broadcast_in_dim3A_80 = vector.shape_cast %broadcast_in_dim3A_79 : vector<16xi32> to vector<16x1xi32>
      %gather3A_81 = vector.shape_cast %broadcast_in_dim3A_80 : vector<16x1xi32> to vector<16xi32>
      %gather3A_82 = tpu.dynamic_gather %get3A_31[%gather3A_81] in [0] : vector<16xi32>, vector<16xi32> -> vector<16xi32>
      %and3A_83 = arith.andi %gather3A_82, %broadcast_in_dim3A_56 : vector<16xi32>
      %convert_element_type3A_84 = arith.sitofp %and3A_83 : vector<16xi32> to vector<16xf32>
      %shift_right_arithmetic3A_85 = arith.constant 1 : i32
      %shift_right_arithmetic3A_86 = vector.broadcast %shift_right_arithmetic3A_85 : i32 to vector<16xi32>
      %shift_right_arithmetic3A_87 = arith.shrsi %gather3A_82, %shift_right_arithmetic3A_86 : vector<16xi32>
      %and3A_88 = arith.andi %shift_right_arithmetic3A_87, %broadcast_in_dim3A_56 : vector<16xi32>
      %convert_element_type3A_89 = arith.sitofp %and3A_88 : vector<16xi32> to vector<16xf32>
      %mul3A_90 = arith.mulf %convert_element_type3A_84, %sub3A : vector<16xf32>
      %add3A_91 = arith.addf %get3A_39, %mul3A_90 : vector<16xf32>
      %mul3A_92 = arith.mulf %convert_element_type3A_84, %sub3A_55 : vector<16xf32>
      %add3A_93 = arith.addf %get3A_49, %mul3A_92 : vector<16xf32>
      %sub3A_94 = arith.subf %add3A_93, %add3A_91 : vector<16xf32>
      %mul3A_95 = arith.mulf %convert_element_type3A_89, %sub3A_94 : vector<16xf32>
      %add3A_96 = arith.addf %add3A_91, %mul3A_95 : vector<16xf32>
      %swap3A_97 = arith.constant 1 : i32
      %swap3A_98 = arith.index_cast %swap3A_97 : i32 to index
      %swap3A_99 = arith.constant 128 : index
      %swap3A_100 = tpu.vector_load %arg11[%swap3A_98, %swap3A_99] {strides = array<i32>} : memref<32x144xf32, #tpu.memory_space<vmem>>, vector<1x16xf32>,
      %swap3A_101 = vector.shape_cast %swap3A_100 : vector<1x16xf32> to vector<16xf32>
      %swap3A_102 = vector.shape_cast %add3A_96 : vector<16xf32> to vector<1x16xf32>
      tpu.vector_store %arg11[%swap3A_98, %swap3A_99], %swap3A_102 {strides = array<i32>} : memref<32x144xf32, #tpu.memory_space<vmem>>, vector<1x16xf32>,
      %broadcast_in_dim3A_103 = arith.constant 2 : i32
      %broadcast_in_dim3A_104 = vector.broadcast %broadcast_in_dim3A_103 : i32 to vector<16xi32>
      %broadcast_in_dim3A_105 = vector.shape_cast %broadcast_in_dim3A_104 : vector<16xi32> to vector<16x1xi32>
      %gather3A_106 = vector.shape_cast %broadcast_in_dim3A_105 : vector<16x1xi32> to vector<16xi32>
      %gather3A_107 = tpu.dynamic_gather %get3A_31[%gather3A_106] in [0] : vector<16xi32>, vector<16xi32> -> vector<16xi32>
      %and3A_108 = arith.andi %gather3A_107, %broadcast_in_dim3A_56 : vector<16xi32>
      %convert_element_type3A_109 = arith.sitofp %and3A_108 : vector<16xi32> to vector<16xf32>
      %shift_right_arithmetic3A_110 = arith.constant 1 : i32
      %shift_right_arithmetic3A_111 = vector.broadcast %shift_right_arithmetic3A_110 : i32 to vector<16xi32>
      %shift_right_arithmetic3A_112 = arith.shrsi %gather3A_107, %shift_right_arithmetic3A_111 : vector<16xi32>
      %and3A_113 = arith.andi %shift_right_arithmetic3A_112, %broadcast_in_dim3A_56 : vector<16xi32>
      %convert_element_type3A_114 = arith.sitofp %and3A_113 : vector<16xi32> to vector<16xf32>
      %mul3A_115 = arith.mulf %convert_element_type3A_109, %sub3A : vector<16xf32>
      %add3A_116 = arith.addf %get3A_39, %mul3A_115 : vector<16xf32>
      %mul3A_117 = arith.mulf %convert_element_type3A_109, %sub3A_55 : vector<16xf32>
      %add3A_118 = arith.addf %get3A_49, %mul3A_117 : vector<16xf32>
      %sub3A_119 = arith.subf %add3A_118, %add3A_116 : vector<16xf32>
      %mul3A_120 = arith.mulf %convert_element_type3A_114, %sub3A_119 : vector<16xf32>
      %add3A_121 = arith.addf %add3A_116, %mul3A_120 : vector<16xf32>
      %swap3A_122 = arith.constant 2 : i32
      %swap3A_123 = arith.index_cast %swap3A_122 : i32 to index
      %swap3A_124 = arith.constant 128 : index
      %swap3A_125 = tpu.vector_load %arg11[%swap3A_123, %swap3A_124] {strides = array<i32>} : memref<32x144xf32, #tpu.memory_space<vmem>>, vector<1x16xf32>,
      %swap3A_126 = vector.shape_cast %swap3A_125 : vector<1x16xf32> to vector<16xf32>
      %swap3A_127 = vector.shape_cast %add3A_121 : vector<16xf32> to vector<1x16xf32>
      tpu.vector_store %arg11[%swap3A_123, %swap3A_124], %swap3A_127 {strides = array<i32>} : memref<32x144xf32, #tpu.memory_space<vmem>>, vector<1x16xf32>,
      %broadcast_in_dim3A_128 = arith.constant 3 : i32
      %broadcast_in_dim3A_129 = vector.broadcast %broadcast_in_dim3A_128 : i32 to vector<16xi32>
      %broadcast_in_dim3A_130 = vector.shape_cast %broadcast_in_dim3A_129 : vector<16xi32> to vector<16x1xi32>
      %gather3A_131 = vector.shape_cast %broadcast_in_dim3A_130 : vector<16x1xi32> to vector<16xi32>
      %gather3A_132 = tpu.dynamic_gather %get3A_31[%gather3A_131] in [0] : vector<16xi32>, vector<16xi32> -> vector<16xi32>
      %and3A_133 = arith.andi %gather3A_132, %broadcast_in_dim3A_56 : vector<16xi32>
      %convert_element_type3A_134 = arith.sitofp %and3A_133 : vector<16xi32> to vector<16xf32>
      %shift_right_arithmetic3A_135 = arith.constant 1 : i32
      %shift_right_arithmetic3A_136 = vector.broadcast %shift_right_arithmetic3A_135 : i32 to vector<16xi32>
      %shift_right_arithmetic3A_137 = arith.shrsi %gather3A_132, %shift_right_arithmetic3A_136 : vector<16xi32>
      %and3A_138 = arith.andi %shift_right_arithmetic3A_137, %broadcast_in_dim3A_56 : vector<16xi32>
      %convert_element_type3A_139 = arith.sitofp %and3A_138 : vector<16xi32> to vector<16xf32>
      %mul3A_140 = arith.mulf %convert_element_type3A_134, %sub3A : vector<16xf32>
      %add3A_141 = arith.addf %get3A_39, %mul3A_140 : vector<16xf32>
      %mul3A_142 = arith.mulf %convert_element_type3A_134, %sub3A_55 : vector<16xf32>
      %add3A_143 = arith.addf %get3A_49, %mul3A_142 : vector<16xf32>
      %sub3A_144 = arith.subf %add3A_143, %add3A_141 : vector<16xf32>
      %mul3A_145 = arith.mulf %convert_element_type3A_139, %sub3A_144 : vector<16xf32>
      %add3A_146 = arith.addf %add3A_141, %mul3A_145 : vector<16xf32>
      %swap3A_147 = arith.constant 3 : i32
      %swap3A_148 = arith.index_cast %swap3A_147 : i32 to index
      %swap3A_149 = arith.constant 128 : index
      %swap3A_150 = tpu.vector_load %arg11[%swap3A_148, %swap3A_149] {strides = array<i32>} : memref<32x144xf32, #tpu.memory_space<vmem>>, vector<1x16xf32>,
      %swap3A_151 = vector.shape_cast %swap3A_150 : vector<1x16xf32> to vector<16xf32>
      %swap3A_152 = vector.shape_cast %add3A_146 : vector<16xf32> to vector<1x16xf32>
      tpu.vector_store %arg11[%swap3A_148, %swap3A_149], %swap3A_152 {strides = array<i32>} : memref<32x144xf32, #tpu.memory_space<vmem>>, vector<1x16xf32>,
      %broadcast_in_dim3A_153 = arith.constant 4 : i32
      %broadcast_in_dim3A_154 = vector.broadcast %broadcast_in_dim3A_153 : i32 to vector<16xi32>
      %broadcast_in_dim3A_155 = vector.shape_cast %broadcast_in_dim3A_154 : vector<16xi32> to vector<16x1xi32>
      %gather3A_156 = vector.shape_cast %broadcast_in_dim3A_155 : vector<16x1xi32> to vector<16xi32>
      %gather3A_157 = tpu.dynamic_gather %get3A_31[%gather3A_156] in [0] : vector<16xi32>, vector<16xi32> -> vector<16xi32>
      %and3A_158 = arith.andi %gather3A_157, %broadcast_in_dim3A_56 : vector<16xi32>
      %convert_element_type3A_159 = arith.sitofp %and3A_158 : vector<16xi32> to vector<16xf32>
      %shift_right_arithmetic3A_160 = arith.constant 1 : i32
      %shift_right_arithmetic3A_161 = vector.broadcast %shift_right_arithmetic3A_160 : i32 to vector<16xi32>
      %shift_right_arithmetic3A_162 = arith.shrsi %gather3A_157, %shift_right_arithmetic3A_161 : vector<16xi32>
      %and3A_163 = arith.andi %shift_right_arithmetic3A_162, %broadcast_in_dim3A_56 : vector<16xi32>
      %convert_element_type3A_164 = arith.sitofp %and3A_163 : vector<16xi32> to vector<16xf32>
      %mul3A_165 = arith.mulf %convert_element_type3A_159, %sub3A : vector<16xf32>
      %add3A_166 = arith.addf %get3A_39, %mul3A_165 : vector<16xf32>
      %mul3A_167 = arith.mulf %convert_element_type3A_159, %sub3A_55 : vector<16xf32>
      %add3A_168 = arith.addf %get3A_49, %mul3A_167 : vector<16xf32>
      %sub3A_169 = arith.subf %add3A_168, %add3A_166 : vector<16xf32>
      %mul3A_170 = arith.mulf %convert_element_type3A_164, %sub3A_169 : vector<16xf32>
      %add3A_171 = arith.addf %add3A_166, %mul3A_170 : vector<16xf32>
      %swap3A_172 = arith.constant 4 : i32
      %swap3A_173 = arith.index_cast %swap3A_172 : i32 to index
      %swap3A_174 = arith.constant 128 : index
      %swap3A_175 = tpu.vector_load %arg11[%swap3A_173, %swap3A_174] {strides = array<i32>} : memref<32x144xf32, #tpu.memory_space<vmem>>, vector<1x16xf32>,
      %swap3A_176 = vector.shape_cast %swap3A_175 : vector<1x16xf32> to vector<16xf32>
      %swap3A_177 = vector.shape_cast %add3A_171 : vector<16xf32> to vector<1x16xf32>
      tpu.vector_store %arg11[%swap3A_173, %swap3A_174], %swap3A_177 {strides = array<i32>} : memref<32x144xf32, #tpu.memory_space<vmem>>, vector<1x16xf32>,
      %broadcast_in_dim3A_178 = arith.constant 5 : i32
      %broadcast_in_dim3A_179 = vector.broadcast %broadcast_in_dim3A_178 : i32 to vector<16xi32>
      %broadcast_in_dim3A_180 = vector.shape_cast %broadcast_in_dim3A_179 : vector<16xi32> to vector<16x1xi32>
      %gather3A_181 = vector.shape_cast %broadcast_in_dim3A_180 : vector<16x1xi32> to vector<16xi32>
      %gather3A_182 = tpu.dynamic_gather %get3A_31[%gather3A_181] in [0] : vector<16xi32>, vector<16xi32> -> vector<16xi32>
      %and3A_183 = arith.andi %gather3A_182, %broadcast_in_dim3A_56 : vector<16xi32>
      %convert_element_type3A_184 = arith.sitofp %and3A_183 : vector<16xi32> to vector<16xf32>
      %shift_right_arithmetic3A_185 = arith.constant 1 : i32
      %shift_right_arithmetic3A_186 = vector.broadcast %shift_right_arithmetic3A_185 : i32 to vector<16xi32>
      %shift_right_arithmetic3A_187 = arith.shrsi %gather3A_182, %shift_right_arithmetic3A_186 : vector<16xi32>
      %and3A_188 = arith.andi %shift_right_arithmetic3A_187, %broadcast_in_dim3A_56 : vector<16xi32>
      %convert_element_type3A_189 = arith.sitofp %and3A_188 : vector<16xi32> to vector<16xf32>
      %mul3A_190 = arith.mulf %convert_element_type3A_184, %sub3A : vector<16xf32>
      %add3A_191 = arith.addf %get3A_39, %mul3A_190 : vector<16xf32>
      %mul3A_192 = arith.mulf %convert_element_type3A_184, %sub3A_55 : vector<16xf32>
      %add3A_193 = arith.addf %get3A_49, %mul3A_192 : vector<16xf32>
      %sub3A_194 = arith.subf %add3A_193, %add3A_191 : vector<16xf32>
      %mul3A_195 = arith.mulf %convert_element_type3A_189, %sub3A_194 : vector<16xf32>
      %add3A_196 = arith.addf %add3A_191, %mul3A_195 : vector<16xf32>
      %swap3A_197 = arith.constant 5 : i32
      %swap3A_198 = arith.index_cast %swap3A_197 : i32 to index
      %swap3A_199 = arith.constant 128 : index
      %swap3A_200 = tpu.vector_load %arg11[%swap3A_198, %swap3A_199] {strides = array<i32>} : memref<32x144xf32, #tpu.memory_space<vmem>>, vector<1x16xf32>,
      %swap3A_201 = vector.shape_cast %swap3A_200 : vector<1x16xf32> to vector<16xf32>
      %swap3A_202 = vector.shape_cast %add3A_196 : vector<16xf32> to vector<1x16xf32>
      tpu.vector_store %arg11[%swap3A_198, %swap3A_199], %swap3A_202 {strides = array<i32>} : memref<32x144xf32, #tpu.memory_space<vmem>>, vector<1x16xf32>,
      %broadcast_in_dim3A_203 = arith.constant 6 : i32
      %broadcast_in_dim3A_204 = vector.broadcast %broadcast_in_dim3A_203 : i32 to vector<16xi32>
      %broadcast_in_dim3A_205 = vector.shape_cast %broadcast_in_dim3A_204 : vector<16xi32> to vector<16x1xi32>
      %gather3A_206 = vector.shape_cast %broadcast_in_dim3A_205 : vector<16x1xi32> to vector<16xi32>
      %gather3A_207 = tpu.dynamic_gather %get3A_31[%gather3A_206] in [0] : vector<16xi32>, vector<16xi32> -> vector<16xi32>
      %and3A_208 = arith.andi %gather3A_207, %broadcast_in_dim3A_56 : vector<16xi32>
      %convert_element_type3A_209 = arith.sitofp %and3A_208 : vector<16xi32> to vector<16xf32>
      %shift_right_arithmetic3A_210 = arith.constant 1 : i32
      %shift_right_arithmetic3A_211 = vector.broadcast %shift_right_arithmetic3A_210 : i32 to vector<16xi32>
      %shift_right_arithmetic3A_212 = arith.shrsi %gather3A_207, %shift_right_arithmetic3A_211 : vector<16xi32>
      %and3A_213 = arith.andi %shift_right_arithmetic3A_212, %broadcast_in_dim3A_56 : vector<16xi32>
      %convert_element_type3A_214 = arith.sitofp %and3A_213 : vector<16xi32> to vector<16xf32>
      %mul3A_215 = arith.mulf %convert_element_type3A_209, %sub3A : vector<16xf32>
      %add3A_216 = arith.addf %get3A_39, %mul3A_215 : vector<16xf32>
      %mul3A_217 = arith.mulf %convert_element_type3A_209, %sub3A_55 : vector<16xf32>
      %add3A_218 = arith.addf %get3A_49, %mul3A_217 : vector<16xf32>
      %sub3A_219 = arith.subf %add3A_218, %add3A_216 : vector<16xf32>
      %mul3A_220 = arith.mulf %convert_element_type3A_214, %sub3A_219 : vector<16xf32>
      %add3A_221 = arith.addf %add3A_216, %mul3A_220 : vector<16xf32>
      %swap3A_222 = arith.constant 6 : i32
      %swap3A_223 = arith.index_cast %swap3A_222 : i32 to index
      %swap3A_224 = arith.constant 128 : index
      %swap3A_225 = tpu.vector_load %arg11[%swap3A_223, %swap3A_224] {strides = array<i32>} : memref<32x144xf32, #tpu.memory_space<vmem>>, vector<1x16xf32>,
      %swap3A_226 = vector.shape_cast %swap3A_225 : vector<1x16xf32> to vector<16xf32>
      %swap3A_227 = vector.shape_cast %add3A_221 : vector<16xf32> to vector<1x16xf32>
      tpu.vector_store %arg11[%swap3A_223, %swap3A_224], %swap3A_227 {strides = array<i32>} : memref<32x144xf32, #tpu.memory_space<vmem>>, vector<1x16xf32>,
      %broadcast_in_dim3A_228 = arith.constant 7 : i32
      %broadcast_in_dim3A_229 = vector.broadcast %broadcast_in_dim3A_228 : i32 to vector<16xi32>
      %broadcast_in_dim3A_230 = vector.shape_cast %broadcast_in_dim3A_229 : vector<16xi32> to vector<16x1xi32>
      %gather3A_231 = vector.shape_cast %broadcast_in_dim3A_230 : vector<16x1xi32> to vector<16xi32>
      %gather3A_232 = tpu.dynamic_gather %get3A_31[%gather3A_231] in [0] : vector<16xi32>, vector<16xi32> -> vector<16xi32>
      %and3A_233 = arith.andi %gather3A_232, %broadcast_in_dim3A_56 : vector<16xi32>
      %convert_element_type3A_234 = arith.sitofp %and3A_233 : vector<16xi32> to vector<16xf32>
      %shift_right_arithmetic3A_235 = arith.constant 1 : i32
      %shift_right_arithmetic3A_236 = vector.broadcast %shift_right_arithmetic3A_235 : i32 to vector<16xi32>
      %shift_right_arithmetic3A_237 = arith.shrsi %gather3A_232, %shift_right_arithmetic3A_236 : vector<16xi32>
      %and3A_238 = arith.andi %shift_right_arithmetic3A_237, %broadcast_in_dim3A_56 : vector<16xi32>
      %convert_element_type3A_239 = arith.sitofp %and3A_238 : vector<16xi32> to vector<16xf32>
      %mul3A_240 = arith.mulf %convert_element_type3A_234, %sub3A : vector<16xf32>
      %add3A_241 = arith.addf %get3A_39, %mul3A_240 : vector<16xf32>
      %mul3A_242 = arith.mulf %convert_element_type3A_234, %sub3A_55 : vector<16xf32>
      %add3A_243 = arith.addf %get3A_49, %mul3A_242 : vector<16xf32>
      %sub3A_244 = arith.subf %add3A_243, %add3A_241 : vector<16xf32>
      %mul3A_245 = arith.mulf %convert_element_type3A_239, %sub3A_244 : vector<16xf32>
      %add3A_246 = arith.addf %add3A_241, %mul3A_245 : vector<16xf32>
      %swap3A_247 = arith.constant 7 : i32
      %swap3A_248 = arith.index_cast %swap3A_247 : i32 to index
      %swap3A_249 = arith.constant 128 : index
      %swap3A_250 = tpu.vector_load %arg11[%swap3A_248, %swap3A_249] {strides = array<i32>} : memref<32x144xf32, #tpu.memory_space<vmem>>, vector<1x16xf32>,
      %swap3A_251 = vector.shape_cast %swap3A_250 : vector<1x16xf32> to vector<16xf32>
      %swap3A_252 = vector.shape_cast %add3A_246 : vector<16xf32> to vector<1x16xf32>
      tpu.vector_store %arg11[%swap3A_248, %swap3A_249], %swap3A_252 {strides = array<i32>} : memref<32x144xf32, #tpu.memory_space<vmem>>, vector<1x16xf32>,
      %broadcast_in_dim3A_253 = arith.constant 8 : i32
      %broadcast_in_dim3A_254 = vector.broadcast %broadcast_in_dim3A_253 : i32 to vector<16xi32>
      %broadcast_in_dim3A_255 = vector.shape_cast %broadcast_in_dim3A_254 : vector<16xi32> to vector<16x1xi32>
      %gather3A_256 = vector.shape_cast %broadcast_in_dim3A_255 : vector<16x1xi32> to vector<16xi32>
      %gather3A_257 = tpu.dynamic_gather %get3A_31[%gather3A_256] in [0] : vector<16xi32>, vector<16xi32> -> vector<16xi32>
      %and3A_258 = arith.andi %gather3A_257, %broadcast_in_dim3A_56 : vector<16xi32>
      %convert_element_type3A_259 = arith.sitofp %and3A_258 : vector<16xi32> to vector<16xf32>
      %shift_right_arithmetic3A_260 = arith.constant 1 : i32
      %shift_right_arithmetic3A_261 = vector.broadcast %shift_right_arithmetic3A_260 : i32 to vector<16xi32>
      %shift_right_arithmetic3A_262 = arith.shrsi %gather3A_257, %shift_right_arithmetic3A_261 : vector<16xi32>
      %and3A_263 = arith.andi %shift_right_arithmetic3A_262, %broadcast_in_dim3A_56 : vector<16xi32>
      %convert_element_type3A_264 = arith.sitofp %and3A_263 : vector<16xi32> to vector<16xf32>
      %mul3A_265 = arith.mulf %convert_element_type3A_259, %sub3A : vector<16xf32>
      %add3A_266 = arith.addf %get3A_39, %mul3A_265 : vector<16xf32>
      %mul3A_267 = arith.mulf %convert_element_type3A_259, %sub3A_55 : vector<16xf32>
      %add3A_268 = arith.addf %get3A_49, %mul3A_267 : vector<16xf32>
      %sub3A_269 = arith.subf %add3A_268, %add3A_266 : vector<16xf32>
      %mul3A_270 = arith.mulf %convert_element_type3A_264, %sub3A_269 : vector<16xf32>
      %add3A_271 = arith.addf %add3A_266, %mul3A_270 : vector<16xf32>
      %swap3A_272 = arith.constant 8 : i32
      %swap3A_273 = arith.index_cast %swap3A_272 : i32 to index
      %swap3A_274 = arith.constant 128 : index
      %swap3A_275 = tpu.vector_load %arg11[%swap3A_273, %swap3A_274] {strides = array<i32>} : memref<32x144xf32, #tpu.memory_space<vmem>>, vector<1x16xf32>,
      %swap3A_276 = vector.shape_cast %swap3A_275 : vector<1x16xf32> to vector<16xf32>
      %swap3A_277 = vector.shape_cast %add3A_271 : vector<16xf32> to vector<1x16xf32>
      tpu.vector_store %arg11[%swap3A_273, %swap3A_274], %swap3A_277 {strides = array<i32>} : memref<32x144xf32, #tpu.memory_space<vmem>>, vector<1x16xf32>,
      %broadcast_in_dim3A_278 = arith.constant 9 : i32
      %broadcast_in_dim3A_279 = vector.broadcast %broadcast_in_dim3A_278 : i32 to vector<16xi32>
      %broadcast_in_dim3A_280 = vector.shape_cast %broadcast_in_dim3A_279 : vector<16xi32> to vector<16x1xi32>
      %gather3A_281 = vector.shape_cast %broadcast_in_dim3A_280 : vector<16x1xi32> to vector<16xi32>
      %gather3A_282 = tpu.dynamic_gather %get3A_31[%gather3A_281] in [0] : vector<16xi32>, vector<16xi32> -> vector<16xi32>
      %and3A_283 = arith.andi %gather3A_282, %broadcast_in_dim3A_56 : vector<16xi32>
      %convert_element_type3A_284 = arith.sitofp %and3A_283 : vector<16xi32> to vector<16xf32>
      %shift_right_arithmetic3A_285 = arith.constant 1 : i32
      %shift_right_arithmetic3A_286 = vector.broadcast %shift_right_arithmetic3A_285 : i32 to vector<16xi32>
      %shift_right_arithmetic3A_287 = arith.shrsi %gather3A_282, %shift_right_arithmetic3A_286 : vector<16xi32>
      %and3A_288 = arith.andi %shift_right_arithmetic3A_287, %broadcast_in_dim3A_56 : vector<16xi32>
      %convert_element_type3A_289 = arith.sitofp %and3A_288 : vector<16xi32> to vector<16xf32>
      %mul3A_290 = arith.mulf %convert_element_type3A_284, %sub3A : vector<16xf32>
      %add3A_291 = arith.addf %get3A_39, %mul3A_290 : vector<16xf32>
      %mul3A_292 = arith.mulf %convert_element_type3A_284, %sub3A_55 : vector<16xf32>
      %add3A_293 = arith.addf %get3A_49, %mul3A_292 : vector<16xf32>
      %sub3A_294 = arith.subf %add3A_293, %add3A_291 : vector<16xf32>
      %mul3A_295 = arith.mulf %convert_element_type3A_289, %sub3A_294 : vector<16xf32>
      %add3A_296 = arith.addf %add3A_291, %mul3A_295 : vector<16xf32>
      %swap3A_297 = arith.constant 9 : i32
      %swap3A_298 = arith.index_cast %swap3A_297 : i32 to index
      %swap3A_299 = arith.constant 128 : index
      %swap3A_300 = tpu.vector_load %arg11[%swap3A_298, %swap3A_299] {strides = array<i32>} : memref<32x144xf32, #tpu.memory_space<vmem>>, vector<1x16xf32>,
      %swap3A_301 = vector.shape_cast %swap3A_300 : vector<1x16xf32> to vector<16xf32>
      %swap3A_302 = vector.shape_cast %add3A_296 : vector<16xf32> to vector<1x16xf32>
      tpu.vector_store %arg11[%swap3A_298, %swap3A_299], %swap3A_302 {strides = array<i32>} : memref<32x144xf32, #tpu.memory_space<vmem>>, vector<1x16xf32>,
      %broadcast_in_dim3A_303 = arith.constant 10 : i32
      %broadcast_in_dim3A_304 = vector.broadcast %broadcast_in_dim3A_303 : i32 to vector<16xi32>
      %broadcast_in_dim3A_305 = vector.shape_cast %broadcast_in_dim3A_304 : vector<16xi32> to vector<16x1xi32>
      %gather3A_306 = vector.shape_cast %broadcast_in_dim3A_305 : vector<16x1xi32> to vector<16xi32>
      %gather3A_307 = tpu.dynamic_gather %get3A_31[%gather3A_306] in [0] : vector<16xi32>, vector<16xi32> -> vector<16xi32>
      %and3A_308 = arith.andi %gather3A_307, %broadcast_in_dim3A_56 : vector<16xi32>
      %convert_element_type3A_309 = arith.sitofp %and3A_308 : vector<16xi32> to vector<16xf32>
      %shift_right_arithmetic3A_310 = arith.constant 1 : i32
      %shift_right_arithmetic3A_311 = vector.broadcast %shift_right_arithmetic3A_310 : i32 to vector<16xi32>
      %shift_right_arithmetic3A_312 = arith.shrsi %gather3A_307, %shift_right_arithmetic3A_311 : vector<16xi32>
      %and3A_313 = arith.andi %shift_right_arithmetic3A_312, %broadcast_in_dim3A_56 : vector<16xi32>
      %convert_element_type3A_314 = arith.sitofp %and3A_313 : vector<16xi32> to vector<16xf32>
      %mul3A_315 = arith.mulf %convert_element_type3A_309, %sub3A : vector<16xf32>
      %add3A_316 = arith.addf %get3A_39, %mul3A_315 : vector<16xf32>
      %mul3A_317 = arith.mulf %convert_element_type3A_309, %sub3A_55 : vector<16xf32>
      %add3A_318 = arith.addf %get3A_49, %mul3A_317 : vector<16xf32>
      %sub3A_319 = arith.subf %add3A_318, %add3A_316 : vector<16xf32>
      %mul3A_320 = arith.mulf %convert_element_type3A_314, %sub3A_319 : vector<16xf32>
      %add3A_321 = arith.addf %add3A_316, %mul3A_320 : vector<16xf32>
      %swap3A_322 = arith.constant 10 : i32
      %swap3A_323 = arith.index_cast %swap3A_322 : i32 to index
      %swap3A_324 = arith.constant 128 : index
      %swap3A_325 = tpu.vector_load %arg11[%swap3A_323, %swap3A_324] {strides = array<i32>} : memref<32x144xf32, #tpu.memory_space<vmem>>, vector<1x16xf32>,
      %swap3A_326 = vector.shape_cast %swap3A_325 : vector<1x16xf32> to vector<16xf32>
      %swap3A_327 = vector.shape_cast %add3A_321 : vector<16xf32> to vector<1x16xf32>
      tpu.vector_store %arg11[%swap3A_323, %swap3A_324], %swap3A_327 {strides = array<i32>} : memref<32x144xf32, #tpu.memory_space<vmem>>, vector<1x16xf32>,
      %broadcast_in_dim3A_328 = arith.constant 11 : i32
      %broadcast_in_dim3A_329 = vector.broadcast %broadcast_in_dim3A_328 : i32 to vector<16xi32>
      %broadcast_in_dim3A_330 = vector.shape_cast %broadcast_in_dim3A_329 : vector<16xi32> to vector<16x1xi32>
      %gather3A_331 = vector.shape_cast %broadcast_in_dim3A_330 : vector<16x1xi32> to vector<16xi32>
      %gather3A_332 = tpu.dynamic_gather %get3A_31[%gather3A_331] in [0] : vector<16xi32>, vector<16xi32> -> vector<16xi32>
      %and3A_333 = arith.andi %gather3A_332, %broadcast_in_dim3A_56 : vector<16xi32>
      %convert_element_type3A_334 = arith.sitofp %and3A_333 : vector<16xi32> to vector<16xf32>
      %shift_right_arithmetic3A_335 = arith.constant 1 : i32
      %shift_right_arithmetic3A_336 = vector.broadcast %shift_right_arithmetic3A_335 : i32 to vector<16xi32>
      %shift_right_arithmetic3A_337 = arith.shrsi %gather3A_332, %shift_right_arithmetic3A_336 : vector<16xi32>
      %and3A_338 = arith.andi %shift_right_arithmetic3A_337, %broadcast_in_dim3A_56 : vector<16xi32>
      %convert_element_type3A_339 = arith.sitofp %and3A_338 : vector<16xi32> to vector<16xf32>
      %mul3A_340 = arith.mulf %convert_element_type3A_334, %sub3A : vector<16xf32>
      %add3A_341 = arith.addf %get3A_39, %mul3A_340 : vector<16xf32>
      %mul3A_342 = arith.mulf %convert_element_type3A_334, %sub3A_55 : vector<16xf32>
      %add3A_343 = arith.addf %get3A_49, %mul3A_342 : vector<16xf32>
      %sub3A_344 = arith.subf %add3A_343, %add3A_341 : vector<16xf32>
      %mul3A_345 = arith.mulf %convert_element_type3A_339, %sub3A_344 : vector<16xf32>
      %add3A_346 = arith.addf %add3A_341, %mul3A_345 : vector<16xf32>
      %swap3A_347 = arith.constant 11 : i32
      %swap3A_348 = arith.index_cast %swap3A_347 : i32 to index
      %swap3A_349 = arith.constant 128 : index
      %swap3A_350 = tpu.vector_load %arg11[%swap3A_348, %swap3A_349] {strides = array<i32>} : memref<32x144xf32, #tpu.memory_space<vmem>>, vector<1x16xf32>,
      %swap3A_351 = vector.shape_cast %swap3A_350 : vector<1x16xf32> to vector<16xf32>
      %swap3A_352 = vector.shape_cast %add3A_346 : vector<16xf32> to vector<1x16xf32>
      tpu.vector_store %arg11[%swap3A_348, %swap3A_349], %swap3A_352 {strides = array<i32>} : memref<32x144xf32, #tpu.memory_space<vmem>>, vector<1x16xf32>,
      %broadcast_in_dim3A_353 = arith.constant 12 : i32
      %broadcast_in_dim3A_354 = vector.broadcast %broadcast_in_dim3A_353 : i32 to vector<16xi32>
      %broadcast_in_dim3A_355 = vector.shape_cast %broadcast_in_dim3A_354 : vector<16xi32> to vector<16x1xi32>
      %gather3A_356 = vector.shape_cast %broadcast_in_dim3A_355 : vector<16x1xi32> to vector<16xi32>
      %gather3A_357 = tpu.dynamic_gather %get3A_31[%gather3A_356] in [0] : vector<16xi32>, vector<16xi32> -> vector<16xi32>
      %and3A_358 = arith.andi %gather3A_357, %broadcast_in_dim3A_56 : vector<16xi32>
      %convert_element_type3A_359 = arith.sitofp %and3A_358 : vector<16xi32> to vector<16xf32>
      %shift_right_arithmetic3A_360 = arith.constant 1 : i32
      %shift_right_arithmetic3A_361 = vector.broadcast %shift_right_arithmetic3A_360 : i32 to vector<16xi32>
      %shift_right_arithmetic3A_362 = arith.shrsi %gather3A_357, %shift_right_arithmetic3A_361 : vector<16xi32>
      %and3A_363 = arith.andi %shift_right_arithmetic3A_362, %broadcast_in_dim3A_56 : vector<16xi32>
      %convert_element_type3A_364 = arith.sitofp %and3A_363 : vector<16xi32> to vector<16xf32>
      %mul3A_365 = arith.mulf %convert_element_type3A_359, %sub3A : vector<16xf32>
      %add3A_366 = arith.addf %get3A_39, %mul3A_365 : vector<16xf32>
      %mul3A_367 = arith.mulf %convert_element_type3A_359, %sub3A_55 : vector<16xf32>
      %add3A_368 = arith.addf %get3A_49, %mul3A_367 : vector<16xf32>
      %sub3A_369 = arith.subf %add3A_368, %add3A_366 : vector<16xf32>
      %mul3A_370 = arith.mulf %convert_element_type3A_364, %sub3A_369 : vector<16xf32>
      %add3A_371 = arith.addf %add3A_366, %mul3A_370 : vector<16xf32>
      %swap3A_372 = arith.constant 12 : i32
      %swap3A_373 = arith.index_cast %swap3A_372 : i32 to index
      %swap3A_374 = arith.constant 128 : index
      %swap3A_375 = tpu.vector_load %arg11[%swap3A_373, %swap3A_374] {strides = array<i32>} : memref<32x144xf32, #tpu.memory_space<vmem>>, vector<1x16xf32>,
      %swap3A_376 = vector.shape_cast %swap3A_375 : vector<1x16xf32> to vector<16xf32>
      %swap3A_377 = vector.shape_cast %add3A_371 : vector<16xf32> to vector<1x16xf32>
      tpu.vector_store %arg11[%swap3A_373, %swap3A_374], %swap3A_377 {strides = array<i32>} : memref<32x144xf32, #tpu.memory_space<vmem>>, vector<1x16xf32>,
      %broadcast_in_dim3A_378 = arith.constant 13 : i32
      %broadcast_in_dim3A_379 = vector.broadcast %broadcast_in_dim3A_378 : i32 to vector<16xi32>
      %broadcast_in_dim3A_380 = vector.shape_cast %broadcast_in_dim3A_379 : vector<16xi32> to vector<16x1xi32>
      %gather3A_381 = vector.shape_cast %broadcast_in_dim3A_380 : vector<16x1xi32> to vector<16xi32>
      %gather3A_382 = tpu.dynamic_gather %get3A_31[%gather3A_381] in [0] : vector<16xi32>, vector<16xi32> -> vector<16xi32>
      %and3A_383 = arith.andi %gather3A_382, %broadcast_in_dim3A_56 : vector<16xi32>
      %convert_element_type3A_384 = arith.sitofp %and3A_383 : vector<16xi32> to vector<16xf32>
      %shift_right_arithmetic3A_385 = arith.constant 1 : i32
      %shift_right_arithmetic3A_386 = vector.broadcast %shift_right_arithmetic3A_385 : i32 to vector<16xi32>
      %shift_right_arithmetic3A_387 = arith.shrsi %gather3A_382, %shift_right_arithmetic3A_386 : vector<16xi32>
      %and3A_388 = arith.andi %shift_right_arithmetic3A_387, %broadcast_in_dim3A_56 : vector<16xi32>
      %convert_element_type3A_389 = arith.sitofp %and3A_388 : vector<16xi32> to vector<16xf32>
      %mul3A_390 = arith.mulf %convert_element_type3A_384, %sub3A : vector<16xf32>
      %add3A_391 = arith.addf %get3A_39, %mul3A_390 : vector<16xf32>
      %mul3A_392 = arith.mulf %convert_element_type3A_384, %sub3A_55 : vector<16xf32>
      %add3A_393 = arith.addf %get3A_49, %mul3A_392 : vector<16xf32>
      %sub3A_394 = arith.subf %add3A_393, %add3A_391 : vector<16xf32>
      %mul3A_395 = arith.mulf %convert_element_type3A_389, %sub3A_394 : vector<16xf32>
      %add3A_396 = arith.addf %add3A_391, %mul3A_395 : vector<16xf32>
      %swap3A_397 = arith.constant 13 : i32
      %swap3A_398 = arith.index_cast %swap3A_397 : i32 to index
      %swap3A_399 = arith.constant 128 : index
      %swap3A_400 = tpu.vector_load %arg11[%swap3A_398, %swap3A_399] {strides = array<i32>} : memref<32x144xf32, #tpu.memory_space<vmem>>, vector<1x16xf32>,
      %swap3A_401 = vector.shape_cast %swap3A_400 : vector<1x16xf32> to vector<16xf32>
      %swap3A_402 = vector.shape_cast %add3A_396 : vector<16xf32> to vector<1x16xf32>
      tpu.vector_store %arg11[%swap3A_398, %swap3A_399], %swap3A_402 {strides = array<i32>} : memref<32x144xf32, #tpu.memory_space<vmem>>, vector<1x16xf32>,
      %broadcast_in_dim3A_403 = arith.constant 14 : i32
      %broadcast_in_dim3A_404 = vector.broadcast %broadcast_in_dim3A_403 : i32 to vector<16xi32>
      %broadcast_in_dim3A_405 = vector.shape_cast %broadcast_in_dim3A_404 : vector<16xi32> to vector<16x1xi32>
      %gather3A_406 = vector.shape_cast %broadcast_in_dim3A_405 : vector<16x1xi32> to vector<16xi32>
      %gather3A_407 = tpu.dynamic_gather %get3A_31[%gather3A_406] in [0] : vector<16xi32>, vector<16xi32> -> vector<16xi32>
      %and3A_408 = arith.andi %gather3A_407, %broadcast_in_dim3A_56 : vector<16xi32>
      %convert_element_type3A_409 = arith.sitofp %and3A_408 : vector<16xi32> to vector<16xf32>
      %shift_right_arithmetic3A_410 = arith.constant 1 : i32
      %shift_right_arithmetic3A_411 = vector.broadcast %shift_right_arithmetic3A_410 : i32 to vector<16xi32>
      %shift_right_arithmetic3A_412 = arith.shrsi %gather3A_407, %shift_right_arithmetic3A_411 : vector<16xi32>
      %and3A_413 = arith.andi %shift_right_arithmetic3A_412, %broadcast_in_dim3A_56 : vector<16xi32>
      %convert_element_type3A_414 = arith.sitofp %and3A_413 : vector<16xi32> to vector<16xf32>
      %mul3A_415 = arith.mulf %convert_element_type3A_409, %sub3A : vector<16xf32>
      %add3A_416 = arith.addf %get3A_39, %mul3A_415 : vector<16xf32>
      %mul3A_417 = arith.mulf %convert_element_type3A_409, %sub3A_55 : vector<16xf32>
      %add3A_418 = arith.addf %get3A_49, %mul3A_417 : vector<16xf32>
      %sub3A_419 = arith.subf %add3A_418, %add3A_416 : vector<16xf32>
      %mul3A_420 = arith.mulf %convert_element_type3A_414, %sub3A_419 : vector<16xf32>
      %add3A_421 = arith.addf %add3A_416, %mul3A_420 : vector<16xf32>
      %swap3A_422 = arith.constant 14 : i32
      %swap3A_423 = arith.index_cast %swap3A_422 : i32 to index
      %swap3A_424 = arith.constant 128 : index
      %swap3A_425 = tpu.vector_load %arg11[%swap3A_423, %swap3A_424] {strides = array<i32>} : memref<32x144xf32, #tpu.memory_space<vmem>>, vector<1x16xf32>,
      %swap3A_426 = vector.shape_cast %swap3A_425 : vector<1x16xf32> to vector<16xf32>
      %swap3A_427 = vector.shape_cast %add3A_421 : vector<16xf32> to vector<1x16xf32>
      tpu.vector_store %arg11[%swap3A_423, %swap3A_424], %swap3A_427 {strides = array<i32>} : memref<32x144xf32, #tpu.memory_space<vmem>>, vector<1x16xf32>,
      %broadcast_in_dim3A_428 = arith.constant 15 : i32
      %broadcast_in_dim3A_429 = vector.broadcast %broadcast_in_dim3A_428 : i32 to vector<16xi32>
      %broadcast_in_dim3A_430 = vector.shape_cast %broadcast_in_dim3A_429 : vector<16xi32> to vector<16x1xi32>
      %gather3A_431 = vector.shape_cast %broadcast_in_dim3A_430 : vector<16x1xi32> to vector<16xi32>
      %gather3A_432 = tpu.dynamic_gather %get3A_31[%gather3A_431] in [0] : vector<16xi32>, vector<16xi32> -> vector<16xi32>
      %and3A_433 = arith.andi %gather3A_432, %broadcast_in_dim3A_56 : vector<16xi32>
      %convert_element_type3A_434 = arith.sitofp %and3A_433 : vector<16xi32> to vector<16xf32>
      %shift_right_arithmetic3A_435 = arith.constant 1 : i32
      %shift_right_arithmetic3A_436 = vector.broadcast %shift_right_arithmetic3A_435 : i32 to vector<16xi32>
      %shift_right_arithmetic3A_437 = arith.shrsi %gather3A_432, %shift_right_arithmetic3A_436 : vector<16xi32>
      %and3A_438 = arith.andi %shift_right_arithmetic3A_437, %broadcast_in_dim3A_56 : vector<16xi32>
      %convert_element_type3A_439 = arith.sitofp %and3A_438 : vector<16xi32> to vector<16xf32>
      %mul3A_440 = arith.mulf %convert_element_type3A_434, %sub3A : vector<16xf32>
      %add3A_441 = arith.addf %get3A_39, %mul3A_440 : vector<16xf32>
      %mul3A_442 = arith.mulf %convert_element_type3A_434, %sub3A_55 : vector<16xf32>
      %add3A_443 = arith.addf %get3A_49, %mul3A_442 : vector<16xf32>
      %sub3A_444 = arith.subf %add3A_443, %add3A_441 : vector<16xf32>
      %mul3A_445 = arith.mulf %convert_element_type3A_439, %sub3A_444 : vector<16xf32>
      %add3A_446 = arith.addf %add3A_441, %mul3A_445 : vector<16xf32>
      %swap3A_447 = arith.constant 15 : i32
      %swap3A_448 = arith.index_cast %swap3A_447 : i32 to index
      %swap3A_449 = arith.constant 128 : index
      %swap3A_450 = tpu.vector_load %arg11[%swap3A_448, %swap3A_449] {strides = array<i32>} : memref<32x144xf32, #tpu.memory_space<vmem>>, vector<1x16xf32>,
      %swap3A_451 = vector.shape_cast %swap3A_450 : vector<1x16xf32> to vector<16xf32>
      %swap3A_452 = vector.shape_cast %add3A_446 : vector<16xf32> to vector<1x16xf32>
      tpu.vector_store %arg11[%swap3A_448, %swap3A_449], %swap3A_452 {strides = array<i32>} : memref<32x144xf32, #tpu.memory_space<vmem>>, vector<1x16xf32>,
      %broadcast_in_dim3A_453 = arith.constant 0 : i32
      %broadcast_in_dim3A_454 = vector.broadcast %broadcast_in_dim3A_453 : i32 to vector<16xi32>
      %broadcast_in_dim3A_455 = vector.shape_cast %broadcast_in_dim3A_454 : vector<16xi32> to vector<16x1xi32>
      %gather3A_456 = vector.shape_cast %broadcast_in_dim3A_455 : vector<16x1xi32> to vector<16xi32>
      %gather3A_457 = tpu.dynamic_gather %get3A_34[%gather3A_456] in [0] : vector<16xi32>, vector<16xi32> -> vector<16xi32>
      %and3A_458 = arith.andi %gather3A_457, %broadcast_in_dim3A_56 : vector<16xi32>
      %convert_element_type3A_459 = arith.sitofp %and3A_458 : vector<16xi32> to vector<16xf32>
      %shift_right_arithmetic3A_460 = arith.constant 1 : i32
      %shift_right_arithmetic3A_461 = vector.broadcast %shift_right_arithmetic3A_460 : i32 to vector<16xi32>
      %shift_right_arithmetic3A_462 = arith.shrsi %gather3A_457, %shift_right_arithmetic3A_461 : vector<16xi32>
      %and3A_463 = arith.andi %shift_right_arithmetic3A_462, %broadcast_in_dim3A_56 : vector<16xi32>
      %convert_element_type3A_464 = arith.sitofp %and3A_463 : vector<16xi32> to vector<16xf32>
      %mul3A_465 = arith.mulf %convert_element_type3A_459, %sub3A : vector<16xf32>
      %add3A_466 = arith.addf %get3A_39, %mul3A_465 : vector<16xf32>
      %mul3A_467 = arith.mulf %convert_element_type3A_459, %sub3A_55 : vector<16xf32>
      %add3A_468 = arith.addf %get3A_49, %mul3A_467 : vector<16xf32>
      %sub3A_469 = arith.subf %add3A_468, %add3A_466 : vector<16xf32>
      %mul3A_470 = arith.mulf %convert_element_type3A_464, %sub3A_469 : vector<16xf32>
      %add3A_471 = arith.addf %add3A_466, %mul3A_470 : vector<16xf32>
      %swap3A_472 = arith.constant 16 : i32
      %swap3A_473 = arith.index_cast %swap3A_472 : i32 to index
      %swap3A_474 = arith.constant 128 : index
      %swap3A_475 = tpu.vector_load %arg11[%swap3A_473, %swap3A_474] {strides = array<i32>} : memref<32x144xf32, #tpu.memory_space<vmem>>, vector<1x16xf32>,
      %swap3A_476 = vector.shape_cast %swap3A_475 : vector<1x16xf32> to vector<16xf32>
      %swap3A_477 = vector.shape_cast %add3A_471 : vector<16xf32> to vector<1x16xf32>
      tpu.vector_store %arg11[%swap3A_473, %swap3A_474], %swap3A_477 {strides = array<i32>} : memref<32x144xf32, #tpu.memory_space<vmem>>, vector<1x16xf32>,
      %broadcast_in_dim3A_478 = arith.constant 1 : i32
      %broadcast_in_dim3A_479 = vector.broadcast %broadcast_in_dim3A_478 : i32 to vector<16xi32>
      %broadcast_in_dim3A_480 = vector.shape_cast %broadcast_in_dim3A_479 : vector<16xi32> to vector<16x1xi32>
      %gather3A_481 = vector.shape_cast %broadcast_in_dim3A_480 : vector<16x1xi32> to vector<16xi32>
      %gather3A_482 = tpu.dynamic_gather %get3A_34[%gather3A_481] in [0] : vector<16xi32>, vector<16xi32> -> vector<16xi32>
      %and3A_483 = arith.andi %gather3A_482, %broadcast_in_dim3A_56 : vector<16xi32>
      %convert_element_type3A_484 = arith.sitofp %and3A_483 : vector<16xi32> to vector<16xf32>
      %shift_right_arithmetic3A_485 = arith.constant 1 : i32
      %shift_right_arithmetic3A_486 = vector.broadcast %shift_right_arithmetic3A_485 : i32 to vector<16xi32>
      %shift_right_arithmetic3A_487 = arith.shrsi %gather3A_482, %shift_right_arithmetic3A_486 : vector<16xi32>
      %and3A_488 = arith.andi %shift_right_arithmetic3A_487, %broadcast_in_dim3A_56 : vector<16xi32>
      %convert_element_type3A_489 = arith.sitofp %and3A_488 : vector<16xi32> to vector<16xf32>
      %mul3A_490 = arith.mulf %convert_element_type3A_484, %sub3A : vector<16xf32>
      %add3A_491 = arith.addf %get3A_39, %mul3A_490 : vector<16xf32>
      %mul3A_492 = arith.mulf %convert_element_type3A_484, %sub3A_55 : vector<16xf32>
      %add3A_493 = arith.addf %get3A_49, %mul3A_492 : vector<16xf32>
      %sub3A_494 = arith.subf %add3A_493, %add3A_491 : vector<16xf32>
      %mul3A_495 = arith.mulf %convert_element_type3A_489, %sub3A_494 : vector<16xf32>
      %add3A_496 = arith.addf %add3A_491, %mul3A_495 : vector<16xf32>
      %swap3A_497 = arith.constant 17 : i32
      %swap3A_498 = arith.index_cast %swap3A_497 : i32 to index
      %swap3A_499 = arith.constant 128 : index
      %swap3A_500 = tpu.vector_load %arg11[%swap3A_498, %swap3A_499] {strides = array<i32>} : memref<32x144xf32, #tpu.memory_space<vmem>>, vector<1x16xf32>,
      %swap3A_501 = vector.shape_cast %swap3A_500 : vector<1x16xf32> to vector<16xf32>
      %swap3A_502 = vector.shape_cast %add3A_496 : vector<16xf32> to vector<1x16xf32>
      tpu.vector_store %arg11[%swap3A_498, %swap3A_499], %swap3A_502 {strides = array<i32>} : memref<32x144xf32, #tpu.memory_space<vmem>>, vector<1x16xf32>,
      %broadcast_in_dim3A_503 = arith.constant 2 : i32
      %broadcast_in_dim3A_504 = vector.broadcast %broadcast_in_dim3A_503 : i32 to vector<16xi32>
      %broadcast_in_dim3A_505 = vector.shape_cast %broadcast_in_dim3A_504 : vector<16xi32> to vector<16x1xi32>
      %gather3A_506 = vector.shape_cast %broadcast_in_dim3A_505 : vector<16x1xi32> to vector<16xi32>
      %gather3A_507 = tpu.dynamic_gather %get3A_34[%gather3A_506] in [0] : vector<16xi32>, vector<16xi32> -> vector<16xi32>
      %and3A_508 = arith.andi %gather3A_507, %broadcast_in_dim3A_56 : vector<16xi32>
      %convert_element_type3A_509 = arith.sitofp %and3A_508 : vector<16xi32> to vector<16xf32>
      %shift_right_arithmetic3A_510 = arith.constant 1 : i32
      %shift_right_arithmetic3A_511 = vector.broadcast %shift_right_arithmetic3A_510 : i32 to vector<16xi32>
      %shift_right_arithmetic3A_512 = arith.shrsi %gather3A_507, %shift_right_arithmetic3A_511 : vector<16xi32>
      %and3A_513 = arith.andi %shift_right_arithmetic3A_512, %broadcast_in_dim3A_56 : vector<16xi32>
      %convert_element_type3A_514 = arith.sitofp %and3A_513 : vector<16xi32> to vector<16xf32>
      %mul3A_515 = arith.mulf %convert_element_type3A_509, %sub3A : vector<16xf32>
      %add3A_516 = arith.addf %get3A_39, %mul3A_515 : vector<16xf32>
      %mul3A_517 = arith.mulf %convert_element_type3A_509, %sub3A_55 : vector<16xf32>
      %add3A_518 = arith.addf %get3A_49, %mul3A_517 : vector<16xf32>
      %sub3A_519 = arith.subf %add3A_518, %add3A_516 : vector<16xf32>
      %mul3A_520 = arith.mulf %convert_element_type3A_514, %sub3A_519 : vector<16xf32>
      %add3A_521 = arith.addf %add3A_516, %mul3A_520 : vector<16xf32>
      %swap3A_522 = arith.constant 18 : i32
      %swap3A_523 = arith.index_cast %swap3A_522 : i32 to index
      %swap3A_524 = arith.constant 128 : index
      %swap3A_525 = tpu.vector_load %arg11[%swap3A_523, %swap3A_524] {strides = array<i32>} : memref<32x144xf32, #tpu.memory_space<vmem>>, vector<1x16xf32>,
      %swap3A_526 = vector.shape_cast %swap3A_525 : vector<1x16xf32> to vector<16xf32>
      %swap3A_527 = vector.shape_cast %add3A_521 : vector<16xf32> to vector<1x16xf32>
      tpu.vector_store %arg11[%swap3A_523, %swap3A_524], %swap3A_527 {strides = array<i32>} : memref<32x144xf32, #tpu.memory_space<vmem>>, vector<1x16xf32>,
      %broadcast_in_dim3A_528 = arith.constant 3 : i32
      %broadcast_in_dim3A_529 = vector.broadcast %broadcast_in_dim3A_528 : i32 to vector<16xi32>
      %broadcast_in_dim3A_530 = vector.shape_cast %broadcast_in_dim3A_529 : vector<16xi32> to vector<16x1xi32>
      %gather3A_531 = vector.shape_cast %broadcast_in_dim3A_530 : vector<16x1xi32> to vector<16xi32>
      %gather3A_532 = tpu.dynamic_gather %get3A_34[%gather3A_531] in [0] : vector<16xi32>, vector<16xi32> -> vector<16xi32>
      %and3A_533 = arith.andi %gather3A_532, %broadcast_in_dim3A_56 : vector<16xi32>
      %convert_element_type3A_534 = arith.sitofp %and3A_533 : vector<16xi32> to vector<16xf32>
      %shift_right_arithmetic3A_535 = arith.constant 1 : i32
      %shift_right_arithmetic3A_536 = vector.broadcast %shift_right_arithmetic3A_535 : i32 to vector<16xi32>
      %shift_right_arithmetic3A_537 = arith.shrsi %gather3A_532, %shift_right_arithmetic3A_536 : vector<16xi32>
      %and3A_538 = arith.andi %shift_right_arithmetic3A_537, %broadcast_in_dim3A_56 : vector<16xi32>
      %convert_element_type3A_539 = arith.sitofp %and3A_538 : vector<16xi32> to vector<16xf32>
      %mul3A_540 = arith.mulf %convert_element_type3A_534, %sub3A : vector<16xf32>
      %add3A_541 = arith.addf %get3A_39, %mul3A_540 : vector<16xf32>
      %mul3A_542 = arith.mulf %convert_element_type3A_534, %sub3A_55 : vector<16xf32>
      %add3A_543 = arith.addf %get3A_49, %mul3A_542 : vector<16xf32>
      %sub3A_544 = arith.subf %add3A_543, %add3A_541 : vector<16xf32>
      %mul3A_545 = arith.mulf %convert_element_type3A_539, %sub3A_544 : vector<16xf32>
      %add3A_546 = arith.addf %add3A_541, %mul3A_545 : vector<16xf32>
      %swap3A_547 = arith.constant 19 : i32
      %swap3A_548 = arith.index_cast %swap3A_547 : i32 to index
      %swap3A_549 = arith.constant 128 : index
      %swap3A_550 = tpu.vector_load %arg11[%swap3A_548, %swap3A_549] {strides = array<i32>} : memref<32x144xf32, #tpu.memory_space<vmem>>, vector<1x16xf32>,
      %swap3A_551 = vector.shape_cast %swap3A_550 : vector<1x16xf32> to vector<16xf32>
      %swap3A_552 = vector.shape_cast %add3A_546 : vector<16xf32> to vector<1x16xf32>
      tpu.vector_store %arg11[%swap3A_548, %swap3A_549], %swap3A_552 {strides = array<i32>} : memref<32x144xf32, #tpu.memory_space<vmem>>, vector<1x16xf32>,
      %broadcast_in_dim3A_553 = arith.constant 4 : i32
      %broadcast_in_dim3A_554 = vector.broadcast %broadcast_in_dim3A_553 : i32 to vector<16xi32>
      %broadcast_in_dim3A_555 = vector.shape_cast %broadcast_in_dim3A_554 : vector<16xi32> to vector<16x1xi32>
      %gather3A_556 = vector.shape_cast %broadcast_in_dim3A_555 : vector<16x1xi32> to vector<16xi32>
      %gather3A_557 = tpu.dynamic_gather %get3A_34[%gather3A_556] in [0] : vector<16xi32>, vector<16xi32> -> vector<16xi32>
      %and3A_558 = arith.andi %gather3A_557, %broadcast_in_dim3A_56 : vector<16xi32>
      %convert_element_type3A_559 = arith.sitofp %and3A_558 : vector<16xi32> to vector<16xf32>
      %shift_right_arithmetic3A_560 = arith.constant 1 : i32
      %shift_right_arithmetic3A_561 = vector.broadcast %shift_right_arithmetic3A_560 : i32 to vector<16xi32>
      %shift_right_arithmetic3A_562 = arith.shrsi %gather3A_557, %shift_right_arithmetic3A_561 : vector<16xi32>
      %and3A_563 = arith.andi %shift_right_arithmetic3A_562, %broadcast_in_dim3A_56 : vector<16xi32>
      %convert_element_type3A_564 = arith.sitofp %and3A_563 : vector<16xi32> to vector<16xf32>
      %mul3A_565 = arith.mulf %convert_element_type3A_559, %sub3A : vector<16xf32>
      %add3A_566 = arith.addf %get3A_39, %mul3A_565 : vector<16xf32>
      %mul3A_567 = arith.mulf %convert_element_type3A_559, %sub3A_55 : vector<16xf32>
      %add3A_568 = arith.addf %get3A_49, %mul3A_567 : vector<16xf32>
      %sub3A_569 = arith.subf %add3A_568, %add3A_566 : vector<16xf32>
      %mul3A_570 = arith.mulf %convert_element_type3A_564, %sub3A_569 : vector<16xf32>
      %add3A_571 = arith.addf %add3A_566, %mul3A_570 : vector<16xf32>
      %swap3A_572 = arith.constant 20 : i32
      %swap3A_573 = arith.index_cast %swap3A_572 : i32 to index
      %swap3A_574 = arith.constant 128 : index
      %swap3A_575 = tpu.vector_load %arg11[%swap3A_573, %swap3A_574] {strides = array<i32>} : memref<32x144xf32, #tpu.memory_space<vmem>>, vector<1x16xf32>,
      %swap3A_576 = vector.shape_cast %swap3A_575 : vector<1x16xf32> to vector<16xf32>
      %swap3A_577 = vector.shape_cast %add3A_571 : vector<16xf32> to vector<1x16xf32>
      tpu.vector_store %arg11[%swap3A_573, %swap3A_574], %swap3A_577 {strides = array<i32>} : memref<32x144xf32, #tpu.memory_space<vmem>>, vector<1x16xf32>,
      %broadcast_in_dim3A_578 = arith.constant 5 : i32
      %broadcast_in_dim3A_579 = vector.broadcast %broadcast_in_dim3A_578 : i32 to vector<16xi32>
      %broadcast_in_dim3A_580 = vector.shape_cast %broadcast_in_dim3A_579 : vector<16xi32> to vector<16x1xi32>
      %gather3A_581 = vector.shape_cast %broadcast_in_dim3A_580 : vector<16x1xi32> to vector<16xi32>
      %gather3A_582 = tpu.dynamic_gather %get3A_34[%gather3A_581] in [0] : vector<16xi32>, vector<16xi32> -> vector<16xi32>
      %and3A_583 = arith.andi %gather3A_582, %broadcast_in_dim3A_56 : vector<16xi32>
      %convert_element_type3A_584 = arith.sitofp %and3A_583 : vector<16xi32> to vector<16xf32>
      %shift_right_arithmetic3A_585 = arith.constant 1 : i32
      %shift_right_arithmetic3A_586 = vector.broadcast %shift_right_arithmetic3A_585 : i32 to vector<16xi32>
      %shift_right_arithmetic3A_587 = arith.shrsi %gather3A_582, %shift_right_arithmetic3A_586 : vector<16xi32>
      %and3A_588 = arith.andi %shift_right_arithmetic3A_587, %broadcast_in_dim3A_56 : vector<16xi32>
      %convert_element_type3A_589 = arith.sitofp %and3A_588 : vector<16xi32> to vector<16xf32>
      %mul3A_590 = arith.mulf %convert_element_type3A_584, %sub3A : vector<16xf32>
      %add3A_591 = arith.addf %get3A_39, %mul3A_590 : vector<16xf32>
      %mul3A_592 = arith.mulf %convert_element_type3A_584, %sub3A_55 : vector<16xf32>
      %add3A_593 = arith.addf %get3A_49, %mul3A_592 : vector<16xf32>
      %sub3A_594 = arith.subf %add3A_593, %add3A_591 : vector<16xf32>
      %mul3A_595 = arith.mulf %convert_element_type3A_589, %sub3A_594 : vector<16xf32>
      %add3A_596 = arith.addf %add3A_591, %mul3A_595 : vector<16xf32>
      %swap3A_597 = arith.constant 21 : i32
      %swap3A_598 = arith.index_cast %swap3A_597 : i32 to index
      %swap3A_599 = arith.constant 128 : index
      %swap3A_600 = tpu.vector_load %arg11[%swap3A_598, %swap3A_599] {strides = array<i32>} : memref<32x144xf32, #tpu.memory_space<vmem>>, vector<1x16xf32>,
      %swap3A_601 = vector.shape_cast %swap3A_600 : vector<1x16xf32> to vector<16xf32>
      %swap3A_602 = vector.shape_cast %add3A_596 : vector<16xf32> to vector<1x16xf32>
      tpu.vector_store %arg11[%swap3A_598, %swap3A_599], %swap3A_602 {strides = array<i32>} : memref<32x144xf32, #tpu.memory_space<vmem>>, vector<1x16xf32>,
      %broadcast_in_dim3A_603 = arith.constant 6 : i32
      %broadcast_in_dim3A_604 = vector.broadcast %broadcast_in_dim3A_603 : i32 to vector<16xi32>
      %broadcast_in_dim3A_605 = vector.shape_cast %broadcast_in_dim3A_604 : vector<16xi32> to vector<16x1xi32>
      %gather3A_606 = vector.shape_cast %broadcast_in_dim3A_605 : vector<16x1xi32> to vector<16xi32>
      %gather3A_607 = tpu.dynamic_gather %get3A_34[%gather3A_606] in [0] : vector<16xi32>, vector<16xi32> -> vector<16xi32>
      %and3A_608 = arith.andi %gather3A_607, %broadcast_in_dim3A_56 : vector<16xi32>
      %convert_element_type3A_609 = arith.sitofp %and3A_608 : vector<16xi32> to vector<16xf32>
      %shift_right_arithmetic3A_610 = arith.constant 1 : i32
      %shift_right_arithmetic3A_611 = vector.broadcast %shift_right_arithmetic3A_610 : i32 to vector<16xi32>
      %shift_right_arithmetic3A_612 = arith.shrsi %gather3A_607, %shift_right_arithmetic3A_611 : vector<16xi32>
      %and3A_613 = arith.andi %shift_right_arithmetic3A_612, %broadcast_in_dim3A_56 : vector<16xi32>
      %convert_element_type3A_614 = arith.sitofp %and3A_613 : vector<16xi32> to vector<16xf32>
      %mul3A_615 = arith.mulf %convert_element_type3A_609, %sub3A : vector<16xf32>
      %add3A_616 = arith.addf %get3A_39, %mul3A_615 : vector<16xf32>
      %mul3A_617 = arith.mulf %convert_element_type3A_609, %sub3A_55 : vector<16xf32>
      %add3A_618 = arith.addf %get3A_49, %mul3A_617 : vector<16xf32>
      %sub3A_619 = arith.subf %add3A_618, %add3A_616 : vector<16xf32>
      %mul3A_620 = arith.mulf %convert_element_type3A_614, %sub3A_619 : vector<16xf32>
      %add3A_621 = arith.addf %add3A_616, %mul3A_620 : vector<16xf32>
      %swap3A_622 = arith.constant 22 : i32
      %swap3A_623 = arith.index_cast %swap3A_622 : i32 to index
      %swap3A_624 = arith.constant 128 : index
      %swap3A_625 = tpu.vector_load %arg11[%swap3A_623, %swap3A_624] {strides = array<i32>} : memref<32x144xf32, #tpu.memory_space<vmem>>, vector<1x16xf32>,
      %swap3A_626 = vector.shape_cast %swap3A_625 : vector<1x16xf32> to vector<16xf32>
      %swap3A_627 = vector.shape_cast %add3A_621 : vector<16xf32> to vector<1x16xf32>
      tpu.vector_store %arg11[%swap3A_623, %swap3A_624], %swap3A_627 {strides = array<i32>} : memref<32x144xf32, #tpu.memory_space<vmem>>, vector<1x16xf32>,
      %broadcast_in_dim3A_628 = arith.constant 7 : i32
      %broadcast_in_dim3A_629 = vector.broadcast %broadcast_in_dim3A_628 : i32 to vector<16xi32>
      %broadcast_in_dim3A_630 = vector.shape_cast %broadcast_in_dim3A_629 : vector<16xi32> to vector<16x1xi32>
      %gather3A_631 = vector.shape_cast %broadcast_in_dim3A_630 : vector<16x1xi32> to vector<16xi32>
      %gather3A_632 = tpu.dynamic_gather %get3A_34[%gather3A_631] in [0] : vector<16xi32>, vector<16xi32> -> vector<16xi32>
      %and3A_633 = arith.andi %gather3A_632, %broadcast_in_dim3A_56 : vector<16xi32>
      %convert_element_type3A_634 = arith.sitofp %and3A_633 : vector<16xi32> to vector<16xf32>
      %shift_right_arithmetic3A_635 = arith.constant 1 : i32
      %shift_right_arithmetic3A_636 = vector.broadcast %shift_right_arithmetic3A_635 : i32 to vector<16xi32>
      %shift_right_arithmetic3A_637 = arith.shrsi %gather3A_632, %shift_right_arithmetic3A_636 : vector<16xi32>
      %and3A_638 = arith.andi %shift_right_arithmetic3A_637, %broadcast_in_dim3A_56 : vector<16xi32>
      %convert_element_type3A_639 = arith.sitofp %and3A_638 : vector<16xi32> to vector<16xf32>
      %mul3A_640 = arith.mulf %convert_element_type3A_634, %sub3A : vector<16xf32>
      %add3A_641 = arith.addf %get3A_39, %mul3A_640 : vector<16xf32>
      %mul3A_642 = arith.mulf %convert_element_type3A_634, %sub3A_55 : vector<16xf32>
      %add3A_643 = arith.addf %get3A_49, %mul3A_642 : vector<16xf32>
      %sub3A_644 = arith.subf %add3A_643, %add3A_641 : vector<16xf32>
      %mul3A_645 = arith.mulf %convert_element_type3A_639, %sub3A_644 : vector<16xf32>
      %add3A_646 = arith.addf %add3A_641, %mul3A_645 : vector<16xf32>
      %swap3A_647 = arith.constant 23 : i32
      %swap3A_648 = arith.index_cast %swap3A_647 : i32 to index
      %swap3A_649 = arith.constant 128 : index
      %swap3A_650 = tpu.vector_load %arg11[%swap3A_648, %swap3A_649] {strides = array<i32>} : memref<32x144xf32, #tpu.memory_space<vmem>>, vector<1x16xf32>,
      %swap3A_651 = vector.shape_cast %swap3A_650 : vector<1x16xf32> to vector<16xf32>
      %swap3A_652 = vector.shape_cast %add3A_646 : vector<16xf32> to vector<1x16xf32>
      tpu.vector_store %arg11[%swap3A_648, %swap3A_649], %swap3A_652 {strides = array<i32>} : memref<32x144xf32, #tpu.memory_space<vmem>>, vector<1x16xf32>,
      %broadcast_in_dim3A_653 = arith.constant 8 : i32
      %broadcast_in_dim3A_654 = vector.broadcast %broadcast_in_dim3A_653 : i32 to vector<16xi32>
      %broadcast_in_dim3A_655 = vector.shape_cast %broadcast_in_dim3A_654 : vector<16xi32> to vector<16x1xi32>
      %gather3A_656 = vector.shape_cast %broadcast_in_dim3A_655 : vector<16x1xi32> to vector<16xi32>
      %gather3A_657 = tpu.dynamic_gather %get3A_34[%gather3A_656] in [0] : vector<16xi32>, vector<16xi32> -> vector<16xi32>
      %and3A_658 = arith.andi %gather3A_657, %broadcast_in_dim3A_56 : vector<16xi32>
      %convert_element_type3A_659 = arith.sitofp %and3A_658 : vector<16xi32> to vector<16xf32>
      %shift_right_arithmetic3A_660 = arith.constant 1 : i32
      %shift_right_arithmetic3A_661 = vector.broadcast %shift_right_arithmetic3A_660 : i32 to vector<16xi32>
      %shift_right_arithmetic3A_662 = arith.shrsi %gather3A_657, %shift_right_arithmetic3A_661 : vector<16xi32>
      %and3A_663 = arith.andi %shift_right_arithmetic3A_662, %broadcast_in_dim3A_56 : vector<16xi32>
      %convert_element_type3A_664 = arith.sitofp %and3A_663 : vector<16xi32> to vector<16xf32>
      %mul3A_665 = arith.mulf %convert_element_type3A_659, %sub3A : vector<16xf32>
      %add3A_666 = arith.addf %get3A_39, %mul3A_665 : vector<16xf32>
      %mul3A_667 = arith.mulf %convert_element_type3A_659, %sub3A_55 : vector<16xf32>
      %add3A_668 = arith.addf %get3A_49, %mul3A_667 : vector<16xf32>
      %sub3A_669 = arith.subf %add3A_668, %add3A_666 : vector<16xf32>
      %mul3A_670 = arith.mulf %convert_element_type3A_664, %sub3A_669 : vector<16xf32>
      %add3A_671 = arith.addf %add3A_666, %mul3A_670 : vector<16xf32>
      %swap3A_672 = arith.constant 24 : i32
      %swap3A_673 = arith.index_cast %swap3A_672 : i32 to index
      %swap3A_674 = arith.constant 128 : index
      %swap3A_675 = tpu.vector_load %arg11[%swap3A_673, %swap3A_674] {strides = array<i32>} : memref<32x144xf32, #tpu.memory_space<vmem>>, vector<1x16xf32>,
      %swap3A_676 = vector.shape_cast %swap3A_675 : vector<1x16xf32> to vector<16xf32>
      %swap3A_677 = vector.shape_cast %add3A_671 : vector<16xf32> to vector<1x16xf32>
      tpu.vector_store %arg11[%swap3A_673, %swap3A_674], %swap3A_677 {strides = array<i32>} : memref<32x144xf32, #tpu.memory_space<vmem>>, vector<1x16xf32>,
      %broadcast_in_dim3A_678 = arith.constant 9 : i32
      %broadcast_in_dim3A_679 = vector.broadcast %broadcast_in_dim3A_678 : i32 to vector<16xi32>
      %broadcast_in_dim3A_680 = vector.shape_cast %broadcast_in_dim3A_679 : vector<16xi32> to vector<16x1xi32>
      %gather3A_681 = vector.shape_cast %broadcast_in_dim3A_680 : vector<16x1xi32> to vector<16xi32>
      %gather3A_682 = tpu.dynamic_gather %get3A_34[%gather3A_681] in [0] : vector<16xi32>, vector<16xi32> -> vector<16xi32>
      %and3A_683 = arith.andi %gather3A_682, %broadcast_in_dim3A_56 : vector<16xi32>
      %convert_element_type3A_684 = arith.sitofp %and3A_683 : vector<16xi32> to vector<16xf32>
      %shift_right_arithmetic3A_685 = arith.constant 1 : i32
      %shift_right_arithmetic3A_686 = vector.broadcast %shift_right_arithmetic3A_685 : i32 to vector<16xi32>
      %shift_right_arithmetic3A_687 = arith.shrsi %gather3A_682, %shift_right_arithmetic3A_686 : vector<16xi32>
      %and3A_688 = arith.andi %shift_right_arithmetic3A_687, %broadcast_in_dim3A_56 : vector<16xi32>
      %convert_element_type3A_689 = arith.sitofp %and3A_688 : vector<16xi32> to vector<16xf32>
      %mul3A_690 = arith.mulf %convert_element_type3A_684, %sub3A : vector<16xf32>
      %add3A_691 = arith.addf %get3A_39, %mul3A_690 : vector<16xf32>
      %mul3A_692 = arith.mulf %convert_element_type3A_684, %sub3A_55 : vector<16xf32>
      %add3A_693 = arith.addf %get3A_49, %mul3A_692 : vector<16xf32>
      %sub3A_694 = arith.subf %add3A_693, %add3A_691 : vector<16xf32>
      %mul3A_695 = arith.mulf %convert_element_type3A_689, %sub3A_694 : vector<16xf32>
      %add3A_696 = arith.addf %add3A_691, %mul3A_695 : vector<16xf32>
      %swap3A_697 = arith.constant 25 : i32
      %swap3A_698 = arith.index_cast %swap3A_697 : i32 to index
      %swap3A_699 = arith.constant 128 : index
      %swap3A_700 = tpu.vector_load %arg11[%swap3A_698, %swap3A_699] {strides = array<i32>} : memref<32x144xf32, #tpu.memory_space<vmem>>, vector<1x16xf32>,
      %swap3A_701 = vector.shape_cast %swap3A_700 : vector<1x16xf32> to vector<16xf32>
      %swap3A_702 = vector.shape_cast %add3A_696 : vector<16xf32> to vector<1x16xf32>
      tpu.vector_store %arg11[%swap3A_698, %swap3A_699], %swap3A_702 {strides = array<i32>} : memref<32x144xf32, #tpu.memory_space<vmem>>, vector<1x16xf32>,
      %broadcast_in_dim3A_703 = arith.constant 10 : i32
      %broadcast_in_dim3A_704 = vector.broadcast %broadcast_in_dim3A_703 : i32 to vector<16xi32>
      %broadcast_in_dim3A_705 = vector.shape_cast %broadcast_in_dim3A_704 : vector<16xi32> to vector<16x1xi32>
      %gather3A_706 = vector.shape_cast %broadcast_in_dim3A_705 : vector<16x1xi32> to vector<16xi32>
      %gather3A_707 = tpu.dynamic_gather %get3A_34[%gather3A_706] in [0] : vector<16xi32>, vector<16xi32> -> vector<16xi32>
      %and3A_708 = arith.andi %gather3A_707, %broadcast_in_dim3A_56 : vector<16xi32>
      %convert_element_type3A_709 = arith.sitofp %and3A_708 : vector<16xi32> to vector<16xf32>
      %shift_right_arithmetic3A_710 = arith.constant 1 : i32
      %shift_right_arithmetic3A_711 = vector.broadcast %shift_right_arithmetic3A_710 : i32 to vector<16xi32>
      %shift_right_arithmetic3A_712 = arith.shrsi %gather3A_707, %shift_right_arithmetic3A_711 : vector<16xi32>
      %and3A_713 = arith.andi %shift_right_arithmetic3A_712, %broadcast_in_dim3A_56 : vector<16xi32>
      %convert_element_type3A_714 = arith.sitofp %and3A_713 : vector<16xi32> to vector<16xf32>
      %mul3A_715 = arith.mulf %convert_element_type3A_709, %sub3A : vector<16xf32>
      %add3A_716 = arith.addf %get3A_39, %mul3A_715 : vector<16xf32>
      %mul3A_717 = arith.mulf %convert_element_type3A_709, %sub3A_55 : vector<16xf32>
      %add3A_718 = arith.addf %get3A_49, %mul3A_717 : vector<16xf32>
      %sub3A_719 = arith.subf %add3A_718, %add3A_716 : vector<16xf32>
      %mul3A_720 = arith.mulf %convert_element_type3A_714, %sub3A_719 : vector<16xf32>
      %add3A_721 = arith.addf %add3A_716, %mul3A_720 : vector<16xf32>
      %swap3A_722 = arith.constant 26 : i32
      %swap3A_723 = arith.index_cast %swap3A_722 : i32 to index
      %swap3A_724 = arith.constant 128 : index
      %swap3A_725 = tpu.vector_load %arg11[%swap3A_723, %swap3A_724] {strides = array<i32>} : memref<32x144xf32, #tpu.memory_space<vmem>>, vector<1x16xf32>,
      %swap3A_726 = vector.shape_cast %swap3A_725 : vector<1x16xf32> to vector<16xf32>
      %swap3A_727 = vector.shape_cast %add3A_721 : vector<16xf32> to vector<1x16xf32>
      tpu.vector_store %arg11[%swap3A_723, %swap3A_724], %swap3A_727 {strides = array<i32>} : memref<32x144xf32, #tpu.memory_space<vmem>>, vector<1x16xf32>,
      %broadcast_in_dim3A_728 = arith.constant 11 : i32
      %broadcast_in_dim3A_729 = vector.broadcast %broadcast_in_dim3A_728 : i32 to vector<16xi32>
      %broadcast_in_dim3A_730 = vector.shape_cast %broadcast_in_dim3A_729 : vector<16xi32> to vector<16x1xi32>
      %gather3A_731 = vector.shape_cast %broadcast_in_dim3A_730 : vector<16x1xi32> to vector<16xi32>
      %gather3A_732 = tpu.dynamic_gather %get3A_34[%gather3A_731] in [0] : vector<16xi32>, vector<16xi32> -> vector<16xi32>
      %and3A_733 = arith.andi %gather3A_732, %broadcast_in_dim3A_56 : vector<16xi32>
      %convert_element_type3A_734 = arith.sitofp %and3A_733 : vector<16xi32> to vector<16xf32>
      %shift_right_arithmetic3A_735 = arith.constant 1 : i32
      %shift_right_arithmetic3A_736 = vector.broadcast %shift_right_arithmetic3A_735 : i32 to vector<16xi32>
      %shift_right_arithmetic3A_737 = arith.shrsi %gather3A_732, %shift_right_arithmetic3A_736 : vector<16xi32>
      %and3A_738 = arith.andi %shift_right_arithmetic3A_737, %broadcast_in_dim3A_56 : vector<16xi32>
      %convert_element_type3A_739 = arith.sitofp %and3A_738 : vector<16xi32> to vector<16xf32>
      %mul3A_740 = arith.mulf %convert_element_type3A_734, %sub3A : vector<16xf32>
      %add3A_741 = arith.addf %get3A_39, %mul3A_740 : vector<16xf32>
      %mul3A_742 = arith.mulf %convert_element_type3A_734, %sub3A_55 : vector<16xf32>
      %add3A_743 = arith.addf %get3A_49, %mul3A_742 : vector<16xf32>
      %sub3A_744 = arith.subf %add3A_743, %add3A_741 : vector<16xf32>
      %mul3A_745 = arith.mulf %convert_element_type3A_739, %sub3A_744 : vector<16xf32>
      %add3A_746 = arith.addf %add3A_741, %mul3A_745 : vector<16xf32>
      %swap3A_747 = arith.constant 27 : i32
      %swap3A_748 = arith.index_cast %swap3A_747 : i32 to index
      %swap3A_749 = arith.constant 128 : index
      %swap3A_750 = tpu.vector_load %arg11[%swap3A_748, %swap3A_749] {strides = array<i32>} : memref<32x144xf32, #tpu.memory_space<vmem>>, vector<1x16xf32>,
      %swap3A_751 = vector.shape_cast %swap3A_750 : vector<1x16xf32> to vector<16xf32>
      %swap3A_752 = vector.shape_cast %add3A_746 : vector<16xf32> to vector<1x16xf32>
      tpu.vector_store %arg11[%swap3A_748, %swap3A_749], %swap3A_752 {strides = array<i32>} : memref<32x144xf32, #tpu.memory_space<vmem>>, vector<1x16xf32>,
      %broadcast_in_dim3A_753 = arith.constant 12 : i32
      %broadcast_in_dim3A_754 = vector.broadcast %broadcast_in_dim3A_753 : i32 to vector<16xi32>
      %broadcast_in_dim3A_755 = vector.shape_cast %broadcast_in_dim3A_754 : vector<16xi32> to vector<16x1xi32>
      %gather3A_756 = vector.shape_cast %broadcast_in_dim3A_755 : vector<16x1xi32> to vector<16xi32>
      %gather3A_757 = tpu.dynamic_gather %get3A_34[%gather3A_756] in [0] : vector<16xi32>, vector<16xi32> -> vector<16xi32>
      %and3A_758 = arith.andi %gather3A_757, %broadcast_in_dim3A_56 : vector<16xi32>
      %convert_element_type3A_759 = arith.sitofp %and3A_758 : vector<16xi32> to vector<16xf32>
      %shift_right_arithmetic3A_760 = arith.constant 1 : i32
      %shift_right_arithmetic3A_761 = vector.broadcast %shift_right_arithmetic3A_760 : i32 to vector<16xi32>
      %shift_right_arithmetic3A_762 = arith.shrsi %gather3A_757, %shift_right_arithmetic3A_761 : vector<16xi32>
      %and3A_763 = arith.andi %shift_right_arithmetic3A_762, %broadcast_in_dim3A_56 : vector<16xi32>
      %convert_element_type3A_764 = arith.sitofp %and3A_763 : vector<16xi32> to vector<16xf32>
      %mul3A_765 = arith.mulf %convert_element_type3A_759, %sub3A : vector<16xf32>
      %add3A_766 = arith.addf %get3A_39, %mul3A_765 : vector<16xf32>
      %mul3A_767 = arith.mulf %convert_element_type3A_759, %sub3A_55 : vector<16xf32>
      %add3A_768 = arith.addf %get3A_49, %mul3A_767 : vector<16xf32>
      %sub3A_769 = arith.subf %add3A_768, %add3A_766 : vector<16xf32>
      %mul3A_770 = arith.mulf %convert_element_type3A_764, %sub3A_769 : vector<16xf32>
      %add3A_771 = arith.addf %add3A_766, %mul3A_770 : vector<16xf32>
      %swap3A_772 = arith.constant 28 : i32
      %swap3A_773 = arith.index_cast %swap3A_772 : i32 to index
      %swap3A_774 = arith.constant 128 : index
      %swap3A_775 = tpu.vector_load %arg11[%swap3A_773, %swap3A_774] {strides = array<i32>} : memref<32x144xf32, #tpu.memory_space<vmem>>, vector<1x16xf32>,
      %swap3A_776 = vector.shape_cast %swap3A_775 : vector<1x16xf32> to vector<16xf32>
      %swap3A_777 = vector.shape_cast %add3A_771 : vector<16xf32> to vector<1x16xf32>
      tpu.vector_store %arg11[%swap3A_773, %swap3A_774], %swap3A_777 {strides = array<i32>} : memref<32x144xf32, #tpu.memory_space<vmem>>, vector<1x16xf32>,
      %broadcast_in_dim3A_778 = arith.constant 13 : i32
      %broadcast_in_dim3A_779 = vector.broadcast %broadcast_in_dim3A_778 : i32 to vector<16xi32>
      %broadcast_in_dim3A_780 = vector.shape_cast %broadcast_in_dim3A_779 : vector<16xi32> to vector<16x1xi32>
      %gather3A_781 = vector.shape_cast %broadcast_in_dim3A_780 : vector<16x1xi32> to vector<16xi32>
      %gather3A_782 = tpu.dynamic_gather %get3A_34[%gather3A_781] in [0] : vector<16xi32>, vector<16xi32> -> vector<16xi32>
      %and3A_783 = arith.andi %gather3A_782, %broadcast_in_dim3A_56 : vector<16xi32>
      %convert_element_type3A_784 = arith.sitofp %and3A_783 : vector<16xi32> to vector<16xf32>
      %shift_right_arithmetic3A_785 = arith.constant 1 : i32
      %shift_right_arithmetic3A_786 = vector.broadcast %shift_right_arithmetic3A_785 : i32 to vector<16xi32>
      %shift_right_arithmetic3A_787 = arith.shrsi %gather3A_782, %shift_right_arithmetic3A_786 : vector<16xi32>
      %and3A_788 = arith.andi %shift_right_arithmetic3A_787, %broadcast_in_dim3A_56 : vector<16xi32>
      %convert_element_type3A_789 = arith.sitofp %and3A_788 : vector<16xi32> to vector<16xf32>
      %mul3A_790 = arith.mulf %convert_element_type3A_784, %sub3A : vector<16xf32>
      %add3A_791 = arith.addf %get3A_39, %mul3A_790 : vector<16xf32>
      %mul3A_792 = arith.mulf %convert_element_type3A_784, %sub3A_55 : vector<16xf32>
      %add3A_793 = arith.addf %get3A_49, %mul3A_792 : vector<16xf32>
      %sub3A_794 = arith.subf %add3A_793, %add3A_791 : vector<16xf32>
      %mul3A_795 = arith.mulf %convert_element_type3A_789, %sub3A_794 : vector<16xf32>
      %add3A_796 = arith.addf %add3A_791, %mul3A_795 : vector<16xf32>
      %swap3A_797 = arith.constant 29 : i32
      %swap3A_798 = arith.index_cast %swap3A_797 : i32 to index
      %swap3A_799 = arith.constant 128 : index
      %swap3A_800 = tpu.vector_load %arg11[%swap3A_798, %swap3A_799] {strides = array<i32>} : memref<32x144xf32, #tpu.memory_space<vmem>>, vector<1x16xf32>,
      %swap3A_801 = vector.shape_cast %swap3A_800 : vector<1x16xf32> to vector<16xf32>
      %swap3A_802 = vector.shape_cast %add3A_796 : vector<16xf32> to vector<1x16xf32>
      tpu.vector_store %arg11[%swap3A_798, %swap3A_799], %swap3A_802 {strides = array<i32>} : memref<32x144xf32, #tpu.memory_space<vmem>>, vector<1x16xf32>,
      %broadcast_in_dim3A_803 = arith.constant 14 : i32
      %broadcast_in_dim3A_804 = vector.broadcast %broadcast_in_dim3A_803 : i32 to vector<16xi32>
      %broadcast_in_dim3A_805 = vector.shape_cast %broadcast_in_dim3A_804 : vector<16xi32> to vector<16x1xi32>
      %gather3A_806 = vector.shape_cast %broadcast_in_dim3A_805 : vector<16x1xi32> to vector<16xi32>
      %gather3A_807 = tpu.dynamic_gather %get3A_34[%gather3A_806] in [0] : vector<16xi32>, vector<16xi32> -> vector<16xi32>
      %and3A_808 = arith.andi %gather3A_807, %broadcast_in_dim3A_56 : vector<16xi32>
      %convert_element_type3A_809 = arith.sitofp %and3A_808 : vector<16xi32> to vector<16xf32>
      %shift_right_arithmetic3A_810 = arith.constant 1 : i32
      %shift_right_arithmetic3A_811 = vector.broadcast %shift_right_arithmetic3A_810 : i32 to vector<16xi32>
      %shift_right_arithmetic3A_812 = arith.shrsi %gather3A_807, %shift_right_arithmetic3A_811 : vector<16xi32>
      %and3A_813 = arith.andi %shift_right_arithmetic3A_812, %broadcast_in_dim3A_56 : vector<16xi32>
      %convert_element_type3A_814 = arith.sitofp %and3A_813 : vector<16xi32> to vector<16xf32>
      %mul3A_815 = arith.mulf %convert_element_type3A_809, %sub3A : vector<16xf32>
      %add3A_816 = arith.addf %get3A_39, %mul3A_815 : vector<16xf32>
      %mul3A_817 = arith.mulf %convert_element_type3A_809, %sub3A_55 : vector<16xf32>
      %add3A_818 = arith.addf %get3A_49, %mul3A_817 : vector<16xf32>
      %sub3A_819 = arith.subf %add3A_818, %add3A_816 : vector<16xf32>
      %mul3A_820 = arith.mulf %convert_element_type3A_814, %sub3A_819 : vector<16xf32>
      %add3A_821 = arith.addf %add3A_816, %mul3A_820 : vector<16xf32>
      %swap3A_822 = arith.constant 30 : i32
      %swap3A_823 = arith.index_cast %swap3A_822 : i32 to index
      %swap3A_824 = arith.constant 128 : index
      %swap3A_825 = tpu.vector_load %arg11[%swap3A_823, %swap3A_824] {strides = array<i32>} : memref<32x144xf32, #tpu.memory_space<vmem>>, vector<1x16xf32>,
      %swap3A_826 = vector.shape_cast %swap3A_825 : vector<1x16xf32> to vector<16xf32>
      %swap3A_827 = vector.shape_cast %add3A_821 : vector<16xf32> to vector<1x16xf32>
      tpu.vector_store %arg11[%swap3A_823, %swap3A_824], %swap3A_827 {strides = array<i32>} : memref<32x144xf32, #tpu.memory_space<vmem>>, vector<1x16xf32>,
      %broadcast_in_dim3A_828 = arith.constant 15 : i32
      %broadcast_in_dim3A_829 = vector.broadcast %broadcast_in_dim3A_828 : i32 to vector<16xi32>
      %broadcast_in_dim3A_830 = vector.shape_cast %broadcast_in_dim3A_829 : vector<16xi32> to vector<16x1xi32>
      %gather3A_831 = vector.shape_cast %broadcast_in_dim3A_830 : vector<16x1xi32> to vector<16xi32>
      %gather3A_832 = tpu.dynamic_gather %get3A_34[%gather3A_831] in [0] : vector<16xi32>, vector<16xi32> -> vector<16xi32>
      %and3A_833 = arith.andi %gather3A_832, %broadcast_in_dim3A_56 : vector<16xi32>
      %convert_element_type3A_834 = arith.sitofp %and3A_833 : vector<16xi32> to vector<16xf32>
      %shift_right_arithmetic3A_835 = arith.constant 1 : i32
      %shift_right_arithmetic3A_836 = vector.broadcast %shift_right_arithmetic3A_835 : i32 to vector<16xi32>
      %shift_right_arithmetic3A_837 = arith.shrsi %gather3A_832, %shift_right_arithmetic3A_836 : vector<16xi32>
      %and3A_838 = arith.andi %shift_right_arithmetic3A_837, %broadcast_in_dim3A_56 : vector<16xi32>
      %convert_element_type3A_839 = arith.sitofp %and3A_838 : vector<16xi32> to vector<16xf32>
      %mul3A_840 = arith.mulf %convert_element_type3A_834, %sub3A : vector<16xf32>
      %add3A_841 = arith.addf %get3A_39, %mul3A_840 : vector<16xf32>
      %mul3A_842 = arith.mulf %convert_element_type3A_834, %sub3A_55 : vector<16xf32>
      %add3A_843 = arith.addf %get3A_49, %mul3A_842 : vector<16xf32>
      %sub3A_844 = arith.subf %add3A_843, %add3A_841 : vector<16xf32>
      %mul3A_845 = arith.mulf %convert_element_type3A_839, %sub3A_844 : vector<16xf32>
      %add3A_846 = arith.addf %add3A_841, %mul3A_845 : vector<16xf32>
      %swap3A_847 = arith.constant 31 : i32
      %swap3A_848 = arith.index_cast %swap3A_847 : i32 to index
      %swap3A_849 = arith.constant 128 : index
      %swap3A_850 = tpu.vector_load %arg11[%swap3A_848, %swap3A_849] {strides = array<i32>} : memref<32x144xf32, #tpu.memory_space<vmem>>, vector<1x16xf32>,
      %swap3A_851 = vector.shape_cast %swap3A_850 : vector<1x16xf32> to vector<16xf32>
      %swap3A_852 = vector.shape_cast %add3A_846 : vector<16xf32> to vector<1x16xf32>
      tpu.vector_store %arg11[%swap3A_848, %swap3A_849], %swap3A_852 {strides = array<i32>} : memref<32x144xf32, #tpu.memory_space<vmem>>, vector<1x16xf32>,
      %dma_wait3A_853 = arith.constant 0 : i32
      %dma_wait3A_854 = arith.constant 0 : i32
      %dma_wait3A_855 = tpu.memref_slice %arg10[%dma_wait3A_853, %dma_wait3A_854] : memref<32x128xf32, #tpu.memory_space<vmem>> -> memref<16x128xf32, #tpu.memory_space<vmem>>
      %dma_wait3A_856 = arith.constant 0 : i32
      %dma_wait3A_857 = arith.constant 0 : i32
      %dma_wait3A_858 = tpu.memref_slice %arg4[%dma_wait3A_856, %dma_wait3A_857] : memref<106x128xf32, #tpu.memory_space<hbm>> -> memref<106x128xf32, #tpu.memory_space<hbm>>
      tpu.wait_indirect_dma semaphore(%arg15 : memref<!tpu.dma_semaphore, #tpu.memory_space<semaphore_mem>>) src(%dma_wait3A_858 : memref<106x128xf32, #tpu.memory_space<hbm>>) dst(%dma_wait3A_855 : memref<16x128xf32, #tpu.memory_space<vmem>>)
      %get3A_859 = arith.constant 0 : i32
      %get3A_860 = arith.index_cast %get3A_859 : i32 to index
      %get3A_861 = arith.constant 0 : index
      %get3A_862 = tpu.vector_load %arg10[%get3A_860, %get3A_861] {strides = array<i32>} : memref<32x128xf32, #tpu.memory_space<vmem>>, vector<1x16xf32>,
      %get3A_863 = vector.shape_cast %get3A_862 : vector<1x16xf32> to vector<16xf32>
      %swap3A_864 = arith.constant 0 : i32
      %swap3A_865 = arith.index_cast %swap3A_864 : i32 to index
      %swap3A_866 = arith.constant 0 : index
      %swap3A_867 = tpu.vector_load %arg11[%swap3A_865, %swap3A_866] {strides = array<i32>} : memref<32x144xf32, #tpu.memory_space<vmem>>, vector<1x16xf32>,
      %swap3A_868 = vector.shape_cast %swap3A_867 : vector<1x16xf32> to vector<16xf32>
      %swap3A_869 = vector.shape_cast %get3A_863 : vector<16xf32> to vector<1x16xf32>
      tpu.vector_store %arg11[%swap3A_865, %swap3A_866], %swap3A_869 {strides = array<i32>} : memref<32x144xf32, #tpu.memory_space<vmem>>, vector<1x16xf32>,
      %get3A_870 = arith.constant 0 : i32
      %get3A_871 = arith.index_cast %get3A_870 : i32 to index
      %get3A_872 = arith.constant 16 : index
      %get3A_873 = tpu.vector_load %arg10[%get3A_871, %get3A_872] {strides = array<i32>} : memref<32x128xf32, #tpu.memory_space<vmem>>, vector<1x16xf32>,
      %get3A_874 = vector.shape_cast %get3A_873 : vector<1x16xf32> to vector<16xf32>
      %swap3A_875 = arith.constant 0 : i32
      %swap3A_876 = arith.index_cast %swap3A_875 : i32 to index
      %swap3A_877 = arith.constant 16 : index
      %swap3A_878 = tpu.vector_load %arg11[%swap3A_876, %swap3A_877] {strides = array<i32>} : memref<32x144xf32, #tpu.memory_space<vmem>>, vector<1x16xf32>,
      %swap3A_879 = vector.shape_cast %swap3A_878 : vector<1x16xf32> to vector<16xf32>
      %swap3A_880 = vector.shape_cast %get3A_874 : vector<16xf32> to vector<1x16xf32>
      tpu.vector_store %arg11[%swap3A_876, %swap3A_877], %swap3A_880 {strides = array<i32>} : memref<32x144xf32, #tpu.memory_space<vmem>>, vector<1x16xf32>,
      %get3A_881 = arith.constant 0 : i32
      %get3A_882 = arith.index_cast %get3A_881 : i32 to index
      %get3A_883 = arith.constant 32 : index
      %get3A_884 = tpu.vector_load %arg10[%get3A_882, %get3A_883] {strides = array<i32>} : memref<32x128xf32, #tpu.memory_space<vmem>>, vector<1x16xf32>,
      %get3A_885 = vector.shape_cast %get3A_884 : vector<1x16xf32> to vector<16xf32>
      %swap3A_886 = arith.constant 0 : i32
      %swap3A_887 = arith.index_cast %swap3A_886 : i32 to index
      %swap3A_888 = arith.constant 32 : index
      %swap3A_889 = tpu.vector_load %arg11[%swap3A_887, %swap3A_888] {strides = array<i32>} : memref<32x144xf32, #tpu.memory_space<vmem>>, vector<1x16xf32>,
      %swap3A_890 = vector.shape_cast %swap3A_889 : vector<1x16xf32> to vector<16xf32>
      %swap3A_891 = vector.shape_cast %get3A_885 : vector<16xf32> to vector<1x16xf32>
      tpu.vector_store %arg11[%swap3A_887, %swap3A_888], %swap3A_891 {strides = array<i32>} : memref<32x144xf32, #tpu.memory_space<vmem>>, vector<1x16xf32>,
      %get3A_892 = arith.constant 0 : i32
      %get3A_893 = arith.index_cast %get3A_892 : i32 to index
      %get3A_894 = arith.constant 48 : index
      %get3A_895 = tpu.vector_load %arg10[%get3A_893, %get3A_894] {strides = array<i32>} : memref<32x128xf32, #tpu.memory_space<vmem>>, vector<1x16xf32>,
      %get3A_896 = vector.shape_cast %get3A_895 : vector<1x16xf32> to vector<16xf32>
      %swap3A_897 = arith.constant 0 : i32
      %swap3A_898 = arith.index_cast %swap3A_897 : i32 to index
      %swap3A_899 = arith.constant 48 : index
      %swap3A_900 = tpu.vector_load %arg11[%swap3A_898, %swap3A_899] {strides = array<i32>} : memref<32x144xf32, #tpu.memory_space<vmem>>, vector<1x16xf32>,
      %swap3A_901 = vector.shape_cast %swap3A_900 : vector<1x16xf32> to vector<16xf32>
      %swap3A_902 = vector.shape_cast %get3A_896 : vector<16xf32> to vector<1x16xf32>
      tpu.vector_store %arg11[%swap3A_898, %swap3A_899], %swap3A_902 {strides = array<i32>} : memref<32x144xf32, #tpu.memory_space<vmem>>, vector<1x16xf32>,
      %get3A_903 = arith.constant 0 : i32
      %get3A_904 = arith.index_cast %get3A_903 : i32 to index
      %get3A_905 = arith.constant 64 : index
      %get3A_906 = tpu.vector_load %arg10[%get3A_904, %get3A_905] {strides = array<i32>} : memref<32x128xf32, #tpu.memory_space<vmem>>, vector<1x16xf32>,
      %get3A_907 = vector.shape_cast %get3A_906 : vector<1x16xf32> to vector<16xf32>
      %swap3A_908 = arith.constant 0 : i32
      %swap3A_909 = arith.index_cast %swap3A_908 : i32 to index
      %swap3A_910 = arith.constant 64 : index
      %swap3A_911 = tpu.vector_load %arg11[%swap3A_909, %swap3A_910] {strides = array<i32>} : memref<32x144xf32, #tpu.memory_space<vmem>>, vector<1x16xf32>,
      %swap3A_912 = vector.shape_cast %swap3A_911 : vector<1x16xf32> to vector<16xf32>
      %swap3A_913 = vector.shape_cast %get3A_907 : vector<16xf32> to vector<1x16xf32>
      tpu.vector_store %arg11[%swap3A_909, %swap3A_910], %swap3A_913 {strides = array<i32>} : memref<32x144xf32, #tpu.memory_space<vmem>>, vector<1x16xf32>,
      %get3A_914 = arith.constant 0 : i32
      %get3A_915 = arith.index_cast %get3A_914 : i32 to index
      %get3A_916 = arith.constant 80 : index
      %get3A_917 = tpu.vector_load %arg10[%get3A_915, %get3A_916] {strides = array<i32>} : memref<32x128xf32, #tpu.memory_space<vmem>>, vector<1x16xf32>,
      %get3A_918 = vector.shape_cast %get3A_917 : vector<1x16xf32> to vector<16xf32>
      %swap3A_919 = arith.constant 0 : i32
      %swap3A_920 = arith.index_cast %swap3A_919 : i32 to index
      %swap3A_921 = arith.constant 80 : index
      %swap3A_922 = tpu.vector_load %arg11[%swap3A_920, %swap3A_921] {strides = array<i32>} : memref<32x144xf32, #tpu.memory_space<vmem>>, vector<1x16xf32>,
      %swap3A_923 = vector.shape_cast %swap3A_922 : vector<1x16xf32> to vector<16xf32>
      %swap3A_924 = vector.shape_cast %get3A_918 : vector<16xf32> to vector<1x16xf32>
      tpu.vector_store %arg11[%swap3A_920, %swap3A_921], %swap3A_924 {strides = array<i32>} : memref<32x144xf32, #tpu.memory_space<vmem>>, vector<1x16xf32>,
      %get3A_925 = arith.constant 0 : i32
      %get3A_926 = arith.index_cast %get3A_925 : i32 to index
      %get3A_927 = arith.constant 96 : index
      %get3A_928 = tpu.vector_load %arg10[%get3A_926, %get3A_927] {strides = array<i32>} : memref<32x128xf32, #tpu.memory_space<vmem>>, vector<1x16xf32>,
      %get3A_929 = vector.shape_cast %get3A_928 : vector<1x16xf32> to vector<16xf32>
      %swap3A_930 = arith.constant 0 : i32
      %swap3A_931 = arith.index_cast %swap3A_930 : i32 to index
      %swap3A_932 = arith.constant 96 : index
      %swap3A_933 = tpu.vector_load %arg11[%swap3A_931, %swap3A_932] {strides = array<i32>} : memref<32x144xf32, #tpu.memory_space<vmem>>, vector<1x16xf32>,
      %swap3A_934 = vector.shape_cast %swap3A_933 : vector<1x16xf32> to vector<16xf32>
      %swap3A_935 = vector.shape_cast %get3A_929 : vector<16xf32> to vector<1x16xf32>
      tpu.vector_store %arg11[%swap3A_931, %swap3A_932], %swap3A_935 {strides = array<i32>} : memref<32x144xf32, #tpu.memory_space<vmem>>, vector<1x16xf32>,
      %get3A_936 = arith.constant 0 : i32
      %get3A_937 = arith.index_cast %get3A_936 : i32 to index
      %get3A_938 = arith.constant 112 : index
      %get3A_939 = tpu.vector_load %arg10[%get3A_937, %get3A_938] {strides = array<i32>} : memref<32x128xf32, #tpu.memory_space<vmem>>, vector<1x16xf32>,
      %get3A_940 = vector.shape_cast %get3A_939 : vector<1x16xf32> to vector<16xf32>
      %swap3A_941 = arith.constant 0 : i32
      %swap3A_942 = arith.index_cast %swap3A_941 : i32 to index
      %swap3A_943 = arith.constant 112 : index
      %swap3A_944 = tpu.vector_load %arg11[%swap3A_942, %swap3A_943] {strides = array<i32>} : memref<32x144xf32, #tpu.memory_space<vmem>>, vector<1x16xf32>,
      %swap3A_945 = vector.shape_cast %swap3A_944 : vector<1x16xf32> to vector<16xf32>
      %swap3A_946 = vector.shape_cast %get3A_940 : vector<16xf32> to vector<1x16xf32>
      tpu.vector_store %arg11[%swap3A_942, %swap3A_943], %swap3A_946 {strides = array<i32>} : memref<32x144xf32, #tpu.memory_space<vmem>>, vector<1x16xf32>,
      %get3A_947 = arith.constant 1 : i32
      %get3A_948 = arith.index_cast %get3A_947 : i32 to index
      %get3A_949 = arith.constant 0 : index
      %get3A_950 = tpu.vector_load %arg10[%get3A_948, %get3A_949] {strides = array<i32>} : memref<32x128xf32, #tpu.memory_space<vmem>>, vector<1x16xf32>,
      %get3A_951 = vector.shape_cast %get3A_950 : vector<1x16xf32> to vector<16xf32>
      %swap3A_952 = arith.constant 1 : i32
      %swap3A_953 = arith.index_cast %swap3A_952 : i32 to index
      %swap3A_954 = arith.constant 0 : index
      %swap3A_955 = tpu.vector_load %arg11[%swap3A_953, %swap3A_954] {strides = array<i32>} : memref<32x144xf32, #tpu.memory_space<vmem>>, vector<1x16xf32>,
      %swap3A_956 = vector.shape_cast %swap3A_955 : vector<1x16xf32> to vector<16xf32>
      %swap3A_957 = vector.shape_cast %get3A_951 : vector<16xf32> to vector<1x16xf32>
      tpu.vector_store %arg11[%swap3A_953, %swap3A_954], %swap3A_957 {strides = array<i32>} : memref<32x144xf32, #tpu.memory_space<vmem>>, vector<1x16xf32>,
      %get3A_958 = arith.constant 1 : i32
      %get3A_959 = arith.index_cast %get3A_958 : i32 to index
      %get3A_960 = arith.constant 16 : index
      %get3A_961 = tpu.vector_load %arg10[%get3A_959, %get3A_960] {strides = array<i32>} : memref<32x128xf32, #tpu.memory_space<vmem>>, vector<1x16xf32>,
      %get3A_962 = vector.shape_cast %get3A_961 : vector<1x16xf32> to vector<16xf32>
      %swap3A_963 = arith.constant 1 : i32
      %swap3A_964 = arith.index_cast %swap3A_963 : i32 to index
      %swap3A_965 = arith.constant 16 : index
      %swap3A_966 = tpu.vector_load %arg11[%swap3A_964, %swap3A_965] {strides = array<i32>} : memref<32x144xf32, #tpu.memory_space<vmem>>, vector<1x16xf32>,
      %swap3A_967 = vector.shape_cast %swap3A_966 : vector<1x16xf32> to vector<16xf32>
      %swap3A_968 = vector.shape_cast %get3A_962 : vector<16xf32> to vector<1x16xf32>
      tpu.vector_store %arg11[%swap3A_964, %swap3A_965], %swap3A_968 {strides = array<i32>} : memref<32x144xf32, #tpu.memory_space<vmem>>, vector<1x16xf32>,
      %get3A_969 = arith.constant 1 : i32
      %get3A_970 = arith.index_cast %get3A_969 : i32 to index
      %get3A_971 = arith.constant 32 : index
      %get3A_972 = tpu.vector_load %arg10[%get3A_970, %get3A_971] {strides = array<i32>} : memref<32x128xf32, #tpu.memory_space<vmem>>, vector<1x16xf32>,
      %get3A_973 = vector.shape_cast %get3A_972 : vector<1x16xf32> to vector<16xf32>
      %swap3A_974 = arith.constant 1 : i32
      %swap3A_975 = arith.index_cast %swap3A_974 : i32 to index
      %swap3A_976 = arith.constant 32 : index
      %swap3A_977 = tpu.vector_load %arg11[%swap3A_975, %swap3A_976] {strides = array<i32>} : memref<32x144xf32, #tpu.memory_space<vmem>>, vector<1x16xf32>,
      %swap3A_978 = vector.shape_cast %swap3A_977 : vector<1x16xf32> to vector<16xf32>
      %swap3A_979 = vector.shape_cast %get3A_973 : vector<16xf32> to vector<1x16xf32>
      tpu.vector_store %arg11[%swap3A_975, %swap3A_976], %swap3A_979 {strides = array<i32>} : memref<32x144xf32, #tpu.memory_space<vmem>>, vector<1x16xf32>,
      %get3A_980 = arith.constant 1 : i32
      %get3A_981 = arith.index_cast %get3A_980 : i32 to index
      %get3A_982 = arith.constant 48 : index
      %get3A_983 = tpu.vector_load %arg10[%get3A_981, %get3A_982] {strides = array<i32>} : memref<32x128xf32, #tpu.memory_space<vmem>>, vector<1x16xf32>,
      %get3A_984 = vector.shape_cast %get3A_983 : vector<1x16xf32> to vector<16xf32>
      %swap3A_985 = arith.constant 1 : i32
      %swap3A_986 = arith.index_cast %swap3A_985 : i32 to index
      %swap3A_987 = arith.constant 48 : index
      %swap3A_988 = tpu.vector_load %arg11[%swap3A_986, %swap3A_987] {strides = array<i32>} : memref<32x144xf32, #tpu.memory_space<vmem>>, vector<1x16xf32>,
      %swap3A_989 = vector.shape_cast %swap3A_988 : vector<1x16xf32> to vector<16xf32>
      %swap3A_990 = vector.shape_cast %get3A_984 : vector<16xf32> to vector<1x16xf32>
      tpu.vector_store %arg11[%swap3A_986, %swap3A_987], %swap3A_990 {strides = array<i32>} : memref<32x144xf32, #tpu.memory_space<vmem>>, vector<1x16xf32>,
      %get3A_991 = arith.constant 1 : i32
      %get3A_992 = arith.index_cast %get3A_991 : i32 to index
      %get3A_993 = arith.constant 64 : index
      %get3A_994 = tpu.vector_load %arg10[%get3A_992, %get3A_993] {strides = array<i32>} : memref<32x128xf32, #tpu.memory_space<vmem>>, vector<1x16xf32>,
      %get3A_995 = vector.shape_cast %get3A_994 : vector<1x16xf32> to vector<16xf32>
      %swap3A_996 = arith.constant 1 : i32
      %swap3A_997 = arith.index_cast %swap3A_996 : i32 to index
      %swap3A_998 = arith.constant 64 : index
      %swap3A_999 = tpu.vector_load %arg11[%swap3A_997, %swap3A_998] {strides = array<i32>} : memref<32x144xf32, #tpu.memory_space<vmem>>, vector<1x16xf32>,
      %swap3A_1000 = vector.shape_cast %swap3A_999 : vector<1x16xf32> to vector<16xf32>
      %swap3A_1001 = vector.shape_cast %get3A_995 : vector<16xf32> to vector<1x16xf32>
      tpu.vector_store %arg11[%swap3A_997, %swap3A_998], %swap3A_1001 {strides = array<i32>} : memref<32x144xf32, #tpu.memory_space<vmem>>, vector<1x16xf32>,
      %get3A_1002 = arith.constant 1 : i32
      %get3A_1003 = arith.index_cast %get3A_1002 : i32 to index
      %get3A_1004 = arith.constant 80 : index
      %get3A_1005 = tpu.vector_load %arg10[%get3A_1003, %get3A_1004] {strides = array<i32>} : memref<32x128xf32, #tpu.memory_space<vmem>>, vector<1x16xf32>,
      %get3A_1006 = vector.shape_cast %get3A_1005 : vector<1x16xf32> to vector<16xf32>
      %swap3A_1007 = arith.constant 1 : i32
      %swap3A_1008 = arith.index_cast %swap3A_1007 : i32 to index
      %swap3A_1009 = arith.constant 80 : index
      %swap3A_1010 = tpu.vector_load %arg11[%swap3A_1008, %swap3A_1009] {strides = array<i32>} : memref<32x144xf32, #tpu.memory_space<vmem>>, vector<1x16xf32>,
      %swap3A_1011 = vector.shape_cast %swap3A_1010 : vector<1x16xf32> to vector<16xf32>
      %swap3A_1012 = vector.shape_cast %get3A_1006 : vector<16xf32> to vector<1x16xf32>
      tpu.vector_store %arg11[%swap3A_1008, %swap3A_1009], %swap3A_1012 {strides = array<i32>} : memref<32x144xf32, #tpu.memory_space<vmem>>, vector<1x16xf32>,
      %get3A_1013 = arith.constant 1 : i32
      %get3A_1014 = arith.index_cast %get3A_1013 : i32 to index
      %get3A_1015 = arith.constant 96 : index
      %get3A_1016 = tpu.vector_load %arg10[%get3A_1014, %get3A_1015] {strides = array<i32>} : memref<32x128xf32, #tpu.memory_space<vmem>>, vector<1x16xf32>,
      %get3A_1017 = vector.shape_cast %get3A_1016 : vector<1x16xf32> to vector<16xf32>
      %swap3A_1018 = arith.constant 1 : i32
      %swap3A_1019 = arith.index_cast %swap3A_1018 : i32 to index
      %swap3A_1020 = arith.constant 96 : index
      %swap3A_1021 = tpu.vector_load %arg11[%swap3A_1019, %swap3A_1020] {strides = array<i32>} : memref<32x144xf32, #tpu.memory_space<vmem>>, vector<1x16xf32>,
      %swap3A_1022 = vector.shape_cast %swap3A_1021 : vector<1x16xf32> to vector<16xf32>
      %swap3A_1023 = vector.shape_cast %get3A_1017 : vector<16xf32> to vector<1x16xf32>
      tpu.vector_store %arg11[%swap3A_1019, %swap3A_1020], %swap3A_1023 {strides = array<i32>} : memref<32x144xf32, #tpu.memory_space<vmem>>, vector<1x16xf32>,
      %get3A_1024 = arith.constant 1 : i32
      %get3A_1025 = arith.index_cast %get3A_1024 : i32 to index
      %get3A_1026 = arith.constant 112 : index
      %get3A_1027 = tpu.vector_load %arg10[%get3A_1025, %get3A_1026] {strides = array<i32>} : memref<32x128xf32, #tpu.memory_space<vmem>>, vector<1x16xf32>,
      %get3A_1028 = vector.shape_cast %get3A_1027 : vector<1x16xf32> to vector<16xf32>
      %swap3A_1029 = arith.constant 1 : i32
      %swap3A_1030 = arith.index_cast %swap3A_1029 : i32 to index
      %swap3A_1031 = arith.constant 112 : index
      %swap3A_1032 = tpu.vector_load %arg11[%swap3A_1030, %swap3A_1031] {strides = array<i32>} : memref<32x144xf32, #tpu.memory_space<vmem>>, vector<1x16xf32>,
      %swap3A_1033 = vector.shape_cast %swap3A_1032 : vector<1x16xf32> to vector<16xf32>
      %swap3A_1034 = vector.shape_cast %get3A_1028 : vector<16xf32> to vector<1x16xf32>
      tpu.vector_store %arg11[%swap3A_1030, %swap3A_1031], %swap3A_1034 {strides = array<i32>} : memref<32x144xf32, #tpu.memory_space<vmem>>, vector<1x16xf32>,
      %get3A_1035 = arith.constant 2 : i32
      %get3A_1036 = arith.index_cast %get3A_1035 : i32 to index
      %get3A_1037 = arith.constant 0 : index
      %get3A_1038 = tpu.vector_load %arg10[%get3A_1036, %get3A_1037] {strides = array<i32>} : memref<32x128xf32, #tpu.memory_space<vmem>>, vector<1x16xf32>,
      %get3A_1039 = vector.shape_cast %get3A_1038 : vector<1x16xf32> to vector<16xf32>
      %swap3A_1040 = arith.constant 2 : i32
      %swap3A_1041 = arith.index_cast %swap3A_1040 : i32 to index
      %swap3A_1042 = arith.constant 0 : index
      %swap3A_1043 = tpu.vector_load %arg11[%swap3A_1041, %swap3A_1042] {strides = array<i32>} : memref<32x144xf32, #tpu.memory_space<vmem>>, vector<1x16xf32>,
      %swap3A_1044 = vector.shape_cast %swap3A_1043 : vector<1x16xf32> to vector<16xf32>
      %swap3A_1045 = vector.shape_cast %get3A_1039 : vector<16xf32> to vector<1x16xf32>
      tpu.vector_store %arg11[%swap3A_1041, %swap3A_1042], %swap3A_1045 {strides = array<i32>} : memref<32x144xf32, #tpu.memory_space<vmem>>, vector<1x16xf32>,
      %get3A_1046 = arith.constant 2 : i32
      %get3A_1047 = arith.index_cast %get3A_1046 : i32 to index
      %get3A_1048 = arith.constant 16 : index
      %get3A_1049 = tpu.vector_load %arg10[%get3A_1047, %get3A_1048] {strides = array<i32>} : memref<32x128xf32, #tpu.memory_space<vmem>>, vector<1x16xf32>,
      %get3A_1050 = vector.shape_cast %get3A_1049 : vector<1x16xf32> to vector<16xf32>
      %swap3A_1051 = arith.constant 2 : i32
      %swap3A_1052 = arith.index_cast %swap3A_1051 : i32 to index
      %swap3A_1053 = arith.constant 16 : index
      %swap3A_1054 = tpu.vector_load %arg11[%swap3A_1052, %swap3A_1053] {strides = array<i32>} : memref<32x144xf32, #tpu.memory_space<vmem>>, vector<1x16xf32>,
      %swap3A_1055 = vector.shape_cast %swap3A_1054 : vector<1x16xf32> to vector<16xf32>
      %swap3A_1056 = vector.shape_cast %get3A_1050 : vector<16xf32> to vector<1x16xf32>
      tpu.vector_store %arg11[%swap3A_1052, %swap3A_1053], %swap3A_1056 {strides = array<i32>} : memref<32x144xf32, #tpu.memory_space<vmem>>, vector<1x16xf32>,
      %get3A_1057 = arith.constant 2 : i32
      %get3A_1058 = arith.index_cast %get3A_1057 : i32 to index
      %get3A_1059 = arith.constant 32 : index
      %get3A_1060 = tpu.vector_load %arg10[%get3A_1058, %get3A_1059] {strides = array<i32>} : memref<32x128xf32, #tpu.memory_space<vmem>>, vector<1x16xf32>,
      %get3A_1061 = vector.shape_cast %get3A_1060 : vector<1x16xf32> to vector<16xf32>
      %swap3A_1062 = arith.constant 2 : i32
      %swap3A_1063 = arith.index_cast %swap3A_1062 : i32 to index
      %swap3A_1064 = arith.constant 32 : index
      %swap3A_1065 = tpu.vector_load %arg11[%swap3A_1063, %swap3A_1064] {strides = array<i32>} : memref<32x144xf32, #tpu.memory_space<vmem>>, vector<1x16xf32>,
      %swap3A_1066 = vector.shape_cast %swap3A_1065 : vector<1x16xf32> to vector<16xf32>
      %swap3A_1067 = vector.shape_cast %get3A_1061 : vector<16xf32> to vector<1x16xf32>
      tpu.vector_store %arg11[%swap3A_1063, %swap3A_1064], %swap3A_1067 {strides = array<i32>} : memref<32x144xf32, #tpu.memory_space<vmem>>, vector<1x16xf32>,
      %get3A_1068 = arith.constant 2 : i32
      %get3A_1069 = arith.index_cast %get3A_1068 : i32 to index
      %get3A_1070 = arith.constant 48 : index
      %get3A_1071 = tpu.vector_load %arg10[%get3A_1069, %get3A_1070] {strides = array<i32>} : memref<32x128xf32, #tpu.memory_space<vmem>>, vector<1x16xf32>,
      %get3A_1072 = vector.shape_cast %get3A_1071 : vector<1x16xf32> to vector<16xf32>
      %swap3A_1073 = arith.constant 2 : i32
      %swap3A_1074 = arith.index_cast %swap3A_1073 : i32 to index
      %swap3A_1075 = arith.constant 48 : index
      %swap3A_1076 = tpu.vector_load %arg11[%swap3A_1074, %swap3A_1075] {strides = array<i32>} : memref<32x144xf32, #tpu.memory_space<vmem>>, vector<1x16xf32>,
      %swap3A_1077 = vector.shape_cast %swap3A_1076 : vector<1x16xf32> to vector<16xf32>
      %swap3A_1078 = vector.shape_cast %get3A_1072 : vector<16xf32> to vector<1x16xf32>
      tpu.vector_store %arg11[%swap3A_1074, %swap3A_1075], %swap3A_1078 {strides = array<i32>} : memref<32x144xf32, #tpu.memory_space<vmem>>, vector<1x16xf32>,
      %get3A_1079 = arith.constant 2 : i32
      %get3A_1080 = arith.index_cast %get3A_1079 : i32 to index
      %get3A_1081 = arith.constant 64 : index
      %get3A_1082 = tpu.vector_load %arg10[%get3A_1080, %get3A_1081] {strides = array<i32>} : memref<32x128xf32, #tpu.memory_space<vmem>>, vector<1x16xf32>,
      %get3A_1083 = vector.shape_cast %get3A_1082 : vector<1x16xf32> to vector<16xf32>
      %swap3A_1084 = arith.constant 2 : i32
      %swap3A_1085 = arith.index_cast %swap3A_1084 : i32 to index
      %swap3A_1086 = arith.constant 64 : index
      %swap3A_1087 = tpu.vector_load %arg11[%swap3A_1085, %swap3A_1086] {strides = array<i32>} : memref<32x144xf32, #tpu.memory_space<vmem>>, vector<1x16xf32>,
      %swap3A_1088 = vector.shape_cast %swap3A_1087 : vector<1x16xf32> to vector<16xf32>
      %swap3A_1089 = vector.shape_cast %get3A_1083 : vector<16xf32> to vector<1x16xf32>
      tpu.vector_store %arg11[%swap3A_1085, %swap3A_1086], %swap3A_1089 {strides = array<i32>} : memref<32x144xf32, #tpu.memory_space<vmem>>, vector<1x16xf32>,
      %get3A_1090 = arith.constant 2 : i32
      %get3A_1091 = arith.index_cast %get3A_1090 : i32 to index
      %get3A_1092 = arith.constant 80 : index
      %get3A_1093 = tpu.vector_load %arg10[%get3A_1091, %get3A_1092] {strides = array<i32>} : memref<32x128xf32, #tpu.memory_space<vmem>>, vector<1x16xf32>,
      %get3A_1094 = vector.shape_cast %get3A_1093 : vector<1x16xf32> to vector<16xf32>
      %swap3A_1095 = arith.constant 2 : i32
      %swap3A_1096 = arith.index_cast %swap3A_1095 : i32 to index
      %swap3A_1097 = arith.constant 80 : index
      %swap3A_1098 = tpu.vector_load %arg11[%swap3A_1096, %swap3A_1097] {strides = array<i32>} : memref<32x144xf32, #tpu.memory_space<vmem>>, vector<1x16xf32>,
      %swap3A_1099 = vector.shape_cast %swap3A_1098 : vector<1x16xf32> to vector<16xf32>
      %swap3A_1100 = vector.shape_cast %get3A_1094 : vector<16xf32> to vector<1x16xf32>
      tpu.vector_store %arg11[%swap3A_1096, %swap3A_1097], %swap3A_1100 {strides = array<i32>} : memref<32x144xf32, #tpu.memory_space<vmem>>, vector<1x16xf32>,
      %get3A_1101 = arith.constant 2 : i32
      %get3A_1102 = arith.index_cast %get3A_1101 : i32 to index
      %get3A_1103 = arith.constant 96 : index
      %get3A_1104 = tpu.vector_load %arg10[%get3A_1102, %get3A_1103] {strides = array<i32>} : memref<32x128xf32, #tpu.memory_space<vmem>>, vector<1x16xf32>,
      %get3A_1105 = vector.shape_cast %get3A_1104 : vector<1x16xf32> to vector<16xf32>
      %swap3A_1106 = arith.constant 2 : i32
      %swap3A_1107 = arith.index_cast %swap3A_1106 : i32 to index
      %swap3A_1108 = arith.constant 96 : index
      %swap3A_1109 = tpu.vector_load %arg11[%swap3A_1107, %swap3A_1108] {strides = array<i32>} : memref<32x144xf32, #tpu.memory_space<vmem>>, vector<1x16xf32>,
      %swap3A_1110 = vector.shape_cast %swap3A_1109 : vector<1x16xf32> to vector<16xf32>
      %swap3A_1111 = vector.shape_cast %get3A_1105 : vector<16xf32> to vector<1x16xf32>
      tpu.vector_store %arg11[%swap3A_1107, %swap3A_1108], %swap3A_1111 {strides = array<i32>} : memref<32x144xf32, #tpu.memory_space<vmem>>, vector<1x16xf32>,
      %get3A_1112 = arith.constant 2 : i32
      %get3A_1113 = arith.index_cast %get3A_1112 : i32 to index
      %get3A_1114 = arith.constant 112 : index
      %get3A_1115 = tpu.vector_load %arg10[%get3A_1113, %get3A_1114] {strides = array<i32>} : memref<32x128xf32, #tpu.memory_space<vmem>>, vector<1x16xf32>,
      %get3A_1116 = vector.shape_cast %get3A_1115 : vector<1x16xf32> to vector<16xf32>
      %swap3A_1117 = arith.constant 2 : i32
      %swap3A_1118 = arith.index_cast %swap3A_1117 : i32 to index
      %swap3A_1119 = arith.constant 112 : index
      %swap3A_1120 = tpu.vector_load %arg11[%swap3A_1118, %swap3A_1119] {strides = array<i32>} : memref<32x144xf32, #tpu.memory_space<vmem>>, vector<1x16xf32>,
      %swap3A_1121 = vector.shape_cast %swap3A_1120 : vector<1x16xf32> to vector<16xf32>
      %swap3A_1122 = vector.shape_cast %get3A_1116 : vector<16xf32> to vector<1x16xf32>
      tpu.vector_store %arg11[%swap3A_1118, %swap3A_1119], %swap3A_1122 {strides = array<i32>} : memref<32x144xf32, #tpu.memory_space<vmem>>, vector<1x16xf32>,
      %get3A_1123 = arith.constant 3 : i32
      %get3A_1124 = arith.index_cast %get3A_1123 : i32 to index
      %get3A_1125 = arith.constant 0 : index
      %get3A_1126 = tpu.vector_load %arg10[%get3A_1124, %get3A_1125] {strides = array<i32>} : memref<32x128xf32, #tpu.memory_space<vmem>>, vector<1x16xf32>,
      %get3A_1127 = vector.shape_cast %get3A_1126 : vector<1x16xf32> to vector<16xf32>
      %swap3A_1128 = arith.constant 3 : i32
      %swap3A_1129 = arith.index_cast %swap3A_1128 : i32 to index
      %swap3A_1130 = arith.constant 0 : index
      %swap3A_1131 = tpu.vector_load %arg11[%swap3A_1129, %swap3A_1130] {strides = array<i32>} : memref<32x144xf32, #tpu.memory_space<vmem>>, vector<1x16xf32>,
      %swap3A_1132 = vector.shape_cast %swap3A_1131 : vector<1x16xf32> to vector<16xf32>
      %swap3A_1133 = vector.shape_cast %get3A_1127 : vector<16xf32> to vector<1x16xf32>
      tpu.vector_store %arg11[%swap3A_1129, %swap3A_1130], %swap3A_1133 {strides = array<i32>} : memref<32x144xf32, #tpu.memory_space<vmem>>, vector<1x16xf32>,
      %get3A_1134 = arith.constant 3 : i32
      %get3A_1135 = arith.index_cast %get3A_1134 : i32 to index
      %get3A_1136 = arith.constant 16 : index
      %get3A_1137 = tpu.vector_load %arg10[%get3A_1135, %get3A_1136] {strides = array<i32>} : memref<32x128xf32, #tpu.memory_space<vmem>>, vector<1x16xf32>,
      %get3A_1138 = vector.shape_cast %get3A_1137 : vector<1x16xf32> to vector<16xf32>
      %swap3A_1139 = arith.constant 3 : i32
      %swap3A_1140 = arith.index_cast %swap3A_1139 : i32 to index
      %swap3A_1141 = arith.constant 16 : index
      %swap3A_1142 = tpu.vector_load %arg11[%swap3A_1140, %swap3A_1141] {strides = array<i32>} : memref<32x144xf32, #tpu.memory_space<vmem>>, vector<1x16xf32>,
      %swap3A_1143 = vector.shape_cast %swap3A_1142 : vector<1x16xf32> to vector<16xf32>
      %swap3A_1144 = vector.shape_cast %get3A_1138 : vector<16xf32> to vector<1x16xf32>
      tpu.vector_store %arg11[%swap3A_1140, %swap3A_1141], %swap3A_1144 {strides = array<i32>} : memref<32x144xf32, #tpu.memory_space<vmem>>, vector<1x16xf32>,
      %get3A_1145 = arith.constant 3 : i32
      %get3A_1146 = arith.index_cast %get3A_1145 : i32 to index
      %get3A_1147 = arith.constant 32 : index
      %get3A_1148 = tpu.vector_load %arg10[%get3A_1146, %get3A_1147] {strides = array<i32>} : memref<32x128xf32, #tpu.memory_space<vmem>>, vector<1x16xf32>,
      %get3A_1149 = vector.shape_cast %get3A_1148 : vector<1x16xf32> to vector<16xf32>
      %swap3A_1150 = arith.constant 3 : i32
      %swap3A_1151 = arith.index_cast %swap3A_1150 : i32 to index
      %swap3A_1152 = arith.constant 32 : index
      %swap3A_1153 = tpu.vector_load %arg11[%swap3A_1151, %swap3A_1152] {strides = array<i32>} : memref<32x144xf32, #tpu.memory_space<vmem>>, vector<1x16xf32>,
      %swap3A_1154 = vector.shape_cast %swap3A_1153 : vector<1x16xf32> to vector<16xf32>
      %swap3A_1155 = vector.shape_cast %get3A_1149 : vector<16xf32> to vector<1x16xf32>
      tpu.vector_store %arg11[%swap3A_1151, %swap3A_1152], %swap3A_1155 {strides = array<i32>} : memref<32x144xf32, #tpu.memory_space<vmem>>, vector<1x16xf32>,
      %get3A_1156 = arith.constant 3 : i32
      %get3A_1157 = arith.index_cast %get3A_1156 : i32 to index
      %get3A_1158 = arith.constant 48 : index
      %get3A_1159 = tpu.vector_load %arg10[%get3A_1157, %get3A_1158] {strides = array<i32>} : memref<32x128xf32, #tpu.memory_space<vmem>>, vector<1x16xf32>,
      %get3A_1160 = vector.shape_cast %get3A_1159 : vector<1x16xf32> to vector<16xf32>
      %swap3A_1161 = arith.constant 3 : i32
      %swap3A_1162 = arith.index_cast %swap3A_1161 : i32 to index
      %swap3A_1163 = arith.constant 48 : index
      %swap3A_1164 = tpu.vector_load %arg11[%swap3A_1162, %swap3A_1163] {strides = array<i32>} : memref<32x144xf32, #tpu.memory_space<vmem>>, vector<1x16xf32>,
      %swap3A_1165 = vector.shape_cast %swap3A_1164 : vector<1x16xf32> to vector<16xf32>
      %swap3A_1166 = vector.shape_cast %get3A_1160 : vector<16xf32> to vector<1x16xf32>
      tpu.vector_store %arg11[%swap3A_1162, %swap3A_1163], %swap3A_1166 {strides = array<i32>} : memref<32x144xf32, #tpu.memory_space<vmem>>, vector<1x16xf32>,
      %get3A_1167 = arith.constant 3 : i32
      %get3A_1168 = arith.index_cast %get3A_1167 : i32 to index
      %get3A_1169 = arith.constant 64 : index
      %get3A_1170 = tpu.vector_load %arg10[%get3A_1168, %get3A_1169] {strides = array<i32>} : memref<32x128xf32, #tpu.memory_space<vmem>>, vector<1x16xf32>,
      %get3A_1171 = vector.shape_cast %get3A_1170 : vector<1x16xf32> to vector<16xf32>
      %swap3A_1172 = arith.constant 3 : i32
      %swap3A_1173 = arith.index_cast %swap3A_1172 : i32 to index
      %swap3A_1174 = arith.constant 64 : index
      %swap3A_1175 = tpu.vector_load %arg11[%swap3A_1173, %swap3A_1174] {strides = array<i32>} : memref<32x144xf32, #tpu.memory_space<vmem>>, vector<1x16xf32>,
      %swap3A_1176 = vector.shape_cast %swap3A_1175 : vector<1x16xf32> to vector<16xf32>
      %swap3A_1177 = vector.shape_cast %get3A_1171 : vector<16xf32> to vector<1x16xf32>
      tpu.vector_store %arg11[%swap3A_1173, %swap3A_1174], %swap3A_1177 {strides = array<i32>} : memref<32x144xf32, #tpu.memory_space<vmem>>, vector<1x16xf32>,
      %get3A_1178 = arith.constant 3 : i32
      %get3A_1179 = arith.index_cast %get3A_1178 : i32 to index
      %get3A_1180 = arith.constant 80 : index
      %get3A_1181 = tpu.vector_load %arg10[%get3A_1179, %get3A_1180] {strides = array<i32>} : memref<32x128xf32, #tpu.memory_space<vmem>>, vector<1x16xf32>,
      %get3A_1182 = vector.shape_cast %get3A_1181 : vector<1x16xf32> to vector<16xf32>
      %swap3A_1183 = arith.constant 3 : i32
      %swap3A_1184 = arith.index_cast %swap3A_1183 : i32 to index
      %swap3A_1185 = arith.constant 80 : index
      %swap3A_1186 = tpu.vector_load %arg11[%swap3A_1184, %swap3A_1185] {strides = array<i32>} : memref<32x144xf32, #tpu.memory_space<vmem>>, vector<1x16xf32>,
      %swap3A_1187 = vector.shape_cast %swap3A_1186 : vector<1x16xf32> to vector<16xf32>
      %swap3A_1188 = vector.shape_cast %get3A_1182 : vector<16xf32> to vector<1x16xf32>
      tpu.vector_store %arg11[%swap3A_1184, %swap3A_1185], %swap3A_1188 {strides = array<i32>} : memref<32x144xf32, #tpu.memory_space<vmem>>, vector<1x16xf32>,
      %get3A_1189 = arith.constant 3 : i32
      %get3A_1190 = arith.index_cast %get3A_1189 : i32 to index
      %get3A_1191 = arith.constant 96 : index
      %get3A_1192 = tpu.vector_load %arg10[%get3A_1190, %get3A_1191] {strides = array<i32>} : memref<32x128xf32, #tpu.memory_space<vmem>>, vector<1x16xf32>,
      %get3A_1193 = vector.shape_cast %get3A_1192 : vector<1x16xf32> to vector<16xf32>
      %swap3A_1194 = arith.constant 3 : i32
      %swap3A_1195 = arith.index_cast %swap3A_1194 : i32 to index
      %swap3A_1196 = arith.constant 96 : index
      %swap3A_1197 = tpu.vector_load %arg11[%swap3A_1195, %swap3A_1196] {strides = array<i32>} : memref<32x144xf32, #tpu.memory_space<vmem>>, vector<1x16xf32>,
      %swap3A_1198 = vector.shape_cast %swap3A_1197 : vector<1x16xf32> to vector<16xf32>
      %swap3A_1199 = vector.shape_cast %get3A_1193 : vector<16xf32> to vector<1x16xf32>
      tpu.vector_store %arg11[%swap3A_1195, %swap3A_1196], %swap3A_1199 {strides = array<i32>} : memref<32x144xf32, #tpu.memory_space<vmem>>, vector<1x16xf32>,
      %get3A_1200 = arith.constant 3 : i32
      %get3A_1201 = arith.index_cast %get3A_1200 : i32 to index
      %get3A_1202 = arith.constant 112 : index
      %get3A_1203 = tpu.vector_load %arg10[%get3A_1201, %get3A_1202] {strides = array<i32>} : memref<32x128xf32, #tpu.memory_space<vmem>>, vector<1x16xf32>,
      %get3A_1204 = vector.shape_cast %get3A_1203 : vector<1x16xf32> to vector<16xf32>
      %swap3A_1205 = arith.constant 3 : i32
      %swap3A_1206 = arith.index_cast %swap3A_1205 : i32 to index
      %swap3A_1207 = arith.constant 112 : index
      %swap3A_1208 = tpu.vector_load %arg11[%swap3A_1206, %swap3A_1207] {strides = array<i32>} : memref<32x144xf32, #tpu.memory_space<vmem>>, vector<1x16xf32>,
      %swap3A_1209 = vector.shape_cast %swap3A_1208 : vector<1x16xf32> to vector<16xf32>
      %swap3A_1210 = vector.shape_cast %get3A_1204 : vector<16xf32> to vector<1x16xf32>
      tpu.vector_store %arg11[%swap3A_1206, %swap3A_1207], %swap3A_1210 {strides = array<i32>} : memref<32x144xf32, #tpu.memory_space<vmem>>, vector<1x16xf32>,
      %get3A_1211 = arith.constant 4 : i32
      %get3A_1212 = arith.index_cast %get3A_1211 : i32 to index
      %get3A_1213 = arith.constant 0 : index
      %get3A_1214 = tpu.vector_load %arg10[%get3A_1212, %get3A_1213] {strides = array<i32>} : memref<32x128xf32, #tpu.memory_space<vmem>>, vector<1x16xf32>,
      %get3A_1215 = vector.shape_cast %get3A_1214 : vector<1x16xf32> to vector<16xf32>
      %swap3A_1216 = arith.constant 4 : i32
      %swap3A_1217 = arith.index_cast %swap3A_1216 : i32 to index
      %swap3A_1218 = arith.constant 0 : index
      %swap3A_1219 = tpu.vector_load %arg11[%swap3A_1217, %swap3A_1218] {strides = array<i32>} : memref<32x144xf32, #tpu.memory_space<vmem>>, vector<1x16xf32>,
      %swap3A_1220 = vector.shape_cast %swap3A_1219 : vector<1x16xf32> to vector<16xf32>
      %swap3A_1221 = vector.shape_cast %get3A_1215 : vector<16xf32> to vector<1x16xf32>
      tpu.vector_store %arg11[%swap3A_1217, %swap3A_1218], %swap3A_1221 {strides = array<i32>} : memref<32x144xf32, #tpu.memory_space<vmem>>, vector<1x16xf32>,
      %get3A_1222 = arith.constant 4 : i32
      %get3A_1223 = arith.index_cast %get3A_1222 : i32 to index
      %get3A_1224 = arith.constant 16 : index
      %get3A_1225 = tpu.vector_load %arg10[%get3A_1223, %get3A_1224] {strides = array<i32>} : memref<32x128xf32, #tpu.memory_space<vmem>>, vector<1x16xf32>,
      %get3A_1226 = vector.shape_cast %get3A_1225 : vector<1x16xf32> to vector<16xf32>
      %swap3A_1227 = arith.constant 4 : i32
      %swap3A_1228 = arith.index_cast %swap3A_1227 : i32 to index
      %swap3A_1229 = arith.constant 16 : index
      %swap3A_1230 = tpu.vector_load %arg11[%swap3A_1228, %swap3A_1229] {strides = array<i32>} : memref<32x144xf32, #tpu.memory_space<vmem>>, vector<1x16xf32>,
      %swap3A_1231 = vector.shape_cast %swap3A_1230 : vector<1x16xf32> to vector<16xf32>
      %swap3A_1232 = vector.shape_cast %get3A_1226 : vector<16xf32> to vector<1x16xf32>
      tpu.vector_store %arg11[%swap3A_1228, %swap3A_1229], %swap3A_1232 {strides = array<i32>} : memref<32x144xf32, #tpu.memory_space<vmem>>, vector<1x16xf32>,
      %get3A_1233 = arith.constant 4 : i32
      %get3A_1234 = arith.index_cast %get3A_1233 : i32 to index
      %get3A_1235 = arith.constant 32 : index
      %get3A_1236 = tpu.vector_load %arg10[%get3A_1234, %get3A_1235] {strides = array<i32>} : memref<32x128xf32, #tpu.memory_space<vmem>>, vector<1x16xf32>,
      %get3A_1237 = vector.shape_cast %get3A_1236 : vector<1x16xf32> to vector<16xf32>
      %swap3A_1238 = arith.constant 4 : i32
      %swap3A_1239 = arith.index_cast %swap3A_1238 : i32 to index
      %swap3A_1240 = arith.constant 32 : index
      %swap3A_1241 = tpu.vector_load %arg11[%swap3A_1239, %swap3A_1240] {strides = array<i32>} : memref<32x144xf32, #tpu.memory_space<vmem>>, vector<1x16xf32>,
      %swap3A_1242 = vector.shape_cast %swap3A_1241 : vector<1x16xf32> to vector<16xf32>
      %swap3A_1243 = vector.shape_cast %get3A_1237 : vector<16xf32> to vector<1x16xf32>
      tpu.vector_store %arg11[%swap3A_1239, %swap3A_1240], %swap3A_1243 {strides = array<i32>} : memref<32x144xf32, #tpu.memory_space<vmem>>, vector<1x16xf32>,
      %get3A_1244 = arith.constant 4 : i32
      %get3A_1245 = arith.index_cast %get3A_1244 : i32 to index
      %get3A_1246 = arith.constant 48 : index
      %get3A_1247 = tpu.vector_load %arg10[%get3A_1245, %get3A_1246] {strides = array<i32>} : memref<32x128xf32, #tpu.memory_space<vmem>>, vector<1x16xf32>,
      %get3A_1248 = vector.shape_cast %get3A_1247 : vector<1x16xf32> to vector<16xf32>
      %swap3A_1249 = arith.constant 4 : i32
      %swap3A_1250 = arith.index_cast %swap3A_1249 : i32 to index
      %swap3A_1251 = arith.constant 48 : index
      %swap3A_1252 = tpu.vector_load %arg11[%swap3A_1250, %swap3A_1251] {strides = array<i32>} : memref<32x144xf32, #tpu.memory_space<vmem>>, vector<1x16xf32>,
      %swap3A_1253 = vector.shape_cast %swap3A_1252 : vector<1x16xf32> to vector<16xf32>
      %swap3A_1254 = vector.shape_cast %get3A_1248 : vector<16xf32> to vector<1x16xf32>
      tpu.vector_store %arg11[%swap3A_1250, %swap3A_1251], %swap3A_1254 {strides = array<i32>} : memref<32x144xf32, #tpu.memory_space<vmem>>, vector<1x16xf32>,
      %get3A_1255 = arith.constant 4 : i32
      %get3A_1256 = arith.index_cast %get3A_1255 : i32 to index
      %get3A_1257 = arith.constant 64 : index
      %get3A_1258 = tpu.vector_load %arg10[%get3A_1256, %get3A_1257] {strides = array<i32>} : memref<32x128xf32, #tpu.memory_space<vmem>>, vector<1x16xf32>,
      %get3A_1259 = vector.shape_cast %get3A_1258 : vector<1x16xf32> to vector<16xf32>
      %swap3A_1260 = arith.constant 4 : i32
      %swap3A_1261 = arith.index_cast %swap3A_1260 : i32 to index
      %swap3A_1262 = arith.constant 64 : index
      %swap3A_1263 = tpu.vector_load %arg11[%swap3A_1261, %swap3A_1262] {strides = array<i32>} : memref<32x144xf32, #tpu.memory_space<vmem>>, vector<1x16xf32>,
      %swap3A_1264 = vector.shape_cast %swap3A_1263 : vector<1x16xf32> to vector<16xf32>
      %swap3A_1265 = vector.shape_cast %get3A_1259 : vector<16xf32> to vector<1x16xf32>
      tpu.vector_store %arg11[%swap3A_1261, %swap3A_1262], %swap3A_1265 {strides = array<i32>} : memref<32x144xf32, #tpu.memory_space<vmem>>, vector<1x16xf32>,
      %get3A_1266 = arith.constant 4 : i32
      %get3A_1267 = arith.index_cast %get3A_1266 : i32 to index
      %get3A_1268 = arith.constant 80 : index
      %get3A_1269 = tpu.vector_load %arg10[%get3A_1267, %get3A_1268] {strides = array<i32>} : memref<32x128xf32, #tpu.memory_space<vmem>>, vector<1x16xf32>,
      %get3A_1270 = vector.shape_cast %get3A_1269 : vector<1x16xf32> to vector<16xf32>
      %swap3A_1271 = arith.constant 4 : i32
      %swap3A_1272 = arith.index_cast %swap3A_1271 : i32 to index
      %swap3A_1273 = arith.constant 80 : index
      %swap3A_1274 = tpu.vector_load %arg11[%swap3A_1272, %swap3A_1273] {strides = array<i32>} : memref<32x144xf32, #tpu.memory_space<vmem>>, vector<1x16xf32>,
      %swap3A_1275 = vector.shape_cast %swap3A_1274 : vector<1x16xf32> to vector<16xf32>
      %swap3A_1276 = vector.shape_cast %get3A_1270 : vector<16xf32> to vector<1x16xf32>
      tpu.vector_store %arg11[%swap3A_1272, %swap3A_1273], %swap3A_1276 {strides = array<i32>} : memref<32x144xf32, #tpu.memory_space<vmem>>, vector<1x16xf32>,
      %get3A_1277 = arith.constant 4 : i32
      %get3A_1278 = arith.index_cast %get3A_1277 : i32 to index
      %get3A_1279 = arith.constant 96 : index
      %get3A_1280 = tpu.vector_load %arg10[%get3A_1278, %get3A_1279] {strides = array<i32>} : memref<32x128xf32, #tpu.memory_space<vmem>>, vector<1x16xf32>,
      %get3A_1281 = vector.shape_cast %get3A_1280 : vector<1x16xf32> to vector<16xf32>
      %swap3A_1282 = arith.constant 4 : i32
      %swap3A_1283 = arith.index_cast %swap3A_1282 : i32 to index
      %swap3A_1284 = arith.constant 96 : index
      %swap3A_1285 = tpu.vector_load %arg11[%swap3A_1283, %swap3A_1284] {strides = array<i32>} : memref<32x144xf32, #tpu.memory_space<vmem>>, vector<1x16xf32>,
      %swap3A_1286 = vector.shape_cast %swap3A_1285 : vector<1x16xf32> to vector<16xf32>
      %swap3A_1287 = vector.shape_cast %get3A_1281 : vector<16xf32> to vector<1x16xf32>
      tpu.vector_store %arg11[%swap3A_1283, %swap3A_1284], %swap3A_1287 {strides = array<i32>} : memref<32x144xf32, #tpu.memory_space<vmem>>, vector<1x16xf32>,
      %get3A_1288 = arith.constant 4 : i32
      %get3A_1289 = arith.index_cast %get3A_1288 : i32 to index
      %get3A_1290 = arith.constant 112 : index
      %get3A_1291 = tpu.vector_load %arg10[%get3A_1289, %get3A_1290] {strides = array<i32>} : memref<32x128xf32, #tpu.memory_space<vmem>>, vector<1x16xf32>,
      %get3A_1292 = vector.shape_cast %get3A_1291 : vector<1x16xf32> to vector<16xf32>
      %swap3A_1293 = arith.constant 4 : i32
      %swap3A_1294 = arith.index_cast %swap3A_1293 : i32 to index
      %swap3A_1295 = arith.constant 112 : index
      %swap3A_1296 = tpu.vector_load %arg11[%swap3A_1294, %swap3A_1295] {strides = array<i32>} : memref<32x144xf32, #tpu.memory_space<vmem>>, vector<1x16xf32>,
      %swap3A_1297 = vector.shape_cast %swap3A_1296 : vector<1x16xf32> to vector<16xf32>
      %swap3A_1298 = vector.shape_cast %get3A_1292 : vector<16xf32> to vector<1x16xf32>
      tpu.vector_store %arg11[%swap3A_1294, %swap3A_1295], %swap3A_1298 {strides = array<i32>} : memref<32x144xf32, #tpu.memory_space<vmem>>, vector<1x16xf32>,
      %get3A_1299 = arith.constant 5 : i32
      %get3A_1300 = arith.index_cast %get3A_1299 : i32 to index
      %get3A_1301 = arith.constant 0 : index
      %get3A_1302 = tpu.vector_load %arg10[%get3A_1300, %get3A_1301] {strides = array<i32>} : memref<32x128xf32, #tpu.memory_space<vmem>>, vector<1x16xf32>,
      %get3A_1303 = vector.shape_cast %get3A_1302 : vector<1x16xf32> to vector<16xf32>
      %swap3A_1304 = arith.constant 5 : i32
      %swap3A_1305 = arith.index_cast %swap3A_1304 : i32 to index
      %swap3A_1306 = arith.constant 0 : index
      %swap3A_1307 = tpu.vector_load %arg11[%swap3A_1305, %swap3A_1306] {strides = array<i32>} : memref<32x144xf32, #tpu.memory_space<vmem>>, vector<1x16xf32>,
      %swap3A_1308 = vector.shape_cast %swap3A_1307 : vector<1x16xf32> to vector<16xf32>
      %swap3A_1309 = vector.shape_cast %get3A_1303 : vector<16xf32> to vector<1x16xf32>
      tpu.vector_store %arg11[%swap3A_1305, %swap3A_1306], %swap3A_1309 {strides = array<i32>} : memref<32x144xf32, #tpu.memory_space<vmem>>, vector<1x16xf32>,
      %get3A_1310 = arith.constant 5 : i32
      %get3A_1311 = arith.index_cast %get3A_1310 : i32 to index
      %get3A_1312 = arith.constant 16 : index
      %get3A_1313 = tpu.vector_load %arg10[%get3A_1311, %get3A_1312] {strides = array<i32>} : memref<32x128xf32, #tpu.memory_space<vmem>>, vector<1x16xf32>,
      %get3A_1314 = vector.shape_cast %get3A_1313 : vector<1x16xf32> to vector<16xf32>
      %swap3A_1315 = arith.constant 5 : i32
      %swap3A_1316 = arith.index_cast %swap3A_1315 : i32 to index
      %swap3A_1317 = arith.constant 16 : index
      %swap3A_1318 = tpu.vector_load %arg11[%swap3A_1316, %swap3A_1317] {strides = array<i32>} : memref<32x144xf32, #tpu.memory_space<vmem>>, vector<1x16xf32>,
      %swap3A_1319 = vector.shape_cast %swap3A_1318 : vector<1x16xf32> to vector<16xf32>
      %swap3A_1320 = vector.shape_cast %get3A_1314 : vector<16xf32> to vector<1x16xf32>
      tpu.vector_store %arg11[%swap3A_1316, %swap3A_1317], %swap3A_1320 {strides = array<i32>} : memref<32x144xf32, #tpu.memory_space<vmem>>, vector<1x16xf32>,
      %get3A_1321 = arith.constant 5 : i32
      %get3A_1322 = arith.index_cast %get3A_1321 : i32 to index
      %get3A_1323 = arith.constant 32 : index
      %get3A_1324 = tpu.vector_load %arg10[%get3A_1322, %get3A_1323] {strides = array<i32>} : memref<32x128xf32, #tpu.memory_space<vmem>>, vector<1x16xf32>,
      %get3A_1325 = vector.shape_cast %get3A_1324 : vector<1x16xf32> to vector<16xf32>
      %swap3A_1326 = arith.constant 5 : i32
      %swap3A_1327 = arith.index_cast %swap3A_1326 : i32 to index
      %swap3A_1328 = arith.constant 32 : index
      %swap3A_1329 = tpu.vector_load %arg11[%swap3A_1327, %swap3A_1328] {strides = array<i32>} : memref<32x144xf32, #tpu.memory_space<vmem>>, vector<1x16xf32>,
      %swap3A_1330 = vector.shape_cast %swap3A_1329 : vector<1x16xf32> to vector<16xf32>
      %swap3A_1331 = vector.shape_cast %get3A_1325 : vector<16xf32> to vector<1x16xf32>
      tpu.vector_store %arg11[%swap3A_1327, %swap3A_1328], %swap3A_1331 {strides = array<i32>} : memref<32x144xf32, #tpu.memory_space<vmem>>, vector<1x16xf32>,
      %get3A_1332 = arith.constant 5 : i32
      %get3A_1333 = arith.index_cast %get3A_1332 : i32 to index
      %get3A_1334 = arith.constant 48 : index
      %get3A_1335 = tpu.vector_load %arg10[%get3A_1333, %get3A_1334] {strides = array<i32>} : memref<32x128xf32, #tpu.memory_space<vmem>>, vector<1x16xf32>,
      %get3A_1336 = vector.shape_cast %get3A_1335 : vector<1x16xf32> to vector<16xf32>
      %swap3A_1337 = arith.constant 5 : i32
      %swap3A_1338 = arith.index_cast %swap3A_1337 : i32 to index
      %swap3A_1339 = arith.constant 48 : index
      %swap3A_1340 = tpu.vector_load %arg11[%swap3A_1338, %swap3A_1339] {strides = array<i32>} : memref<32x144xf32, #tpu.memory_space<vmem>>, vector<1x16xf32>,
      %swap3A_1341 = vector.shape_cast %swap3A_1340 : vector<1x16xf32> to vector<16xf32>
      %swap3A_1342 = vector.shape_cast %get3A_1336 : vector<16xf32> to vector<1x16xf32>
      tpu.vector_store %arg11[%swap3A_1338, %swap3A_1339], %swap3A_1342 {strides = array<i32>} : memref<32x144xf32, #tpu.memory_space<vmem>>, vector<1x16xf32>,
      %get3A_1343 = arith.constant 5 : i32
      %get3A_1344 = arith.index_cast %get3A_1343 : i32 to index
      %get3A_1345 = arith.constant 64 : index
      %get3A_1346 = tpu.vector_load %arg10[%get3A_1344, %get3A_1345] {strides = array<i32>} : memref<32x128xf32, #tpu.memory_space<vmem>>, vector<1x16xf32>,
      %get3A_1347 = vector.shape_cast %get3A_1346 : vector<1x16xf32> to vector<16xf32>
      %swap3A_1348 = arith.constant 5 : i32
      %swap3A_1349 = arith.index_cast %swap3A_1348 : i32 to index
      %swap3A_1350 = arith.constant 64 : index
      %swap3A_1351 = tpu.vector_load %arg11[%swap3A_1349, %swap3A_1350] {strides = array<i32>} : memref<32x144xf32, #tpu.memory_space<vmem>>, vector<1x16xf32>,
      %swap3A_1352 = vector.shape_cast %swap3A_1351 : vector<1x16xf32> to vector<16xf32>
      %swap3A_1353 = vector.shape_cast %get3A_1347 : vector<16xf32> to vector<1x16xf32>
      tpu.vector_store %arg11[%swap3A_1349, %swap3A_1350], %swap3A_1353 {strides = array<i32>} : memref<32x144xf32, #tpu.memory_space<vmem>>, vector<1x16xf32>,
      %get3A_1354 = arith.constant 5 : i32
      %get3A_1355 = arith.index_cast %get3A_1354 : i32 to index
      %get3A_1356 = arith.constant 80 : index
      %get3A_1357 = tpu.vector_load %arg10[%get3A_1355, %get3A_1356] {strides = array<i32>} : memref<32x128xf32, #tpu.memory_space<vmem>>, vector<1x16xf32>,
      %get3A_1358 = vector.shape_cast %get3A_1357 : vector<1x16xf32> to vector<16xf32>
      %swap3A_1359 = arith.constant 5 : i32
      %swap3A_1360 = arith.index_cast %swap3A_1359 : i32 to index
      %swap3A_1361 = arith.constant 80 : index
      %swap3A_1362 = tpu.vector_load %arg11[%swap3A_1360, %swap3A_1361] {strides = array<i32>} : memref<32x144xf32, #tpu.memory_space<vmem>>, vector<1x16xf32>,
      %swap3A_1363 = vector.shape_cast %swap3A_1362 : vector<1x16xf32> to vector<16xf32>
      %swap3A_1364 = vector.shape_cast %get3A_1358 : vector<16xf32> to vector<1x16xf32>
      tpu.vector_store %arg11[%swap3A_1360, %swap3A_1361], %swap3A_1364 {strides = array<i32>} : memref<32x144xf32, #tpu.memory_space<vmem>>, vector<1x16xf32>,
      %get3A_1365 = arith.constant 5 : i32
      %get3A_1366 = arith.index_cast %get3A_1365 : i32 to index
      %get3A_1367 = arith.constant 96 : index
      %get3A_1368 = tpu.vector_load %arg10[%get3A_1366, %get3A_1367] {strides = array<i32>} : memref<32x128xf32, #tpu.memory_space<vmem>>, vector<1x16xf32>,
      %get3A_1369 = vector.shape_cast %get3A_1368 : vector<1x16xf32> to vector<16xf32>
      %swap3A_1370 = arith.constant 5 : i32
      %swap3A_1371 = arith.index_cast %swap3A_1370 : i32 to index
      %swap3A_1372 = arith.constant 96 : index
      %swap3A_1373 = tpu.vector_load %arg11[%swap3A_1371, %swap3A_1372] {strides = array<i32>} : memref<32x144xf32, #tpu.memory_space<vmem>>, vector<1x16xf32>,
      %swap3A_1374 = vector.shape_cast %swap3A_1373 : vector<1x16xf32> to vector<16xf32>
      %swap3A_1375 = vector.shape_cast %get3A_1369 : vector<16xf32> to vector<1x16xf32>
      tpu.vector_store %arg11[%swap3A_1371, %swap3A_1372], %swap3A_1375 {strides = array<i32>} : memref<32x144xf32, #tpu.memory_space<vmem>>, vector<1x16xf32>,
      %get3A_1376 = arith.constant 5 : i32
      %get3A_1377 = arith.index_cast %get3A_1376 : i32 to index
      %get3A_1378 = arith.constant 112 : index
      %get3A_1379 = tpu.vector_load %arg10[%get3A_1377, %get3A_1378] {strides = array<i32>} : memref<32x128xf32, #tpu.memory_space<vmem>>, vector<1x16xf32>,
      %get3A_1380 = vector.shape_cast %get3A_1379 : vector<1x16xf32> to vector<16xf32>
      %swap3A_1381 = arith.constant 5 : i32
      %swap3A_1382 = arith.index_cast %swap3A_1381 : i32 to index
      %swap3A_1383 = arith.constant 112 : index
      %swap3A_1384 = tpu.vector_load %arg11[%swap3A_1382, %swap3A_1383] {strides = array<i32>} : memref<32x144xf32, #tpu.memory_space<vmem>>, vector<1x16xf32>,
      %swap3A_1385 = vector.shape_cast %swap3A_1384 : vector<1x16xf32> to vector<16xf32>
      %swap3A_1386 = vector.shape_cast %get3A_1380 : vector<16xf32> to vector<1x16xf32>
      tpu.vector_store %arg11[%swap3A_1382, %swap3A_1383], %swap3A_1386 {strides = array<i32>} : memref<32x144xf32, #tpu.memory_space<vmem>>, vector<1x16xf32>,
      %get3A_1387 = arith.constant 6 : i32
      %get3A_1388 = arith.index_cast %get3A_1387 : i32 to index
      %get3A_1389 = arith.constant 0 : index
      %get3A_1390 = tpu.vector_load %arg10[%get3A_1388, %get3A_1389] {strides = array<i32>} : memref<32x128xf32, #tpu.memory_space<vmem>>, vector<1x16xf32>,
      %get3A_1391 = vector.shape_cast %get3A_1390 : vector<1x16xf32> to vector<16xf32>
      %swap3A_1392 = arith.constant 6 : i32
      %swap3A_1393 = arith.index_cast %swap3A_1392 : i32 to index
      %swap3A_1394 = arith.constant 0 : index
      %swap3A_1395 = tpu.vector_load %arg11[%swap3A_1393, %swap3A_1394] {strides = array<i32>} : memref<32x144xf32, #tpu.memory_space<vmem>>, vector<1x16xf32>,
      %swap3A_1396 = vector.shape_cast %swap3A_1395 : vector<1x16xf32> to vector<16xf32>
      %swap3A_1397 = vector.shape_cast %get3A_1391 : vector<16xf32> to vector<1x16xf32>
      tpu.vector_store %arg11[%swap3A_1393, %swap3A_1394], %swap3A_1397 {strides = array<i32>} : memref<32x144xf32, #tpu.memory_space<vmem>>, vector<1x16xf32>,
      %get3A_1398 = arith.constant 6 : i32
      %get3A_1399 = arith.index_cast %get3A_1398 : i32 to index
      %get3A_1400 = arith.constant 16 : index
      %get3A_1401 = tpu.vector_load %arg10[%get3A_1399, %get3A_1400] {strides = array<i32>} : memref<32x128xf32, #tpu.memory_space<vmem>>, vector<1x16xf32>,
      %get3A_1402 = vector.shape_cast %get3A_1401 : vector<1x16xf32> to vector<16xf32>
      %swap3A_1403 = arith.constant 6 : i32
      %swap3A_1404 = arith.index_cast %swap3A_1403 : i32 to index
      %swap3A_1405 = arith.constant 16 : index
      %swap3A_1406 = tpu.vector_load %arg11[%swap3A_1404, %swap3A_1405] {strides = array<i32>} : memref<32x144xf32, #tpu.memory_space<vmem>>, vector<1x16xf32>,
      %swap3A_1407 = vector.shape_cast %swap3A_1406 : vector<1x16xf32> to vector<16xf32>
      %swap3A_1408 = vector.shape_cast %get3A_1402 : vector<16xf32> to vector<1x16xf32>
      tpu.vector_store %arg11[%swap3A_1404, %swap3A_1405], %swap3A_1408 {strides = array<i32>} : memref<32x144xf32, #tpu.memory_space<vmem>>, vector<1x16xf32>,
      %get3A_1409 = arith.constant 6 : i32
      %get3A_1410 = arith.index_cast %get3A_1409 : i32 to index
      %get3A_1411 = arith.constant 32 : index
      %get3A_1412 = tpu.vector_load %arg10[%get3A_1410, %get3A_1411] {strides = array<i32>} : memref<32x128xf32, #tpu.memory_space<vmem>>, vector<1x16xf32>,
      %get3A_1413 = vector.shape_cast %get3A_1412 : vector<1x16xf32> to vector<16xf32>
      %swap3A_1414 = arith.constant 6 : i32
      %swap3A_1415 = arith.index_cast %swap3A_1414 : i32 to index
      %swap3A_1416 = arith.constant 32 : index
      %swap3A_1417 = tpu.vector_load %arg11[%swap3A_1415, %swap3A_1416] {strides = array<i32>} : memref<32x144xf32, #tpu.memory_space<vmem>>, vector<1x16xf32>,
      %swap3A_1418 = vector.shape_cast %swap3A_1417 : vector<1x16xf32> to vector<16xf32>
      %swap3A_1419 = vector.shape_cast %get3A_1413 : vector<16xf32> to vector<1x16xf32>
      tpu.vector_store %arg11[%swap3A_1415, %swap3A_1416], %swap3A_1419 {strides = array<i32>} : memref<32x144xf32, #tpu.memory_space<vmem>>, vector<1x16xf32>,
      %get3A_1420 = arith.constant 6 : i32
      %get3A_1421 = arith.index_cast %get3A_1420 : i32 to index
      %get3A_1422 = arith.constant 48 : index
      %get3A_1423 = tpu.vector_load %arg10[%get3A_1421, %get3A_1422] {strides = array<i32>} : memref<32x128xf32, #tpu.memory_space<vmem>>, vector<1x16xf32>,
      %get3A_1424 = vector.shape_cast %get3A_1423 : vector<1x16xf32> to vector<16xf32>
      %swap3A_1425 = arith.constant 6 : i32
      %swap3A_1426 = arith.index_cast %swap3A_1425 : i32 to index
      %swap3A_1427 = arith.constant 48 : index
      %swap3A_1428 = tpu.vector_load %arg11[%swap3A_1426, %swap3A_1427] {strides = array<i32>} : memref<32x144xf32, #tpu.memory_space<vmem>>, vector<1x16xf32>,
      %swap3A_1429 = vector.shape_cast %swap3A_1428 : vector<1x16xf32> to vector<16xf32>
      %swap3A_1430 = vector.shape_cast %get3A_1424 : vector<16xf32> to vector<1x16xf32>
      tpu.vector_store %arg11[%swap3A_1426, %swap3A_1427], %swap3A_1430 {strides = array<i32>} : memref<32x144xf32, #tpu.memory_space<vmem>>, vector<1x16xf32>,
      %get3A_1431 = arith.constant 6 : i32
      %get3A_1432 = arith.index_cast %get3A_1431 : i32 to index
      %get3A_1433 = arith.constant 64 : index
      %get3A_1434 = tpu.vector_load %arg10[%get3A_1432, %get3A_1433] {strides = array<i32>} : memref<32x128xf32, #tpu.memory_space<vmem>>, vector<1x16xf32>,
      %get3A_1435 = vector.shape_cast %get3A_1434 : vector<1x16xf32> to vector<16xf32>
      %swap3A_1436 = arith.constant 6 : i32
      %swap3A_1437 = arith.index_cast %swap3A_1436 : i32 to index
      %swap3A_1438 = arith.constant 64 : index
      %swap3A_1439 = tpu.vector_load %arg11[%swap3A_1437, %swap3A_1438] {strides = array<i32>} : memref<32x144xf32, #tpu.memory_space<vmem>>, vector<1x16xf32>,
      %swap3A_1440 = vector.shape_cast %swap3A_1439 : vector<1x16xf32> to vector<16xf32>
      %swap3A_1441 = vector.shape_cast %get3A_1435 : vector<16xf32> to vector<1x16xf32>
      tpu.vector_store %arg11[%swap3A_1437, %swap3A_1438], %swap3A_1441 {strides = array<i32>} : memref<32x144xf32, #tpu.memory_space<vmem>>, vector<1x16xf32>,
      %get3A_1442 = arith.constant 6 : i32
      %get3A_1443 = arith.index_cast %get3A_1442 : i32 to index
      %get3A_1444 = arith.constant 80 : index
      %get3A_1445 = tpu.vector_load %arg10[%get3A_1443, %get3A_1444] {strides = array<i32>} : memref<32x128xf32, #tpu.memory_space<vmem>>, vector<1x16xf32>,
      %get3A_1446 = vector.shape_cast %get3A_1445 : vector<1x16xf32> to vector<16xf32>
      %swap3A_1447 = arith.constant 6 : i32
      %swap3A_1448 = arith.index_cast %swap3A_1447 : i32 to index
      %swap3A_1449 = arith.constant 80 : index
      %swap3A_1450 = tpu.vector_load %arg11[%swap3A_1448, %swap3A_1449] {strides = array<i32>} : memref<32x144xf32, #tpu.memory_space<vmem>>, vector<1x16xf32>,
      %swap3A_1451 = vector.shape_cast %swap3A_1450 : vector<1x16xf32> to vector<16xf32>
      %swap3A_1452 = vector.shape_cast %get3A_1446 : vector<16xf32> to vector<1x16xf32>
      tpu.vector_store %arg11[%swap3A_1448, %swap3A_1449], %swap3A_1452 {strides = array<i32>} : memref<32x144xf32, #tpu.memory_space<vmem>>, vector<1x16xf32>,
      %get3A_1453 = arith.constant 6 : i32
      %get3A_1454 = arith.index_cast %get3A_1453 : i32 to index
      %get3A_1455 = arith.constant 96 : index
      %get3A_1456 = tpu.vector_load %arg10[%get3A_1454, %get3A_1455] {strides = array<i32>} : memref<32x128xf32, #tpu.memory_space<vmem>>, vector<1x16xf32>,
      %get3A_1457 = vector.shape_cast %get3A_1456 : vector<1x16xf32> to vector<16xf32>
      %swap3A_1458 = arith.constant 6 : i32
      %swap3A_1459 = arith.index_cast %swap3A_1458 : i32 to index
      %swap3A_1460 = arith.constant 96 : index
      %swap3A_1461 = tpu.vector_load %arg11[%swap3A_1459, %swap3A_1460] {strides = array<i32>} : memref<32x144xf32, #tpu.memory_space<vmem>>, vector<1x16xf32>,
      %swap3A_1462 = vector.shape_cast %swap3A_1461 : vector<1x16xf32> to vector<16xf32>
      %swap3A_1463 = vector.shape_cast %get3A_1457 : vector<16xf32> to vector<1x16xf32>
      tpu.vector_store %arg11[%swap3A_1459, %swap3A_1460], %swap3A_1463 {strides = array<i32>} : memref<32x144xf32, #tpu.memory_space<vmem>>, vector<1x16xf32>,
      %get3A_1464 = arith.constant 6 : i32
      %get3A_1465 = arith.index_cast %get3A_1464 : i32 to index
      %get3A_1466 = arith.constant 112 : index
      %get3A_1467 = tpu.vector_load %arg10[%get3A_1465, %get3A_1466] {strides = array<i32>} : memref<32x128xf32, #tpu.memory_space<vmem>>, vector<1x16xf32>,
      %get3A_1468 = vector.shape_cast %get3A_1467 : vector<1x16xf32> to vector<16xf32>
      %swap3A_1469 = arith.constant 6 : i32
      %swap3A_1470 = arith.index_cast %swap3A_1469 : i32 to index
      %swap3A_1471 = arith.constant 112 : index
      %swap3A_1472 = tpu.vector_load %arg11[%swap3A_1470, %swap3A_1471] {strides = array<i32>} : memref<32x144xf32, #tpu.memory_space<vmem>>, vector<1x16xf32>,
      %swap3A_1473 = vector.shape_cast %swap3A_1472 : vector<1x16xf32> to vector<16xf32>
      %swap3A_1474 = vector.shape_cast %get3A_1468 : vector<16xf32> to vector<1x16xf32>
      tpu.vector_store %arg11[%swap3A_1470, %swap3A_1471], %swap3A_1474 {strides = array<i32>} : memref<32x144xf32, #tpu.memory_space<vmem>>, vector<1x16xf32>,
      %get3A_1475 = arith.constant 7 : i32
      %get3A_1476 = arith.index_cast %get3A_1475 : i32 to index
      %get3A_1477 = arith.constant 0 : index
      %get3A_1478 = tpu.vector_load %arg10[%get3A_1476, %get3A_1477] {strides = array<i32>} : memref<32x128xf32, #tpu.memory_space<vmem>>, vector<1x16xf32>,
      %get3A_1479 = vector.shape_cast %get3A_1478 : vector<1x16xf32> to vector<16xf32>
      %swap3A_1480 = arith.constant 7 : i32
      %swap3A_1481 = arith.index_cast %swap3A_1480 : i32 to index
      %swap3A_1482 = arith.constant 0 : index
      %swap3A_1483 = tpu.vector_load %arg11[%swap3A_1481, %swap3A_1482] {strides = array<i32>} : memref<32x144xf32, #tpu.memory_space<vmem>>, vector<1x16xf32>,
      %swap3A_1484 = vector.shape_cast %swap3A_1483 : vector<1x16xf32> to vector<16xf32>
      %swap3A_1485 = vector.shape_cast %get3A_1479 : vector<16xf32> to vector<1x16xf32>
      tpu.vector_store %arg11[%swap3A_1481, %swap3A_1482], %swap3A_1485 {strides = array<i32>} : memref<32x144xf32, #tpu.memory_space<vmem>>, vector<1x16xf32>,
      %get3A_1486 = arith.constant 7 : i32
      %get3A_1487 = arith.index_cast %get3A_1486 : i32 to index
      %get3A_1488 = arith.constant 16 : index
      %get3A_1489 = tpu.vector_load %arg10[%get3A_1487, %get3A_1488] {strides = array<i32>} : memref<32x128xf32, #tpu.memory_space<vmem>>, vector<1x16xf32>,
      %get3A_1490 = vector.shape_cast %get3A_1489 : vector<1x16xf32> to vector<16xf32>
      %swap3A_1491 = arith.constant 7 : i32
      %swap3A_1492 = arith.index_cast %swap3A_1491 : i32 to index
      %swap3A_1493 = arith.constant 16 : index
      %swap3A_1494 = tpu.vector_load %arg11[%swap3A_1492, %swap3A_1493] {strides = array<i32>} : memref<32x144xf32, #tpu.memory_space<vmem>>, vector<1x16xf32>,
      %swap3A_1495 = vector.shape_cast %swap3A_1494 : vector<1x16xf32> to vector<16xf32>
      %swap3A_1496 = vector.shape_cast %get3A_1490 : vector<16xf32> to vector<1x16xf32>
      tpu.vector_store %arg11[%swap3A_1492, %swap3A_1493], %swap3A_1496 {strides = array<i32>} : memref<32x144xf32, #tpu.memory_space<vmem>>, vector<1x16xf32>,
      %get3A_1497 = arith.constant 7 : i32
      %get3A_1498 = arith.index_cast %get3A_1497 : i32 to index
      %get3A_1499 = arith.constant 32 : index
      %get3A_1500 = tpu.vector_load %arg10[%get3A_1498, %get3A_1499] {strides = array<i32>} : memref<32x128xf32, #tpu.memory_space<vmem>>, vector<1x16xf32>,
      %get3A_1501 = vector.shape_cast %get3A_1500 : vector<1x16xf32> to vector<16xf32>
      %swap3A_1502 = arith.constant 7 : i32
      %swap3A_1503 = arith.index_cast %swap3A_1502 : i32 to index
      %swap3A_1504 = arith.constant 32 : index
      %swap3A_1505 = tpu.vector_load %arg11[%swap3A_1503, %swap3A_1504] {strides = array<i32>} : memref<32x144xf32, #tpu.memory_space<vmem>>, vector<1x16xf32>,
      %swap3A_1506 = vector.shape_cast %swap3A_1505 : vector<1x16xf32> to vector<16xf32>
      %swap3A_1507 = vector.shape_cast %get3A_1501 : vector<16xf32> to vector<1x16xf32>
      tpu.vector_store %arg11[%swap3A_1503, %swap3A_1504], %swap3A_1507 {strides = array<i32>} : memref<32x144xf32, #tpu.memory_space<vmem>>, vector<1x16xf32>,
      %get3A_1508 = arith.constant 7 : i32
      %get3A_1509 = arith.index_cast %get3A_1508 : i32 to index
      %get3A_1510 = arith.constant 48 : index
      %get3A_1511 = tpu.vector_load %arg10[%get3A_1509, %get3A_1510] {strides = array<i32>} : memref<32x128xf32, #tpu.memory_space<vmem>>, vector<1x16xf32>,
      %get3A_1512 = vector.shape_cast %get3A_1511 : vector<1x16xf32> to vector<16xf32>
      %swap3A_1513 = arith.constant 7 : i32
      %swap3A_1514 = arith.index_cast %swap3A_1513 : i32 to index
      %swap3A_1515 = arith.constant 48 : index
      %swap3A_1516 = tpu.vector_load %arg11[%swap3A_1514, %swap3A_1515] {strides = array<i32>} : memref<32x144xf32, #tpu.memory_space<vmem>>, vector<1x16xf32>,
      %swap3A_1517 = vector.shape_cast %swap3A_1516 : vector<1x16xf32> to vector<16xf32>
      %swap3A_1518 = vector.shape_cast %get3A_1512 : vector<16xf32> to vector<1x16xf32>
      tpu.vector_store %arg11[%swap3A_1514, %swap3A_1515], %swap3A_1518 {strides = array<i32>} : memref<32x144xf32, #tpu.memory_space<vmem>>, vector<1x16xf32>,
      %get3A_1519 = arith.constant 7 : i32
      %get3A_1520 = arith.index_cast %get3A_1519 : i32 to index
      %get3A_1521 = arith.constant 64 : index
      %get3A_1522 = tpu.vector_load %arg10[%get3A_1520, %get3A_1521] {strides = array<i32>} : memref<32x128xf32, #tpu.memory_space<vmem>>, vector<1x16xf32>,
      %get3A_1523 = vector.shape_cast %get3A_1522 : vector<1x16xf32> to vector<16xf32>
      %swap3A_1524 = arith.constant 7 : i32
      %swap3A_1525 = arith.index_cast %swap3A_1524 : i32 to index
      %swap3A_1526 = arith.constant 64 : index
      %swap3A_1527 = tpu.vector_load %arg11[%swap3A_1525, %swap3A_1526] {strides = array<i32>} : memref<32x144xf32, #tpu.memory_space<vmem>>, vector<1x16xf32>,
      %swap3A_1528 = vector.shape_cast %swap3A_1527 : vector<1x16xf32> to vector<16xf32>
      %swap3A_1529 = vector.shape_cast %get3A_1523 : vector<16xf32> to vector<1x16xf32>
      tpu.vector_store %arg11[%swap3A_1525, %swap3A_1526], %swap3A_1529 {strides = array<i32>} : memref<32x144xf32, #tpu.memory_space<vmem>>, vector<1x16xf32>,
      %get3A_1530 = arith.constant 7 : i32
      %get3A_1531 = arith.index_cast %get3A_1530 : i32 to index
      %get3A_1532 = arith.constant 80 : index
      %get3A_1533 = tpu.vector_load %arg10[%get3A_1531, %get3A_1532] {strides = array<i32>} : memref<32x128xf32, #tpu.memory_space<vmem>>, vector<1x16xf32>,
      %get3A_1534 = vector.shape_cast %get3A_1533 : vector<1x16xf32> to vector<16xf32>
      %swap3A_1535 = arith.constant 7 : i32
      %swap3A_1536 = arith.index_cast %swap3A_1535 : i32 to index
      %swap3A_1537 = arith.constant 80 : index
      %swap3A_1538 = tpu.vector_load %arg11[%swap3A_1536, %swap3A_1537] {strides = array<i32>} : memref<32x144xf32, #tpu.memory_space<vmem>>, vector<1x16xf32>,
      %swap3A_1539 = vector.shape_cast %swap3A_1538 : vector<1x16xf32> to vector<16xf32>
      %swap3A_1540 = vector.shape_cast %get3A_1534 : vector<16xf32> to vector<1x16xf32>
      tpu.vector_store %arg11[%swap3A_1536, %swap3A_1537], %swap3A_1540 {strides = array<i32>} : memref<32x144xf32, #tpu.memory_space<vmem>>, vector<1x16xf32>,
      %get3A_1541 = arith.constant 7 : i32
      %get3A_1542 = arith.index_cast %get3A_1541 : i32 to index
      %get3A_1543 = arith.constant 96 : index
      %get3A_1544 = tpu.vector_load %arg10[%get3A_1542, %get3A_1543] {strides = array<i32>} : memref<32x128xf32, #tpu.memory_space<vmem>>, vector<1x16xf32>,
      %get3A_1545 = vector.shape_cast %get3A_1544 : vector<1x16xf32> to vector<16xf32>
      %swap3A_1546 = arith.constant 7 : i32
      %swap3A_1547 = arith.index_cast %swap3A_1546 : i32 to index
      %swap3A_1548 = arith.constant 96 : index
      %swap3A_1549 = tpu.vector_load %arg11[%swap3A_1547, %swap3A_1548] {strides = array<i32>} : memref<32x144xf32, #tpu.memory_space<vmem>>, vector<1x16xf32>,
      %swap3A_1550 = vector.shape_cast %swap3A_1549 : vector<1x16xf32> to vector<16xf32>
      %swap3A_1551 = vector.shape_cast %get3A_1545 : vector<16xf32> to vector<1x16xf32>
      tpu.vector_store %arg11[%swap3A_1547, %swap3A_1548], %swap3A_1551 {strides = array<i32>} : memref<32x144xf32, #tpu.memory_space<vmem>>, vector<1x16xf32>,
      %get3A_1552 = arith.constant 7 : i32
      %get3A_1553 = arith.index_cast %get3A_1552 : i32 to index
      %get3A_1554 = arith.constant 112 : index
      %get3A_1555 = tpu.vector_load %arg10[%get3A_1553, %get3A_1554] {strides = array<i32>} : memref<32x128xf32, #tpu.memory_space<vmem>>, vector<1x16xf32>,
      %get3A_1556 = vector.shape_cast %get3A_1555 : vector<1x16xf32> to vector<16xf32>
      %swap3A_1557 = arith.constant 7 : i32
      %swap3A_1558 = arith.index_cast %swap3A_1557 : i32 to index
      %swap3A_1559 = arith.constant 112 : index
      %swap3A_1560 = tpu.vector_load %arg11[%swap3A_1558, %swap3A_1559] {strides = array<i32>} : memref<32x144xf32, #tpu.memory_space<vmem>>, vector<1x16xf32>,
      %swap3A_1561 = vector.shape_cast %swap3A_1560 : vector<1x16xf32> to vector<16xf32>
      %swap3A_1562 = vector.shape_cast %get3A_1556 : vector<16xf32> to vector<1x16xf32>
      tpu.vector_store %arg11[%swap3A_1558, %swap3A_1559], %swap3A_1562 {strides = array<i32>} : memref<32x144xf32, #tpu.memory_space<vmem>>, vector<1x16xf32>,
      %get3A_1563 = arith.constant 8 : i32
      %get3A_1564 = arith.index_cast %get3A_1563 : i32 to index
      %get3A_1565 = arith.constant 0 : index
      %get3A_1566 = tpu.vector_load %arg10[%get3A_1564, %get3A_1565] {strides = array<i32>} : memref<32x128xf32, #tpu.memory_space<vmem>>, vector<1x16xf32>,
      %get3A_1567 = vector.shape_cast %get3A_1566 : vector<1x16xf32> to vector<16xf32>
      %swap3A_1568 = arith.constant 8 : i32
      %swap3A_1569 = arith.index_cast %swap3A_1568 : i32 to index
      %swap3A_1570 = arith.constant 0 : index
      %swap3A_1571 = tpu.vector_load %arg11[%swap3A_1569, %swap3A_1570] {strides = array<i32>} : memref<32x144xf32, #tpu.memory_space<vmem>>, vector<1x16xf32>,
      %swap3A_1572 = vector.shape_cast %swap3A_1571 : vector<1x16xf32> to vector<16xf32>
      %swap3A_1573 = vector.shape_cast %get3A_1567 : vector<16xf32> to vector<1x16xf32>
      tpu.vector_store %arg11[%swap3A_1569, %swap3A_1570], %swap3A_1573 {strides = array<i32>} : memref<32x144xf32, #tpu.memory_space<vmem>>, vector<1x16xf32>,
      %get3A_1574 = arith.constant 8 : i32
      %get3A_1575 = arith.index_cast %get3A_1574 : i32 to index
      %get3A_1576 = arith.constant 16 : index
      %get3A_1577 = tpu.vector_load %arg10[%get3A_1575, %get3A_1576] {strides = array<i32>} : memref<32x128xf32, #tpu.memory_space<vmem>>, vector<1x16xf32>,
      %get3A_1578 = vector.shape_cast %get3A_1577 : vector<1x16xf32> to vector<16xf32>
      %swap3A_1579 = arith.constant 8 : i32
      %swap3A_1580 = arith.index_cast %swap3A_1579 : i32 to index
      %swap3A_1581 = arith.constant 16 : index
      %swap3A_1582 = tpu.vector_load %arg11[%swap3A_1580, %swap3A_1581] {strides = array<i32>} : memref<32x144xf32, #tpu.memory_space<vmem>>, vector<1x16xf32>,
      %swap3A_1583 = vector.shape_cast %swap3A_1582 : vector<1x16xf32> to vector<16xf32>
      %swap3A_1584 = vector.shape_cast %get3A_1578 : vector<16xf32> to vector<1x16xf32>
      tpu.vector_store %arg11[%swap3A_1580, %swap3A_1581], %swap3A_1584 {strides = array<i32>} : memref<32x144xf32, #tpu.memory_space<vmem>>, vector<1x16xf32>,
      %get3A_1585 = arith.constant 8 : i32
      %get3A_1586 = arith.index_cast %get3A_1585 : i32 to index
      %get3A_1587 = arith.constant 32 : index
      %get3A_1588 = tpu.vector_load %arg10[%get3A_1586, %get3A_1587] {strides = array<i32>} : memref<32x128xf32, #tpu.memory_space<vmem>>, vector<1x16xf32>,
      %get3A_1589 = vector.shape_cast %get3A_1588 : vector<1x16xf32> to vector<16xf32>
      %swap3A_1590 = arith.constant 8 : i32
      %swap3A_1591 = arith.index_cast %swap3A_1590 : i32 to index
      %swap3A_1592 = arith.constant 32 : index
      %swap3A_1593 = tpu.vector_load %arg11[%swap3A_1591, %swap3A_1592] {strides = array<i32>} : memref<32x144xf32, #tpu.memory_space<vmem>>, vector<1x16xf32>,
      %swap3A_1594 = vector.shape_cast %swap3A_1593 : vector<1x16xf32> to vector<16xf32>
      %swap3A_1595 = vector.shape_cast %get3A_1589 : vector<16xf32> to vector<1x16xf32>
      tpu.vector_store %arg11[%swap3A_1591, %swap3A_1592], %swap3A_1595 {strides = array<i32>} : memref<32x144xf32, #tpu.memory_space<vmem>>, vector<1x16xf32>,
      %get3A_1596 = arith.constant 8 : i32
      %get3A_1597 = arith.index_cast %get3A_1596 : i32 to index
      %get3A_1598 = arith.constant 48 : index
      %get3A_1599 = tpu.vector_load %arg10[%get3A_1597, %get3A_1598] {strides = array<i32>} : memref<32x128xf32, #tpu.memory_space<vmem>>, vector<1x16xf32>,
      %get3A_1600 = vector.shape_cast %get3A_1599 : vector<1x16xf32> to vector<16xf32>
      %swap3A_1601 = arith.constant 8 : i32
      %swap3A_1602 = arith.index_cast %swap3A_1601 : i32 to index
      %swap3A_1603 = arith.constant 48 : index
      %swap3A_1604 = tpu.vector_load %arg11[%swap3A_1602, %swap3A_1603] {strides = array<i32>} : memref<32x144xf32, #tpu.memory_space<vmem>>, vector<1x16xf32>,
      %swap3A_1605 = vector.shape_cast %swap3A_1604 : vector<1x16xf32> to vector<16xf32>
      %swap3A_1606 = vector.shape_cast %get3A_1600 : vector<16xf32> to vector<1x16xf32>
      tpu.vector_store %arg11[%swap3A_1602, %swap3A_1603], %swap3A_1606 {strides = array<i32>} : memref<32x144xf32, #tpu.memory_space<vmem>>, vector<1x16xf32>,
      %get3A_1607 = arith.constant 8 : i32
      %get3A_1608 = arith.index_cast %get3A_1607 : i32 to index
      %get3A_1609 = arith.constant 64 : index
      %get3A_1610 = tpu.vector_load %arg10[%get3A_1608, %get3A_1609] {strides = array<i32>} : memref<32x128xf32, #tpu.memory_space<vmem>>, vector<1x16xf32>,
      %get3A_1611 = vector.shape_cast %get3A_1610 : vector<1x16xf32> to vector<16xf32>
      %swap3A_1612 = arith.constant 8 : i32
      %swap3A_1613 = arith.index_cast %swap3A_1612 : i32 to index
      %swap3A_1614 = arith.constant 64 : index
      %swap3A_1615 = tpu.vector_load %arg11[%swap3A_1613, %swap3A_1614] {strides = array<i32>} : memref<32x144xf32, #tpu.memory_space<vmem>>, vector<1x16xf32>,
      %swap3A_1616 = vector.shape_cast %swap3A_1615 : vector<1x16xf32> to vector<16xf32>
      %swap3A_1617 = vector.shape_cast %get3A_1611 : vector<16xf32> to vector<1x16xf32>
      tpu.vector_store %arg11[%swap3A_1613, %swap3A_1614], %swap3A_1617 {strides = array<i32>} : memref<32x144xf32, #tpu.memory_space<vmem>>, vector<1x16xf32>,
      %get3A_1618 = arith.constant 8 : i32
      %get3A_1619 = arith.index_cast %get3A_1618 : i32 to index
      %get3A_1620 = arith.constant 80 : index
      %get3A_1621 = tpu.vector_load %arg10[%get3A_1619, %get3A_1620] {strides = array<i32>} : memref<32x128xf32, #tpu.memory_space<vmem>>, vector<1x16xf32>,
      %get3A_1622 = vector.shape_cast %get3A_1621 : vector<1x16xf32> to vector<16xf32>
      %swap3A_1623 = arith.constant 8 : i32
      %swap3A_1624 = arith.index_cast %swap3A_1623 : i32 to index
      %swap3A_1625 = arith.constant 80 : index
      %swap3A_1626 = tpu.vector_load %arg11[%swap3A_1624, %swap3A_1625] {strides = array<i32>} : memref<32x144xf32, #tpu.memory_space<vmem>>, vector<1x16xf32>,
      %swap3A_1627 = vector.shape_cast %swap3A_1626 : vector<1x16xf32> to vector<16xf32>
      %swap3A_1628 = vector.shape_cast %get3A_1622 : vector<16xf32> to vector<1x16xf32>
      tpu.vector_store %arg11[%swap3A_1624, %swap3A_1625], %swap3A_1628 {strides = array<i32>} : memref<32x144xf32, #tpu.memory_space<vmem>>, vector<1x16xf32>,
      %get3A_1629 = arith.constant 8 : i32
      %get3A_1630 = arith.index_cast %get3A_1629 : i32 to index
      %get3A_1631 = arith.constant 96 : index
      %get3A_1632 = tpu.vector_load %arg10[%get3A_1630, %get3A_1631] {strides = array<i32>} : memref<32x128xf32, #tpu.memory_space<vmem>>, vector<1x16xf32>,
      %get3A_1633 = vector.shape_cast %get3A_1632 : vector<1x16xf32> to vector<16xf32>
      %swap3A_1634 = arith.constant 8 : i32
      %swap3A_1635 = arith.index_cast %swap3A_1634 : i32 to index
      %swap3A_1636 = arith.constant 96 : index
      %swap3A_1637 = tpu.vector_load %arg11[%swap3A_1635, %swap3A_1636] {strides = array<i32>} : memref<32x144xf32, #tpu.memory_space<vmem>>, vector<1x16xf32>,
      %swap3A_1638 = vector.shape_cast %swap3A_1637 : vector<1x16xf32> to vector<16xf32>
      %swap3A_1639 = vector.shape_cast %get3A_1633 : vector<16xf32> to vector<1x16xf32>
      tpu.vector_store %arg11[%swap3A_1635, %swap3A_1636], %swap3A_1639 {strides = array<i32>} : memref<32x144xf32, #tpu.memory_space<vmem>>, vector<1x16xf32>,
      %get3A_1640 = arith.constant 8 : i32
      %get3A_1641 = arith.index_cast %get3A_1640 : i32 to index
      %get3A_1642 = arith.constant 112 : index
      %get3A_1643 = tpu.vector_load %arg10[%get3A_1641, %get3A_1642] {strides = array<i32>} : memref<32x128xf32, #tpu.memory_space<vmem>>, vector<1x16xf32>,
      %get3A_1644 = vector.shape_cast %get3A_1643 : vector<1x16xf32> to vector<16xf32>
      %swap3A_1645 = arith.constant 8 : i32
      %swap3A_1646 = arith.index_cast %swap3A_1645 : i32 to index
      %swap3A_1647 = arith.constant 112 : index
      %swap3A_1648 = tpu.vector_load %arg11[%swap3A_1646, %swap3A_1647] {strides = array<i32>} : memref<32x144xf32, #tpu.memory_space<vmem>>, vector<1x16xf32>,
      %swap3A_1649 = vector.shape_cast %swap3A_1648 : vector<1x16xf32> to vector<16xf32>
      %swap3A_1650 = vector.shape_cast %get3A_1644 : vector<16xf32> to vector<1x16xf32>
      tpu.vector_store %arg11[%swap3A_1646, %swap3A_1647], %swap3A_1650 {strides = array<i32>} : memref<32x144xf32, #tpu.memory_space<vmem>>, vector<1x16xf32>,
      %get3A_1651 = arith.constant 9 : i32
      %get3A_1652 = arith.index_cast %get3A_1651 : i32 to index
      %get3A_1653 = arith.constant 0 : index
      %get3A_1654 = tpu.vector_load %arg10[%get3A_1652, %get3A_1653] {strides = array<i32>} : memref<32x128xf32, #tpu.memory_space<vmem>>, vector<1x16xf32>,
      %get3A_1655 = vector.shape_cast %get3A_1654 : vector<1x16xf32> to vector<16xf32>
      %swap3A_1656 = arith.constant 9 : i32
      %swap3A_1657 = arith.index_cast %swap3A_1656 : i32 to index
      %swap3A_1658 = arith.constant 0 : index
      %swap3A_1659 = tpu.vector_load %arg11[%swap3A_1657, %swap3A_1658] {strides = array<i32>} : memref<32x144xf32, #tpu.memory_space<vmem>>, vector<1x16xf32>,
      %swap3A_1660 = vector.shape_cast %swap3A_1659 : vector<1x16xf32> to vector<16xf32>
      %swap3A_1661 = vector.shape_cast %get3A_1655 : vector<16xf32> to vector<1x16xf32>
      tpu.vector_store %arg11[%swap3A_1657, %swap3A_1658], %swap3A_1661 {strides = array<i32>} : memref<32x144xf32, #tpu.memory_space<vmem>>, vector<1x16xf32>,
      %get3A_1662 = arith.constant 9 : i32
      %get3A_1663 = arith.index_cast %get3A_1662 : i32 to index
      %get3A_1664 = arith.constant 16 : index
      %get3A_1665 = tpu.vector_load %arg10[%get3A_1663, %get3A_1664] {strides = array<i32>} : memref<32x128xf32, #tpu.memory_space<vmem>>, vector<1x16xf32>,
      %get3A_1666 = vector.shape_cast %get3A_1665 : vector<1x16xf32> to vector<16xf32>
      %swap3A_1667 = arith.constant 9 : i32
      %swap3A_1668 = arith.index_cast %swap3A_1667 : i32 to index
      %swap3A_1669 = arith.constant 16 : index
      %swap3A_1670 = tpu.vector_load %arg11[%swap3A_1668, %swap3A_1669] {strides = array<i32>} : memref<32x144xf32, #tpu.memory_space<vmem>>, vector<1x16xf32>,
      %swap3A_1671 = vector.shape_cast %swap3A_1670 : vector<1x16xf32> to vector<16xf32>
      %swap3A_1672 = vector.shape_cast %get3A_1666 : vector<16xf32> to vector<1x16xf32>
      tpu.vector_store %arg11[%swap3A_1668, %swap3A_1669], %swap3A_1672 {strides = array<i32>} : memref<32x144xf32, #tpu.memory_space<vmem>>, vector<1x16xf32>,
      %get3A_1673 = arith.constant 9 : i32
      %get3A_1674 = arith.index_cast %get3A_1673 : i32 to index
      %get3A_1675 = arith.constant 32 : index
      %get3A_1676 = tpu.vector_load %arg10[%get3A_1674, %get3A_1675] {strides = array<i32>} : memref<32x128xf32, #tpu.memory_space<vmem>>, vector<1x16xf32>,
      %get3A_1677 = vector.shape_cast %get3A_1676 : vector<1x16xf32> to vector<16xf32>
      %swap3A_1678 = arith.constant 9 : i32
      %swap3A_1679 = arith.index_cast %swap3A_1678 : i32 to index
      %swap3A_1680 = arith.constant 32 : index
      %swap3A_1681 = tpu.vector_load %arg11[%swap3A_1679, %swap3A_1680] {strides = array<i32>} : memref<32x144xf32, #tpu.memory_space<vmem>>, vector<1x16xf32>,
      %swap3A_1682 = vector.shape_cast %swap3A_1681 : vector<1x16xf32> to vector<16xf32>
      %swap3A_1683 = vector.shape_cast %get3A_1677 : vector<16xf32> to vector<1x16xf32>
      tpu.vector_store %arg11[%swap3A_1679, %swap3A_1680], %swap3A_1683 {strides = array<i32>} : memref<32x144xf32, #tpu.memory_space<vmem>>, vector<1x16xf32>,
      %get3A_1684 = arith.constant 9 : i32
      %get3A_1685 = arith.index_cast %get3A_1684 : i32 to index
      %get3A_1686 = arith.constant 48 : index
      %get3A_1687 = tpu.vector_load %arg10[%get3A_1685, %get3A_1686] {strides = array<i32>} : memref<32x128xf32, #tpu.memory_space<vmem>>, vector<1x16xf32>,
      %get3A_1688 = vector.shape_cast %get3A_1687 : vector<1x16xf32> to vector<16xf32>
      %swap3A_1689 = arith.constant 9 : i32
      %swap3A_1690 = arith.index_cast %swap3A_1689 : i32 to index
      %swap3A_1691 = arith.constant 48 : index
      %swap3A_1692 = tpu.vector_load %arg11[%swap3A_1690, %swap3A_1691] {strides = array<i32>} : memref<32x144xf32, #tpu.memory_space<vmem>>, vector<1x16xf32>,
      %swap3A_1693 = vector.shape_cast %swap3A_1692 : vector<1x16xf32> to vector<16xf32>
      %swap3A_1694 = vector.shape_cast %get3A_1688 : vector<16xf32> to vector<1x16xf32>
      tpu.vector_store %arg11[%swap3A_1690, %swap3A_1691], %swap3A_1694 {strides = array<i32>} : memref<32x144xf32, #tpu.memory_space<vmem>>, vector<1x16xf32>,
      %get3A_1695 = arith.constant 9 : i32
      %get3A_1696 = arith.index_cast %get3A_1695 : i32 to index
      %get3A_1697 = arith.constant 64 : index
      %get3A_1698 = tpu.vector_load %arg10[%get3A_1696, %get3A_1697] {strides = array<i32>} : memref<32x128xf32, #tpu.memory_space<vmem>>, vector<1x16xf32>,
      %get3A_1699 = vector.shape_cast %get3A_1698 : vector<1x16xf32> to vector<16xf32>
      %swap3A_1700 = arith.constant 9 : i32
      %swap3A_1701 = arith.index_cast %swap3A_1700 : i32 to index
      %swap3A_1702 = arith.constant 64 : index
      %swap3A_1703 = tpu.vector_load %arg11[%swap3A_1701, %swap3A_1702] {strides = array<i32>} : memref<32x144xf32, #tpu.memory_space<vmem>>, vector<1x16xf32>,
      %swap3A_1704 = vector.shape_cast %swap3A_1703 : vector<1x16xf32> to vector<16xf32>
      %swap3A_1705 = vector.shape_cast %get3A_1699 : vector<16xf32> to vector<1x16xf32>
      tpu.vector_store %arg11[%swap3A_1701, %swap3A_1702], %swap3A_1705 {strides = array<i32>} : memref<32x144xf32, #tpu.memory_space<vmem>>, vector<1x16xf32>,
      %get3A_1706 = arith.constant 9 : i32
      %get3A_1707 = arith.index_cast %get3A_1706 : i32 to index
      %get3A_1708 = arith.constant 80 : index
      %get3A_1709 = tpu.vector_load %arg10[%get3A_1707, %get3A_1708] {strides = array<i32>} : memref<32x128xf32, #tpu.memory_space<vmem>>, vector<1x16xf32>,
      %get3A_1710 = vector.shape_cast %get3A_1709 : vector<1x16xf32> to vector<16xf32>
      %swap3A_1711 = arith.constant 9 : i32
      %swap3A_1712 = arith.index_cast %swap3A_1711 : i32 to index
      %swap3A_1713 = arith.constant 80 : index
      %swap3A_1714 = tpu.vector_load %arg11[%swap3A_1712, %swap3A_1713] {strides = array<i32>} : memref<32x144xf32, #tpu.memory_space<vmem>>, vector<1x16xf32>,
      %swap3A_1715 = vector.shape_cast %swap3A_1714 : vector<1x16xf32> to vector<16xf32>
      %swap3A_1716 = vector.shape_cast %get3A_1710 : vector<16xf32> to vector<1x16xf32>
      tpu.vector_store %arg11[%swap3A_1712, %swap3A_1713], %swap3A_1716 {strides = array<i32>} : memref<32x144xf32, #tpu.memory_space<vmem>>, vector<1x16xf32>,
      %get3A_1717 = arith.constant 9 : i32
      %get3A_1718 = arith.index_cast %get3A_1717 : i32 to index
      %get3A_1719 = arith.constant 96 : index
      %get3A_1720 = tpu.vector_load %arg10[%get3A_1718, %get3A_1719] {strides = array<i32>} : memref<32x128xf32, #tpu.memory_space<vmem>>, vector<1x16xf32>,
      %get3A_1721 = vector.shape_cast %get3A_1720 : vector<1x16xf32> to vector<16xf32>
      %swap3A_1722 = arith.constant 9 : i32
      %swap3A_1723 = arith.index_cast %swap3A_1722 : i32 to index
      %swap3A_1724 = arith.constant 96 : index
      %swap3A_1725 = tpu.vector_load %arg11[%swap3A_1723, %swap3A_1724] {strides = array<i32>} : memref<32x144xf32, #tpu.memory_space<vmem>>, vector<1x16xf32>,
      %swap3A_1726 = vector.shape_cast %swap3A_1725 : vector<1x16xf32> to vector<16xf32>
      %swap3A_1727 = vector.shape_cast %get3A_1721 : vector<16xf32> to vector<1x16xf32>
      tpu.vector_store %arg11[%swap3A_1723, %swap3A_1724], %swap3A_1727 {strides = array<i32>} : memref<32x144xf32, #tpu.memory_space<vmem>>, vector<1x16xf32>,
      %get3A_1728 = arith.constant 9 : i32
      %get3A_1729 = arith.index_cast %get3A_1728 : i32 to index
      %get3A_1730 = arith.constant 112 : index
      %get3A_1731 = tpu.vector_load %arg10[%get3A_1729, %get3A_1730] {strides = array<i32>} : memref<32x128xf32, #tpu.memory_space<vmem>>, vector<1x16xf32>,
      %get3A_1732 = vector.shape_cast %get3A_1731 : vector<1x16xf32> to vector<16xf32>
      %swap3A_1733 = arith.constant 9 : i32
      %swap3A_1734 = arith.index_cast %swap3A_1733 : i32 to index
      %swap3A_1735 = arith.constant 112 : index
      %swap3A_1736 = tpu.vector_load %arg11[%swap3A_1734, %swap3A_1735] {strides = array<i32>} : memref<32x144xf32, #tpu.memory_space<vmem>>, vector<1x16xf32>,
      %swap3A_1737 = vector.shape_cast %swap3A_1736 : vector<1x16xf32> to vector<16xf32>
      %swap3A_1738 = vector.shape_cast %get3A_1732 : vector<16xf32> to vector<1x16xf32>
      tpu.vector_store %arg11[%swap3A_1734, %swap3A_1735], %swap3A_1738 {strides = array<i32>} : memref<32x144xf32, #tpu.memory_space<vmem>>, vector<1x16xf32>,
      %get3A_1739 = arith.constant 10 : i32
      %get3A_1740 = arith.index_cast %get3A_1739 : i32 to index
      %get3A_1741 = arith.constant 0 : index
      %get3A_1742 = tpu.vector_load %arg10[%get3A_1740, %get3A_1741] {strides = array<i32>} : memref<32x128xf32, #tpu.memory_space<vmem>>, vector<1x16xf32>,
      %get3A_1743 = vector.shape_cast %get3A_1742 : vector<1x16xf32> to vector<16xf32>
      %swap3A_1744 = arith.constant 10 : i32
      %swap3A_1745 = arith.index_cast %swap3A_1744 : i32 to index
      %swap3A_1746 = arith.constant 0 : index
      %swap3A_1747 = tpu.vector_load %arg11[%swap3A_1745, %swap3A_1746] {strides = array<i32>} : memref<32x144xf32, #tpu.memory_space<vmem>>, vector<1x16xf32>,
      %swap3A_1748 = vector.shape_cast %swap3A_1747 : vector<1x16xf32> to vector<16xf32>
      %swap3A_1749 = vector.shape_cast %get3A_1743 : vector<16xf32> to vector<1x16xf32>
      tpu.vector_store %arg11[%swap3A_1745, %swap3A_1746], %swap3A_1749 {strides = array<i32>} : memref<32x144xf32, #tpu.memory_space<vmem>>, vector<1x16xf32>,
      %get3A_1750 = arith.constant 10 : i32
      %get3A_1751 = arith.index_cast %get3A_1750 : i32 to index
      %get3A_1752 = arith.constant 16 : index
      %get3A_1753 = tpu.vector_load %arg10[%get3A_1751, %get3A_1752] {strides = array<i32>} : memref<32x128xf32, #tpu.memory_space<vmem>>, vector<1x16xf32>,
      %get3A_1754 = vector.shape_cast %get3A_1753 : vector<1x16xf32> to vector<16xf32>
      %swap3A_1755 = arith.constant 10 : i32
      %swap3A_1756 = arith.index_cast %swap3A_1755 : i32 to index
      %swap3A_1757 = arith.constant 16 : index
      %swap3A_1758 = tpu.vector_load %arg11[%swap3A_1756, %swap3A_1757] {strides = array<i32>} : memref<32x144xf32, #tpu.memory_space<vmem>>, vector<1x16xf32>,
      %swap3A_1759 = vector.shape_cast %swap3A_1758 : vector<1x16xf32> to vector<16xf32>
      %swap3A_1760 = vector.shape_cast %get3A_1754 : vector<16xf32> to vector<1x16xf32>
      tpu.vector_store %arg11[%swap3A_1756, %swap3A_1757], %swap3A_1760 {strides = array<i32>} : memref<32x144xf32, #tpu.memory_space<vmem>>, vector<1x16xf32>,
      %get3A_1761 = arith.constant 10 : i32
      %get3A_1762 = arith.index_cast %get3A_1761 : i32 to index
      %get3A_1763 = arith.constant 32 : index
      %get3A_1764 = tpu.vector_load %arg10[%get3A_1762, %get3A_1763] {strides = array<i32>} : memref<32x128xf32, #tpu.memory_space<vmem>>, vector<1x16xf32>,
      %get3A_1765 = vector.shape_cast %get3A_1764 : vector<1x16xf32> to vector<16xf32>
      %swap3A_1766 = arith.constant 10 : i32
      %swap3A_1767 = arith.index_cast %swap3A_1766 : i32 to index
      %swap3A_1768 = arith.constant 32 : index
      %swap3A_1769 = tpu.vector_load %arg11[%swap3A_1767, %swap3A_1768] {strides = array<i32>} : memref<32x144xf32, #tpu.memory_space<vmem>>, vector<1x16xf32>,
      %swap3A_1770 = vector.shape_cast %swap3A_1769 : vector<1x16xf32> to vector<16xf32>
      %swap3A_1771 = vector.shape_cast %get3A_1765 : vector<16xf32> to vector<1x16xf32>
      tpu.vector_store %arg11[%swap3A_1767, %swap3A_1768], %swap3A_1771 {strides = array<i32>} : memref<32x144xf32, #tpu.memory_space<vmem>>, vector<1x16xf32>,
      %get3A_1772 = arith.constant 10 : i32
      %get3A_1773 = arith.index_cast %get3A_1772 : i32 to index
      %get3A_1774 = arith.constant 48 : index
      %get3A_1775 = tpu.vector_load %arg10[%get3A_1773, %get3A_1774] {strides = array<i32>} : memref<32x128xf32, #tpu.memory_space<vmem>>, vector<1x16xf32>,
      %get3A_1776 = vector.shape_cast %get3A_1775 : vector<1x16xf32> to vector<16xf32>
      %swap3A_1777 = arith.constant 10 : i32
      %swap3A_1778 = arith.index_cast %swap3A_1777 : i32 to index
      %swap3A_1779 = arith.constant 48 : index
      %swap3A_1780 = tpu.vector_load %arg11[%swap3A_1778, %swap3A_1779] {strides = array<i32>} : memref<32x144xf32, #tpu.memory_space<vmem>>, vector<1x16xf32>,
      %swap3A_1781 = vector.shape_cast %swap3A_1780 : vector<1x16xf32> to vector<16xf32>
      %swap3A_1782 = vector.shape_cast %get3A_1776 : vector<16xf32> to vector<1x16xf32>
      tpu.vector_store %arg11[%swap3A_1778, %swap3A_1779], %swap3A_1782 {strides = array<i32>} : memref<32x144xf32, #tpu.memory_space<vmem>>, vector<1x16xf32>,
      %get3A_1783 = arith.constant 10 : i32
      %get3A_1784 = arith.index_cast %get3A_1783 : i32 to index
      %get3A_1785 = arith.constant 64 : index
      %get3A_1786 = tpu.vector_load %arg10[%get3A_1784, %get3A_1785] {strides = array<i32>} : memref<32x128xf32, #tpu.memory_space<vmem>>, vector<1x16xf32>,
      %get3A_1787 = vector.shape_cast %get3A_1786 : vector<1x16xf32> to vector<16xf32>
      %swap3A_1788 = arith.constant 10 : i32
      %swap3A_1789 = arith.index_cast %swap3A_1788 : i32 to index
      %swap3A_1790 = arith.constant 64 : index
      %swap3A_1791 = tpu.vector_load %arg11[%swap3A_1789, %swap3A_1790] {strides = array<i32>} : memref<32x144xf32, #tpu.memory_space<vmem>>, vector<1x16xf32>,
      %swap3A_1792 = vector.shape_cast %swap3A_1791 : vector<1x16xf32> to vector<16xf32>
      %swap3A_1793 = vector.shape_cast %get3A_1787 : vector<16xf32> to vector<1x16xf32>
      tpu.vector_store %arg11[%swap3A_1789, %swap3A_1790], %swap3A_1793 {strides = array<i32>} : memref<32x144xf32, #tpu.memory_space<vmem>>, vector<1x16xf32>,
      %get3A_1794 = arith.constant 10 : i32
      %get3A_1795 = arith.index_cast %get3A_1794 : i32 to index
      %get3A_1796 = arith.constant 80 : index
      %get3A_1797 = tpu.vector_load %arg10[%get3A_1795, %get3A_1796] {strides = array<i32>} : memref<32x128xf32, #tpu.memory_space<vmem>>, vector<1x16xf32>,
      %get3A_1798 = vector.shape_cast %get3A_1797 : vector<1x16xf32> to vector<16xf32>
      %swap3A_1799 = arith.constant 10 : i32
      %swap3A_1800 = arith.index_cast %swap3A_1799 : i32 to index
      %swap3A_1801 = arith.constant 80 : index
      %swap3A_1802 = tpu.vector_load %arg11[%swap3A_1800, %swap3A_1801] {strides = array<i32>} : memref<32x144xf32, #tpu.memory_space<vmem>>, vector<1x16xf32>,
      %swap3A_1803 = vector.shape_cast %swap3A_1802 : vector<1x16xf32> to vector<16xf32>
      %swap3A_1804 = vector.shape_cast %get3A_1798 : vector<16xf32> to vector<1x16xf32>
      tpu.vector_store %arg11[%swap3A_1800, %swap3A_1801], %swap3A_1804 {strides = array<i32>} : memref<32x144xf32, #tpu.memory_space<vmem>>, vector<1x16xf32>,
      %get3A_1805 = arith.constant 10 : i32
      %get3A_1806 = arith.index_cast %get3A_1805 : i32 to index
      %get3A_1807 = arith.constant 96 : index
      %get3A_1808 = tpu.vector_load %arg10[%get3A_1806, %get3A_1807] {strides = array<i32>} : memref<32x128xf32, #tpu.memory_space<vmem>>, vector<1x16xf32>,
      %get3A_1809 = vector.shape_cast %get3A_1808 : vector<1x16xf32> to vector<16xf32>
      %swap3A_1810 = arith.constant 10 : i32
      %swap3A_1811 = arith.index_cast %swap3A_1810 : i32 to index
      %swap3A_1812 = arith.constant 96 : index
      %swap3A_1813 = tpu.vector_load %arg11[%swap3A_1811, %swap3A_1812] {strides = array<i32>} : memref<32x144xf32, #tpu.memory_space<vmem>>, vector<1x16xf32>,
      %swap3A_1814 = vector.shape_cast %swap3A_1813 : vector<1x16xf32> to vector<16xf32>
      %swap3A_1815 = vector.shape_cast %get3A_1809 : vector<16xf32> to vector<1x16xf32>
      tpu.vector_store %arg11[%swap3A_1811, %swap3A_1812], %swap3A_1815 {strides = array<i32>} : memref<32x144xf32, #tpu.memory_space<vmem>>, vector<1x16xf32>,
      %get3A_1816 = arith.constant 10 : i32
      %get3A_1817 = arith.index_cast %get3A_1816 : i32 to index
      %get3A_1818 = arith.constant 112 : index
      %get3A_1819 = tpu.vector_load %arg10[%get3A_1817, %get3A_1818] {strides = array<i32>} : memref<32x128xf32, #tpu.memory_space<vmem>>, vector<1x16xf32>,
      %get3A_1820 = vector.shape_cast %get3A_1819 : vector<1x16xf32> to vector<16xf32>
      %swap3A_1821 = arith.constant 10 : i32
      %swap3A_1822 = arith.index_cast %swap3A_1821 : i32 to index
      %swap3A_1823 = arith.constant 112 : index
      %swap3A_1824 = tpu.vector_load %arg11[%swap3A_1822, %swap3A_1823] {strides = array<i32>} : memref<32x144xf32, #tpu.memory_space<vmem>>, vector<1x16xf32>,
      %swap3A_1825 = vector.shape_cast %swap3A_1824 : vector<1x16xf32> to vector<16xf32>
      %swap3A_1826 = vector.shape_cast %get3A_1820 : vector<16xf32> to vector<1x16xf32>
      tpu.vector_store %arg11[%swap3A_1822, %swap3A_1823], %swap3A_1826 {strides = array<i32>} : memref<32x144xf32, #tpu.memory_space<vmem>>, vector<1x16xf32>,
      %get3A_1827 = arith.constant 11 : i32
      %get3A_1828 = arith.index_cast %get3A_1827 : i32 to index
      %get3A_1829 = arith.constant 0 : index
      %get3A_1830 = tpu.vector_load %arg10[%get3A_1828, %get3A_1829] {strides = array<i32>} : memref<32x128xf32, #tpu.memory_space<vmem>>, vector<1x16xf32>,
      %get3A_1831 = vector.shape_cast %get3A_1830 : vector<1x16xf32> to vector<16xf32>
      %swap3A_1832 = arith.constant 11 : i32
      %swap3A_1833 = arith.index_cast %swap3A_1832 : i32 to index
      %swap3A_1834 = arith.constant 0 : index
      %swap3A_1835 = tpu.vector_load %arg11[%swap3A_1833, %swap3A_1834] {strides = array<i32>} : memref<32x144xf32, #tpu.memory_space<vmem>>, vector<1x16xf32>,
      %swap3A_1836 = vector.shape_cast %swap3A_1835 : vector<1x16xf32> to vector<16xf32>
      %swap3A_1837 = vector.shape_cast %get3A_1831 : vector<16xf32> to vector<1x16xf32>
      tpu.vector_store %arg11[%swap3A_1833, %swap3A_1834], %swap3A_1837 {strides = array<i32>} : memref<32x144xf32, #tpu.memory_space<vmem>>, vector<1x16xf32>,
      %get3A_1838 = arith.constant 11 : i32
      %get3A_1839 = arith.index_cast %get3A_1838 : i32 to index
      %get3A_1840 = arith.constant 16 : index
      %get3A_1841 = tpu.vector_load %arg10[%get3A_1839, %get3A_1840] {strides = array<i32>} : memref<32x128xf32, #tpu.memory_space<vmem>>, vector<1x16xf32>,
      %get3A_1842 = vector.shape_cast %get3A_1841 : vector<1x16xf32> to vector<16xf32>
      %swap3A_1843 = arith.constant 11 : i32
      %swap3A_1844 = arith.index_cast %swap3A_1843 : i32 to index
      %swap3A_1845 = arith.constant 16 : index
      %swap3A_1846 = tpu.vector_load %arg11[%swap3A_1844, %swap3A_1845] {strides = array<i32>} : memref<32x144xf32, #tpu.memory_space<vmem>>, vector<1x16xf32>,
      %swap3A_1847 = vector.shape_cast %swap3A_1846 : vector<1x16xf32> to vector<16xf32>
      %swap3A_1848 = vector.shape_cast %get3A_1842 : vector<16xf32> to vector<1x16xf32>
      tpu.vector_store %arg11[%swap3A_1844, %swap3A_1845], %swap3A_1848 {strides = array<i32>} : memref<32x144xf32, #tpu.memory_space<vmem>>, vector<1x16xf32>,
      %get3A_1849 = arith.constant 11 : i32
      %get3A_1850 = arith.index_cast %get3A_1849 : i32 to index
      %get3A_1851 = arith.constant 32 : index
      %get3A_1852 = tpu.vector_load %arg10[%get3A_1850, %get3A_1851] {strides = array<i32>} : memref<32x128xf32, #tpu.memory_space<vmem>>, vector<1x16xf32>,
      %get3A_1853 = vector.shape_cast %get3A_1852 : vector<1x16xf32> to vector<16xf32>
      %swap3A_1854 = arith.constant 11 : i32
      %swap3A_1855 = arith.index_cast %swap3A_1854 : i32 to index
      %swap3A_1856 = arith.constant 32 : index
      %swap3A_1857 = tpu.vector_load %arg11[%swap3A_1855, %swap3A_1856] {strides = array<i32>} : memref<32x144xf32, #tpu.memory_space<vmem>>, vector<1x16xf32>,
      %swap3A_1858 = vector.shape_cast %swap3A_1857 : vector<1x16xf32> to vector<16xf32>
      %swap3A_1859 = vector.shape_cast %get3A_1853 : vector<16xf32> to vector<1x16xf32>
      tpu.vector_store %arg11[%swap3A_1855, %swap3A_1856], %swap3A_1859 {strides = array<i32>} : memref<32x144xf32, #tpu.memory_space<vmem>>, vector<1x16xf32>,
      %get3A_1860 = arith.constant 11 : i32
      %get3A_1861 = arith.index_cast %get3A_1860 : i32 to index
      %get3A_1862 = arith.constant 48 : index
      %get3A_1863 = tpu.vector_load %arg10[%get3A_1861, %get3A_1862] {strides = array<i32>} : memref<32x128xf32, #tpu.memory_space<vmem>>, vector<1x16xf32>,
      %get3A_1864 = vector.shape_cast %get3A_1863 : vector<1x16xf32> to vector<16xf32>
      %swap3A_1865 = arith.constant 11 : i32
      %swap3A_1866 = arith.index_cast %swap3A_1865 : i32 to index
      %swap3A_1867 = arith.constant 48 : index
      %swap3A_1868 = tpu.vector_load %arg11[%swap3A_1866, %swap3A_1867] {strides = array<i32>} : memref<32x144xf32, #tpu.memory_space<vmem>>, vector<1x16xf32>,
      %swap3A_1869 = vector.shape_cast %swap3A_1868 : vector<1x16xf32> to vector<16xf32>
      %swap3A_1870 = vector.shape_cast %get3A_1864 : vector<16xf32> to vector<1x16xf32>
      tpu.vector_store %arg11[%swap3A_1866, %swap3A_1867], %swap3A_1870 {strides = array<i32>} : memref<32x144xf32, #tpu.memory_space<vmem>>, vector<1x16xf32>,
      %get3A_1871 = arith.constant 11 : i32
      %get3A_1872 = arith.index_cast %get3A_1871 : i32 to index
      %get3A_1873 = arith.constant 64 : index
      %get3A_1874 = tpu.vector_load %arg10[%get3A_1872, %get3A_1873] {strides = array<i32>} : memref<32x128xf32, #tpu.memory_space<vmem>>, vector<1x16xf32>,
      %get3A_1875 = vector.shape_cast %get3A_1874 : vector<1x16xf32> to vector<16xf32>
      %swap3A_1876 = arith.constant 11 : i32
      %swap3A_1877 = arith.index_cast %swap3A_1876 : i32 to index
      %swap3A_1878 = arith.constant 64 : index
      %swap3A_1879 = tpu.vector_load %arg11[%swap3A_1877, %swap3A_1878] {strides = array<i32>} : memref<32x144xf32, #tpu.memory_space<vmem>>, vector<1x16xf32>,
      %swap3A_1880 = vector.shape_cast %swap3A_1879 : vector<1x16xf32> to vector<16xf32>
      %swap3A_1881 = vector.shape_cast %get3A_1875 : vector<16xf32> to vector<1x16xf32>
      tpu.vector_store %arg11[%swap3A_1877, %swap3A_1878], %swap3A_1881 {strides = array<i32>} : memref<32x144xf32, #tpu.memory_space<vmem>>, vector<1x16xf32>,
      %get3A_1882 = arith.constant 11 : i32
      %get3A_1883 = arith.index_cast %get3A_1882 : i32 to index
      %get3A_1884 = arith.constant 80 : index
      %get3A_1885 = tpu.vector_load %arg10[%get3A_1883, %get3A_1884] {strides = array<i32>} : memref<32x128xf32, #tpu.memory_space<vmem>>, vector<1x16xf32>,
      %get3A_1886 = vector.shape_cast %get3A_1885 : vector<1x16xf32> to vector<16xf32>
      %swap3A_1887 = arith.constant 11 : i32
      %swap3A_1888 = arith.index_cast %swap3A_1887 : i32 to index
      %swap3A_1889 = arith.constant 80 : index
      %swap3A_1890 = tpu.vector_load %arg11[%swap3A_1888, %swap3A_1889] {strides = array<i32>} : memref<32x144xf32, #tpu.memory_space<vmem>>, vector<1x16xf32>,
      %swap3A_1891 = vector.shape_cast %swap3A_1890 : vector<1x16xf32> to vector<16xf32>
      %swap3A_1892 = vector.shape_cast %get3A_1886 : vector<16xf32> to vector<1x16xf32>
      tpu.vector_store %arg11[%swap3A_1888, %swap3A_1889], %swap3A_1892 {strides = array<i32>} : memref<32x144xf32, #tpu.memory_space<vmem>>, vector<1x16xf32>,
      %get3A_1893 = arith.constant 11 : i32
      %get3A_1894 = arith.index_cast %get3A_1893 : i32 to index
      %get3A_1895 = arith.constant 96 : index
      %get3A_1896 = tpu.vector_load %arg10[%get3A_1894, %get3A_1895] {strides = array<i32>} : memref<32x128xf32, #tpu.memory_space<vmem>>, vector<1x16xf32>,
      %get3A_1897 = vector.shape_cast %get3A_1896 : vector<1x16xf32> to vector<16xf32>
      %swap3A_1898 = arith.constant 11 : i32
      %swap3A_1899 = arith.index_cast %swap3A_1898 : i32 to index
      %swap3A_1900 = arith.constant 96 : index
      %swap3A_1901 = tpu.vector_load %arg11[%swap3A_1899, %swap3A_1900] {strides = array<i32>} : memref<32x144xf32, #tpu.memory_space<vmem>>, vector<1x16xf32>,
      %swap3A_1902 = vector.shape_cast %swap3A_1901 : vector<1x16xf32> to vector<16xf32>
      %swap3A_1903 = vector.shape_cast %get3A_1897 : vector<16xf32> to vector<1x16xf32>
      tpu.vector_store %arg11[%swap3A_1899, %swap3A_1900], %swap3A_1903 {strides = array<i32>} : memref<32x144xf32, #tpu.memory_space<vmem>>, vector<1x16xf32>,
      %get3A_1904 = arith.constant 11 : i32
      %get3A_1905 = arith.index_cast %get3A_1904 : i32 to index
      %get3A_1906 = arith.constant 112 : index
      %get3A_1907 = tpu.vector_load %arg10[%get3A_1905, %get3A_1906] {strides = array<i32>} : memref<32x128xf32, #tpu.memory_space<vmem>>, vector<1x16xf32>,
      %get3A_1908 = vector.shape_cast %get3A_1907 : vector<1x16xf32> to vector<16xf32>
      %swap3A_1909 = arith.constant 11 : i32
      %swap3A_1910 = arith.index_cast %swap3A_1909 : i32 to index
      %swap3A_1911 = arith.constant 112 : index
      %swap3A_1912 = tpu.vector_load %arg11[%swap3A_1910, %swap3A_1911] {strides = array<i32>} : memref<32x144xf32, #tpu.memory_space<vmem>>, vector<1x16xf32>,
      %swap3A_1913 = vector.shape_cast %swap3A_1912 : vector<1x16xf32> to vector<16xf32>
      %swap3A_1914 = vector.shape_cast %get3A_1908 : vector<16xf32> to vector<1x16xf32>
      tpu.vector_store %arg11[%swap3A_1910, %swap3A_1911], %swap3A_1914 {strides = array<i32>} : memref<32x144xf32, #tpu.memory_space<vmem>>, vector<1x16xf32>,
      %get3A_1915 = arith.constant 12 : i32
      %get3A_1916 = arith.index_cast %get3A_1915 : i32 to index
      %get3A_1917 = arith.constant 0 : index
      %get3A_1918 = tpu.vector_load %arg10[%get3A_1916, %get3A_1917] {strides = array<i32>} : memref<32x128xf32, #tpu.memory_space<vmem>>, vector<1x16xf32>,
      %get3A_1919 = vector.shape_cast %get3A_1918 : vector<1x16xf32> to vector<16xf32>
      %swap3A_1920 = arith.constant 12 : i32
      %swap3A_1921 = arith.index_cast %swap3A_1920 : i32 to index
      %swap3A_1922 = arith.constant 0 : index
      %swap3A_1923 = tpu.vector_load %arg11[%swap3A_1921, %swap3A_1922] {strides = array<i32>} : memref<32x144xf32, #tpu.memory_space<vmem>>, vector<1x16xf32>,
      %swap3A_1924 = vector.shape_cast %swap3A_1923 : vector<1x16xf32> to vector<16xf32>
      %swap3A_1925 = vector.shape_cast %get3A_1919 : vector<16xf32> to vector<1x16xf32>
      tpu.vector_store %arg11[%swap3A_1921, %swap3A_1922], %swap3A_1925 {strides = array<i32>} : memref<32x144xf32, #tpu.memory_space<vmem>>, vector<1x16xf32>,
      %get3A_1926 = arith.constant 12 : i32
      %get3A_1927 = arith.index_cast %get3A_1926 : i32 to index
      %get3A_1928 = arith.constant 16 : index
      %get3A_1929 = tpu.vector_load %arg10[%get3A_1927, %get3A_1928] {strides = array<i32>} : memref<32x128xf32, #tpu.memory_space<vmem>>, vector<1x16xf32>,
      %get3A_1930 = vector.shape_cast %get3A_1929 : vector<1x16xf32> to vector<16xf32>
      %swap3A_1931 = arith.constant 12 : i32
      %swap3A_1932 = arith.index_cast %swap3A_1931 : i32 to index
      %swap3A_1933 = arith.constant 16 : index
      %swap3A_1934 = tpu.vector_load %arg11[%swap3A_1932, %swap3A_1933] {strides = array<i32>} : memref<32x144xf32, #tpu.memory_space<vmem>>, vector<1x16xf32>,
      %swap3A_1935 = vector.shape_cast %swap3A_1934 : vector<1x16xf32> to vector<16xf32>
      %swap3A_1936 = vector.shape_cast %get3A_1930 : vector<16xf32> to vector<1x16xf32>
      tpu.vector_store %arg11[%swap3A_1932, %swap3A_1933], %swap3A_1936 {strides = array<i32>} : memref<32x144xf32, #tpu.memory_space<vmem>>, vector<1x16xf32>,
      %get3A_1937 = arith.constant 12 : i32
      %get3A_1938 = arith.index_cast %get3A_1937 : i32 to index
      %get3A_1939 = arith.constant 32 : index
      %get3A_1940 = tpu.vector_load %arg10[%get3A_1938, %get3A_1939] {strides = array<i32>} : memref<32x128xf32, #tpu.memory_space<vmem>>, vector<1x16xf32>,
      %get3A_1941 = vector.shape_cast %get3A_1940 : vector<1x16xf32> to vector<16xf32>
      %swap3A_1942 = arith.constant 12 : i32
      %swap3A_1943 = arith.index_cast %swap3A_1942 : i32 to index
      %swap3A_1944 = arith.constant 32 : index
      %swap3A_1945 = tpu.vector_load %arg11[%swap3A_1943, %swap3A_1944] {strides = array<i32>} : memref<32x144xf32, #tpu.memory_space<vmem>>, vector<1x16xf32>,
      %swap3A_1946 = vector.shape_cast %swap3A_1945 : vector<1x16xf32> to vector<16xf32>
      %swap3A_1947 = vector.shape_cast %get3A_1941 : vector<16xf32> to vector<1x16xf32>
      tpu.vector_store %arg11[%swap3A_1943, %swap3A_1944], %swap3A_1947 {strides = array<i32>} : memref<32x144xf32, #tpu.memory_space<vmem>>, vector<1x16xf32>,
      %get3A_1948 = arith.constant 12 : i32
      %get3A_1949 = arith.index_cast %get3A_1948 : i32 to index
      %get3A_1950 = arith.constant 48 : index
      %get3A_1951 = tpu.vector_load %arg10[%get3A_1949, %get3A_1950] {strides = array<i32>} : memref<32x128xf32, #tpu.memory_space<vmem>>, vector<1x16xf32>,
      %get3A_1952 = vector.shape_cast %get3A_1951 : vector<1x16xf32> to vector<16xf32>
      %swap3A_1953 = arith.constant 12 : i32
      %swap3A_1954 = arith.index_cast %swap3A_1953 : i32 to index
      %swap3A_1955 = arith.constant 48 : index
      %swap3A_1956 = tpu.vector_load %arg11[%swap3A_1954, %swap3A_1955] {strides = array<i32>} : memref<32x144xf32, #tpu.memory_space<vmem>>, vector<1x16xf32>,
      %swap3A_1957 = vector.shape_cast %swap3A_1956 : vector<1x16xf32> to vector<16xf32>
      %swap3A_1958 = vector.shape_cast %get3A_1952 : vector<16xf32> to vector<1x16xf32>
      tpu.vector_store %arg11[%swap3A_1954, %swap3A_1955], %swap3A_1958 {strides = array<i32>} : memref<32x144xf32, #tpu.memory_space<vmem>>, vector<1x16xf32>,
      %get3A_1959 = arith.constant 12 : i32
      %get3A_1960 = arith.index_cast %get3A_1959 : i32 to index
      %get3A_1961 = arith.constant 64 : index
      %get3A_1962 = tpu.vector_load %arg10[%get3A_1960, %get3A_1961] {strides = array<i32>} : memref<32x128xf32, #tpu.memory_space<vmem>>, vector<1x16xf32>,
      %get3A_1963 = vector.shape_cast %get3A_1962 : vector<1x16xf32> to vector<16xf32>
      %swap3A_1964 = arith.constant 12 : i32
      %swap3A_1965 = arith.index_cast %swap3A_1964 : i32 to index
      %swap3A_1966 = arith.constant 64 : index
      %swap3A_1967 = tpu.vector_load %arg11[%swap3A_1965, %swap3A_1966] {strides = array<i32>} : memref<32x144xf32, #tpu.memory_space<vmem>>, vector<1x16xf32>,
      %swap3A_1968 = vector.shape_cast %swap3A_1967 : vector<1x16xf32> to vector<16xf32>
      %swap3A_1969 = vector.shape_cast %get3A_1963 : vector<16xf32> to vector<1x16xf32>
      tpu.vector_store %arg11[%swap3A_1965, %swap3A_1966], %swap3A_1969 {strides = array<i32>} : memref<32x144xf32, #tpu.memory_space<vmem>>, vector<1x16xf32>,
      %get3A_1970 = arith.constant 12 : i32
      %get3A_1971 = arith.index_cast %get3A_1970 : i32 to index
      %get3A_1972 = arith.constant 80 : index
      %get3A_1973 = tpu.vector_load %arg10[%get3A_1971, %get3A_1972] {strides = array<i32>} : memref<32x128xf32, #tpu.memory_space<vmem>>, vector<1x16xf32>,
      %get3A_1974 = vector.shape_cast %get3A_1973 : vector<1x16xf32> to vector<16xf32>
      %swap3A_1975 = arith.constant 12 : i32
      %swap3A_1976 = arith.index_cast %swap3A_1975 : i32 to index
      %swap3A_1977 = arith.constant 80 : index
      %swap3A_1978 = tpu.vector_load %arg11[%swap3A_1976, %swap3A_1977] {strides = array<i32>} : memref<32x144xf32, #tpu.memory_space<vmem>>, vector<1x16xf32>,
      %swap3A_1979 = vector.shape_cast %swap3A_1978 : vector<1x16xf32> to vector<16xf32>
      %swap3A_1980 = vector.shape_cast %get3A_1974 : vector<16xf32> to vector<1x16xf32>
      tpu.vector_store %arg11[%swap3A_1976, %swap3A_1977], %swap3A_1980 {strides = array<i32>} : memref<32x144xf32, #tpu.memory_space<vmem>>, vector<1x16xf32>,
      %get3A_1981 = arith.constant 12 : i32
      %get3A_1982 = arith.index_cast %get3A_1981 : i32 to index
      %get3A_1983 = arith.constant 96 : index
      %get3A_1984 = tpu.vector_load %arg10[%get3A_1982, %get3A_1983] {strides = array<i32>} : memref<32x128xf32, #tpu.memory_space<vmem>>, vector<1x16xf32>,
      %get3A_1985 = vector.shape_cast %get3A_1984 : vector<1x16xf32> to vector<16xf32>
      %swap3A_1986 = arith.constant 12 : i32
      %swap3A_1987 = arith.index_cast %swap3A_1986 : i32 to index
      %swap3A_1988 = arith.constant 96 : index
      %swap3A_1989 = tpu.vector_load %arg11[%swap3A_1987, %swap3A_1988] {strides = array<i32>} : memref<32x144xf32, #tpu.memory_space<vmem>>, vector<1x16xf32>,
      %swap3A_1990 = vector.shape_cast %swap3A_1989 : vector<1x16xf32> to vector<16xf32>
      %swap3A_1991 = vector.shape_cast %get3A_1985 : vector<16xf32> to vector<1x16xf32>
      tpu.vector_store %arg11[%swap3A_1987, %swap3A_1988], %swap3A_1991 {strides = array<i32>} : memref<32x144xf32, #tpu.memory_space<vmem>>, vector<1x16xf32>,
      %get3A_1992 = arith.constant 12 : i32
      %get3A_1993 = arith.index_cast %get3A_1992 : i32 to index
      %get3A_1994 = arith.constant 112 : index
      %get3A_1995 = tpu.vector_load %arg10[%get3A_1993, %get3A_1994] {strides = array<i32>} : memref<32x128xf32, #tpu.memory_space<vmem>>, vector<1x16xf32>,
      %get3A_1996 = vector.shape_cast %get3A_1995 : vector<1x16xf32> to vector<16xf32>
      %swap3A_1997 = arith.constant 12 : i32
      %swap3A_1998 = arith.index_cast %swap3A_1997 : i32 to index
      %swap3A_1999 = arith.constant 112 : index
      %swap3A_2000 = tpu.vector_load %arg11[%swap3A_1998, %swap3A_1999] {strides = array<i32>} : memref<32x144xf32, #tpu.memory_space<vmem>>, vector<1x16xf32>,
      %swap3A_2001 = vector.shape_cast %swap3A_2000 : vector<1x16xf32> to vector<16xf32>
      %swap3A_2002 = vector.shape_cast %get3A_1996 : vector<16xf32> to vector<1x16xf32>
      tpu.vector_store %arg11[%swap3A_1998, %swap3A_1999], %swap3A_2002 {strides = array<i32>} : memref<32x144xf32, #tpu.memory_space<vmem>>, vector<1x16xf32>,
      %get3A_2003 = arith.constant 13 : i32
      %get3A_2004 = arith.index_cast %get3A_2003 : i32 to index
      %get3A_2005 = arith.constant 0 : index
      %get3A_2006 = tpu.vector_load %arg10[%get3A_2004, %get3A_2005] {strides = array<i32>} : memref<32x128xf32, #tpu.memory_space<vmem>>, vector<1x16xf32>,
      %get3A_2007 = vector.shape_cast %get3A_2006 : vector<1x16xf32> to vector<16xf32>
      %swap3A_2008 = arith.constant 13 : i32
      %swap3A_2009 = arith.index_cast %swap3A_2008 : i32 to index
      %swap3A_2010 = arith.constant 0 : index
      %swap3A_2011 = tpu.vector_load %arg11[%swap3A_2009, %swap3A_2010] {strides = array<i32>} : memref<32x144xf32, #tpu.memory_space<vmem>>, vector<1x16xf32>,
      %swap3A_2012 = vector.shape_cast %swap3A_2011 : vector<1x16xf32> to vector<16xf32>
      %swap3A_2013 = vector.shape_cast %get3A_2007 : vector<16xf32> to vector<1x16xf32>
      tpu.vector_store %arg11[%swap3A_2009, %swap3A_2010], %swap3A_2013 {strides = array<i32>} : memref<32x144xf32, #tpu.memory_space<vmem>>, vector<1x16xf32>,
      %get3A_2014 = arith.constant 13 : i32
      %get3A_2015 = arith.index_cast %get3A_2014 : i32 to index
      %get3A_2016 = arith.constant 16 : index
      %get3A_2017 = tpu.vector_load %arg10[%get3A_2015, %get3A_2016] {strides = array<i32>} : memref<32x128xf32, #tpu.memory_space<vmem>>, vector<1x16xf32>,
      %get3A_2018 = vector.shape_cast %get3A_2017 : vector<1x16xf32> to vector<16xf32>
      %swap3A_2019 = arith.constant 13 : i32
      %swap3A_2020 = arith.index_cast %swap3A_2019 : i32 to index
      %swap3A_2021 = arith.constant 16 : index
      %swap3A_2022 = tpu.vector_load %arg11[%swap3A_2020, %swap3A_2021] {strides = array<i32>} : memref<32x144xf32, #tpu.memory_space<vmem>>, vector<1x16xf32>,
      %swap3A_2023 = vector.shape_cast %swap3A_2022 : vector<1x16xf32> to vector<16xf32>
      %swap3A_2024 = vector.shape_cast %get3A_2018 : vector<16xf32> to vector<1x16xf32>
      tpu.vector_store %arg11[%swap3A_2020, %swap3A_2021], %swap3A_2024 {strides = array<i32>} : memref<32x144xf32, #tpu.memory_space<vmem>>, vector<1x16xf32>,
      %get3A_2025 = arith.constant 13 : i32
      %get3A_2026 = arith.index_cast %get3A_2025 : i32 to index
      %get3A_2027 = arith.constant 32 : index
      %get3A_2028 = tpu.vector_load %arg10[%get3A_2026, %get3A_2027] {strides = array<i32>} : memref<32x128xf32, #tpu.memory_space<vmem>>, vector<1x16xf32>,
      %get3A_2029 = vector.shape_cast %get3A_2028 : vector<1x16xf32> to vector<16xf32>
      %swap3A_2030 = arith.constant 13 : i32
      %swap3A_2031 = arith.index_cast %swap3A_2030 : i32 to index
      %swap3A_2032 = arith.constant 32 : index
      %swap3A_2033 = tpu.vector_load %arg11[%swap3A_2031, %swap3A_2032] {strides = array<i32>} : memref<32x144xf32, #tpu.memory_space<vmem>>, vector<1x16xf32>,
      %swap3A_2034 = vector.shape_cast %swap3A_2033 : vector<1x16xf32> to vector<16xf32>
      %swap3A_2035 = vector.shape_cast %get3A_2029 : vector<16xf32> to vector<1x16xf32>
      tpu.vector_store %arg11[%swap3A_2031, %swap3A_2032], %swap3A_2035 {strides = array<i32>} : memref<32x144xf32, #tpu.memory_space<vmem>>, vector<1x16xf32>,
      %get3A_2036 = arith.constant 13 : i32
      %get3A_2037 = arith.index_cast %get3A_2036 : i32 to index
      %get3A_2038 = arith.constant 48 : index
      %get3A_2039 = tpu.vector_load %arg10[%get3A_2037, %get3A_2038] {strides = array<i32>} : memref<32x128xf32, #tpu.memory_space<vmem>>, vector<1x16xf32>,
      %get3A_2040 = vector.shape_cast %get3A_2039 : vector<1x16xf32> to vector<16xf32>
      %swap3A_2041 = arith.constant 13 : i32
      %swap3A_2042 = arith.index_cast %swap3A_2041 : i32 to index
      %swap3A_2043 = arith.constant 48 : index
      %swap3A_2044 = tpu.vector_load %arg11[%swap3A_2042, %swap3A_2043] {strides = array<i32>} : memref<32x144xf32, #tpu.memory_space<vmem>>, vector<1x16xf32>,
      %swap3A_2045 = vector.shape_cast %swap3A_2044 : vector<1x16xf32> to vector<16xf32>
      %swap3A_2046 = vector.shape_cast %get3A_2040 : vector<16xf32> to vector<1x16xf32>
      tpu.vector_store %arg11[%swap3A_2042, %swap3A_2043], %swap3A_2046 {strides = array<i32>} : memref<32x144xf32, #tpu.memory_space<vmem>>, vector<1x16xf32>,
      %get3A_2047 = arith.constant 13 : i32
      %get3A_2048 = arith.index_cast %get3A_2047 : i32 to index
      %get3A_2049 = arith.constant 64 : index
      %get3A_2050 = tpu.vector_load %arg10[%get3A_2048, %get3A_2049] {strides = array<i32>} : memref<32x128xf32, #tpu.memory_space<vmem>>, vector<1x16xf32>,
      %get3A_2051 = vector.shape_cast %get3A_2050 : vector<1x16xf32> to vector<16xf32>
      %swap3A_2052 = arith.constant 13 : i32
      %swap3A_2053 = arith.index_cast %swap3A_2052 : i32 to index
      %swap3A_2054 = arith.constant 64 : index
      %swap3A_2055 = tpu.vector_load %arg11[%swap3A_2053, %swap3A_2054] {strides = array<i32>} : memref<32x144xf32, #tpu.memory_space<vmem>>, vector<1x16xf32>,
      %swap3A_2056 = vector.shape_cast %swap3A_2055 : vector<1x16xf32> to vector<16xf32>
      %swap3A_2057 = vector.shape_cast %get3A_2051 : vector<16xf32> to vector<1x16xf32>
      tpu.vector_store %arg11[%swap3A_2053, %swap3A_2054], %swap3A_2057 {strides = array<i32>} : memref<32x144xf32, #tpu.memory_space<vmem>>, vector<1x16xf32>,
      %get3A_2058 = arith.constant 13 : i32
      %get3A_2059 = arith.index_cast %get3A_2058 : i32 to index
      %get3A_2060 = arith.constant 80 : index
      %get3A_2061 = tpu.vector_load %arg10[%get3A_2059, %get3A_2060] {strides = array<i32>} : memref<32x128xf32, #tpu.memory_space<vmem>>, vector<1x16xf32>,
      %get3A_2062 = vector.shape_cast %get3A_2061 : vector<1x16xf32> to vector<16xf32>
      %swap3A_2063 = arith.constant 13 : i32
      %swap3A_2064 = arith.index_cast %swap3A_2063 : i32 to index
      %swap3A_2065 = arith.constant 80 : index
      %swap3A_2066 = tpu.vector_load %arg11[%swap3A_2064, %swap3A_2065] {strides = array<i32>} : memref<32x144xf32, #tpu.memory_space<vmem>>, vector<1x16xf32>,
      %swap3A_2067 = vector.shape_cast %swap3A_2066 : vector<1x16xf32> to vector<16xf32>
      %swap3A_2068 = vector.shape_cast %get3A_2062 : vector<16xf32> to vector<1x16xf32>
      tpu.vector_store %arg11[%swap3A_2064, %swap3A_2065], %swap3A_2068 {strides = array<i32>} : memref<32x144xf32, #tpu.memory_space<vmem>>, vector<1x16xf32>,
      %get3A_2069 = arith.constant 13 : i32
      %get3A_2070 = arith.index_cast %get3A_2069 : i32 to index
      %get3A_2071 = arith.constant 96 : index
      %get3A_2072 = tpu.vector_load %arg10[%get3A_2070, %get3A_2071] {strides = array<i32>} : memref<32x128xf32, #tpu.memory_space<vmem>>, vector<1x16xf32>,
      %get3A_2073 = vector.shape_cast %get3A_2072 : vector<1x16xf32> to vector<16xf32>
      %swap3A_2074 = arith.constant 13 : i32
      %swap3A_2075 = arith.index_cast %swap3A_2074 : i32 to index
      %swap3A_2076 = arith.constant 96 : index
      %swap3A_2077 = tpu.vector_load %arg11[%swap3A_2075, %swap3A_2076] {strides = array<i32>} : memref<32x144xf32, #tpu.memory_space<vmem>>, vector<1x16xf32>,
      %swap3A_2078 = vector.shape_cast %swap3A_2077 : vector<1x16xf32> to vector<16xf32>
      %swap3A_2079 = vector.shape_cast %get3A_2073 : vector<16xf32> to vector<1x16xf32>
      tpu.vector_store %arg11[%swap3A_2075, %swap3A_2076], %swap3A_2079 {strides = array<i32>} : memref<32x144xf32, #tpu.memory_space<vmem>>, vector<1x16xf32>,
      %get3A_2080 = arith.constant 13 : i32
      %get3A_2081 = arith.index_cast %get3A_2080 : i32 to index
      %get3A_2082 = arith.constant 112 : index
      %get3A_2083 = tpu.vector_load %arg10[%get3A_2081, %get3A_2082] {strides = array<i32>} : memref<32x128xf32, #tpu.memory_space<vmem>>, vector<1x16xf32>,
      %get3A_2084 = vector.shape_cast %get3A_2083 : vector<1x16xf32> to vector<16xf32>
      %swap3A_2085 = arith.constant 13 : i32
      %swap3A_2086 = arith.index_cast %swap3A_2085 : i32 to index
      %swap3A_2087 = arith.constant 112 : index
      %swap3A_2088 = tpu.vector_load %arg11[%swap3A_2086, %swap3A_2087] {strides = array<i32>} : memref<32x144xf32, #tpu.memory_space<vmem>>, vector<1x16xf32>,
      %swap3A_2089 = vector.shape_cast %swap3A_2088 : vector<1x16xf32> to vector<16xf32>
      %swap3A_2090 = vector.shape_cast %get3A_2084 : vector<16xf32> to vector<1x16xf32>
      tpu.vector_store %arg11[%swap3A_2086, %swap3A_2087], %swap3A_2090 {strides = array<i32>} : memref<32x144xf32, #tpu.memory_space<vmem>>, vector<1x16xf32>,
      %get3A_2091 = arith.constant 14 : i32
      %get3A_2092 = arith.index_cast %get3A_2091 : i32 to index
      %get3A_2093 = arith.constant 0 : index
      %get3A_2094 = tpu.vector_load %arg10[%get3A_2092, %get3A_2093] {strides = array<i32>} : memref<32x128xf32, #tpu.memory_space<vmem>>, vector<1x16xf32>,
      %get3A_2095 = vector.shape_cast %get3A_2094 : vector<1x16xf32> to vector<16xf32>
      %swap3A_2096 = arith.constant 14 : i32
      %swap3A_2097 = arith.index_cast %swap3A_2096 : i32 to index
      %swap3A_2098 = arith.constant 0 : index
      %swap3A_2099 = tpu.vector_load %arg11[%swap3A_2097, %swap3A_2098] {strides = array<i32>} : memref<32x144xf32, #tpu.memory_space<vmem>>, vector<1x16xf32>,
      %swap3A_2100 = vector.shape_cast %swap3A_2099 : vector<1x16xf32> to vector<16xf32>
      %swap3A_2101 = vector.shape_cast %get3A_2095 : vector<16xf32> to vector<1x16xf32>
      tpu.vector_store %arg11[%swap3A_2097, %swap3A_2098], %swap3A_2101 {strides = array<i32>} : memref<32x144xf32, #tpu.memory_space<vmem>>, vector<1x16xf32>,
      %get3A_2102 = arith.constant 14 : i32
      %get3A_2103 = arith.index_cast %get3A_2102 : i32 to index
      %get3A_2104 = arith.constant 16 : index
      %get3A_2105 = tpu.vector_load %arg10[%get3A_2103, %get3A_2104] {strides = array<i32>} : memref<32x128xf32, #tpu.memory_space<vmem>>, vector<1x16xf32>,
      %get3A_2106 = vector.shape_cast %get3A_2105 : vector<1x16xf32> to vector<16xf32>
      %swap3A_2107 = arith.constant 14 : i32
      %swap3A_2108 = arith.index_cast %swap3A_2107 : i32 to index
      %swap3A_2109 = arith.constant 16 : index
      %swap3A_2110 = tpu.vector_load %arg11[%swap3A_2108, %swap3A_2109] {strides = array<i32>} : memref<32x144xf32, #tpu.memory_space<vmem>>, vector<1x16xf32>,
      %swap3A_2111 = vector.shape_cast %swap3A_2110 : vector<1x16xf32> to vector<16xf32>
      %swap3A_2112 = vector.shape_cast %get3A_2106 : vector<16xf32> to vector<1x16xf32>
      tpu.vector_store %arg11[%swap3A_2108, %swap3A_2109], %swap3A_2112 {strides = array<i32>} : memref<32x144xf32, #tpu.memory_space<vmem>>, vector<1x16xf32>,
      %get3A_2113 = arith.constant 14 : i32
      %get3A_2114 = arith.index_cast %get3A_2113 : i32 to index
      %get3A_2115 = arith.constant 32 : index
      %get3A_2116 = tpu.vector_load %arg10[%get3A_2114, %get3A_2115] {strides = array<i32>} : memref<32x128xf32, #tpu.memory_space<vmem>>, vector<1x16xf32>,
      %get3A_2117 = vector.shape_cast %get3A_2116 : vector<1x16xf32> to vector<16xf32>
      %swap3A_2118 = arith.constant 14 : i32
      %swap3A_2119 = arith.index_cast %swap3A_2118 : i32 to index
      %swap3A_2120 = arith.constant 32 : index
      %swap3A_2121 = tpu.vector_load %arg11[%swap3A_2119, %swap3A_2120] {strides = array<i32>} : memref<32x144xf32, #tpu.memory_space<vmem>>, vector<1x16xf32>,
      %swap3A_2122 = vector.shape_cast %swap3A_2121 : vector<1x16xf32> to vector<16xf32>
      %swap3A_2123 = vector.shape_cast %get3A_2117 : vector<16xf32> to vector<1x16xf32>
      tpu.vector_store %arg11[%swap3A_2119, %swap3A_2120], %swap3A_2123 {strides = array<i32>} : memref<32x144xf32, #tpu.memory_space<vmem>>, vector<1x16xf32>,
      %get3A_2124 = arith.constant 14 : i32
      %get3A_2125 = arith.index_cast %get3A_2124 : i32 to index
      %get3A_2126 = arith.constant 48 : index
      %get3A_2127 = tpu.vector_load %arg10[%get3A_2125, %get3A_2126] {strides = array<i32>} : memref<32x128xf32, #tpu.memory_space<vmem>>, vector<1x16xf32>,
      %get3A_2128 = vector.shape_cast %get3A_2127 : vector<1x16xf32> to vector<16xf32>
      %swap3A_2129 = arith.constant 14 : i32
      %swap3A_2130 = arith.index_cast %swap3A_2129 : i32 to index
      %swap3A_2131 = arith.constant 48 : index
      %swap3A_2132 = tpu.vector_load %arg11[%swap3A_2130, %swap3A_2131] {strides = array<i32>} : memref<32x144xf32, #tpu.memory_space<vmem>>, vector<1x16xf32>,
      %swap3A_2133 = vector.shape_cast %swap3A_2132 : vector<1x16xf32> to vector<16xf32>
      %swap3A_2134 = vector.shape_cast %get3A_2128 : vector<16xf32> to vector<1x16xf32>
      tpu.vector_store %arg11[%swap3A_2130, %swap3A_2131], %swap3A_2134 {strides = array<i32>} : memref<32x144xf32, #tpu.memory_space<vmem>>, vector<1x16xf32>,
      %get3A_2135 = arith.constant 14 : i32
      %get3A_2136 = arith.index_cast %get3A_2135 : i32 to index
      %get3A_2137 = arith.constant 64 : index
      %get3A_2138 = tpu.vector_load %arg10[%get3A_2136, %get3A_2137] {strides = array<i32>} : memref<32x128xf32, #tpu.memory_space<vmem>>, vector<1x16xf32>,
      %get3A_2139 = vector.shape_cast %get3A_2138 : vector<1x16xf32> to vector<16xf32>
      %swap3A_2140 = arith.constant 14 : i32
      %swap3A_2141 = arith.index_cast %swap3A_2140 : i32 to index
      %swap3A_2142 = arith.constant 64 : index
      %swap3A_2143 = tpu.vector_load %arg11[%swap3A_2141, %swap3A_2142] {strides = array<i32>} : memref<32x144xf32, #tpu.memory_space<vmem>>, vector<1x16xf32>,
      %swap3A_2144 = vector.shape_cast %swap3A_2143 : vector<1x16xf32> to vector<16xf32>
      %swap3A_2145 = vector.shape_cast %get3A_2139 : vector<16xf32> to vector<1x16xf32>
      tpu.vector_store %arg11[%swap3A_2141, %swap3A_2142], %swap3A_2145 {strides = array<i32>} : memref<32x144xf32, #tpu.memory_space<vmem>>, vector<1x16xf32>,
      %get3A_2146 = arith.constant 14 : i32
      %get3A_2147 = arith.index_cast %get3A_2146 : i32 to index
      %get3A_2148 = arith.constant 80 : index
      %get3A_2149 = tpu.vector_load %arg10[%get3A_2147, %get3A_2148] {strides = array<i32>} : memref<32x128xf32, #tpu.memory_space<vmem>>, vector<1x16xf32>,
      %get3A_2150 = vector.shape_cast %get3A_2149 : vector<1x16xf32> to vector<16xf32>
      %swap3A_2151 = arith.constant 14 : i32
      %swap3A_2152 = arith.index_cast %swap3A_2151 : i32 to index
      %swap3A_2153 = arith.constant 80 : index
      %swap3A_2154 = tpu.vector_load %arg11[%swap3A_2152, %swap3A_2153] {strides = array<i32>} : memref<32x144xf32, #tpu.memory_space<vmem>>, vector<1x16xf32>,
      %swap3A_2155 = vector.shape_cast %swap3A_2154 : vector<1x16xf32> to vector<16xf32>
      %swap3A_2156 = vector.shape_cast %get3A_2150 : vector<16xf32> to vector<1x16xf32>
      tpu.vector_store %arg11[%swap3A_2152, %swap3A_2153], %swap3A_2156 {strides = array<i32>} : memref<32x144xf32, #tpu.memory_space<vmem>>, vector<1x16xf32>,
      %get3A_2157 = arith.constant 14 : i32
      %get3A_2158 = arith.index_cast %get3A_2157 : i32 to index
      %get3A_2159 = arith.constant 96 : index
      %get3A_2160 = tpu.vector_load %arg10[%get3A_2158, %get3A_2159] {strides = array<i32>} : memref<32x128xf32, #tpu.memory_space<vmem>>, vector<1x16xf32>,
      %get3A_2161 = vector.shape_cast %get3A_2160 : vector<1x16xf32> to vector<16xf32>
      %swap3A_2162 = arith.constant 14 : i32
      %swap3A_2163 = arith.index_cast %swap3A_2162 : i32 to index
      %swap3A_2164 = arith.constant 96 : index
      %swap3A_2165 = tpu.vector_load %arg11[%swap3A_2163, %swap3A_2164] {strides = array<i32>} : memref<32x144xf32, #tpu.memory_space<vmem>>, vector<1x16xf32>,
      %swap3A_2166 = vector.shape_cast %swap3A_2165 : vector<1x16xf32> to vector<16xf32>
      %swap3A_2167 = vector.shape_cast %get3A_2161 : vector<16xf32> to vector<1x16xf32>
      tpu.vector_store %arg11[%swap3A_2163, %swap3A_2164], %swap3A_2167 {strides = array<i32>} : memref<32x144xf32, #tpu.memory_space<vmem>>, vector<1x16xf32>,
      %get3A_2168 = arith.constant 14 : i32
      %get3A_2169 = arith.index_cast %get3A_2168 : i32 to index
      %get3A_2170 = arith.constant 112 : index
      %get3A_2171 = tpu.vector_load %arg10[%get3A_2169, %get3A_2170] {strides = array<i32>} : memref<32x128xf32, #tpu.memory_space<vmem>>, vector<1x16xf32>,
      %get3A_2172 = vector.shape_cast %get3A_2171 : vector<1x16xf32> to vector<16xf32>
      %swap3A_2173 = arith.constant 14 : i32
      %swap3A_2174 = arith.index_cast %swap3A_2173 : i32 to index
      %swap3A_2175 = arith.constant 112 : index
      %swap3A_2176 = tpu.vector_load %arg11[%swap3A_2174, %swap3A_2175] {strides = array<i32>} : memref<32x144xf32, #tpu.memory_space<vmem>>, vector<1x16xf32>,
      %swap3A_2177 = vector.shape_cast %swap3A_2176 : vector<1x16xf32> to vector<16xf32>
      %swap3A_2178 = vector.shape_cast %get3A_2172 : vector<16xf32> to vector<1x16xf32>
      tpu.vector_store %arg11[%swap3A_2174, %swap3A_2175], %swap3A_2178 {strides = array<i32>} : memref<32x144xf32, #tpu.memory_space<vmem>>, vector<1x16xf32>,
      %get3A_2179 = arith.constant 15 : i32
      %get3A_2180 = arith.index_cast %get3A_2179 : i32 to index
      %get3A_2181 = arith.constant 0 : index
      %get3A_2182 = tpu.vector_load %arg10[%get3A_2180, %get3A_2181] {strides = array<i32>} : memref<32x128xf32, #tpu.memory_space<vmem>>, vector<1x16xf32>,
      %get3A_2183 = vector.shape_cast %get3A_2182 : vector<1x16xf32> to vector<16xf32>
      %swap3A_2184 = arith.constant 15 : i32
      %swap3A_2185 = arith.index_cast %swap3A_2184 : i32 to index
      %swap3A_2186 = arith.constant 0 : index
      %swap3A_2187 = tpu.vector_load %arg11[%swap3A_2185, %swap3A_2186] {strides = array<i32>} : memref<32x144xf32, #tpu.memory_space<vmem>>, vector<1x16xf32>,
      %swap3A_2188 = vector.shape_cast %swap3A_2187 : vector<1x16xf32> to vector<16xf32>
      %swap3A_2189 = vector.shape_cast %get3A_2183 : vector<16xf32> to vector<1x16xf32>
      tpu.vector_store %arg11[%swap3A_2185, %swap3A_2186], %swap3A_2189 {strides = array<i32>} : memref<32x144xf32, #tpu.memory_space<vmem>>, vector<1x16xf32>,
      %get3A_2190 = arith.constant 15 : i32
      %get3A_2191 = arith.index_cast %get3A_2190 : i32 to index
      %get3A_2192 = arith.constant 16 : index
      %get3A_2193 = tpu.vector_load %arg10[%get3A_2191, %get3A_2192] {strides = array<i32>} : memref<32x128xf32, #tpu.memory_space<vmem>>, vector<1x16xf32>,
      %get3A_2194 = vector.shape_cast %get3A_2193 : vector<1x16xf32> to vector<16xf32>
      %swap3A_2195 = arith.constant 15 : i32
      %swap3A_2196 = arith.index_cast %swap3A_2195 : i32 to index
      %swap3A_2197 = arith.constant 16 : index
      %swap3A_2198 = tpu.vector_load %arg11[%swap3A_2196, %swap3A_2197] {strides = array<i32>} : memref<32x144xf32, #tpu.memory_space<vmem>>, vector<1x16xf32>,
      %swap3A_2199 = vector.shape_cast %swap3A_2198 : vector<1x16xf32> to vector<16xf32>
      %swap3A_2200 = vector.shape_cast %get3A_2194 : vector<16xf32> to vector<1x16xf32>
      tpu.vector_store %arg11[%swap3A_2196, %swap3A_2197], %swap3A_2200 {strides = array<i32>} : memref<32x144xf32, #tpu.memory_space<vmem>>, vector<1x16xf32>,
      %get3A_2201 = arith.constant 15 : i32
      %get3A_2202 = arith.index_cast %get3A_2201 : i32 to index
      %get3A_2203 = arith.constant 32 : index
      %get3A_2204 = tpu.vector_load %arg10[%get3A_2202, %get3A_2203] {strides = array<i32>} : memref<32x128xf32, #tpu.memory_space<vmem>>, vector<1x16xf32>,
      %get3A_2205 = vector.shape_cast %get3A_2204 : vector<1x16xf32> to vector<16xf32>
      %swap3A_2206 = arith.constant 15 : i32
      %swap3A_2207 = arith.index_cast %swap3A_2206 : i32 to index
      %swap3A_2208 = arith.constant 32 : index
      %swap3A_2209 = tpu.vector_load %arg11[%swap3A_2207, %swap3A_2208] {strides = array<i32>} : memref<32x144xf32, #tpu.memory_space<vmem>>, vector<1x16xf32>,
      %swap3A_2210 = vector.shape_cast %swap3A_2209 : vector<1x16xf32> to vector<16xf32>
      %swap3A_2211 = vector.shape_cast %get3A_2205 : vector<16xf32> to vector<1x16xf32>
      tpu.vector_store %arg11[%swap3A_2207, %swap3A_2208], %swap3A_2211 {strides = array<i32>} : memref<32x144xf32, #tpu.memory_space<vmem>>, vector<1x16xf32>,
      %get3A_2212 = arith.constant 15 : i32
      %get3A_2213 = arith.index_cast %get3A_2212 : i32 to index
      %get3A_2214 = arith.constant 48 : index
      %get3A_2215 = tpu.vector_load %arg10[%get3A_2213, %get3A_2214] {strides = array<i32>} : memref<32x128xf32, #tpu.memory_space<vmem>>, vector<1x16xf32>,
      %get3A_2216 = vector.shape_cast %get3A_2215 : vector<1x16xf32> to vector<16xf32>
      %swap3A_2217 = arith.constant 15 : i32
      %swap3A_2218 = arith.index_cast %swap3A_2217 : i32 to index
      %swap3A_2219 = arith.constant 48 : index
      %swap3A_2220 = tpu.vector_load %arg11[%swap3A_2218, %swap3A_2219] {strides = array<i32>} : memref<32x144xf32, #tpu.memory_space<vmem>>, vector<1x16xf32>,
      %swap3A_2221 = vector.shape_cast %swap3A_2220 : vector<1x16xf32> to vector<16xf32>
      %swap3A_2222 = vector.shape_cast %get3A_2216 : vector<16xf32> to vector<1x16xf32>
      tpu.vector_store %arg11[%swap3A_2218, %swap3A_2219], %swap3A_2222 {strides = array<i32>} : memref<32x144xf32, #tpu.memory_space<vmem>>, vector<1x16xf32>,
      %get3A_2223 = arith.constant 15 : i32
      %get3A_2224 = arith.index_cast %get3A_2223 : i32 to index
      %get3A_2225 = arith.constant 64 : index
      %get3A_2226 = tpu.vector_load %arg10[%get3A_2224, %get3A_2225] {strides = array<i32>} : memref<32x128xf32, #tpu.memory_space<vmem>>, vector<1x16xf32>,
      %get3A_2227 = vector.shape_cast %get3A_2226 : vector<1x16xf32> to vector<16xf32>
      %swap3A_2228 = arith.constant 15 : i32
      %swap3A_2229 = arith.index_cast %swap3A_2228 : i32 to index
      %swap3A_2230 = arith.constant 64 : index
      %swap3A_2231 = tpu.vector_load %arg11[%swap3A_2229, %swap3A_2230] {strides = array<i32>} : memref<32x144xf32, #tpu.memory_space<vmem>>, vector<1x16xf32>,
      %swap3A_2232 = vector.shape_cast %swap3A_2231 : vector<1x16xf32> to vector<16xf32>
      %swap3A_2233 = vector.shape_cast %get3A_2227 : vector<16xf32> to vector<1x16xf32>
      tpu.vector_store %arg11[%swap3A_2229, %swap3A_2230], %swap3A_2233 {strides = array<i32>} : memref<32x144xf32, #tpu.memory_space<vmem>>, vector<1x16xf32>,
      %get3A_2234 = arith.constant 15 : i32
      %get3A_2235 = arith.index_cast %get3A_2234 : i32 to index
      %get3A_2236 = arith.constant 80 : index
      %get3A_2237 = tpu.vector_load %arg10[%get3A_2235, %get3A_2236] {strides = array<i32>} : memref<32x128xf32, #tpu.memory_space<vmem>>, vector<1x16xf32>,
      %get3A_2238 = vector.shape_cast %get3A_2237 : vector<1x16xf32> to vector<16xf32>
      %swap3A_2239 = arith.constant 15 : i32
      %swap3A_2240 = arith.index_cast %swap3A_2239 : i32 to index
      %swap3A_2241 = arith.constant 80 : index
      %swap3A_2242 = tpu.vector_load %arg11[%swap3A_2240, %swap3A_2241] {strides = array<i32>} : memref<32x144xf32, #tpu.memory_space<vmem>>, vector<1x16xf32>,
      %swap3A_2243 = vector.shape_cast %swap3A_2242 : vector<1x16xf32> to vector<16xf32>
      %swap3A_2244 = vector.shape_cast %get3A_2238 : vector<16xf32> to vector<1x16xf32>
      tpu.vector_store %arg11[%swap3A_2240, %swap3A_2241], %swap3A_2244 {strides = array<i32>} : memref<32x144xf32, #tpu.memory_space<vmem>>, vector<1x16xf32>,
      %get3A_2245 = arith.constant 15 : i32
      %get3A_2246 = arith.index_cast %get3A_2245 : i32 to index
      %get3A_2247 = arith.constant 96 : index
      %get3A_2248 = tpu.vector_load %arg10[%get3A_2246, %get3A_2247] {strides = array<i32>} : memref<32x128xf32, #tpu.memory_space<vmem>>, vector<1x16xf32>,
      %get3A_2249 = vector.shape_cast %get3A_2248 : vector<1x16xf32> to vector<16xf32>
      %swap3A_2250 = arith.constant 15 : i32
      %swap3A_2251 = arith.index_cast %swap3A_2250 : i32 to index
      %swap3A_2252 = arith.constant 96 : index
      %swap3A_2253 = tpu.vector_load %arg11[%swap3A_2251, %swap3A_2252] {strides = array<i32>} : memref<32x144xf32, #tpu.memory_space<vmem>>, vector<1x16xf32>,
      %swap3A_2254 = vector.shape_cast %swap3A_2253 : vector<1x16xf32> to vector<16xf32>
      %swap3A_2255 = vector.shape_cast %get3A_2249 : vector<16xf32> to vector<1x16xf32>
      tpu.vector_store %arg11[%swap3A_2251, %swap3A_2252], %swap3A_2255 {strides = array<i32>} : memref<32x144xf32, #tpu.memory_space<vmem>>, vector<1x16xf32>,
      %get3A_2256 = arith.constant 15 : i32
      %get3A_2257 = arith.index_cast %get3A_2256 : i32 to index
      %get3A_2258 = arith.constant 112 : index
      %get3A_2259 = tpu.vector_load %arg10[%get3A_2257, %get3A_2258] {strides = array<i32>} : memref<32x128xf32, #tpu.memory_space<vmem>>, vector<1x16xf32>,
      %get3A_2260 = vector.shape_cast %get3A_2259 : vector<1x16xf32> to vector<16xf32>
      %swap3A_2261 = arith.constant 15 : i32
      %swap3A_2262 = arith.index_cast %swap3A_2261 : i32 to index
      %swap3A_2263 = arith.constant 112 : index
      %swap3A_2264 = tpu.vector_load %arg11[%swap3A_2262, %swap3A_2263] {strides = array<i32>} : memref<32x144xf32, #tpu.memory_space<vmem>>, vector<1x16xf32>,
      %swap3A_2265 = vector.shape_cast %swap3A_2264 : vector<1x16xf32> to vector<16xf32>
      %swap3A_2266 = vector.shape_cast %get3A_2260 : vector<16xf32> to vector<1x16xf32>
      tpu.vector_store %arg11[%swap3A_2262, %swap3A_2263], %swap3A_2266 {strides = array<i32>} : memref<32x144xf32, #tpu.memory_space<vmem>>, vector<1x16xf32>,
      %add3A_2267 = arith.constant 0 : i32
      %add3A_2268 = arith.addi %min3A_5, %add3A_2267 : i32
      %dma_start3A_2269 = arith.constant 0 : i32
      %dma_start3A_2270 = arith.constant 0 : i32
      %dma_start3A_2271 = tpu.memref_slice %arg11[%dma_start3A_2269, %dma_start3A_2270] : memref<32x144xf32, #tpu.memory_space<vmem>> -> memref<16x144xf32, #tpu.memory_space<vmem>>
      %dma_start3A_2272 = arith.constant 0 : i32
      %dma_start3A_2273 = tpu.memref_slice %arg6[%add3A_2268, %dma_start3A_2272] : memref<424x144xf32, #tpu.memory_space<hbm>> -> memref<16x144xf32, #tpu.memory_space<hbm>>
      %dma_start3A_2274 = arith.constant 0 : i32
      %dma_start3A_2275 = tpu.memref_slice %arg6[%add3A_2268, %dma_start3A_2274] : memref<424x144xf32, #tpu.memory_space<hbm>> -> memref<16x144xf32, #tpu.memory_space<hbm>>
      %dma_start3A_2276 = arith.constant 0 : i32
      %dma_start3A_2277 = arith.constant 0 : i32
      %dma_start3A_2278 = tpu.memref_slice %arg11[%dma_start3A_2276, %dma_start3A_2277] : memref<32x144xf32, #tpu.memory_space<vmem>> -> memref<16x144xf32, #tpu.memory_space<vmem>>
      tpu.enqueue_dma source(%dma_start3A_2278 : memref<16x144xf32, #tpu.memory_space<vmem>>) target(%dma_start3A_2275 : memref<16x144xf32, #tpu.memory_space<hbm>>) target_semaphore(%arg16 : memref<!tpu.dma_semaphore, #tpu.memory_space<semaphore_mem>>)
      %dma_wait3A_2279 = arith.constant 16 : i32
      %dma_wait3A_2280 = arith.constant 0 : i32
      %dma_wait3A_2281 = tpu.memref_slice %arg10[%dma_wait3A_2279, %dma_wait3A_2280] : memref<32x128xf32, #tpu.memory_space<vmem>> -> memref<16x128xf32, #tpu.memory_space<vmem>>
      %dma_wait3A_2282 = arith.constant 0 : i32
      %dma_wait3A_2283 = arith.constant 0 : i32
      %dma_wait3A_2284 = tpu.memref_slice %arg4[%dma_wait3A_2282, %dma_wait3A_2283] : memref<106x128xf32, #tpu.memory_space<hbm>> -> memref<106x128xf32, #tpu.memory_space<hbm>>
      tpu.wait_indirect_dma semaphore(%arg15 : memref<!tpu.dma_semaphore, #tpu.memory_space<semaphore_mem>>) src(%dma_wait3A_2284 : memref<106x128xf32, #tpu.memory_space<hbm>>) dst(%dma_wait3A_2281 : memref<16x128xf32, #tpu.memory_space<vmem>>)
      %get3A_2285 = arith.constant 16 : i32
      %get3A_2286 = arith.index_cast %get3A_2285 : i32 to index
      %get3A_2287 = arith.constant 0 : index
      %get3A_2288 = tpu.vector_load %arg10[%get3A_2286, %get3A_2287] {strides = array<i32>} : memref<32x128xf32, #tpu.memory_space<vmem>>, vector<1x16xf32>,
      %get3A_2289 = vector.shape_cast %get3A_2288 : vector<1x16xf32> to vector<16xf32>
      %swap3A_2290 = arith.constant 16 : i32
      %swap3A_2291 = arith.index_cast %swap3A_2290 : i32 to index
      %swap3A_2292 = arith.constant 0 : index
      %swap3A_2293 = tpu.vector_load %arg11[%swap3A_2291, %swap3A_2292] {strides = array<i32>} : memref<32x144xf32, #tpu.memory_space<vmem>>, vector<1x16xf32>,
      %swap3A_2294 = vector.shape_cast %swap3A_2293 : vector<1x16xf32> to vector<16xf32>
      %swap3A_2295 = vector.shape_cast %get3A_2289 : vector<16xf32> to vector<1x16xf32>
      tpu.vector_store %arg11[%swap3A_2291, %swap3A_2292], %swap3A_2295 {strides = array<i32>} : memref<32x144xf32, #tpu.memory_space<vmem>>, vector<1x16xf32>,
      %get3A_2296 = arith.constant 16 : i32
      %get3A_2297 = arith.index_cast %get3A_2296 : i32 to index
      %get3A_2298 = arith.constant 16 : index
      %get3A_2299 = tpu.vector_load %arg10[%get3A_2297, %get3A_2298] {strides = array<i32>} : memref<32x128xf32, #tpu.memory_space<vmem>>, vector<1x16xf32>,
      %get3A_2300 = vector.shape_cast %get3A_2299 : vector<1x16xf32> to vector<16xf32>
      %swap3A_2301 = arith.constant 16 : i32
      %swap3A_2302 = arith.index_cast %swap3A_2301 : i32 to index
      %swap3A_2303 = arith.constant 16 : index
      %swap3A_2304 = tpu.vector_load %arg11[%swap3A_2302, %swap3A_2303] {strides = array<i32>} : memref<32x144xf32, #tpu.memory_space<vmem>>, vector<1x16xf32>,
      %swap3A_2305 = vector.shape_cast %swap3A_2304 : vector<1x16xf32> to vector<16xf32>
      %swap3A_2306 = vector.shape_cast %get3A_2300 : vector<16xf32> to vector<1x16xf32>
      tpu.vector_store %arg11[%swap3A_2302, %swap3A_2303], %swap3A_2306 {strides = array<i32>} : memref<32x144xf32, #tpu.memory_space<vmem>>, vector<1x16xf32>,
      %get3A_2307 = arith.constant 16 : i32
      %get3A_2308 = arith.index_cast %get3A_2307 : i32 to index
      %get3A_2309 = arith.constant 32 : index
      %get3A_2310 = tpu.vector_load %arg10[%get3A_2308, %get3A_2309] {strides = array<i32>} : memref<32x128xf32, #tpu.memory_space<vmem>>, vector<1x16xf32>,
      %get3A_2311 = vector.shape_cast %get3A_2310 : vector<1x16xf32> to vector<16xf32>
      %swap3A_2312 = arith.constant 16 : i32
      %swap3A_2313 = arith.index_cast %swap3A_2312 : i32 to index
      %swap3A_2314 = arith.constant 32 : index
      %swap3A_2315 = tpu.vector_load %arg11[%swap3A_2313, %swap3A_2314] {strides = array<i32>} : memref<32x144xf32, #tpu.memory_space<vmem>>, vector<1x16xf32>,
      %swap3A_2316 = vector.shape_cast %swap3A_2315 : vector<1x16xf32> to vector<16xf32>
      %swap3A_2317 = vector.shape_cast %get3A_2311 : vector<16xf32> to vector<1x16xf32>
      tpu.vector_store %arg11[%swap3A_2313, %swap3A_2314], %swap3A_2317 {strides = array<i32>} : memref<32x144xf32, #tpu.memory_space<vmem>>, vector<1x16xf32>,
      %get3A_2318 = arith.constant 16 : i32
      %get3A_2319 = arith.index_cast %get3A_2318 : i32 to index
      %get3A_2320 = arith.constant 48 : index
      %get3A_2321 = tpu.vector_load %arg10[%get3A_2319, %get3A_2320] {strides = array<i32>} : memref<32x128xf32, #tpu.memory_space<vmem>>, vector<1x16xf32>,
      %get3A_2322 = vector.shape_cast %get3A_2321 : vector<1x16xf32> to vector<16xf32>
      %swap3A_2323 = arith.constant 16 : i32
      %swap3A_2324 = arith.index_cast %swap3A_2323 : i32 to index
      %swap3A_2325 = arith.constant 48 : index
      %swap3A_2326 = tpu.vector_load %arg11[%swap3A_2324, %swap3A_2325] {strides = array<i32>} : memref<32x144xf32, #tpu.memory_space<vmem>>, vector<1x16xf32>,
      %swap3A_2327 = vector.shape_cast %swap3A_2326 : vector<1x16xf32> to vector<16xf32>
      %swap3A_2328 = vector.shape_cast %get3A_2322 : vector<16xf32> to vector<1x16xf32>
      tpu.vector_store %arg11[%swap3A_2324, %swap3A_2325], %swap3A_2328 {strides = array<i32>} : memref<32x144xf32, #tpu.memory_space<vmem>>, vector<1x16xf32>,
      %get3A_2329 = arith.constant 16 : i32
      %get3A_2330 = arith.index_cast %get3A_2329 : i32 to index
      %get3A_2331 = arith.constant 64 : index
      %get3A_2332 = tpu.vector_load %arg10[%get3A_2330, %get3A_2331] {strides = array<i32>} : memref<32x128xf32, #tpu.memory_space<vmem>>, vector<1x16xf32>,
      %get3A_2333 = vector.shape_cast %get3A_2332 : vector<1x16xf32> to vector<16xf32>
      %swap3A_2334 = arith.constant 16 : i32
      %swap3A_2335 = arith.index_cast %swap3A_2334 : i32 to index
      %swap3A_2336 = arith.constant 64 : index
      %swap3A_2337 = tpu.vector_load %arg11[%swap3A_2335, %swap3A_2336] {strides = array<i32>} : memref<32x144xf32, #tpu.memory_space<vmem>>, vector<1x16xf32>,
      %swap3A_2338 = vector.shape_cast %swap3A_2337 : vector<1x16xf32> to vector<16xf32>
      %swap3A_2339 = vector.shape_cast %get3A_2333 : vector<16xf32> to vector<1x16xf32>
      tpu.vector_store %arg11[%swap3A_2335, %swap3A_2336], %swap3A_2339 {strides = array<i32>} : memref<32x144xf32, #tpu.memory_space<vmem>>, vector<1x16xf32>,
      %get3A_2340 = arith.constant 16 : i32
      %get3A_2341 = arith.index_cast %get3A_2340 : i32 to index
      %get3A_2342 = arith.constant 80 : index
      %get3A_2343 = tpu.vector_load %arg10[%get3A_2341, %get3A_2342] {strides = array<i32>} : memref<32x128xf32, #tpu.memory_space<vmem>>, vector<1x16xf32>,
      %get3A_2344 = vector.shape_cast %get3A_2343 : vector<1x16xf32> to vector<16xf32>
      %swap3A_2345 = arith.constant 16 : i32
      %swap3A_2346 = arith.index_cast %swap3A_2345 : i32 to index
      %swap3A_2347 = arith.constant 80 : index
      %swap3A_2348 = tpu.vector_load %arg11[%swap3A_2346, %swap3A_2347] {strides = array<i32>} : memref<32x144xf32, #tpu.memory_space<vmem>>, vector<1x16xf32>,
      %swap3A_2349 = vector.shape_cast %swap3A_2348 : vector<1x16xf32> to vector<16xf32>
      %swap3A_2350 = vector.shape_cast %get3A_2344 : vector<16xf32> to vector<1x16xf32>
      tpu.vector_store %arg11[%swap3A_2346, %swap3A_2347], %swap3A_2350 {strides = array<i32>} : memref<32x144xf32, #tpu.memory_space<vmem>>, vector<1x16xf32>,
      %get3A_2351 = arith.constant 16 : i32
      %get3A_2352 = arith.index_cast %get3A_2351 : i32 to index
      %get3A_2353 = arith.constant 96 : index
      %get3A_2354 = tpu.vector_load %arg10[%get3A_2352, %get3A_2353] {strides = array<i32>} : memref<32x128xf32, #tpu.memory_space<vmem>>, vector<1x16xf32>,
      %get3A_2355 = vector.shape_cast %get3A_2354 : vector<1x16xf32> to vector<16xf32>
      %swap3A_2356 = arith.constant 16 : i32
      %swap3A_2357 = arith.index_cast %swap3A_2356 : i32 to index
      %swap3A_2358 = arith.constant 96 : index
      %swap3A_2359 = tpu.vector_load %arg11[%swap3A_2357, %swap3A_2358] {strides = array<i32>} : memref<32x144xf32, #tpu.memory_space<vmem>>, vector<1x16xf32>,
      %swap3A_2360 = vector.shape_cast %swap3A_2359 : vector<1x16xf32> to vector<16xf32>
      %swap3A_2361 = vector.shape_cast %get3A_2355 : vector<16xf32> to vector<1x16xf32>
      tpu.vector_store %arg11[%swap3A_2357, %swap3A_2358], %swap3A_2361 {strides = array<i32>} : memref<32x144xf32, #tpu.memory_space<vmem>>, vector<1x16xf32>,
      %get3A_2362 = arith.constant 16 : i32
      %get3A_2363 = arith.index_cast %get3A_2362 : i32 to index
      %get3A_2364 = arith.constant 112 : index
      %get3A_2365 = tpu.vector_load %arg10[%get3A_2363, %get3A_2364] {strides = array<i32>} : memref<32x128xf32, #tpu.memory_space<vmem>>, vector<1x16xf32>,
      %get3A_2366 = vector.shape_cast %get3A_2365 : vector<1x16xf32> to vector<16xf32>
      %swap3A_2367 = arith.constant 16 : i32
      %swap3A_2368 = arith.index_cast %swap3A_2367 : i32 to index
      %swap3A_2369 = arith.constant 112 : index
      %swap3A_2370 = tpu.vector_load %arg11[%swap3A_2368, %swap3A_2369] {strides = array<i32>} : memref<32x144xf32, #tpu.memory_space<vmem>>, vector<1x16xf32>,
      %swap3A_2371 = vector.shape_cast %swap3A_2370 : vector<1x16xf32> to vector<16xf32>
      %swap3A_2372 = vector.shape_cast %get3A_2366 : vector<16xf32> to vector<1x16xf32>
      tpu.vector_store %arg11[%swap3A_2368, %swap3A_2369], %swap3A_2372 {strides = array<i32>} : memref<32x144xf32, #tpu.memory_space<vmem>>, vector<1x16xf32>,
      %get3A_2373 = arith.constant 17 : i32
      %get3A_2374 = arith.index_cast %get3A_2373 : i32 to index
      %get3A_2375 = arith.constant 0 : index
      %get3A_2376 = tpu.vector_load %arg10[%get3A_2374, %get3A_2375] {strides = array<i32>} : memref<32x128xf32, #tpu.memory_space<vmem>>, vector<1x16xf32>,
      %get3A_2377 = vector.shape_cast %get3A_2376 : vector<1x16xf32> to vector<16xf32>
      %swap3A_2378 = arith.constant 17 : i32
      %swap3A_2379 = arith.index_cast %swap3A_2378 : i32 to index
      %swap3A_2380 = arith.constant 0 : index
      %swap3A_2381 = tpu.vector_load %arg11[%swap3A_2379, %swap3A_2380] {strides = array<i32>} : memref<32x144xf32, #tpu.memory_space<vmem>>, vector<1x16xf32>,
      %swap3A_2382 = vector.shape_cast %swap3A_2381 : vector<1x16xf32> to vector<16xf32>
      %swap3A_2383 = vector.shape_cast %get3A_2377 : vector<16xf32> to vector<1x16xf32>
      tpu.vector_store %arg11[%swap3A_2379, %swap3A_2380], %swap3A_2383 {strides = array<i32>} : memref<32x144xf32, #tpu.memory_space<vmem>>, vector<1x16xf32>,
      %get3A_2384 = arith.constant 17 : i32
      %get3A_2385 = arith.index_cast %get3A_2384 : i32 to index
      %get3A_2386 = arith.constant 16 : index
      %get3A_2387 = tpu.vector_load %arg10[%get3A_2385, %get3A_2386] {strides = array<i32>} : memref<32x128xf32, #tpu.memory_space<vmem>>, vector<1x16xf32>,
      %get3A_2388 = vector.shape_cast %get3A_2387 : vector<1x16xf32> to vector<16xf32>
      %swap3A_2389 = arith.constant 17 : i32
      %swap3A_2390 = arith.index_cast %swap3A_2389 : i32 to index
      %swap3A_2391 = arith.constant 16 : index
      %swap3A_2392 = tpu.vector_load %arg11[%swap3A_2390, %swap3A_2391] {strides = array<i32>} : memref<32x144xf32, #tpu.memory_space<vmem>>, vector<1x16xf32>,
      %swap3A_2393 = vector.shape_cast %swap3A_2392 : vector<1x16xf32> to vector<16xf32>
      %swap3A_2394 = vector.shape_cast %get3A_2388 : vector<16xf32> to vector<1x16xf32>
      tpu.vector_store %arg11[%swap3A_2390, %swap3A_2391], %swap3A_2394 {strides = array<i32>} : memref<32x144xf32, #tpu.memory_space<vmem>>, vector<1x16xf32>,
      %get3A_2395 = arith.constant 17 : i32
      %get3A_2396 = arith.index_cast %get3A_2395 : i32 to index
      %get3A_2397 = arith.constant 32 : index
      %get3A_2398 = tpu.vector_load %arg10[%get3A_2396, %get3A_2397] {strides = array<i32>} : memref<32x128xf32, #tpu.memory_space<vmem>>, vector<1x16xf32>,
      %get3A_2399 = vector.shape_cast %get3A_2398 : vector<1x16xf32> to vector<16xf32>
      %swap3A_2400 = arith.constant 17 : i32
      %swap3A_2401 = arith.index_cast %swap3A_2400 : i32 to index
      %swap3A_2402 = arith.constant 32 : index
      %swap3A_2403 = tpu.vector_load %arg11[%swap3A_2401, %swap3A_2402] {strides = array<i32>} : memref<32x144xf32, #tpu.memory_space<vmem>>, vector<1x16xf32>,
      %swap3A_2404 = vector.shape_cast %swap3A_2403 : vector<1x16xf32> to vector<16xf32>
      %swap3A_2405 = vector.shape_cast %get3A_2399 : vector<16xf32> to vector<1x16xf32>
      tpu.vector_store %arg11[%swap3A_2401, %swap3A_2402], %swap3A_2405 {strides = array<i32>} : memref<32x144xf32, #tpu.memory_space<vmem>>, vector<1x16xf32>,
      %get3A_2406 = arith.constant 17 : i32
      %get3A_2407 = arith.index_cast %get3A_2406 : i32 to index
      %get3A_2408 = arith.constant 48 : index
      %get3A_2409 = tpu.vector_load %arg10[%get3A_2407, %get3A_2408] {strides = array<i32>} : memref<32x128xf32, #tpu.memory_space<vmem>>, vector<1x16xf32>,
      %get3A_2410 = vector.shape_cast %get3A_2409 : vector<1x16xf32> to vector<16xf32>
      %swap3A_2411 = arith.constant 17 : i32
      %swap3A_2412 = arith.index_cast %swap3A_2411 : i32 to index
      %swap3A_2413 = arith.constant 48 : index
      %swap3A_2414 = tpu.vector_load %arg11[%swap3A_2412, %swap3A_2413] {strides = array<i32>} : memref<32x144xf32, #tpu.memory_space<vmem>>, vector<1x16xf32>,
      %swap3A_2415 = vector.shape_cast %swap3A_2414 : vector<1x16xf32> to vector<16xf32>
      %swap3A_2416 = vector.shape_cast %get3A_2410 : vector<16xf32> to vector<1x16xf32>
      tpu.vector_store %arg11[%swap3A_2412, %swap3A_2413], %swap3A_2416 {strides = array<i32>} : memref<32x144xf32, #tpu.memory_space<vmem>>, vector<1x16xf32>,
      %get3A_2417 = arith.constant 17 : i32
      %get3A_2418 = arith.index_cast %get3A_2417 : i32 to index
      %get3A_2419 = arith.constant 64 : index
      %get3A_2420 = tpu.vector_load %arg10[%get3A_2418, %get3A_2419] {strides = array<i32>} : memref<32x128xf32, #tpu.memory_space<vmem>>, vector<1x16xf32>,
      %get3A_2421 = vector.shape_cast %get3A_2420 : vector<1x16xf32> to vector<16xf32>
      %swap3A_2422 = arith.constant 17 : i32
      %swap3A_2423 = arith.index_cast %swap3A_2422 : i32 to index
      %swap3A_2424 = arith.constant 64 : index
      %swap3A_2425 = tpu.vector_load %arg11[%swap3A_2423, %swap3A_2424] {strides = array<i32>} : memref<32x144xf32, #tpu.memory_space<vmem>>, vector<1x16xf32>,
      %swap3A_2426 = vector.shape_cast %swap3A_2425 : vector<1x16xf32> to vector<16xf32>
      %swap3A_2427 = vector.shape_cast %get3A_2421 : vector<16xf32> to vector<1x16xf32>
      tpu.vector_store %arg11[%swap3A_2423, %swap3A_2424], %swap3A_2427 {strides = array<i32>} : memref<32x144xf32, #tpu.memory_space<vmem>>, vector<1x16xf32>,
      %get3A_2428 = arith.constant 17 : i32
      %get3A_2429 = arith.index_cast %get3A_2428 : i32 to index
      %get3A_2430 = arith.constant 80 : index
      %get3A_2431 = tpu.vector_load %arg10[%get3A_2429, %get3A_2430] {strides = array<i32>} : memref<32x128xf32, #tpu.memory_space<vmem>>, vector<1x16xf32>,
      %get3A_2432 = vector.shape_cast %get3A_2431 : vector<1x16xf32> to vector<16xf32>
      %swap3A_2433 = arith.constant 17 : i32
      %swap3A_2434 = arith.index_cast %swap3A_2433 : i32 to index
      %swap3A_2435 = arith.constant 80 : index
      %swap3A_2436 = tpu.vector_load %arg11[%swap3A_2434, %swap3A_2435] {strides = array<i32>} : memref<32x144xf32, #tpu.memory_space<vmem>>, vector<1x16xf32>,
      %swap3A_2437 = vector.shape_cast %swap3A_2436 : vector<1x16xf32> to vector<16xf32>
      %swap3A_2438 = vector.shape_cast %get3A_2432 : vector<16xf32> to vector<1x16xf32>
      tpu.vector_store %arg11[%swap3A_2434, %swap3A_2435], %swap3A_2438 {strides = array<i32>} : memref<32x144xf32, #tpu.memory_space<vmem>>, vector<1x16xf32>,
      %get3A_2439 = arith.constant 17 : i32
      %get3A_2440 = arith.index_cast %get3A_2439 : i32 to index
      %get3A_2441 = arith.constant 96 : index
      %get3A_2442 = tpu.vector_load %arg10[%get3A_2440, %get3A_2441] {strides = array<i32>} : memref<32x128xf32, #tpu.memory_space<vmem>>, vector<1x16xf32>,
      %get3A_2443 = vector.shape_cast %get3A_2442 : vector<1x16xf32> to vector<16xf32>
      %swap3A_2444 = arith.constant 17 : i32
      %swap3A_2445 = arith.index_cast %swap3A_2444 : i32 to index
      %swap3A_2446 = arith.constant 96 : index
      %swap3A_2447 = tpu.vector_load %arg11[%swap3A_2445, %swap3A_2446] {strides = array<i32>} : memref<32x144xf32, #tpu.memory_space<vmem>>, vector<1x16xf32>,
      %swap3A_2448 = vector.shape_cast %swap3A_2447 : vector<1x16xf32> to vector<16xf32>
      %swap3A_2449 = vector.shape_cast %get3A_2443 : vector<16xf32> to vector<1x16xf32>
      tpu.vector_store %arg11[%swap3A_2445, %swap3A_2446], %swap3A_2449 {strides = array<i32>} : memref<32x144xf32, #tpu.memory_space<vmem>>, vector<1x16xf32>,
      %get3A_2450 = arith.constant 17 : i32
      %get3A_2451 = arith.index_cast %get3A_2450 : i32 to index
      %get3A_2452 = arith.constant 112 : index
      %get3A_2453 = tpu.vector_load %arg10[%get3A_2451, %get3A_2452] {strides = array<i32>} : memref<32x128xf32, #tpu.memory_space<vmem>>, vector<1x16xf32>,
      %get3A_2454 = vector.shape_cast %get3A_2453 : vector<1x16xf32> to vector<16xf32>
      %swap3A_2455 = arith.constant 17 : i32
      %swap3A_2456 = arith.index_cast %swap3A_2455 : i32 to index
      %swap3A_2457 = arith.constant 112 : index
      %swap3A_2458 = tpu.vector_load %arg11[%swap3A_2456, %swap3A_2457] {strides = array<i32>} : memref<32x144xf32, #tpu.memory_space<vmem>>, vector<1x16xf32>,
      %swap3A_2459 = vector.shape_cast %swap3A_2458 : vector<1x16xf32> to vector<16xf32>
      %swap3A_2460 = vector.shape_cast %get3A_2454 : vector<16xf32> to vector<1x16xf32>
      tpu.vector_store %arg11[%swap3A_2456, %swap3A_2457], %swap3A_2460 {strides = array<i32>} : memref<32x144xf32, #tpu.memory_space<vmem>>, vector<1x16xf32>,
      %get3A_2461 = arith.constant 18 : i32
      %get3A_2462 = arith.index_cast %get3A_2461 : i32 to index
      %get3A_2463 = arith.constant 0 : index
      %get3A_2464 = tpu.vector_load %arg10[%get3A_2462, %get3A_2463] {strides = array<i32>} : memref<32x128xf32, #tpu.memory_space<vmem>>, vector<1x16xf32>,
      %get3A_2465 = vector.shape_cast %get3A_2464 : vector<1x16xf32> to vector<16xf32>
      %swap3A_2466 = arith.constant 18 : i32
      %swap3A_2467 = arith.index_cast %swap3A_2466 : i32 to index
      %swap3A_2468 = arith.constant 0 : index
      %swap3A_2469 = tpu.vector_load %arg11[%swap3A_2467, %swap3A_2468] {strides = array<i32>} : memref<32x144xf32, #tpu.memory_space<vmem>>, vector<1x16xf32>,
      %swap3A_2470 = vector.shape_cast %swap3A_2469 : vector<1x16xf32> to vector<16xf32>
      %swap3A_2471 = vector.shape_cast %get3A_2465 : vector<16xf32> to vector<1x16xf32>
      tpu.vector_store %arg11[%swap3A_2467, %swap3A_2468], %swap3A_2471 {strides = array<i32>} : memref<32x144xf32, #tpu.memory_space<vmem>>, vector<1x16xf32>,
      %get3A_2472 = arith.constant 18 : i32
      %get3A_2473 = arith.index_cast %get3A_2472 : i32 to index
      %get3A_2474 = arith.constant 16 : index
      %get3A_2475 = tpu.vector_load %arg10[%get3A_2473, %get3A_2474] {strides = array<i32>} : memref<32x128xf32, #tpu.memory_space<vmem>>, vector<1x16xf32>,
      %get3A_2476 = vector.shape_cast %get3A_2475 : vector<1x16xf32> to vector<16xf32>
      %swap3A_2477 = arith.constant 18 : i32
      %swap3A_2478 = arith.index_cast %swap3A_2477 : i32 to index
      %swap3A_2479 = arith.constant 16 : index
      %swap3A_2480 = tpu.vector_load %arg11[%swap3A_2478, %swap3A_2479] {strides = array<i32>} : memref<32x144xf32, #tpu.memory_space<vmem>>, vector<1x16xf32>,
      %swap3A_2481 = vector.shape_cast %swap3A_2480 : vector<1x16xf32> to vector<16xf32>
      %swap3A_2482 = vector.shape_cast %get3A_2476 : vector<16xf32> to vector<1x16xf32>
      tpu.vector_store %arg11[%swap3A_2478, %swap3A_2479], %swap3A_2482 {strides = array<i32>} : memref<32x144xf32, #tpu.memory_space<vmem>>, vector<1x16xf32>,
      %get3A_2483 = arith.constant 18 : i32
      %get3A_2484 = arith.index_cast %get3A_2483 : i32 to index
      %get3A_2485 = arith.constant 32 : index
      %get3A_2486 = tpu.vector_load %arg10[%get3A_2484, %get3A_2485] {strides = array<i32>} : memref<32x128xf32, #tpu.memory_space<vmem>>, vector<1x16xf32>,
      %get3A_2487 = vector.shape_cast %get3A_2486 : vector<1x16xf32> to vector<16xf32>
      %swap3A_2488 = arith.constant 18 : i32
      %swap3A_2489 = arith.index_cast %swap3A_2488 : i32 to index
      %swap3A_2490 = arith.constant 32 : index
      %swap3A_2491 = tpu.vector_load %arg11[%swap3A_2489, %swap3A_2490] {strides = array<i32>} : memref<32x144xf32, #tpu.memory_space<vmem>>, vector<1x16xf32>,
      %swap3A_2492 = vector.shape_cast %swap3A_2491 : vector<1x16xf32> to vector<16xf32>
      %swap3A_2493 = vector.shape_cast %get3A_2487 : vector<16xf32> to vector<1x16xf32>
      tpu.vector_store %arg11[%swap3A_2489, %swap3A_2490], %swap3A_2493 {strides = array<i32>} : memref<32x144xf32, #tpu.memory_space<vmem>>, vector<1x16xf32>,
      %get3A_2494 = arith.constant 18 : i32
      %get3A_2495 = arith.index_cast %get3A_2494 : i32 to index
      %get3A_2496 = arith.constant 48 : index
      %get3A_2497 = tpu.vector_load %arg10[%get3A_2495, %get3A_2496] {strides = array<i32>} : memref<32x128xf32, #tpu.memory_space<vmem>>, vector<1x16xf32>,
      %get3A_2498 = vector.shape_cast %get3A_2497 : vector<1x16xf32> to vector<16xf32>
      %swap3A_2499 = arith.constant 18 : i32
      %swap3A_2500 = arith.index_cast %swap3A_2499 : i32 to index
      %swap3A_2501 = arith.constant 48 : index
      %swap3A_2502 = tpu.vector_load %arg11[%swap3A_2500, %swap3A_2501] {strides = array<i32>} : memref<32x144xf32, #tpu.memory_space<vmem>>, vector<1x16xf32>,
      %swap3A_2503 = vector.shape_cast %swap3A_2502 : vector<1x16xf32> to vector<16xf32>
      %swap3A_2504 = vector.shape_cast %get3A_2498 : vector<16xf32> to vector<1x16xf32>
      tpu.vector_store %arg11[%swap3A_2500, %swap3A_2501], %swap3A_2504 {strides = array<i32>} : memref<32x144xf32, #tpu.memory_space<vmem>>, vector<1x16xf32>,
      %get3A_2505 = arith.constant 18 : i32
      %get3A_2506 = arith.index_cast %get3A_2505 : i32 to index
      %get3A_2507 = arith.constant 64 : index
      %get3A_2508 = tpu.vector_load %arg10[%get3A_2506, %get3A_2507] {strides = array<i32>} : memref<32x128xf32, #tpu.memory_space<vmem>>, vector<1x16xf32>,
      %get3A_2509 = vector.shape_cast %get3A_2508 : vector<1x16xf32> to vector<16xf32>
      %swap3A_2510 = arith.constant 18 : i32
      %swap3A_2511 = arith.index_cast %swap3A_2510 : i32 to index
      %swap3A_2512 = arith.constant 64 : index
      %swap3A_2513 = tpu.vector_load %arg11[%swap3A_2511, %swap3A_2512] {strides = array<i32>} : memref<32x144xf32, #tpu.memory_space<vmem>>, vector<1x16xf32>,
      %swap3A_2514 = vector.shape_cast %swap3A_2513 : vector<1x16xf32> to vector<16xf32>
      %swap3A_2515 = vector.shape_cast %get3A_2509 : vector<16xf32> to vector<1x16xf32>
      tpu.vector_store %arg11[%swap3A_2511, %swap3A_2512], %swap3A_2515 {strides = array<i32>} : memref<32x144xf32, #tpu.memory_space<vmem>>, vector<1x16xf32>,
      %get3A_2516 = arith.constant 18 : i32
      %get3A_2517 = arith.index_cast %get3A_2516 : i32 to index
      %get3A_2518 = arith.constant 80 : index
      %get3A_2519 = tpu.vector_load %arg10[%get3A_2517, %get3A_2518] {strides = array<i32>} : memref<32x128xf32, #tpu.memory_space<vmem>>, vector<1x16xf32>,
      %get3A_2520 = vector.shape_cast %get3A_2519 : vector<1x16xf32> to vector<16xf32>
      %swap3A_2521 = arith.constant 18 : i32
      %swap3A_2522 = arith.index_cast %swap3A_2521 : i32 to index
      %swap3A_2523 = arith.constant 80 : index
      %swap3A_2524 = tpu.vector_load %arg11[%swap3A_2522, %swap3A_2523] {strides = array<i32>} : memref<32x144xf32, #tpu.memory_space<vmem>>, vector<1x16xf32>,
      %swap3A_2525 = vector.shape_cast %swap3A_2524 : vector<1x16xf32> to vector<16xf32>
      %swap3A_2526 = vector.shape_cast %get3A_2520 : vector<16xf32> to vector<1x16xf32>
      tpu.vector_store %arg11[%swap3A_2522, %swap3A_2523], %swap3A_2526 {strides = array<i32>} : memref<32x144xf32, #tpu.memory_space<vmem>>, vector<1x16xf32>,
      %get3A_2527 = arith.constant 18 : i32
      %get3A_2528 = arith.index_cast %get3A_2527 : i32 to index
      %get3A_2529 = arith.constant 96 : index
      %get3A_2530 = tpu.vector_load %arg10[%get3A_2528, %get3A_2529] {strides = array<i32>} : memref<32x128xf32, #tpu.memory_space<vmem>>, vector<1x16xf32>,
      %get3A_2531 = vector.shape_cast %get3A_2530 : vector<1x16xf32> to vector<16xf32>
      %swap3A_2532 = arith.constant 18 : i32
      %swap3A_2533 = arith.index_cast %swap3A_2532 : i32 to index
      %swap3A_2534 = arith.constant 96 : index
      %swap3A_2535 = tpu.vector_load %arg11[%swap3A_2533, %swap3A_2534] {strides = array<i32>} : memref<32x144xf32, #tpu.memory_space<vmem>>, vector<1x16xf32>,
      %swap3A_2536 = vector.shape_cast %swap3A_2535 : vector<1x16xf32> to vector<16xf32>
      %swap3A_2537 = vector.shape_cast %get3A_2531 : vector<16xf32> to vector<1x16xf32>
      tpu.vector_store %arg11[%swap3A_2533, %swap3A_2534], %swap3A_2537 {strides = array<i32>} : memref<32x144xf32, #tpu.memory_space<vmem>>, vector<1x16xf32>,
      %get3A_2538 = arith.constant 18 : i32
      %get3A_2539 = arith.index_cast %get3A_2538 : i32 to index
      %get3A_2540 = arith.constant 112 : index
      %get3A_2541 = tpu.vector_load %arg10[%get3A_2539, %get3A_2540] {strides = array<i32>} : memref<32x128xf32, #tpu.memory_space<vmem>>, vector<1x16xf32>,
      %get3A_2542 = vector.shape_cast %get3A_2541 : vector<1x16xf32> to vector<16xf32>
      %swap3A_2543 = arith.constant 18 : i32
      %swap3A_2544 = arith.index_cast %swap3A_2543 : i32 to index
      %swap3A_2545 = arith.constant 112 : index
      %swap3A_2546 = tpu.vector_load %arg11[%swap3A_2544, %swap3A_2545] {strides = array<i32>} : memref<32x144xf32, #tpu.memory_space<vmem>>, vector<1x16xf32>,
      %swap3A_2547 = vector.shape_cast %swap3A_2546 : vector<1x16xf32> to vector<16xf32>
      %swap3A_2548 = vector.shape_cast %get3A_2542 : vector<16xf32> to vector<1x16xf32>
      tpu.vector_store %arg11[%swap3A_2544, %swap3A_2545], %swap3A_2548 {strides = array<i32>} : memref<32x144xf32, #tpu.memory_space<vmem>>, vector<1x16xf32>,
      %get3A_2549 = arith.constant 19 : i32
      %get3A_2550 = arith.index_cast %get3A_2549 : i32 to index
      %get3A_2551 = arith.constant 0 : index
      %get3A_2552 = tpu.vector_load %arg10[%get3A_2550, %get3A_2551] {strides = array<i32>} : memref<32x128xf32, #tpu.memory_space<vmem>>, vector<1x16xf32>,
      %get3A_2553 = vector.shape_cast %get3A_2552 : vector<1x16xf32> to vector<16xf32>
      %swap3A_2554 = arith.constant 19 : i32
      %swap3A_2555 = arith.index_cast %swap3A_2554 : i32 to index
      %swap3A_2556 = arith.constant 0 : index
      %swap3A_2557 = tpu.vector_load %arg11[%swap3A_2555, %swap3A_2556] {strides = array<i32>} : memref<32x144xf32, #tpu.memory_space<vmem>>, vector<1x16xf32>,
      %swap3A_2558 = vector.shape_cast %swap3A_2557 : vector<1x16xf32> to vector<16xf32>
      %swap3A_2559 = vector.shape_cast %get3A_2553 : vector<16xf32> to vector<1x16xf32>
      tpu.vector_store %arg11[%swap3A_2555, %swap3A_2556], %swap3A_2559 {strides = array<i32>} : memref<32x144xf32, #tpu.memory_space<vmem>>, vector<1x16xf32>,
      %get3A_2560 = arith.constant 19 : i32
      %get3A_2561 = arith.index_cast %get3A_2560 : i32 to index
      %get3A_2562 = arith.constant 16 : index
      %get3A_2563 = tpu.vector_load %arg10[%get3A_2561, %get3A_2562] {strides = array<i32>} : memref<32x128xf32, #tpu.memory_space<vmem>>, vector<1x16xf32>,
      %get3A_2564 = vector.shape_cast %get3A_2563 : vector<1x16xf32> to vector<16xf32>
      %swap3A_2565 = arith.constant 19 : i32
      %swap3A_2566 = arith.index_cast %swap3A_2565 : i32 to index
      %swap3A_2567 = arith.constant 16 : index
      %swap3A_2568 = tpu.vector_load %arg11[%swap3A_2566, %swap3A_2567] {strides = array<i32>} : memref<32x144xf32, #tpu.memory_space<vmem>>, vector<1x16xf32>,
      %swap3A_2569 = vector.shape_cast %swap3A_2568 : vector<1x16xf32> to vector<16xf32>
      %swap3A_2570 = vector.shape_cast %get3A_2564 : vector<16xf32> to vector<1x16xf32>
      tpu.vector_store %arg11[%swap3A_2566, %swap3A_2567], %swap3A_2570 {strides = array<i32>} : memref<32x144xf32, #tpu.memory_space<vmem>>, vector<1x16xf32>,
      %get3A_2571 = arith.constant 19 : i32
      %get3A_2572 = arith.index_cast %get3A_2571 : i32 to index
      %get3A_2573 = arith.constant 32 : index
      %get3A_2574 = tpu.vector_load %arg10[%get3A_2572, %get3A_2573] {strides = array<i32>} : memref<32x128xf32, #tpu.memory_space<vmem>>, vector<1x16xf32>,
      %get3A_2575 = vector.shape_cast %get3A_2574 : vector<1x16xf32> to vector<16xf32>
      %swap3A_2576 = arith.constant 19 : i32
      %swap3A_2577 = arith.index_cast %swap3A_2576 : i32 to index
      %swap3A_2578 = arith.constant 32 : index
      %swap3A_2579 = tpu.vector_load %arg11[%swap3A_2577, %swap3A_2578] {strides = array<i32>} : memref<32x144xf32, #tpu.memory_space<vmem>>, vector<1x16xf32>,
      %swap3A_2580 = vector.shape_cast %swap3A_2579 : vector<1x16xf32> to vector<16xf32>
      %swap3A_2581 = vector.shape_cast %get3A_2575 : vector<16xf32> to vector<1x16xf32>
      tpu.vector_store %arg11[%swap3A_2577, %swap3A_2578], %swap3A_2581 {strides = array<i32>} : memref<32x144xf32, #tpu.memory_space<vmem>>, vector<1x16xf32>,
      %get3A_2582 = arith.constant 19 : i32
      %get3A_2583 = arith.index_cast %get3A_2582 : i32 to index
      %get3A_2584 = arith.constant 48 : index
      %get3A_2585 = tpu.vector_load %arg10[%get3A_2583, %get3A_2584] {strides = array<i32>} : memref<32x128xf32, #tpu.memory_space<vmem>>, vector<1x16xf32>,
      %get3A_2586 = vector.shape_cast %get3A_2585 : vector<1x16xf32> to vector<16xf32>
      %swap3A_2587 = arith.constant 19 : i32
      %swap3A_2588 = arith.index_cast %swap3A_2587 : i32 to index
      %swap3A_2589 = arith.constant 48 : index
      %swap3A_2590 = tpu.vector_load %arg11[%swap3A_2588, %swap3A_2589] {strides = array<i32>} : memref<32x144xf32, #tpu.memory_space<vmem>>, vector<1x16xf32>,
      %swap3A_2591 = vector.shape_cast %swap3A_2590 : vector<1x16xf32> to vector<16xf32>
      %swap3A_2592 = vector.shape_cast %get3A_2586 : vector<16xf32> to vector<1x16xf32>
      tpu.vector_store %arg11[%swap3A_2588, %swap3A_2589], %swap3A_2592 {strides = array<i32>} : memref<32x144xf32, #tpu.memory_space<vmem>>, vector<1x16xf32>,
      %get3A_2593 = arith.constant 19 : i32
      %get3A_2594 = arith.index_cast %get3A_2593 : i32 to index
      %get3A_2595 = arith.constant 64 : index
      %get3A_2596 = tpu.vector_load %arg10[%get3A_2594, %get3A_2595] {strides = array<i32>} : memref<32x128xf32, #tpu.memory_space<vmem>>, vector<1x16xf32>,
      %get3A_2597 = vector.shape_cast %get3A_2596 : vector<1x16xf32> to vector<16xf32>
      %swap3A_2598 = arith.constant 19 : i32
      %swap3A_2599 = arith.index_cast %swap3A_2598 : i32 to index
      %swap3A_2600 = arith.constant 64 : index
      %swap3A_2601 = tpu.vector_load %arg11[%swap3A_2599, %swap3A_2600] {strides = array<i32>} : memref<32x144xf32, #tpu.memory_space<vmem>>, vector<1x16xf32>,
      %swap3A_2602 = vector.shape_cast %swap3A_2601 : vector<1x16xf32> to vector<16xf32>
      %swap3A_2603 = vector.shape_cast %get3A_2597 : vector<16xf32> to vector<1x16xf32>
      tpu.vector_store %arg11[%swap3A_2599, %swap3A_2600], %swap3A_2603 {strides = array<i32>} : memref<32x144xf32, #tpu.memory_space<vmem>>, vector<1x16xf32>,
      %get3A_2604 = arith.constant 19 : i32
      %get3A_2605 = arith.index_cast %get3A_2604 : i32 to index
      %get3A_2606 = arith.constant 80 : index
      %get3A_2607 = tpu.vector_load %arg10[%get3A_2605, %get3A_2606] {strides = array<i32>} : memref<32x128xf32, #tpu.memory_space<vmem>>, vector<1x16xf32>,
      %get3A_2608 = vector.shape_cast %get3A_2607 : vector<1x16xf32> to vector<16xf32>
      %swap3A_2609 = arith.constant 19 : i32
      %swap3A_2610 = arith.index_cast %swap3A_2609 : i32 to index
      %swap3A_2611 = arith.constant 80 : index
      %swap3A_2612 = tpu.vector_load %arg11[%swap3A_2610, %swap3A_2611] {strides = array<i32>} : memref<32x144xf32, #tpu.memory_space<vmem>>, vector<1x16xf32>,
      %swap3A_2613 = vector.shape_cast %swap3A_2612 : vector<1x16xf32> to vector<16xf32>
      %swap3A_2614 = vector.shape_cast %get3A_2608 : vector<16xf32> to vector<1x16xf32>
      tpu.vector_store %arg11[%swap3A_2610, %swap3A_2611], %swap3A_2614 {strides = array<i32>} : memref<32x144xf32, #tpu.memory_space<vmem>>, vector<1x16xf32>,
      %get3A_2615 = arith.constant 19 : i32
      %get3A_2616 = arith.index_cast %get3A_2615 : i32 to index
      %get3A_2617 = arith.constant 96 : index
      %get3A_2618 = tpu.vector_load %arg10[%get3A_2616, %get3A_2617] {strides = array<i32>} : memref<32x128xf32, #tpu.memory_space<vmem>>, vector<1x16xf32>,
      %get3A_2619 = vector.shape_cast %get3A_2618 : vector<1x16xf32> to vector<16xf32>
      %swap3A_2620 = arith.constant 19 : i32
      %swap3A_2621 = arith.index_cast %swap3A_2620 : i32 to index
      %swap3A_2622 = arith.constant 96 : index
      %swap3A_2623 = tpu.vector_load %arg11[%swap3A_2621, %swap3A_2622] {strides = array<i32>} : memref<32x144xf32, #tpu.memory_space<vmem>>, vector<1x16xf32>,
      %swap3A_2624 = vector.shape_cast %swap3A_2623 : vector<1x16xf32> to vector<16xf32>
      %swap3A_2625 = vector.shape_cast %get3A_2619 : vector<16xf32> to vector<1x16xf32>
      tpu.vector_store %arg11[%swap3A_2621, %swap3A_2622], %swap3A_2625 {strides = array<i32>} : memref<32x144xf32, #tpu.memory_space<vmem>>, vector<1x16xf32>,
      %get3A_2626 = arith.constant 19 : i32
      %get3A_2627 = arith.index_cast %get3A_2626 : i32 to index
      %get3A_2628 = arith.constant 112 : index
      %get3A_2629 = tpu.vector_load %arg10[%get3A_2627, %get3A_2628] {strides = array<i32>} : memref<32x128xf32, #tpu.memory_space<vmem>>, vector<1x16xf32>,
      %get3A_2630 = vector.shape_cast %get3A_2629 : vector<1x16xf32> to vector<16xf32>
      %swap3A_2631 = arith.constant 19 : i32
      %swap3A_2632 = arith.index_cast %swap3A_2631 : i32 to index
      %swap3A_2633 = arith.constant 112 : index
      %swap3A_2634 = tpu.vector_load %arg11[%swap3A_2632, %swap3A_2633] {strides = array<i32>} : memref<32x144xf32, #tpu.memory_space<vmem>>, vector<1x16xf32>,
      %swap3A_2635 = vector.shape_cast %swap3A_2634 : vector<1x16xf32> to vector<16xf32>
      %swap3A_2636 = vector.shape_cast %get3A_2630 : vector<16xf32> to vector<1x16xf32>
      tpu.vector_store %arg11[%swap3A_2632, %swap3A_2633], %swap3A_2636 {strides = array<i32>} : memref<32x144xf32, #tpu.memory_space<vmem>>, vector<1x16xf32>,
      %get3A_2637 = arith.constant 20 : i32
      %get3A_2638 = arith.index_cast %get3A_2637 : i32 to index
      %get3A_2639 = arith.constant 0 : index
      %get3A_2640 = tpu.vector_load %arg10[%get3A_2638, %get3A_2639] {strides = array<i32>} : memref<32x128xf32, #tpu.memory_space<vmem>>, vector<1x16xf32>,
      %get3A_2641 = vector.shape_cast %get3A_2640 : vector<1x16xf32> to vector<16xf32>
      %swap3A_2642 = arith.constant 20 : i32
      %swap3A_2643 = arith.index_cast %swap3A_2642 : i32 to index
      %swap3A_2644 = arith.constant 0 : index
      %swap3A_2645 = tpu.vector_load %arg11[%swap3A_2643, %swap3A_2644] {strides = array<i32>} : memref<32x144xf32, #tpu.memory_space<vmem>>, vector<1x16xf32>,
      %swap3A_2646 = vector.shape_cast %swap3A_2645 : vector<1x16xf32> to vector<16xf32>
      %swap3A_2647 = vector.shape_cast %get3A_2641 : vector<16xf32> to vector<1x16xf32>
      tpu.vector_store %arg11[%swap3A_2643, %swap3A_2644], %swap3A_2647 {strides = array<i32>} : memref<32x144xf32, #tpu.memory_space<vmem>>, vector<1x16xf32>,
      %get3A_2648 = arith.constant 20 : i32
      %get3A_2649 = arith.index_cast %get3A_2648 : i32 to index
      %get3A_2650 = arith.constant 16 : index
      %get3A_2651 = tpu.vector_load %arg10[%get3A_2649, %get3A_2650] {strides = array<i32>} : memref<32x128xf32, #tpu.memory_space<vmem>>, vector<1x16xf32>,
      %get3A_2652 = vector.shape_cast %get3A_2651 : vector<1x16xf32> to vector<16xf32>
      %swap3A_2653 = arith.constant 20 : i32
      %swap3A_2654 = arith.index_cast %swap3A_2653 : i32 to index
      %swap3A_2655 = arith.constant 16 : index
      %swap3A_2656 = tpu.vector_load %arg11[%swap3A_2654, %swap3A_2655] {strides = array<i32>} : memref<32x144xf32, #tpu.memory_space<vmem>>, vector<1x16xf32>,
      %swap3A_2657 = vector.shape_cast %swap3A_2656 : vector<1x16xf32> to vector<16xf32>
      %swap3A_2658 = vector.shape_cast %get3A_2652 : vector<16xf32> to vector<1x16xf32>
      tpu.vector_store %arg11[%swap3A_2654, %swap3A_2655], %swap3A_2658 {strides = array<i32>} : memref<32x144xf32, #tpu.memory_space<vmem>>, vector<1x16xf32>,
      %get3A_2659 = arith.constant 20 : i32
      %get3A_2660 = arith.index_cast %get3A_2659 : i32 to index
      %get3A_2661 = arith.constant 32 : index
      %get3A_2662 = tpu.vector_load %arg10[%get3A_2660, %get3A_2661] {strides = array<i32>} : memref<32x128xf32, #tpu.memory_space<vmem>>, vector<1x16xf32>,
      %get3A_2663 = vector.shape_cast %get3A_2662 : vector<1x16xf32> to vector<16xf32>
      %swap3A_2664 = arith.constant 20 : i32
      %swap3A_2665 = arith.index_cast %swap3A_2664 : i32 to index
      %swap3A_2666 = arith.constant 32 : index
      %swap3A_2667 = tpu.vector_load %arg11[%swap3A_2665, %swap3A_2666] {strides = array<i32>} : memref<32x144xf32, #tpu.memory_space<vmem>>, vector<1x16xf32>,
      %swap3A_2668 = vector.shape_cast %swap3A_2667 : vector<1x16xf32> to vector<16xf32>
      %swap3A_2669 = vector.shape_cast %get3A_2663 : vector<16xf32> to vector<1x16xf32>
      tpu.vector_store %arg11[%swap3A_2665, %swap3A_2666], %swap3A_2669 {strides = array<i32>} : memref<32x144xf32, #tpu.memory_space<vmem>>, vector<1x16xf32>,
      %get3A_2670 = arith.constant 20 : i32
      %get3A_2671 = arith.index_cast %get3A_2670 : i32 to index
      %get3A_2672 = arith.constant 48 : index
      %get3A_2673 = tpu.vector_load %arg10[%get3A_2671, %get3A_2672] {strides = array<i32>} : memref<32x128xf32, #tpu.memory_space<vmem>>, vector<1x16xf32>,
      %get3A_2674 = vector.shape_cast %get3A_2673 : vector<1x16xf32> to vector<16xf32>
      %swap3A_2675 = arith.constant 20 : i32
      %swap3A_2676 = arith.index_cast %swap3A_2675 : i32 to index
      %swap3A_2677 = arith.constant 48 : index
      %swap3A_2678 = tpu.vector_load %arg11[%swap3A_2676, %swap3A_2677] {strides = array<i32>} : memref<32x144xf32, #tpu.memory_space<vmem>>, vector<1x16xf32>,
      %swap3A_2679 = vector.shape_cast %swap3A_2678 : vector<1x16xf32> to vector<16xf32>
      %swap3A_2680 = vector.shape_cast %get3A_2674 : vector<16xf32> to vector<1x16xf32>
      tpu.vector_store %arg11[%swap3A_2676, %swap3A_2677], %swap3A_2680 {strides = array<i32>} : memref<32x144xf32, #tpu.memory_space<vmem>>, vector<1x16xf32>,
      %get3A_2681 = arith.constant 20 : i32
      %get3A_2682 = arith.index_cast %get3A_2681 : i32 to index
      %get3A_2683 = arith.constant 64 : index
      %get3A_2684 = tpu.vector_load %arg10[%get3A_2682, %get3A_2683] {strides = array<i32>} : memref<32x128xf32, #tpu.memory_space<vmem>>, vector<1x16xf32>,
      %get3A_2685 = vector.shape_cast %get3A_2684 : vector<1x16xf32> to vector<16xf32>
      %swap3A_2686 = arith.constant 20 : i32
      %swap3A_2687 = arith.index_cast %swap3A_2686 : i32 to index
      %swap3A_2688 = arith.constant 64 : index
      %swap3A_2689 = tpu.vector_load %arg11[%swap3A_2687, %swap3A_2688] {strides = array<i32>} : memref<32x144xf32, #tpu.memory_space<vmem>>, vector<1x16xf32>,
      %swap3A_2690 = vector.shape_cast %swap3A_2689 : vector<1x16xf32> to vector<16xf32>
      %swap3A_2691 = vector.shape_cast %get3A_2685 : vector<16xf32> to vector<1x16xf32>
      tpu.vector_store %arg11[%swap3A_2687, %swap3A_2688], %swap3A_2691 {strides = array<i32>} : memref<32x144xf32, #tpu.memory_space<vmem>>, vector<1x16xf32>,
      %get3A_2692 = arith.constant 20 : i32
      %get3A_2693 = arith.index_cast %get3A_2692 : i32 to index
      %get3A_2694 = arith.constant 80 : index
      %get3A_2695 = tpu.vector_load %arg10[%get3A_2693, %get3A_2694] {strides = array<i32>} : memref<32x128xf32, #tpu.memory_space<vmem>>, vector<1x16xf32>,
      %get3A_2696 = vector.shape_cast %get3A_2695 : vector<1x16xf32> to vector<16xf32>
      %swap3A_2697 = arith.constant 20 : i32
      %swap3A_2698 = arith.index_cast %swap3A_2697 : i32 to index
      %swap3A_2699 = arith.constant 80 : index
      %swap3A_2700 = tpu.vector_load %arg11[%swap3A_2698, %swap3A_2699] {strides = array<i32>} : memref<32x144xf32, #tpu.memory_space<vmem>>, vector<1x16xf32>,
      %swap3A_2701 = vector.shape_cast %swap3A_2700 : vector<1x16xf32> to vector<16xf32>
      %swap3A_2702 = vector.shape_cast %get3A_2696 : vector<16xf32> to vector<1x16xf32>
      tpu.vector_store %arg11[%swap3A_2698, %swap3A_2699], %swap3A_2702 {strides = array<i32>} : memref<32x144xf32, #tpu.memory_space<vmem>>, vector<1x16xf32>,
      %get3A_2703 = arith.constant 20 : i32
      %get3A_2704 = arith.index_cast %get3A_2703 : i32 to index
      %get3A_2705 = arith.constant 96 : index
      %get3A_2706 = tpu.vector_load %arg10[%get3A_2704, %get3A_2705] {strides = array<i32>} : memref<32x128xf32, #tpu.memory_space<vmem>>, vector<1x16xf32>,
      %get3A_2707 = vector.shape_cast %get3A_2706 : vector<1x16xf32> to vector<16xf32>
      %swap3A_2708 = arith.constant 20 : i32
      %swap3A_2709 = arith.index_cast %swap3A_2708 : i32 to index
      %swap3A_2710 = arith.constant 96 : index
      %swap3A_2711 = tpu.vector_load %arg11[%swap3A_2709, %swap3A_2710] {strides = array<i32>} : memref<32x144xf32, #tpu.memory_space<vmem>>, vector<1x16xf32>,
      %swap3A_2712 = vector.shape_cast %swap3A_2711 : vector<1x16xf32> to vector<16xf32>
      %swap3A_2713 = vector.shape_cast %get3A_2707 : vector<16xf32> to vector<1x16xf32>
      tpu.vector_store %arg11[%swap3A_2709, %swap3A_2710], %swap3A_2713 {strides = array<i32>} : memref<32x144xf32, #tpu.memory_space<vmem>>, vector<1x16xf32>,
      %get3A_2714 = arith.constant 20 : i32
      %get3A_2715 = arith.index_cast %get3A_2714 : i32 to index
      %get3A_2716 = arith.constant 112 : index
      %get3A_2717 = tpu.vector_load %arg10[%get3A_2715, %get3A_2716] {strides = array<i32>} : memref<32x128xf32, #tpu.memory_space<vmem>>, vector<1x16xf32>,
      %get3A_2718 = vector.shape_cast %get3A_2717 : vector<1x16xf32> to vector<16xf32>
      %swap3A_2719 = arith.constant 20 : i32
      %swap3A_2720 = arith.index_cast %swap3A_2719 : i32 to index
      %swap3A_2721 = arith.constant 112 : index
      %swap3A_2722 = tpu.vector_load %arg11[%swap3A_2720, %swap3A_2721] {strides = array<i32>} : memref<32x144xf32, #tpu.memory_space<vmem>>, vector<1x16xf32>,
      %swap3A_2723 = vector.shape_cast %swap3A_2722 : vector<1x16xf32> to vector<16xf32>
      %swap3A_2724 = vector.shape_cast %get3A_2718 : vector<16xf32> to vector<1x16xf32>
      tpu.vector_store %arg11[%swap3A_2720, %swap3A_2721], %swap3A_2724 {strides = array<i32>} : memref<32x144xf32, #tpu.memory_space<vmem>>, vector<1x16xf32>,
      %get3A_2725 = arith.constant 21 : i32
      %get3A_2726 = arith.index_cast %get3A_2725 : i32 to index
      %get3A_2727 = arith.constant 0 : index
      %get3A_2728 = tpu.vector_load %arg10[%get3A_2726, %get3A_2727] {strides = array<i32>} : memref<32x128xf32, #tpu.memory_space<vmem>>, vector<1x16xf32>,
      %get3A_2729 = vector.shape_cast %get3A_2728 : vector<1x16xf32> to vector<16xf32>
      %swap3A_2730 = arith.constant 21 : i32
      %swap3A_2731 = arith.index_cast %swap3A_2730 : i32 to index
      %swap3A_2732 = arith.constant 0 : index
      %swap3A_2733 = tpu.vector_load %arg11[%swap3A_2731, %swap3A_2732] {strides = array<i32>} : memref<32x144xf32, #tpu.memory_space<vmem>>, vector<1x16xf32>,
      %swap3A_2734 = vector.shape_cast %swap3A_2733 : vector<1x16xf32> to vector<16xf32>
      %swap3A_2735 = vector.shape_cast %get3A_2729 : vector<16xf32> to vector<1x16xf32>
      tpu.vector_store %arg11[%swap3A_2731, %swap3A_2732], %swap3A_2735 {strides = array<i32>} : memref<32x144xf32, #tpu.memory_space<vmem>>, vector<1x16xf32>,
      %get3A_2736 = arith.constant 21 : i32
      %get3A_2737 = arith.index_cast %get3A_2736 : i32 to index
      %get3A_2738 = arith.constant 16 : index
      %get3A_2739 = tpu.vector_load %arg10[%get3A_2737, %get3A_2738] {strides = array<i32>} : memref<32x128xf32, #tpu.memory_space<vmem>>, vector<1x16xf32>,
      %get3A_2740 = vector.shape_cast %get3A_2739 : vector<1x16xf32> to vector<16xf32>
      %swap3A_2741 = arith.constant 21 : i32
      %swap3A_2742 = arith.index_cast %swap3A_2741 : i32 to index
      %swap3A_2743 = arith.constant 16 : index
      %swap3A_2744 = tpu.vector_load %arg11[%swap3A_2742, %swap3A_2743] {strides = array<i32>} : memref<32x144xf32, #tpu.memory_space<vmem>>, vector<1x16xf32>,
      %swap3A_2745 = vector.shape_cast %swap3A_2744 : vector<1x16xf32> to vector<16xf32>
      %swap3A_2746 = vector.shape_cast %get3A_2740 : vector<16xf32> to vector<1x16xf32>
      tpu.vector_store %arg11[%swap3A_2742, %swap3A_2743], %swap3A_2746 {strides = array<i32>} : memref<32x144xf32, #tpu.memory_space<vmem>>, vector<1x16xf32>,
      %get3A_2747 = arith.constant 21 : i32
      %get3A_2748 = arith.index_cast %get3A_2747 : i32 to index
      %get3A_2749 = arith.constant 32 : index
      %get3A_2750 = tpu.vector_load %arg10[%get3A_2748, %get3A_2749] {strides = array<i32>} : memref<32x128xf32, #tpu.memory_space<vmem>>, vector<1x16xf32>,
      %get3A_2751 = vector.shape_cast %get3A_2750 : vector<1x16xf32> to vector<16xf32>
      %swap3A_2752 = arith.constant 21 : i32
      %swap3A_2753 = arith.index_cast %swap3A_2752 : i32 to index
      %swap3A_2754 = arith.constant 32 : index
      %swap3A_2755 = tpu.vector_load %arg11[%swap3A_2753, %swap3A_2754] {strides = array<i32>} : memref<32x144xf32, #tpu.memory_space<vmem>>, vector<1x16xf32>,
      %swap3A_2756 = vector.shape_cast %swap3A_2755 : vector<1x16xf32> to vector<16xf32>
      %swap3A_2757 = vector.shape_cast %get3A_2751 : vector<16xf32> to vector<1x16xf32>
      tpu.vector_store %arg11[%swap3A_2753, %swap3A_2754], %swap3A_2757 {strides = array<i32>} : memref<32x144xf32, #tpu.memory_space<vmem>>, vector<1x16xf32>,
      %get3A_2758 = arith.constant 21 : i32
      %get3A_2759 = arith.index_cast %get3A_2758 : i32 to index
      %get3A_2760 = arith.constant 48 : index
      %get3A_2761 = tpu.vector_load %arg10[%get3A_2759, %get3A_2760] {strides = array<i32>} : memref<32x128xf32, #tpu.memory_space<vmem>>, vector<1x16xf32>,
      %get3A_2762 = vector.shape_cast %get3A_2761 : vector<1x16xf32> to vector<16xf32>
      %swap3A_2763 = arith.constant 21 : i32
      %swap3A_2764 = arith.index_cast %swap3A_2763 : i32 to index
      %swap3A_2765 = arith.constant 48 : index
      %swap3A_2766 = tpu.vector_load %arg11[%swap3A_2764, %swap3A_2765] {strides = array<i32>} : memref<32x144xf32, #tpu.memory_space<vmem>>, vector<1x16xf32>,
      %swap3A_2767 = vector.shape_cast %swap3A_2766 : vector<1x16xf32> to vector<16xf32>
      %swap3A_2768 = vector.shape_cast %get3A_2762 : vector<16xf32> to vector<1x16xf32>
      tpu.vector_store %arg11[%swap3A_2764, %swap3A_2765], %swap3A_2768 {strides = array<i32>} : memref<32x144xf32, #tpu.memory_space<vmem>>, vector<1x16xf32>,
      %get3A_2769 = arith.constant 21 : i32
      %get3A_2770 = arith.index_cast %get3A_2769 : i32 to index
      %get3A_2771 = arith.constant 64 : index
      %get3A_2772 = tpu.vector_load %arg10[%get3A_2770, %get3A_2771] {strides = array<i32>} : memref<32x128xf32, #tpu.memory_space<vmem>>, vector<1x16xf32>,
      %get3A_2773 = vector.shape_cast %get3A_2772 : vector<1x16xf32> to vector<16xf32>
      %swap3A_2774 = arith.constant 21 : i32
      %swap3A_2775 = arith.index_cast %swap3A_2774 : i32 to index
      %swap3A_2776 = arith.constant 64 : index
      %swap3A_2777 = tpu.vector_load %arg11[%swap3A_2775, %swap3A_2776] {strides = array<i32>} : memref<32x144xf32, #tpu.memory_space<vmem>>, vector<1x16xf32>,
      %swap3A_2778 = vector.shape_cast %swap3A_2777 : vector<1x16xf32> to vector<16xf32>
      %swap3A_2779 = vector.shape_cast %get3A_2773 : vector<16xf32> to vector<1x16xf32>
      tpu.vector_store %arg11[%swap3A_2775, %swap3A_2776], %swap3A_2779 {strides = array<i32>} : memref<32x144xf32, #tpu.memory_space<vmem>>, vector<1x16xf32>,
      %get3A_2780 = arith.constant 21 : i32
      %get3A_2781 = arith.index_cast %get3A_2780 : i32 to index
      %get3A_2782 = arith.constant 80 : index
      %get3A_2783 = tpu.vector_load %arg10[%get3A_2781, %get3A_2782] {strides = array<i32>} : memref<32x128xf32, #tpu.memory_space<vmem>>, vector<1x16xf32>,
      %get3A_2784 = vector.shape_cast %get3A_2783 : vector<1x16xf32> to vector<16xf32>
      %swap3A_2785 = arith.constant 21 : i32
      %swap3A_2786 = arith.index_cast %swap3A_2785 : i32 to index
      %swap3A_2787 = arith.constant 80 : index
      %swap3A_2788 = tpu.vector_load %arg11[%swap3A_2786, %swap3A_2787] {strides = array<i32>} : memref<32x144xf32, #tpu.memory_space<vmem>>, vector<1x16xf32>,
      %swap3A_2789 = vector.shape_cast %swap3A_2788 : vector<1x16xf32> to vector<16xf32>
      %swap3A_2790 = vector.shape_cast %get3A_2784 : vector<16xf32> to vector<1x16xf32>
      tpu.vector_store %arg11[%swap3A_2786, %swap3A_2787], %swap3A_2790 {strides = array<i32>} : memref<32x144xf32, #tpu.memory_space<vmem>>, vector<1x16xf32>,
      %get3A_2791 = arith.constant 21 : i32
      %get3A_2792 = arith.index_cast %get3A_2791 : i32 to index
      %get3A_2793 = arith.constant 96 : index
      %get3A_2794 = tpu.vector_load %arg10[%get3A_2792, %get3A_2793] {strides = array<i32>} : memref<32x128xf32, #tpu.memory_space<vmem>>, vector<1x16xf32>,
      %get3A_2795 = vector.shape_cast %get3A_2794 : vector<1x16xf32> to vector<16xf32>
      %swap3A_2796 = arith.constant 21 : i32
      %swap3A_2797 = arith.index_cast %swap3A_2796 : i32 to index
      %swap3A_2798 = arith.constant 96 : index
      %swap3A_2799 = tpu.vector_load %arg11[%swap3A_2797, %swap3A_2798] {strides = array<i32>} : memref<32x144xf32, #tpu.memory_space<vmem>>, vector<1x16xf32>,
      %swap3A_2800 = vector.shape_cast %swap3A_2799 : vector<1x16xf32> to vector<16xf32>
      %swap3A_2801 = vector.shape_cast %get3A_2795 : vector<16xf32> to vector<1x16xf32>
      tpu.vector_store %arg11[%swap3A_2797, %swap3A_2798], %swap3A_2801 {strides = array<i32>} : memref<32x144xf32, #tpu.memory_space<vmem>>, vector<1x16xf32>,
      %get3A_2802 = arith.constant 21 : i32
      %get3A_2803 = arith.index_cast %get3A_2802 : i32 to index
      %get3A_2804 = arith.constant 112 : index
      %get3A_2805 = tpu.vector_load %arg10[%get3A_2803, %get3A_2804] {strides = array<i32>} : memref<32x128xf32, #tpu.memory_space<vmem>>, vector<1x16xf32>,
      %get3A_2806 = vector.shape_cast %get3A_2805 : vector<1x16xf32> to vector<16xf32>
      %swap3A_2807 = arith.constant 21 : i32
      %swap3A_2808 = arith.index_cast %swap3A_2807 : i32 to index
      %swap3A_2809 = arith.constant 112 : index
      %swap3A_2810 = tpu.vector_load %arg11[%swap3A_2808, %swap3A_2809] {strides = array<i32>} : memref<32x144xf32, #tpu.memory_space<vmem>>, vector<1x16xf32>,
      %swap3A_2811 = vector.shape_cast %swap3A_2810 : vector<1x16xf32> to vector<16xf32>
      %swap3A_2812 = vector.shape_cast %get3A_2806 : vector<16xf32> to vector<1x16xf32>
      tpu.vector_store %arg11[%swap3A_2808, %swap3A_2809], %swap3A_2812 {strides = array<i32>} : memref<32x144xf32, #tpu.memory_space<vmem>>, vector<1x16xf32>,
      %get3A_2813 = arith.constant 22 : i32
      %get3A_2814 = arith.index_cast %get3A_2813 : i32 to index
      %get3A_2815 = arith.constant 0 : index
      %get3A_2816 = tpu.vector_load %arg10[%get3A_2814, %get3A_2815] {strides = array<i32>} : memref<32x128xf32, #tpu.memory_space<vmem>>, vector<1x16xf32>,
      %get3A_2817 = vector.shape_cast %get3A_2816 : vector<1x16xf32> to vector<16xf32>
      %swap3A_2818 = arith.constant 22 : i32
      %swap3A_2819 = arith.index_cast %swap3A_2818 : i32 to index
      %swap3A_2820 = arith.constant 0 : index
      %swap3A_2821 = tpu.vector_load %arg11[%swap3A_2819, %swap3A_2820] {strides = array<i32>} : memref<32x144xf32, #tpu.memory_space<vmem>>, vector<1x16xf32>,
      %swap3A_2822 = vector.shape_cast %swap3A_2821 : vector<1x16xf32> to vector<16xf32>
      %swap3A_2823 = vector.shape_cast %get3A_2817 : vector<16xf32> to vector<1x16xf32>
      tpu.vector_store %arg11[%swap3A_2819, %swap3A_2820], %swap3A_2823 {strides = array<i32>} : memref<32x144xf32, #tpu.memory_space<vmem>>, vector<1x16xf32>,
      %get3A_2824 = arith.constant 22 : i32
      %get3A_2825 = arith.index_cast %get3A_2824 : i32 to index
      %get3A_2826 = arith.constant 16 : index
      %get3A_2827 = tpu.vector_load %arg10[%get3A_2825, %get3A_2826] {strides = array<i32>} : memref<32x128xf32, #tpu.memory_space<vmem>>, vector<1x16xf32>,
      %get3A_2828 = vector.shape_cast %get3A_2827 : vector<1x16xf32> to vector<16xf32>
      %swap3A_2829 = arith.constant 22 : i32
      %swap3A_2830 = arith.index_cast %swap3A_2829 : i32 to index
      %swap3A_2831 = arith.constant 16 : index
      %swap3A_2832 = tpu.vector_load %arg11[%swap3A_2830, %swap3A_2831] {strides = array<i32>} : memref<32x144xf32, #tpu.memory_space<vmem>>, vector<1x16xf32>,
      %swap3A_2833 = vector.shape_cast %swap3A_2832 : vector<1x16xf32> to vector<16xf32>
      %swap3A_2834 = vector.shape_cast %get3A_2828 : vector<16xf32> to vector<1x16xf32>
      tpu.vector_store %arg11[%swap3A_2830, %swap3A_2831], %swap3A_2834 {strides = array<i32>} : memref<32x144xf32, #tpu.memory_space<vmem>>, vector<1x16xf32>,
      %get3A_2835 = arith.constant 22 : i32
      %get3A_2836 = arith.index_cast %get3A_2835 : i32 to index
      %get3A_2837 = arith.constant 32 : index
      %get3A_2838 = tpu.vector_load %arg10[%get3A_2836, %get3A_2837] {strides = array<i32>} : memref<32x128xf32, #tpu.memory_space<vmem>>, vector<1x16xf32>,
      %get3A_2839 = vector.shape_cast %get3A_2838 : vector<1x16xf32> to vector<16xf32>
      %swap3A_2840 = arith.constant 22 : i32
      %swap3A_2841 = arith.index_cast %swap3A_2840 : i32 to index
      %swap3A_2842 = arith.constant 32 : index
      %swap3A_2843 = tpu.vector_load %arg11[%swap3A_2841, %swap3A_2842] {strides = array<i32>} : memref<32x144xf32, #tpu.memory_space<vmem>>, vector<1x16xf32>,
      %swap3A_2844 = vector.shape_cast %swap3A_2843 : vector<1x16xf32> to vector<16xf32>
      %swap3A_2845 = vector.shape_cast %get3A_2839 : vector<16xf32> to vector<1x16xf32>
      tpu.vector_store %arg11[%swap3A_2841, %swap3A_2842], %swap3A_2845 {strides = array<i32>} : memref<32x144xf32, #tpu.memory_space<vmem>>, vector<1x16xf32>,
      %get3A_2846 = arith.constant 22 : i32
      %get3A_2847 = arith.index_cast %get3A_2846 : i32 to index
      %get3A_2848 = arith.constant 48 : index
      %get3A_2849 = tpu.vector_load %arg10[%get3A_2847, %get3A_2848] {strides = array<i32>} : memref<32x128xf32, #tpu.memory_space<vmem>>, vector<1x16xf32>,
      %get3A_2850 = vector.shape_cast %get3A_2849 : vector<1x16xf32> to vector<16xf32>
      %swap3A_2851 = arith.constant 22 : i32
      %swap3A_2852 = arith.index_cast %swap3A_2851 : i32 to index
      %swap3A_2853 = arith.constant 48 : index
      %swap3A_2854 = tpu.vector_load %arg11[%swap3A_2852, %swap3A_2853] {strides = array<i32>} : memref<32x144xf32, #tpu.memory_space<vmem>>, vector<1x16xf32>,
      %swap3A_2855 = vector.shape_cast %swap3A_2854 : vector<1x16xf32> to vector<16xf32>
      %swap3A_2856 = vector.shape_cast %get3A_2850 : vector<16xf32> to vector<1x16xf32>
      tpu.vector_store %arg11[%swap3A_2852, %swap3A_2853], %swap3A_2856 {strides = array<i32>} : memref<32x144xf32, #tpu.memory_space<vmem>>, vector<1x16xf32>,
      %get3A_2857 = arith.constant 22 : i32
      %get3A_2858 = arith.index_cast %get3A_2857 : i32 to index
      %get3A_2859 = arith.constant 64 : index
      %get3A_2860 = tpu.vector_load %arg10[%get3A_2858, %get3A_2859] {strides = array<i32>} : memref<32x128xf32, #tpu.memory_space<vmem>>, vector<1x16xf32>,
      %get3A_2861 = vector.shape_cast %get3A_2860 : vector<1x16xf32> to vector<16xf32>
      %swap3A_2862 = arith.constant 22 : i32
      %swap3A_2863 = arith.index_cast %swap3A_2862 : i32 to index
      %swap3A_2864 = arith.constant 64 : index
      %swap3A_2865 = tpu.vector_load %arg11[%swap3A_2863, %swap3A_2864] {strides = array<i32>} : memref<32x144xf32, #tpu.memory_space<vmem>>, vector<1x16xf32>,
      %swap3A_2866 = vector.shape_cast %swap3A_2865 : vector<1x16xf32> to vector<16xf32>
      %swap3A_2867 = vector.shape_cast %get3A_2861 : vector<16xf32> to vector<1x16xf32>
      tpu.vector_store %arg11[%swap3A_2863, %swap3A_2864], %swap3A_2867 {strides = array<i32>} : memref<32x144xf32, #tpu.memory_space<vmem>>, vector<1x16xf32>,
      %get3A_2868 = arith.constant 22 : i32
      %get3A_2869 = arith.index_cast %get3A_2868 : i32 to index
      %get3A_2870 = arith.constant 80 : index
      %get3A_2871 = tpu.vector_load %arg10[%get3A_2869, %get3A_2870] {strides = array<i32>} : memref<32x128xf32, #tpu.memory_space<vmem>>, vector<1x16xf32>,
      %get3A_2872 = vector.shape_cast %get3A_2871 : vector<1x16xf32> to vector<16xf32>
      %swap3A_2873 = arith.constant 22 : i32
      %swap3A_2874 = arith.index_cast %swap3A_2873 : i32 to index
      %swap3A_2875 = arith.constant 80 : index
      %swap3A_2876 = tpu.vector_load %arg11[%swap3A_2874, %swap3A_2875] {strides = array<i32>} : memref<32x144xf32, #tpu.memory_space<vmem>>, vector<1x16xf32>,
      %swap3A_2877 = vector.shape_cast %swap3A_2876 : vector<1x16xf32> to vector<16xf32>
      %swap3A_2878 = vector.shape_cast %get3A_2872 : vector<16xf32> to vector<1x16xf32>
      tpu.vector_store %arg11[%swap3A_2874, %swap3A_2875], %swap3A_2878 {strides = array<i32>} : memref<32x144xf32, #tpu.memory_space<vmem>>, vector<1x16xf32>,
      %get3A_2879 = arith.constant 22 : i32
      %get3A_2880 = arith.index_cast %get3A_2879 : i32 to index
      %get3A_2881 = arith.constant 96 : index
      %get3A_2882 = tpu.vector_load %arg10[%get3A_2880, %get3A_2881] {strides = array<i32>} : memref<32x128xf32, #tpu.memory_space<vmem>>, vector<1x16xf32>,
      %get3A_2883 = vector.shape_cast %get3A_2882 : vector<1x16xf32> to vector<16xf32>
      %swap3A_2884 = arith.constant 22 : i32
      %swap3A_2885 = arith.index_cast %swap3A_2884 : i32 to index
      %swap3A_2886 = arith.constant 96 : index
      %swap3A_2887 = tpu.vector_load %arg11[%swap3A_2885, %swap3A_2886] {strides = array<i32>} : memref<32x144xf32, #tpu.memory_space<vmem>>, vector<1x16xf32>,
      %swap3A_2888 = vector.shape_cast %swap3A_2887 : vector<1x16xf32> to vector<16xf32>
      %swap3A_2889 = vector.shape_cast %get3A_2883 : vector<16xf32> to vector<1x16xf32>
      tpu.vector_store %arg11[%swap3A_2885, %swap3A_2886], %swap3A_2889 {strides = array<i32>} : memref<32x144xf32, #tpu.memory_space<vmem>>, vector<1x16xf32>,
      %get3A_2890 = arith.constant 22 : i32
      %get3A_2891 = arith.index_cast %get3A_2890 : i32 to index
      %get3A_2892 = arith.constant 112 : index
      %get3A_2893 = tpu.vector_load %arg10[%get3A_2891, %get3A_2892] {strides = array<i32>} : memref<32x128xf32, #tpu.memory_space<vmem>>, vector<1x16xf32>,
      %get3A_2894 = vector.shape_cast %get3A_2893 : vector<1x16xf32> to vector<16xf32>
      %swap3A_2895 = arith.constant 22 : i32
      %swap3A_2896 = arith.index_cast %swap3A_2895 : i32 to index
      %swap3A_2897 = arith.constant 112 : index
      %swap3A_2898 = tpu.vector_load %arg11[%swap3A_2896, %swap3A_2897] {strides = array<i32>} : memref<32x144xf32, #tpu.memory_space<vmem>>, vector<1x16xf32>,
      %swap3A_2899 = vector.shape_cast %swap3A_2898 : vector<1x16xf32> to vector<16xf32>
      %swap3A_2900 = vector.shape_cast %get3A_2894 : vector<16xf32> to vector<1x16xf32>
      tpu.vector_store %arg11[%swap3A_2896, %swap3A_2897], %swap3A_2900 {strides = array<i32>} : memref<32x144xf32, #tpu.memory_space<vmem>>, vector<1x16xf32>,
      %get3A_2901 = arith.constant 23 : i32
      %get3A_2902 = arith.index_cast %get3A_2901 : i32 to index
      %get3A_2903 = arith.constant 0 : index
      %get3A_2904 = tpu.vector_load %arg10[%get3A_2902, %get3A_2903] {strides = array<i32>} : memref<32x128xf32, #tpu.memory_space<vmem>>, vector<1x16xf32>,
      %get3A_2905 = vector.shape_cast %get3A_2904 : vector<1x16xf32> to vector<16xf32>
      %swap3A_2906 = arith.constant 23 : i32
      %swap3A_2907 = arith.index_cast %swap3A_2906 : i32 to index
      %swap3A_2908 = arith.constant 0 : index
      %swap3A_2909 = tpu.vector_load %arg11[%swap3A_2907, %swap3A_2908] {strides = array<i32>} : memref<32x144xf32, #tpu.memory_space<vmem>>, vector<1x16xf32>,
      %swap3A_2910 = vector.shape_cast %swap3A_2909 : vector<1x16xf32> to vector<16xf32>
      %swap3A_2911 = vector.shape_cast %get3A_2905 : vector<16xf32> to vector<1x16xf32>
      tpu.vector_store %arg11[%swap3A_2907, %swap3A_2908], %swap3A_2911 {strides = array<i32>} : memref<32x144xf32, #tpu.memory_space<vmem>>, vector<1x16xf32>,
      %get3A_2912 = arith.constant 23 : i32
      %get3A_2913 = arith.index_cast %get3A_2912 : i32 to index
      %get3A_2914 = arith.constant 16 : index
      %get3A_2915 = tpu.vector_load %arg10[%get3A_2913, %get3A_2914] {strides = array<i32>} : memref<32x128xf32, #tpu.memory_space<vmem>>, vector<1x16xf32>,
      %get3A_2916 = vector.shape_cast %get3A_2915 : vector<1x16xf32> to vector<16xf32>
      %swap3A_2917 = arith.constant 23 : i32
      %swap3A_2918 = arith.index_cast %swap3A_2917 : i32 to index
      %swap3A_2919 = arith.constant 16 : index
      %swap3A_2920 = tpu.vector_load %arg11[%swap3A_2918, %swap3A_2919] {strides = array<i32>} : memref<32x144xf32, #tpu.memory_space<vmem>>, vector<1x16xf32>,
      %swap3A_2921 = vector.shape_cast %swap3A_2920 : vector<1x16xf32> to vector<16xf32>
      %swap3A_2922 = vector.shape_cast %get3A_2916 : vector<16xf32> to vector<1x16xf32>
      tpu.vector_store %arg11[%swap3A_2918, %swap3A_2919], %swap3A_2922 {strides = array<i32>} : memref<32x144xf32, #tpu.memory_space<vmem>>, vector<1x16xf32>,
      %get3A_2923 = arith.constant 23 : i32
      %get3A_2924 = arith.index_cast %get3A_2923 : i32 to index
      %get3A_2925 = arith.constant 32 : index
      %get3A_2926 = tpu.vector_load %arg10[%get3A_2924, %get3A_2925] {strides = array<i32>} : memref<32x128xf32, #tpu.memory_space<vmem>>, vector<1x16xf32>,
      %get3A_2927 = vector.shape_cast %get3A_2926 : vector<1x16xf32> to vector<16xf32>
      %swap3A_2928 = arith.constant 23 : i32
      %swap3A_2929 = arith.index_cast %swap3A_2928 : i32 to index
      %swap3A_2930 = arith.constant 32 : index
      %swap3A_2931 = tpu.vector_load %arg11[%swap3A_2929, %swap3A_2930] {strides = array<i32>} : memref<32x144xf32, #tpu.memory_space<vmem>>, vector<1x16xf32>,
      %swap3A_2932 = vector.shape_cast %swap3A_2931 : vector<1x16xf32> to vector<16xf32>
      %swap3A_2933 = vector.shape_cast %get3A_2927 : vector<16xf32> to vector<1x16xf32>
      tpu.vector_store %arg11[%swap3A_2929, %swap3A_2930], %swap3A_2933 {strides = array<i32>} : memref<32x144xf32, #tpu.memory_space<vmem>>, vector<1x16xf32>,
      %get3A_2934 = arith.constant 23 : i32
      %get3A_2935 = arith.index_cast %get3A_2934 : i32 to index
      %get3A_2936 = arith.constant 48 : index
      %get3A_2937 = tpu.vector_load %arg10[%get3A_2935, %get3A_2936] {strides = array<i32>} : memref<32x128xf32, #tpu.memory_space<vmem>>, vector<1x16xf32>,
      %get3A_2938 = vector.shape_cast %get3A_2937 : vector<1x16xf32> to vector<16xf32>
      %swap3A_2939 = arith.constant 23 : i32
      %swap3A_2940 = arith.index_cast %swap3A_2939 : i32 to index
      %swap3A_2941 = arith.constant 48 : index
      %swap3A_2942 = tpu.vector_load %arg11[%swap3A_2940, %swap3A_2941] {strides = array<i32>} : memref<32x144xf32, #tpu.memory_space<vmem>>, vector<1x16xf32>,
      %swap3A_2943 = vector.shape_cast %swap3A_2942 : vector<1x16xf32> to vector<16xf32>
      %swap3A_2944 = vector.shape_cast %get3A_2938 : vector<16xf32> to vector<1x16xf32>
      tpu.vector_store %arg11[%swap3A_2940, %swap3A_2941], %swap3A_2944 {strides = array<i32>} : memref<32x144xf32, #tpu.memory_space<vmem>>, vector<1x16xf32>,
      %get3A_2945 = arith.constant 23 : i32
      %get3A_2946 = arith.index_cast %get3A_2945 : i32 to index
      %get3A_2947 = arith.constant 64 : index
      %get3A_2948 = tpu.vector_load %arg10[%get3A_2946, %get3A_2947] {strides = array<i32>} : memref<32x128xf32, #tpu.memory_space<vmem>>, vector<1x16xf32>,
      %get3A_2949 = vector.shape_cast %get3A_2948 : vector<1x16xf32> to vector<16xf32>
      %swap3A_2950 = arith.constant 23 : i32
      %swap3A_2951 = arith.index_cast %swap3A_2950 : i32 to index
      %swap3A_2952 = arith.constant 64 : index
      %swap3A_2953 = tpu.vector_load %arg11[%swap3A_2951, %swap3A_2952] {strides = array<i32>} : memref<32x144xf32, #tpu.memory_space<vmem>>, vector<1x16xf32>,
      %swap3A_2954 = vector.shape_cast %swap3A_2953 : vector<1x16xf32> to vector<16xf32>
      %swap3A_2955 = vector.shape_cast %get3A_2949 : vector<16xf32> to vector<1x16xf32>
      tpu.vector_store %arg11[%swap3A_2951, %swap3A_2952], %swap3A_2955 {strides = array<i32>} : memref<32x144xf32, #tpu.memory_space<vmem>>, vector<1x16xf32>,
      %get3A_2956 = arith.constant 23 : i32
      %get3A_2957 = arith.index_cast %get3A_2956 : i32 to index
      %get3A_2958 = arith.constant 80 : index
      %get3A_2959 = tpu.vector_load %arg10[%get3A_2957, %get3A_2958] {strides = array<i32>} : memref<32x128xf32, #tpu.memory_space<vmem>>, vector<1x16xf32>,
      %get3A_2960 = vector.shape_cast %get3A_2959 : vector<1x16xf32> to vector<16xf32>
      %swap3A_2961 = arith.constant 23 : i32
      %swap3A_2962 = arith.index_cast %swap3A_2961 : i32 to index
      %swap3A_2963 = arith.constant 80 : index
      %swap3A_2964 = tpu.vector_load %arg11[%swap3A_2962, %swap3A_2963] {strides = array<i32>} : memref<32x144xf32, #tpu.memory_space<vmem>>, vector<1x16xf32>,
      %swap3A_2965 = vector.shape_cast %swap3A_2964 : vector<1x16xf32> to vector<16xf32>
      %swap3A_2966 = vector.shape_cast %get3A_2960 : vector<16xf32> to vector<1x16xf32>
      tpu.vector_store %arg11[%swap3A_2962, %swap3A_2963], %swap3A_2966 {strides = array<i32>} : memref<32x144xf32, #tpu.memory_space<vmem>>, vector<1x16xf32>,
      %get3A_2967 = arith.constant 23 : i32
      %get3A_2968 = arith.index_cast %get3A_2967 : i32 to index
      %get3A_2969 = arith.constant 96 : index
      %get3A_2970 = tpu.vector_load %arg10[%get3A_2968, %get3A_2969] {strides = array<i32>} : memref<32x128xf32, #tpu.memory_space<vmem>>, vector<1x16xf32>,
      %get3A_2971 = vector.shape_cast %get3A_2970 : vector<1x16xf32> to vector<16xf32>
      %swap3A_2972 = arith.constant 23 : i32
      %swap3A_2973 = arith.index_cast %swap3A_2972 : i32 to index
      %swap3A_2974 = arith.constant 96 : index
      %swap3A_2975 = tpu.vector_load %arg11[%swap3A_2973, %swap3A_2974] {strides = array<i32>} : memref<32x144xf32, #tpu.memory_space<vmem>>, vector<1x16xf32>,
      %swap3A_2976 = vector.shape_cast %swap3A_2975 : vector<1x16xf32> to vector<16xf32>
      %swap3A_2977 = vector.shape_cast %get3A_2971 : vector<16xf32> to vector<1x16xf32>
      tpu.vector_store %arg11[%swap3A_2973, %swap3A_2974], %swap3A_2977 {strides = array<i32>} : memref<32x144xf32, #tpu.memory_space<vmem>>, vector<1x16xf32>,
      %get3A_2978 = arith.constant 23 : i32
      %get3A_2979 = arith.index_cast %get3A_2978 : i32 to index
      %get3A_2980 = arith.constant 112 : index
      %get3A_2981 = tpu.vector_load %arg10[%get3A_2979, %get3A_2980] {strides = array<i32>} : memref<32x128xf32, #tpu.memory_space<vmem>>, vector<1x16xf32>,
      %get3A_2982 = vector.shape_cast %get3A_2981 : vector<1x16xf32> to vector<16xf32>
      %swap3A_2983 = arith.constant 23 : i32
      %swap3A_2984 = arith.index_cast %swap3A_2983 : i32 to index
      %swap3A_2985 = arith.constant 112 : index
      %swap3A_2986 = tpu.vector_load %arg11[%swap3A_2984, %swap3A_2985] {strides = array<i32>} : memref<32x144xf32, #tpu.memory_space<vmem>>, vector<1x16xf32>,
      %swap3A_2987 = vector.shape_cast %swap3A_2986 : vector<1x16xf32> to vector<16xf32>
      %swap3A_2988 = vector.shape_cast %get3A_2982 : vector<16xf32> to vector<1x16xf32>
      tpu.vector_store %arg11[%swap3A_2984, %swap3A_2985], %swap3A_2988 {strides = array<i32>} : memref<32x144xf32, #tpu.memory_space<vmem>>, vector<1x16xf32>,
      %get3A_2989 = arith.constant 24 : i32
      %get3A_2990 = arith.index_cast %get3A_2989 : i32 to index
      %get3A_2991 = arith.constant 0 : index
      %get3A_2992 = tpu.vector_load %arg10[%get3A_2990, %get3A_2991] {strides = array<i32>} : memref<32x128xf32, #tpu.memory_space<vmem>>, vector<1x16xf32>,
      %get3A_2993 = vector.shape_cast %get3A_2992 : vector<1x16xf32> to vector<16xf32>
      %swap3A_2994 = arith.constant 24 : i32
      %swap3A_2995 = arith.index_cast %swap3A_2994 : i32 to index
      %swap3A_2996 = arith.constant 0 : index
      %swap3A_2997 = tpu.vector_load %arg11[%swap3A_2995, %swap3A_2996] {strides = array<i32>} : memref<32x144xf32, #tpu.memory_space<vmem>>, vector<1x16xf32>,
      %swap3A_2998 = vector.shape_cast %swap3A_2997 : vector<1x16xf32> to vector<16xf32>
      %swap3A_2999 = vector.shape_cast %get3A_2993 : vector<16xf32> to vector<1x16xf32>
      tpu.vector_store %arg11[%swap3A_2995, %swap3A_2996], %swap3A_2999 {strides = array<i32>} : memref<32x144xf32, #tpu.memory_space<vmem>>, vector<1x16xf32>,
      %get3A_3000 = arith.constant 24 : i32
      %get3A_3001 = arith.index_cast %get3A_3000 : i32 to index
      %get3A_3002 = arith.constant 16 : index
      %get3A_3003 = tpu.vector_load %arg10[%get3A_3001, %get3A_3002] {strides = array<i32>} : memref<32x128xf32, #tpu.memory_space<vmem>>, vector<1x16xf32>,
      %get3A_3004 = vector.shape_cast %get3A_3003 : vector<1x16xf32> to vector<16xf32>
      %swap3A_3005 = arith.constant 24 : i32
      %swap3A_3006 = arith.index_cast %swap3A_3005 : i32 to index
      %swap3A_3007 = arith.constant 16 : index
      %swap3A_3008 = tpu.vector_load %arg11[%swap3A_3006, %swap3A_3007] {strides = array<i32>} : memref<32x144xf32, #tpu.memory_space<vmem>>, vector<1x16xf32>,
      %swap3A_3009 = vector.shape_cast %swap3A_3008 : vector<1x16xf32> to vector<16xf32>
      %swap3A_3010 = vector.shape_cast %get3A_3004 : vector<16xf32> to vector<1x16xf32>
      tpu.vector_store %arg11[%swap3A_3006, %swap3A_3007], %swap3A_3010 {strides = array<i32>} : memref<32x144xf32, #tpu.memory_space<vmem>>, vector<1x16xf32>,
      %get3A_3011 = arith.constant 24 : i32
      %get3A_3012 = arith.index_cast %get3A_3011 : i32 to index
      %get3A_3013 = arith.constant 32 : index
      %get3A_3014 = tpu.vector_load %arg10[%get3A_3012, %get3A_3013] {strides = array<i32>} : memref<32x128xf32, #tpu.memory_space<vmem>>, vector<1x16xf32>,
      %get3A_3015 = vector.shape_cast %get3A_3014 : vector<1x16xf32> to vector<16xf32>
      %swap3A_3016 = arith.constant 24 : i32
      %swap3A_3017 = arith.index_cast %swap3A_3016 : i32 to index
      %swap3A_3018 = arith.constant 32 : index
      %swap3A_3019 = tpu.vector_load %arg11[%swap3A_3017, %swap3A_3018] {strides = array<i32>} : memref<32x144xf32, #tpu.memory_space<vmem>>, vector<1x16xf32>,
      %swap3A_3020 = vector.shape_cast %swap3A_3019 : vector<1x16xf32> to vector<16xf32>
      %swap3A_3021 = vector.shape_cast %get3A_3015 : vector<16xf32> to vector<1x16xf32>
      tpu.vector_store %arg11[%swap3A_3017, %swap3A_3018], %swap3A_3021 {strides = array<i32>} : memref<32x144xf32, #tpu.memory_space<vmem>>, vector<1x16xf32>,
      %get3A_3022 = arith.constant 24 : i32
      %get3A_3023 = arith.index_cast %get3A_3022 : i32 to index
      %get3A_3024 = arith.constant 48 : index
      %get3A_3025 = tpu.vector_load %arg10[%get3A_3023, %get3A_3024] {strides = array<i32>} : memref<32x128xf32, #tpu.memory_space<vmem>>, vector<1x16xf32>,
      %get3A_3026 = vector.shape_cast %get3A_3025 : vector<1x16xf32> to vector<16xf32>
      %swap3A_3027 = arith.constant 24 : i32
      %swap3A_3028 = arith.index_cast %swap3A_3027 : i32 to index
      %swap3A_3029 = arith.constant 48 : index
      %swap3A_3030 = tpu.vector_load %arg11[%swap3A_3028, %swap3A_3029] {strides = array<i32>} : memref<32x144xf32, #tpu.memory_space<vmem>>, vector<1x16xf32>,
      %swap3A_3031 = vector.shape_cast %swap3A_3030 : vector<1x16xf32> to vector<16xf32>
      %swap3A_3032 = vector.shape_cast %get3A_3026 : vector<16xf32> to vector<1x16xf32>
      tpu.vector_store %arg11[%swap3A_3028, %swap3A_3029], %swap3A_3032 {strides = array<i32>} : memref<32x144xf32, #tpu.memory_space<vmem>>, vector<1x16xf32>,
      %get3A_3033 = arith.constant 24 : i32
      %get3A_3034 = arith.index_cast %get3A_3033 : i32 to index
      %get3A_3035 = arith.constant 64 : index
      %get3A_3036 = tpu.vector_load %arg10[%get3A_3034, %get3A_3035] {strides = array<i32>} : memref<32x128xf32, #tpu.memory_space<vmem>>, vector<1x16xf32>,
      %get3A_3037 = vector.shape_cast %get3A_3036 : vector<1x16xf32> to vector<16xf32>
      %swap3A_3038 = arith.constant 24 : i32
      %swap3A_3039 = arith.index_cast %swap3A_3038 : i32 to index
      %swap3A_3040 = arith.constant 64 : index
      %swap3A_3041 = tpu.vector_load %arg11[%swap3A_3039, %swap3A_3040] {strides = array<i32>} : memref<32x144xf32, #tpu.memory_space<vmem>>, vector<1x16xf32>,
      %swap3A_3042 = vector.shape_cast %swap3A_3041 : vector<1x16xf32> to vector<16xf32>
      %swap3A_3043 = vector.shape_cast %get3A_3037 : vector<16xf32> to vector<1x16xf32>
      tpu.vector_store %arg11[%swap3A_3039, %swap3A_3040], %swap3A_3043 {strides = array<i32>} : memref<32x144xf32, #tpu.memory_space<vmem>>, vector<1x16xf32>,
      %get3A_3044 = arith.constant 24 : i32
      %get3A_3045 = arith.index_cast %get3A_3044 : i32 to index
      %get3A_3046 = arith.constant 80 : index
      %get3A_3047 = tpu.vector_load %arg10[%get3A_3045, %get3A_3046] {strides = array<i32>} : memref<32x128xf32, #tpu.memory_space<vmem>>, vector<1x16xf32>,
      %get3A_3048 = vector.shape_cast %get3A_3047 : vector<1x16xf32> to vector<16xf32>
      %swap3A_3049 = arith.constant 24 : i32
      %swap3A_3050 = arith.index_cast %swap3A_3049 : i32 to index
      %swap3A_3051 = arith.constant 80 : index
      %swap3A_3052 = tpu.vector_load %arg11[%swap3A_3050, %swap3A_3051] {strides = array<i32>} : memref<32x144xf32, #tpu.memory_space<vmem>>, vector<1x16xf32>,
      %swap3A_3053 = vector.shape_cast %swap3A_3052 : vector<1x16xf32> to vector<16xf32>
      %swap3A_3054 = vector.shape_cast %get3A_3048 : vector<16xf32> to vector<1x16xf32>
      tpu.vector_store %arg11[%swap3A_3050, %swap3A_3051], %swap3A_3054 {strides = array<i32>} : memref<32x144xf32, #tpu.memory_space<vmem>>, vector<1x16xf32>,
      %get3A_3055 = arith.constant 24 : i32
      %get3A_3056 = arith.index_cast %get3A_3055 : i32 to index
      %get3A_3057 = arith.constant 96 : index
      %get3A_3058 = tpu.vector_load %arg10[%get3A_3056, %get3A_3057] {strides = array<i32>} : memref<32x128xf32, #tpu.memory_space<vmem>>, vector<1x16xf32>,
      %get3A_3059 = vector.shape_cast %get3A_3058 : vector<1x16xf32> to vector<16xf32>
      %swap3A_3060 = arith.constant 24 : i32
      %swap3A_3061 = arith.index_cast %swap3A_3060 : i32 to index
      %swap3A_3062 = arith.constant 96 : index
      %swap3A_3063 = tpu.vector_load %arg11[%swap3A_3061, %swap3A_3062] {strides = array<i32>} : memref<32x144xf32, #tpu.memory_space<vmem>>, vector<1x16xf32>,
      %swap3A_3064 = vector.shape_cast %swap3A_3063 : vector<1x16xf32> to vector<16xf32>
      %swap3A_3065 = vector.shape_cast %get3A_3059 : vector<16xf32> to vector<1x16xf32>
      tpu.vector_store %arg11[%swap3A_3061, %swap3A_3062], %swap3A_3065 {strides = array<i32>} : memref<32x144xf32, #tpu.memory_space<vmem>>, vector<1x16xf32>,
      %get3A_3066 = arith.constant 24 : i32
      %get3A_3067 = arith.index_cast %get3A_3066 : i32 to index
      %get3A_3068 = arith.constant 112 : index
      %get3A_3069 = tpu.vector_load %arg10[%get3A_3067, %get3A_3068] {strides = array<i32>} : memref<32x128xf32, #tpu.memory_space<vmem>>, vector<1x16xf32>,
      %get3A_3070 = vector.shape_cast %get3A_3069 : vector<1x16xf32> to vector<16xf32>
      %swap3A_3071 = arith.constant 24 : i32
      %swap3A_3072 = arith.index_cast %swap3A_3071 : i32 to index
      %swap3A_3073 = arith.constant 112 : index
      %swap3A_3074 = tpu.vector_load %arg11[%swap3A_3072, %swap3A_3073] {strides = array<i32>} : memref<32x144xf32, #tpu.memory_space<vmem>>, vector<1x16xf32>,
      %swap3A_3075 = vector.shape_cast %swap3A_3074 : vector<1x16xf32> to vector<16xf32>
      %swap3A_3076 = vector.shape_cast %get3A_3070 : vector<16xf32> to vector<1x16xf32>
      tpu.vector_store %arg11[%swap3A_3072, %swap3A_3073], %swap3A_3076 {strides = array<i32>} : memref<32x144xf32, #tpu.memory_space<vmem>>, vector<1x16xf32>,
      %get3A_3077 = arith.constant 25 : i32
      %get3A_3078 = arith.index_cast %get3A_3077 : i32 to index
      %get3A_3079 = arith.constant 0 : index
      %get3A_3080 = tpu.vector_load %arg10[%get3A_3078, %get3A_3079] {strides = array<i32>} : memref<32x128xf32, #tpu.memory_space<vmem>>, vector<1x16xf32>,
      %get3A_3081 = vector.shape_cast %get3A_3080 : vector<1x16xf32> to vector<16xf32>
      %swap3A_3082 = arith.constant 25 : i32
      %swap3A_3083 = arith.index_cast %swap3A_3082 : i32 to index
      %swap3A_3084 = arith.constant 0 : index
      %swap3A_3085 = tpu.vector_load %arg11[%swap3A_3083, %swap3A_3084] {strides = array<i32>} : memref<32x144xf32, #tpu.memory_space<vmem>>, vector<1x16xf32>,
      %swap3A_3086 = vector.shape_cast %swap3A_3085 : vector<1x16xf32> to vector<16xf32>
      %swap3A_3087 = vector.shape_cast %get3A_3081 : vector<16xf32> to vector<1x16xf32>
      tpu.vector_store %arg11[%swap3A_3083, %swap3A_3084], %swap3A_3087 {strides = array<i32>} : memref<32x144xf32, #tpu.memory_space<vmem>>, vector<1x16xf32>,
      %get3A_3088 = arith.constant 25 : i32
      %get3A_3089 = arith.index_cast %get3A_3088 : i32 to index
      %get3A_3090 = arith.constant 16 : index
      %get3A_3091 = tpu.vector_load %arg10[%get3A_3089, %get3A_3090] {strides = array<i32>} : memref<32x128xf32, #tpu.memory_space<vmem>>, vector<1x16xf32>,
      %get3A_3092 = vector.shape_cast %get3A_3091 : vector<1x16xf32> to vector<16xf32>
      %swap3A_3093 = arith.constant 25 : i32
      %swap3A_3094 = arith.index_cast %swap3A_3093 : i32 to index
      %swap3A_3095 = arith.constant 16 : index
      %swap3A_3096 = tpu.vector_load %arg11[%swap3A_3094, %swap3A_3095] {strides = array<i32>} : memref<32x144xf32, #tpu.memory_space<vmem>>, vector<1x16xf32>,
      %swap3A_3097 = vector.shape_cast %swap3A_3096 : vector<1x16xf32> to vector<16xf32>
      %swap3A_3098 = vector.shape_cast %get3A_3092 : vector<16xf32> to vector<1x16xf32>
      tpu.vector_store %arg11[%swap3A_3094, %swap3A_3095], %swap3A_3098 {strides = array<i32>} : memref<32x144xf32, #tpu.memory_space<vmem>>, vector<1x16xf32>,
      %get3A_3099 = arith.constant 25 : i32
      %get3A_3100 = arith.index_cast %get3A_3099 : i32 to index
      %get3A_3101 = arith.constant 32 : index
      %get3A_3102 = tpu.vector_load %arg10[%get3A_3100, %get3A_3101] {strides = array<i32>} : memref<32x128xf32, #tpu.memory_space<vmem>>, vector<1x16xf32>,
      %get3A_3103 = vector.shape_cast %get3A_3102 : vector<1x16xf32> to vector<16xf32>
      %swap3A_3104 = arith.constant 25 : i32
      %swap3A_3105 = arith.index_cast %swap3A_3104 : i32 to index
      %swap3A_3106 = arith.constant 32 : index
      %swap3A_3107 = tpu.vector_load %arg11[%swap3A_3105, %swap3A_3106] {strides = array<i32>} : memref<32x144xf32, #tpu.memory_space<vmem>>, vector<1x16xf32>,
      %swap3A_3108 = vector.shape_cast %swap3A_3107 : vector<1x16xf32> to vector<16xf32>
      %swap3A_3109 = vector.shape_cast %get3A_3103 : vector<16xf32> to vector<1x16xf32>
      tpu.vector_store %arg11[%swap3A_3105, %swap3A_3106], %swap3A_3109 {strides = array<i32>} : memref<32x144xf32, #tpu.memory_space<vmem>>, vector<1x16xf32>,
      %get3A_3110 = arith.constant 25 : i32
      %get3A_3111 = arith.index_cast %get3A_3110 : i32 to index
      %get3A_3112 = arith.constant 48 : index
      %get3A_3113 = tpu.vector_load %arg10[%get3A_3111, %get3A_3112] {strides = array<i32>} : memref<32x128xf32, #tpu.memory_space<vmem>>, vector<1x16xf32>,
      %get3A_3114 = vector.shape_cast %get3A_3113 : vector<1x16xf32> to vector<16xf32>
      %swap3A_3115 = arith.constant 25 : i32
      %swap3A_3116 = arith.index_cast %swap3A_3115 : i32 to index
      %swap3A_3117 = arith.constant 48 : index
      %swap3A_3118 = tpu.vector_load %arg11[%swap3A_3116, %swap3A_3117] {strides = array<i32>} : memref<32x144xf32, #tpu.memory_space<vmem>>, vector<1x16xf32>,
      %swap3A_3119 = vector.shape_cast %swap3A_3118 : vector<1x16xf32> to vector<16xf32>
      %swap3A_3120 = vector.shape_cast %get3A_3114 : vector<16xf32> to vector<1x16xf32>
      tpu.vector_store %arg11[%swap3A_3116, %swap3A_3117], %swap3A_3120 {strides = array<i32>} : memref<32x144xf32, #tpu.memory_space<vmem>>, vector<1x16xf32>,
      %get3A_3121 = arith.constant 25 : i32
      %get3A_3122 = arith.index_cast %get3A_3121 : i32 to index
      %get3A_3123 = arith.constant 64 : index
      %get3A_3124 = tpu.vector_load %arg10[%get3A_3122, %get3A_3123] {strides = array<i32>} : memref<32x128xf32, #tpu.memory_space<vmem>>, vector<1x16xf32>,
      %get3A_3125 = vector.shape_cast %get3A_3124 : vector<1x16xf32> to vector<16xf32>
      %swap3A_3126 = arith.constant 25 : i32
      %swap3A_3127 = arith.index_cast %swap3A_3126 : i32 to index
      %swap3A_3128 = arith.constant 64 : index
      %swap3A_3129 = tpu.vector_load %arg11[%swap3A_3127, %swap3A_3128] {strides = array<i32>} : memref<32x144xf32, #tpu.memory_space<vmem>>, vector<1x16xf32>,
      %swap3A_3130 = vector.shape_cast %swap3A_3129 : vector<1x16xf32> to vector<16xf32>
      %swap3A_3131 = vector.shape_cast %get3A_3125 : vector<16xf32> to vector<1x16xf32>
      tpu.vector_store %arg11[%swap3A_3127, %swap3A_3128], %swap3A_3131 {strides = array<i32>} : memref<32x144xf32, #tpu.memory_space<vmem>>, vector<1x16xf32>,
      %get3A_3132 = arith.constant 25 : i32
      %get3A_3133 = arith.index_cast %get3A_3132 : i32 to index
      %get3A_3134 = arith.constant 80 : index
      %get3A_3135 = tpu.vector_load %arg10[%get3A_3133, %get3A_3134] {strides = array<i32>} : memref<32x128xf32, #tpu.memory_space<vmem>>, vector<1x16xf32>,
      %get3A_3136 = vector.shape_cast %get3A_3135 : vector<1x16xf32> to vector<16xf32>
      %swap3A_3137 = arith.constant 25 : i32
      %swap3A_3138 = arith.index_cast %swap3A_3137 : i32 to index
      %swap3A_3139 = arith.constant 80 : index
      %swap3A_3140 = tpu.vector_load %arg11[%swap3A_3138, %swap3A_3139] {strides = array<i32>} : memref<32x144xf32, #tpu.memory_space<vmem>>, vector<1x16xf32>,
      %swap3A_3141 = vector.shape_cast %swap3A_3140 : vector<1x16xf32> to vector<16xf32>
      %swap3A_3142 = vector.shape_cast %get3A_3136 : vector<16xf32> to vector<1x16xf32>
      tpu.vector_store %arg11[%swap3A_3138, %swap3A_3139], %swap3A_3142 {strides = array<i32>} : memref<32x144xf32, #tpu.memory_space<vmem>>, vector<1x16xf32>,
      %get3A_3143 = arith.constant 25 : i32
      %get3A_3144 = arith.index_cast %get3A_3143 : i32 to index
      %get3A_3145 = arith.constant 96 : index
      %get3A_3146 = tpu.vector_load %arg10[%get3A_3144, %get3A_3145] {strides = array<i32>} : memref<32x128xf32, #tpu.memory_space<vmem>>, vector<1x16xf32>,
      %get3A_3147 = vector.shape_cast %get3A_3146 : vector<1x16xf32> to vector<16xf32>
      %swap3A_3148 = arith.constant 25 : i32
      %swap3A_3149 = arith.index_cast %swap3A_3148 : i32 to index
      %swap3A_3150 = arith.constant 96 : index
      %swap3A_3151 = tpu.vector_load %arg11[%swap3A_3149, %swap3A_3150] {strides = array<i32>} : memref<32x144xf32, #tpu.memory_space<vmem>>, vector<1x16xf32>,
      %swap3A_3152 = vector.shape_cast %swap3A_3151 : vector<1x16xf32> to vector<16xf32>
      %swap3A_3153 = vector.shape_cast %get3A_3147 : vector<16xf32> to vector<1x16xf32>
      tpu.vector_store %arg11[%swap3A_3149, %swap3A_3150], %swap3A_3153 {strides = array<i32>} : memref<32x144xf32, #tpu.memory_space<vmem>>, vector<1x16xf32>,
      %get3A_3154 = arith.constant 25 : i32
      %get3A_3155 = arith.index_cast %get3A_3154 : i32 to index
      %get3A_3156 = arith.constant 112 : index
      %get3A_3157 = tpu.vector_load %arg10[%get3A_3155, %get3A_3156] {strides = array<i32>} : memref<32x128xf32, #tpu.memory_space<vmem>>, vector<1x16xf32>,
      %get3A_3158 = vector.shape_cast %get3A_3157 : vector<1x16xf32> to vector<16xf32>
      %swap3A_3159 = arith.constant 25 : i32
      %swap3A_3160 = arith.index_cast %swap3A_3159 : i32 to index
      %swap3A_3161 = arith.constant 112 : index
      %swap3A_3162 = tpu.vector_load %arg11[%swap3A_3160, %swap3A_3161] {strides = array<i32>} : memref<32x144xf32, #tpu.memory_space<vmem>>, vector<1x16xf32>,
      %swap3A_3163 = vector.shape_cast %swap3A_3162 : vector<1x16xf32> to vector<16xf32>
      %swap3A_3164 = vector.shape_cast %get3A_3158 : vector<16xf32> to vector<1x16xf32>
      tpu.vector_store %arg11[%swap3A_3160, %swap3A_3161], %swap3A_3164 {strides = array<i32>} : memref<32x144xf32, #tpu.memory_space<vmem>>, vector<1x16xf32>,
      %get3A_3165 = arith.constant 26 : i32
      %get3A_3166 = arith.index_cast %get3A_3165 : i32 to index
      %get3A_3167 = arith.constant 0 : index
      %get3A_3168 = tpu.vector_load %arg10[%get3A_3166, %get3A_3167] {strides = array<i32>} : memref<32x128xf32, #tpu.memory_space<vmem>>, vector<1x16xf32>,
      %get3A_3169 = vector.shape_cast %get3A_3168 : vector<1x16xf32> to vector<16xf32>
      %swap3A_3170 = arith.constant 26 : i32
      %swap3A_3171 = arith.index_cast %swap3A_3170 : i32 to index
      %swap3A_3172 = arith.constant 0 : index
      %swap3A_3173 = tpu.vector_load %arg11[%swap3A_3171, %swap3A_3172] {strides = array<i32>} : memref<32x144xf32, #tpu.memory_space<vmem>>, vector<1x16xf32>,
      %swap3A_3174 = vector.shape_cast %swap3A_3173 : vector<1x16xf32> to vector<16xf32>
      %swap3A_3175 = vector.shape_cast %get3A_3169 : vector<16xf32> to vector<1x16xf32>
      tpu.vector_store %arg11[%swap3A_3171, %swap3A_3172], %swap3A_3175 {strides = array<i32>} : memref<32x144xf32, #tpu.memory_space<vmem>>, vector<1x16xf32>,
      %get3A_3176 = arith.constant 26 : i32
      %get3A_3177 = arith.index_cast %get3A_3176 : i32 to index
      %get3A_3178 = arith.constant 16 : index
      %get3A_3179 = tpu.vector_load %arg10[%get3A_3177, %get3A_3178] {strides = array<i32>} : memref<32x128xf32, #tpu.memory_space<vmem>>, vector<1x16xf32>,
      %get3A_3180 = vector.shape_cast %get3A_3179 : vector<1x16xf32> to vector<16xf32>
      %swap3A_3181 = arith.constant 26 : i32
      %swap3A_3182 = arith.index_cast %swap3A_3181 : i32 to index
      %swap3A_3183 = arith.constant 16 : index
      %swap3A_3184 = tpu.vector_load %arg11[%swap3A_3182, %swap3A_3183] {strides = array<i32>} : memref<32x144xf32, #tpu.memory_space<vmem>>, vector<1x16xf32>,
      %swap3A_3185 = vector.shape_cast %swap3A_3184 : vector<1x16xf32> to vector<16xf32>
      %swap3A_3186 = vector.shape_cast %get3A_3180 : vector<16xf32> to vector<1x16xf32>
      tpu.vector_store %arg11[%swap3A_3182, %swap3A_3183], %swap3A_3186 {strides = array<i32>} : memref<32x144xf32, #tpu.memory_space<vmem>>, vector<1x16xf32>,
      %get3A_3187 = arith.constant 26 : i32
      %get3A_3188 = arith.index_cast %get3A_3187 : i32 to index
      %get3A_3189 = arith.constant 32 : index
      %get3A_3190 = tpu.vector_load %arg10[%get3A_3188, %get3A_3189] {strides = array<i32>} : memref<32x128xf32, #tpu.memory_space<vmem>>, vector<1x16xf32>,
      %get3A_3191 = vector.shape_cast %get3A_3190 : vector<1x16xf32> to vector<16xf32>
      %swap3A_3192 = arith.constant 26 : i32
      %swap3A_3193 = arith.index_cast %swap3A_3192 : i32 to index
      %swap3A_3194 = arith.constant 32 : index
      %swap3A_3195 = tpu.vector_load %arg11[%swap3A_3193, %swap3A_3194] {strides = array<i32>} : memref<32x144xf32, #tpu.memory_space<vmem>>, vector<1x16xf32>,
      %swap3A_3196 = vector.shape_cast %swap3A_3195 : vector<1x16xf32> to vector<16xf32>
      %swap3A_3197 = vector.shape_cast %get3A_3191 : vector<16xf32> to vector<1x16xf32>
      tpu.vector_store %arg11[%swap3A_3193, %swap3A_3194], %swap3A_3197 {strides = array<i32>} : memref<32x144xf32, #tpu.memory_space<vmem>>, vector<1x16xf32>,
      %get3A_3198 = arith.constant 26 : i32
      %get3A_3199 = arith.index_cast %get3A_3198 : i32 to index
      %get3A_3200 = arith.constant 48 : index
      %get3A_3201 = tpu.vector_load %arg10[%get3A_3199, %get3A_3200] {strides = array<i32>} : memref<32x128xf32, #tpu.memory_space<vmem>>, vector<1x16xf32>,
      %get3A_3202 = vector.shape_cast %get3A_3201 : vector<1x16xf32> to vector<16xf32>
      %swap3A_3203 = arith.constant 26 : i32
      %swap3A_3204 = arith.index_cast %swap3A_3203 : i32 to index
      %swap3A_3205 = arith.constant 48 : index
      %swap3A_3206 = tpu.vector_load %arg11[%swap3A_3204, %swap3A_3205] {strides = array<i32>} : memref<32x144xf32, #tpu.memory_space<vmem>>, vector<1x16xf32>,
      %swap3A_3207 = vector.shape_cast %swap3A_3206 : vector<1x16xf32> to vector<16xf32>
      %swap3A_3208 = vector.shape_cast %get3A_3202 : vector<16xf32> to vector<1x16xf32>
      tpu.vector_store %arg11[%swap3A_3204, %swap3A_3205], %swap3A_3208 {strides = array<i32>} : memref<32x144xf32, #tpu.memory_space<vmem>>, vector<1x16xf32>,
      %get3A_3209 = arith.constant 26 : i32
      %get3A_3210 = arith.index_cast %get3A_3209 : i32 to index
      %get3A_3211 = arith.constant 64 : index
      %get3A_3212 = tpu.vector_load %arg10[%get3A_3210, %get3A_3211] {strides = array<i32>} : memref<32x128xf32, #tpu.memory_space<vmem>>, vector<1x16xf32>,
      %get3A_3213 = vector.shape_cast %get3A_3212 : vector<1x16xf32> to vector<16xf32>
      %swap3A_3214 = arith.constant 26 : i32
      %swap3A_3215 = arith.index_cast %swap3A_3214 : i32 to index
      %swap3A_3216 = arith.constant 64 : index
      %swap3A_3217 = tpu.vector_load %arg11[%swap3A_3215, %swap3A_3216] {strides = array<i32>} : memref<32x144xf32, #tpu.memory_space<vmem>>, vector<1x16xf32>,
      %swap3A_3218 = vector.shape_cast %swap3A_3217 : vector<1x16xf32> to vector<16xf32>
      %swap3A_3219 = vector.shape_cast %get3A_3213 : vector<16xf32> to vector<1x16xf32>
      tpu.vector_store %arg11[%swap3A_3215, %swap3A_3216], %swap3A_3219 {strides = array<i32>} : memref<32x144xf32, #tpu.memory_space<vmem>>, vector<1x16xf32>,
      %get3A_3220 = arith.constant 26 : i32
      %get3A_3221 = arith.index_cast %get3A_3220 : i32 to index
      %get3A_3222 = arith.constant 80 : index
      %get3A_3223 = tpu.vector_load %arg10[%get3A_3221, %get3A_3222] {strides = array<i32>} : memref<32x128xf32, #tpu.memory_space<vmem>>, vector<1x16xf32>,
      %get3A_3224 = vector.shape_cast %get3A_3223 : vector<1x16xf32> to vector<16xf32>
      %swap3A_3225 = arith.constant 26 : i32
      %swap3A_3226 = arith.index_cast %swap3A_3225 : i32 to index
      %swap3A_3227 = arith.constant 80 : index
      %swap3A_3228 = tpu.vector_load %arg11[%swap3A_3226, %swap3A_3227] {strides = array<i32>} : memref<32x144xf32, #tpu.memory_space<vmem>>, vector<1x16xf32>,
      %swap3A_3229 = vector.shape_cast %swap3A_3228 : vector<1x16xf32> to vector<16xf32>
      %swap3A_3230 = vector.shape_cast %get3A_3224 : vector<16xf32> to vector<1x16xf32>
      tpu.vector_store %arg11[%swap3A_3226, %swap3A_3227], %swap3A_3230 {strides = array<i32>} : memref<32x144xf32, #tpu.memory_space<vmem>>, vector<1x16xf32>,
      %get3A_3231 = arith.constant 26 : i32
      %get3A_3232 = arith.index_cast %get3A_3231 : i32 to index
      %get3A_3233 = arith.constant 96 : index
      %get3A_3234 = tpu.vector_load %arg10[%get3A_3232, %get3A_3233] {strides = array<i32>} : memref<32x128xf32, #tpu.memory_space<vmem>>, vector<1x16xf32>,
      %get3A_3235 = vector.shape_cast %get3A_3234 : vector<1x16xf32> to vector<16xf32>
      %swap3A_3236 = arith.constant 26 : i32
      %swap3A_3237 = arith.index_cast %swap3A_3236 : i32 to index
      %swap3A_3238 = arith.constant 96 : index
      %swap3A_3239 = tpu.vector_load %arg11[%swap3A_3237, %swap3A_3238] {strides = array<i32>} : memref<32x144xf32, #tpu.memory_space<vmem>>, vector<1x16xf32>,
      %swap3A_3240 = vector.shape_cast %swap3A_3239 : vector<1x16xf32> to vector<16xf32>
      %swap3A_3241 = vector.shape_cast %get3A_3235 : vector<16xf32> to vector<1x16xf32>
      tpu.vector_store %arg11[%swap3A_3237, %swap3A_3238], %swap3A_3241 {strides = array<i32>} : memref<32x144xf32, #tpu.memory_space<vmem>>, vector<1x16xf32>,
      %get3A_3242 = arith.constant 26 : i32
      %get3A_3243 = arith.index_cast %get3A_3242 : i32 to index
      %get3A_3244 = arith.constant 112 : index
      %get3A_3245 = tpu.vector_load %arg10[%get3A_3243, %get3A_3244] {strides = array<i32>} : memref<32x128xf32, #tpu.memory_space<vmem>>, vector<1x16xf32>,
      %get3A_3246 = vector.shape_cast %get3A_3245 : vector<1x16xf32> to vector<16xf32>
      %swap3A_3247 = arith.constant 26 : i32
      %swap3A_3248 = arith.index_cast %swap3A_3247 : i32 to index
      %swap3A_3249 = arith.constant 112 : index
      %swap3A_3250 = tpu.vector_load %arg11[%swap3A_3248, %swap3A_3249] {strides = array<i32>} : memref<32x144xf32, #tpu.memory_space<vmem>>, vector<1x16xf32>,
      %swap3A_3251 = vector.shape_cast %swap3A_3250 : vector<1x16xf32> to vector<16xf32>
      %swap3A_3252 = vector.shape_cast %get3A_3246 : vector<16xf32> to vector<1x16xf32>
      tpu.vector_store %arg11[%swap3A_3248, %swap3A_3249], %swap3A_3252 {strides = array<i32>} : memref<32x144xf32, #tpu.memory_space<vmem>>, vector<1x16xf32>,
      %get3A_3253 = arith.constant 27 : i32
      %get3A_3254 = arith.index_cast %get3A_3253 : i32 to index
      %get3A_3255 = arith.constant 0 : index
      %get3A_3256 = tpu.vector_load %arg10[%get3A_3254, %get3A_3255] {strides = array<i32>} : memref<32x128xf32, #tpu.memory_space<vmem>>, vector<1x16xf32>,
      %get3A_3257 = vector.shape_cast %get3A_3256 : vector<1x16xf32> to vector<16xf32>
      %swap3A_3258 = arith.constant 27 : i32
      %swap3A_3259 = arith.index_cast %swap3A_3258 : i32 to index
      %swap3A_3260 = arith.constant 0 : index
      %swap3A_3261 = tpu.vector_load %arg11[%swap3A_3259, %swap3A_3260] {strides = array<i32>} : memref<32x144xf32, #tpu.memory_space<vmem>>, vector<1x16xf32>,
      %swap3A_3262 = vector.shape_cast %swap3A_3261 : vector<1x16xf32> to vector<16xf32>
      %swap3A_3263 = vector.shape_cast %get3A_3257 : vector<16xf32> to vector<1x16xf32>
      tpu.vector_store %arg11[%swap3A_3259, %swap3A_3260], %swap3A_3263 {strides = array<i32>} : memref<32x144xf32, #tpu.memory_space<vmem>>, vector<1x16xf32>,
      %get3A_3264 = arith.constant 27 : i32
      %get3A_3265 = arith.index_cast %get3A_3264 : i32 to index
      %get3A_3266 = arith.constant 16 : index
      %get3A_3267 = tpu.vector_load %arg10[%get3A_3265, %get3A_3266] {strides = array<i32>} : memref<32x128xf32, #tpu.memory_space<vmem>>, vector<1x16xf32>,
      %get3A_3268 = vector.shape_cast %get3A_3267 : vector<1x16xf32> to vector<16xf32>
      %swap3A_3269 = arith.constant 27 : i32
      %swap3A_3270 = arith.index_cast %swap3A_3269 : i32 to index
      %swap3A_3271 = arith.constant 16 : index
      %swap3A_3272 = tpu.vector_load %arg11[%swap3A_3270, %swap3A_3271] {strides = array<i32>} : memref<32x144xf32, #tpu.memory_space<vmem>>, vector<1x16xf32>,
      %swap3A_3273 = vector.shape_cast %swap3A_3272 : vector<1x16xf32> to vector<16xf32>
      %swap3A_3274 = vector.shape_cast %get3A_3268 : vector<16xf32> to vector<1x16xf32>
      tpu.vector_store %arg11[%swap3A_3270, %swap3A_3271], %swap3A_3274 {strides = array<i32>} : memref<32x144xf32, #tpu.memory_space<vmem>>, vector<1x16xf32>,
      %get3A_3275 = arith.constant 27 : i32
      %get3A_3276 = arith.index_cast %get3A_3275 : i32 to index
      %get3A_3277 = arith.constant 32 : index
      %get3A_3278 = tpu.vector_load %arg10[%get3A_3276, %get3A_3277] {strides = array<i32>} : memref<32x128xf32, #tpu.memory_space<vmem>>, vector<1x16xf32>,
      %get3A_3279 = vector.shape_cast %get3A_3278 : vector<1x16xf32> to vector<16xf32>
      %swap3A_3280 = arith.constant 27 : i32
      %swap3A_3281 = arith.index_cast %swap3A_3280 : i32 to index
      %swap3A_3282 = arith.constant 32 : index
      %swap3A_3283 = tpu.vector_load %arg11[%swap3A_3281, %swap3A_3282] {strides = array<i32>} : memref<32x144xf32, #tpu.memory_space<vmem>>, vector<1x16xf32>,
      %swap3A_3284 = vector.shape_cast %swap3A_3283 : vector<1x16xf32> to vector<16xf32>
      %swap3A_3285 = vector.shape_cast %get3A_3279 : vector<16xf32> to vector<1x16xf32>
      tpu.vector_store %arg11[%swap3A_3281, %swap3A_3282], %swap3A_3285 {strides = array<i32>} : memref<32x144xf32, #tpu.memory_space<vmem>>, vector<1x16xf32>,
      %get3A_3286 = arith.constant 27 : i32
      %get3A_3287 = arith.index_cast %get3A_3286 : i32 to index
      %get3A_3288 = arith.constant 48 : index
      %get3A_3289 = tpu.vector_load %arg10[%get3A_3287, %get3A_3288] {strides = array<i32>} : memref<32x128xf32, #tpu.memory_space<vmem>>, vector<1x16xf32>,
      %get3A_3290 = vector.shape_cast %get3A_3289 : vector<1x16xf32> to vector<16xf32>
      %swap3A_3291 = arith.constant 27 : i32
      %swap3A_3292 = arith.index_cast %swap3A_3291 : i32 to index
      %swap3A_3293 = arith.constant 48 : index
      %swap3A_3294 = tpu.vector_load %arg11[%swap3A_3292, %swap3A_3293] {strides = array<i32>} : memref<32x144xf32, #tpu.memory_space<vmem>>, vector<1x16xf32>,
      %swap3A_3295 = vector.shape_cast %swap3A_3294 : vector<1x16xf32> to vector<16xf32>
      %swap3A_3296 = vector.shape_cast %get3A_3290 : vector<16xf32> to vector<1x16xf32>
      tpu.vector_store %arg11[%swap3A_3292, %swap3A_3293], %swap3A_3296 {strides = array<i32>} : memref<32x144xf32, #tpu.memory_space<vmem>>, vector<1x16xf32>,
      %get3A_3297 = arith.constant 27 : i32
      %get3A_3298 = arith.index_cast %get3A_3297 : i32 to index
      %get3A_3299 = arith.constant 64 : index
      %get3A_3300 = tpu.vector_load %arg10[%get3A_3298, %get3A_3299] {strides = array<i32>} : memref<32x128xf32, #tpu.memory_space<vmem>>, vector<1x16xf32>,
      %get3A_3301 = vector.shape_cast %get3A_3300 : vector<1x16xf32> to vector<16xf32>
      %swap3A_3302 = arith.constant 27 : i32
      %swap3A_3303 = arith.index_cast %swap3A_3302 : i32 to index
      %swap3A_3304 = arith.constant 64 : index
      %swap3A_3305 = tpu.vector_load %arg11[%swap3A_3303, %swap3A_3304] {strides = array<i32>} : memref<32x144xf32, #tpu.memory_space<vmem>>, vector<1x16xf32>,
      %swap3A_3306 = vector.shape_cast %swap3A_3305 : vector<1x16xf32> to vector<16xf32>
      %swap3A_3307 = vector.shape_cast %get3A_3301 : vector<16xf32> to vector<1x16xf32>
      tpu.vector_store %arg11[%swap3A_3303, %swap3A_3304], %swap3A_3307 {strides = array<i32>} : memref<32x144xf32, #tpu.memory_space<vmem>>, vector<1x16xf32>,
      %get3A_3308 = arith.constant 27 : i32
      %get3A_3309 = arith.index_cast %get3A_3308 : i32 to index
      %get3A_3310 = arith.constant 80 : index
      %get3A_3311 = tpu.vector_load %arg10[%get3A_3309, %get3A_3310] {strides = array<i32>} : memref<32x128xf32, #tpu.memory_space<vmem>>, vector<1x16xf32>,
      %get3A_3312 = vector.shape_cast %get3A_3311 : vector<1x16xf32> to vector<16xf32>
      %swap3A_3313 = arith.constant 27 : i32
      %swap3A_3314 = arith.index_cast %swap3A_3313 : i32 to index
      %swap3A_3315 = arith.constant 80 : index
      %swap3A_3316 = tpu.vector_load %arg11[%swap3A_3314, %swap3A_3315] {strides = array<i32>} : memref<32x144xf32, #tpu.memory_space<vmem>>, vector<1x16xf32>,
      %swap3A_3317 = vector.shape_cast %swap3A_3316 : vector<1x16xf32> to vector<16xf32>
      %swap3A_3318 = vector.shape_cast %get3A_3312 : vector<16xf32> to vector<1x16xf32>
      tpu.vector_store %arg11[%swap3A_3314, %swap3A_3315], %swap3A_3318 {strides = array<i32>} : memref<32x144xf32, #tpu.memory_space<vmem>>, vector<1x16xf32>,
      %get3A_3319 = arith.constant 27 : i32
      %get3A_3320 = arith.index_cast %get3A_3319 : i32 to index
      %get3A_3321 = arith.constant 96 : index
      %get3A_3322 = tpu.vector_load %arg10[%get3A_3320, %get3A_3321] {strides = array<i32>} : memref<32x128xf32, #tpu.memory_space<vmem>>, vector<1x16xf32>,
      %get3A_3323 = vector.shape_cast %get3A_3322 : vector<1x16xf32> to vector<16xf32>
      %swap3A_3324 = arith.constant 27 : i32
      %swap3A_3325 = arith.index_cast %swap3A_3324 : i32 to index
      %swap3A_3326 = arith.constant 96 : index
      %swap3A_3327 = tpu.vector_load %arg11[%swap3A_3325, %swap3A_3326] {strides = array<i32>} : memref<32x144xf32, #tpu.memory_space<vmem>>, vector<1x16xf32>,
      %swap3A_3328 = vector.shape_cast %swap3A_3327 : vector<1x16xf32> to vector<16xf32>
      %swap3A_3329 = vector.shape_cast %get3A_3323 : vector<16xf32> to vector<1x16xf32>
      tpu.vector_store %arg11[%swap3A_3325, %swap3A_3326], %swap3A_3329 {strides = array<i32>} : memref<32x144xf32, #tpu.memory_space<vmem>>, vector<1x16xf32>,
      %get3A_3330 = arith.constant 27 : i32
      %get3A_3331 = arith.index_cast %get3A_3330 : i32 to index
      %get3A_3332 = arith.constant 112 : index
      %get3A_3333 = tpu.vector_load %arg10[%get3A_3331, %get3A_3332] {strides = array<i32>} : memref<32x128xf32, #tpu.memory_space<vmem>>, vector<1x16xf32>,
      %get3A_3334 = vector.shape_cast %get3A_3333 : vector<1x16xf32> to vector<16xf32>
      %swap3A_3335 = arith.constant 27 : i32
      %swap3A_3336 = arith.index_cast %swap3A_3335 : i32 to index
      %swap3A_3337 = arith.constant 112 : index
      %swap3A_3338 = tpu.vector_load %arg11[%swap3A_3336, %swap3A_3337] {strides = array<i32>} : memref<32x144xf32, #tpu.memory_space<vmem>>, vector<1x16xf32>,
      %swap3A_3339 = vector.shape_cast %swap3A_3338 : vector<1x16xf32> to vector<16xf32>
      %swap3A_3340 = vector.shape_cast %get3A_3334 : vector<16xf32> to vector<1x16xf32>
      tpu.vector_store %arg11[%swap3A_3336, %swap3A_3337], %swap3A_3340 {strides = array<i32>} : memref<32x144xf32, #tpu.memory_space<vmem>>, vector<1x16xf32>,
      %get3A_3341 = arith.constant 28 : i32
      %get3A_3342 = arith.index_cast %get3A_3341 : i32 to index
      %get3A_3343 = arith.constant 0 : index
      %get3A_3344 = tpu.vector_load %arg10[%get3A_3342, %get3A_3343] {strides = array<i32>} : memref<32x128xf32, #tpu.memory_space<vmem>>, vector<1x16xf32>,
      %get3A_3345 = vector.shape_cast %get3A_3344 : vector<1x16xf32> to vector<16xf32>
      %swap3A_3346 = arith.constant 28 : i32
      %swap3A_3347 = arith.index_cast %swap3A_3346 : i32 to index
      %swap3A_3348 = arith.constant 0 : index
      %swap3A_3349 = tpu.vector_load %arg11[%swap3A_3347, %swap3A_3348] {strides = array<i32>} : memref<32x144xf32, #tpu.memory_space<vmem>>, vector<1x16xf32>,
      %swap3A_3350 = vector.shape_cast %swap3A_3349 : vector<1x16xf32> to vector<16xf32>
      %swap3A_3351 = vector.shape_cast %get3A_3345 : vector<16xf32> to vector<1x16xf32>
      tpu.vector_store %arg11[%swap3A_3347, %swap3A_3348], %swap3A_3351 {strides = array<i32>} : memref<32x144xf32, #tpu.memory_space<vmem>>, vector<1x16xf32>,
      %get3A_3352 = arith.constant 28 : i32
      %get3A_3353 = arith.index_cast %get3A_3352 : i32 to index
      %get3A_3354 = arith.constant 16 : index
      %get3A_3355 = tpu.vector_load %arg10[%get3A_3353, %get3A_3354] {strides = array<i32>} : memref<32x128xf32, #tpu.memory_space<vmem>>, vector<1x16xf32>,
      %get3A_3356 = vector.shape_cast %get3A_3355 : vector<1x16xf32> to vector<16xf32>
      %swap3A_3357 = arith.constant 28 : i32
      %swap3A_3358 = arith.index_cast %swap3A_3357 : i32 to index
      %swap3A_3359 = arith.constant 16 : index
      %swap3A_3360 = tpu.vector_load %arg11[%swap3A_3358, %swap3A_3359] {strides = array<i32>} : memref<32x144xf32, #tpu.memory_space<vmem>>, vector<1x16xf32>,
      %swap3A_3361 = vector.shape_cast %swap3A_3360 : vector<1x16xf32> to vector<16xf32>
      %swap3A_3362 = vector.shape_cast %get3A_3356 : vector<16xf32> to vector<1x16xf32>
      tpu.vector_store %arg11[%swap3A_3358, %swap3A_3359], %swap3A_3362 {strides = array<i32>} : memref<32x144xf32, #tpu.memory_space<vmem>>, vector<1x16xf32>,
      %get3A_3363 = arith.constant 28 : i32
      %get3A_3364 = arith.index_cast %get3A_3363 : i32 to index
      %get3A_3365 = arith.constant 32 : index
      %get3A_3366 = tpu.vector_load %arg10[%get3A_3364, %get3A_3365] {strides = array<i32>} : memref<32x128xf32, #tpu.memory_space<vmem>>, vector<1x16xf32>,
      %get3A_3367 = vector.shape_cast %get3A_3366 : vector<1x16xf32> to vector<16xf32>
      %swap3A_3368 = arith.constant 28 : i32
      %swap3A_3369 = arith.index_cast %swap3A_3368 : i32 to index
      %swap3A_3370 = arith.constant 32 : index
      %swap3A_3371 = tpu.vector_load %arg11[%swap3A_3369, %swap3A_3370] {strides = array<i32>} : memref<32x144xf32, #tpu.memory_space<vmem>>, vector<1x16xf32>,
      %swap3A_3372 = vector.shape_cast %swap3A_3371 : vector<1x16xf32> to vector<16xf32>
      %swap3A_3373 = vector.shape_cast %get3A_3367 : vector<16xf32> to vector<1x16xf32>
      tpu.vector_store %arg11[%swap3A_3369, %swap3A_3370], %swap3A_3373 {strides = array<i32>} : memref<32x144xf32, #tpu.memory_space<vmem>>, vector<1x16xf32>,
      %get3A_3374 = arith.constant 28 : i32
      %get3A_3375 = arith.index_cast %get3A_3374 : i32 to index
      %get3A_3376 = arith.constant 48 : index
      %get3A_3377 = tpu.vector_load %arg10[%get3A_3375, %get3A_3376] {strides = array<i32>} : memref<32x128xf32, #tpu.memory_space<vmem>>, vector<1x16xf32>,
      %get3A_3378 = vector.shape_cast %get3A_3377 : vector<1x16xf32> to vector<16xf32>
      %swap3A_3379 = arith.constant 28 : i32
      %swap3A_3380 = arith.index_cast %swap3A_3379 : i32 to index
      %swap3A_3381 = arith.constant 48 : index
      %swap3A_3382 = tpu.vector_load %arg11[%swap3A_3380, %swap3A_3381] {strides = array<i32>} : memref<32x144xf32, #tpu.memory_space<vmem>>, vector<1x16xf32>,
      %swap3A_3383 = vector.shape_cast %swap3A_3382 : vector<1x16xf32> to vector<16xf32>
      %swap3A_3384 = vector.shape_cast %get3A_3378 : vector<16xf32> to vector<1x16xf32>
      tpu.vector_store %arg11[%swap3A_3380, %swap3A_3381], %swap3A_3384 {strides = array<i32>} : memref<32x144xf32, #tpu.memory_space<vmem>>, vector<1x16xf32>,
      %get3A_3385 = arith.constant 28 : i32
      %get3A_3386 = arith.index_cast %get3A_3385 : i32 to index
      %get3A_3387 = arith.constant 64 : index
      %get3A_3388 = tpu.vector_load %arg10[%get3A_3386, %get3A_3387] {strides = array<i32>} : memref<32x128xf32, #tpu.memory_space<vmem>>, vector<1x16xf32>,
      %get3A_3389 = vector.shape_cast %get3A_3388 : vector<1x16xf32> to vector<16xf32>
      %swap3A_3390 = arith.constant 28 : i32
      %swap3A_3391 = arith.index_cast %swap3A_3390 : i32 to index
      %swap3A_3392 = arith.constant 64 : index
      %swap3A_3393 = tpu.vector_load %arg11[%swap3A_3391, %swap3A_3392] {strides = array<i32>} : memref<32x144xf32, #tpu.memory_space<vmem>>, vector<1x16xf32>,
      %swap3A_3394 = vector.shape_cast %swap3A_3393 : vector<1x16xf32> to vector<16xf32>
      %swap3A_3395 = vector.shape_cast %get3A_3389 : vector<16xf32> to vector<1x16xf32>
      tpu.vector_store %arg11[%swap3A_3391, %swap3A_3392], %swap3A_3395 {strides = array<i32>} : memref<32x144xf32, #tpu.memory_space<vmem>>, vector<1x16xf32>,
      %get3A_3396 = arith.constant 28 : i32
      %get3A_3397 = arith.index_cast %get3A_3396 : i32 to index
      %get3A_3398 = arith.constant 80 : index
      %get3A_3399 = tpu.vector_load %arg10[%get3A_3397, %get3A_3398] {strides = array<i32>} : memref<32x128xf32, #tpu.memory_space<vmem>>, vector<1x16xf32>,
      %get3A_3400 = vector.shape_cast %get3A_3399 : vector<1x16xf32> to vector<16xf32>
      %swap3A_3401 = arith.constant 28 : i32
      %swap3A_3402 = arith.index_cast %swap3A_3401 : i32 to index
      %swap3A_3403 = arith.constant 80 : index
      %swap3A_3404 = tpu.vector_load %arg11[%swap3A_3402, %swap3A_3403] {strides = array<i32>} : memref<32x144xf32, #tpu.memory_space<vmem>>, vector<1x16xf32>,
      %swap3A_3405 = vector.shape_cast %swap3A_3404 : vector<1x16xf32> to vector<16xf32>
      %swap3A_3406 = vector.shape_cast %get3A_3400 : vector<16xf32> to vector<1x16xf32>
      tpu.vector_store %arg11[%swap3A_3402, %swap3A_3403], %swap3A_3406 {strides = array<i32>} : memref<32x144xf32, #tpu.memory_space<vmem>>, vector<1x16xf32>,
      %get3A_3407 = arith.constant 28 : i32
      %get3A_3408 = arith.index_cast %get3A_3407 : i32 to index
      %get3A_3409 = arith.constant 96 : index
      %get3A_3410 = tpu.vector_load %arg10[%get3A_3408, %get3A_3409] {strides = array<i32>} : memref<32x128xf32, #tpu.memory_space<vmem>>, vector<1x16xf32>,
      %get3A_3411 = vector.shape_cast %get3A_3410 : vector<1x16xf32> to vector<16xf32>
      %swap3A_3412 = arith.constant 28 : i32
      %swap3A_3413 = arith.index_cast %swap3A_3412 : i32 to index
      %swap3A_3414 = arith.constant 96 : index
      %swap3A_3415 = tpu.vector_load %arg11[%swap3A_3413, %swap3A_3414] {strides = array<i32>} : memref<32x144xf32, #tpu.memory_space<vmem>>, vector<1x16xf32>,
      %swap3A_3416 = vector.shape_cast %swap3A_3415 : vector<1x16xf32> to vector<16xf32>
      %swap3A_3417 = vector.shape_cast %get3A_3411 : vector<16xf32> to vector<1x16xf32>
      tpu.vector_store %arg11[%swap3A_3413, %swap3A_3414], %swap3A_3417 {strides = array<i32>} : memref<32x144xf32, #tpu.memory_space<vmem>>, vector<1x16xf32>,
      %get3A_3418 = arith.constant 28 : i32
      %get3A_3419 = arith.index_cast %get3A_3418 : i32 to index
      %get3A_3420 = arith.constant 112 : index
      %get3A_3421 = tpu.vector_load %arg10[%get3A_3419, %get3A_3420] {strides = array<i32>} : memref<32x128xf32, #tpu.memory_space<vmem>>, vector<1x16xf32>,
      %get3A_3422 = vector.shape_cast %get3A_3421 : vector<1x16xf32> to vector<16xf32>
      %swap3A_3423 = arith.constant 28 : i32
      %swap3A_3424 = arith.index_cast %swap3A_3423 : i32 to index
      %swap3A_3425 = arith.constant 112 : index
      %swap3A_3426 = tpu.vector_load %arg11[%swap3A_3424, %swap3A_3425] {strides = array<i32>} : memref<32x144xf32, #tpu.memory_space<vmem>>, vector<1x16xf32>,
      %swap3A_3427 = vector.shape_cast %swap3A_3426 : vector<1x16xf32> to vector<16xf32>
      %swap3A_3428 = vector.shape_cast %get3A_3422 : vector<16xf32> to vector<1x16xf32>
      tpu.vector_store %arg11[%swap3A_3424, %swap3A_3425], %swap3A_3428 {strides = array<i32>} : memref<32x144xf32, #tpu.memory_space<vmem>>, vector<1x16xf32>,
      %get3A_3429 = arith.constant 29 : i32
      %get3A_3430 = arith.index_cast %get3A_3429 : i32 to index
      %get3A_3431 = arith.constant 0 : index
      %get3A_3432 = tpu.vector_load %arg10[%get3A_3430, %get3A_3431] {strides = array<i32>} : memref<32x128xf32, #tpu.memory_space<vmem>>, vector<1x16xf32>,
      %get3A_3433 = vector.shape_cast %get3A_3432 : vector<1x16xf32> to vector<16xf32>
      %swap3A_3434 = arith.constant 29 : i32
      %swap3A_3435 = arith.index_cast %swap3A_3434 : i32 to index
      %swap3A_3436 = arith.constant 0 : index
      %swap3A_3437 = tpu.vector_load %arg11[%swap3A_3435, %swap3A_3436] {strides = array<i32>} : memref<32x144xf32, #tpu.memory_space<vmem>>, vector<1x16xf32>,
      %swap3A_3438 = vector.shape_cast %swap3A_3437 : vector<1x16xf32> to vector<16xf32>
      %swap3A_3439 = vector.shape_cast %get3A_3433 : vector<16xf32> to vector<1x16xf32>
      tpu.vector_store %arg11[%swap3A_3435, %swap3A_3436], %swap3A_3439 {strides = array<i32>} : memref<32x144xf32, #tpu.memory_space<vmem>>, vector<1x16xf32>,
      %get3A_3440 = arith.constant 29 : i32
      %get3A_3441 = arith.index_cast %get3A_3440 : i32 to index
      %get3A_3442 = arith.constant 16 : index
      %get3A_3443 = tpu.vector_load %arg10[%get3A_3441, %get3A_3442] {strides = array<i32>} : memref<32x128xf32, #tpu.memory_space<vmem>>, vector<1x16xf32>,
      %get3A_3444 = vector.shape_cast %get3A_3443 : vector<1x16xf32> to vector<16xf32>
      %swap3A_3445 = arith.constant 29 : i32
      %swap3A_3446 = arith.index_cast %swap3A_3445 : i32 to index
      %swap3A_3447 = arith.constant 16 : index
      %swap3A_3448 = tpu.vector_load %arg11[%swap3A_3446, %swap3A_3447] {strides = array<i32>} : memref<32x144xf32, #tpu.memory_space<vmem>>, vector<1x16xf32>,
      %swap3A_3449 = vector.shape_cast %swap3A_3448 : vector<1x16xf32> to vector<16xf32>
      %swap3A_3450 = vector.shape_cast %get3A_3444 : vector<16xf32> to vector<1x16xf32>
      tpu.vector_store %arg11[%swap3A_3446, %swap3A_3447], %swap3A_3450 {strides = array<i32>} : memref<32x144xf32, #tpu.memory_space<vmem>>, vector<1x16xf32>,
      %get3A_3451 = arith.constant 29 : i32
      %get3A_3452 = arith.index_cast %get3A_3451 : i32 to index
      %get3A_3453 = arith.constant 32 : index
      %get3A_3454 = tpu.vector_load %arg10[%get3A_3452, %get3A_3453] {strides = array<i32>} : memref<32x128xf32, #tpu.memory_space<vmem>>, vector<1x16xf32>,
      %get3A_3455 = vector.shape_cast %get3A_3454 : vector<1x16xf32> to vector<16xf32>
      %swap3A_3456 = arith.constant 29 : i32
      %swap3A_3457 = arith.index_cast %swap3A_3456 : i32 to index
      %swap3A_3458 = arith.constant 32 : index
      %swap3A_3459 = tpu.vector_load %arg11[%swap3A_3457, %swap3A_3458] {strides = array<i32>} : memref<32x144xf32, #tpu.memory_space<vmem>>, vector<1x16xf32>,
      %swap3A_3460 = vector.shape_cast %swap3A_3459 : vector<1x16xf32> to vector<16xf32>
      %swap3A_3461 = vector.shape_cast %get3A_3455 : vector<16xf32> to vector<1x16xf32>
      tpu.vector_store %arg11[%swap3A_3457, %swap3A_3458], %swap3A_3461 {strides = array<i32>} : memref<32x144xf32, #tpu.memory_space<vmem>>, vector<1x16xf32>,
      %get3A_3462 = arith.constant 29 : i32
      %get3A_3463 = arith.index_cast %get3A_3462 : i32 to index
      %get3A_3464 = arith.constant 48 : index
      %get3A_3465 = tpu.vector_load %arg10[%get3A_3463, %get3A_3464] {strides = array<i32>} : memref<32x128xf32, #tpu.memory_space<vmem>>, vector<1x16xf32>,
      %get3A_3466 = vector.shape_cast %get3A_3465 : vector<1x16xf32> to vector<16xf32>
      %swap3A_3467 = arith.constant 29 : i32
      %swap3A_3468 = arith.index_cast %swap3A_3467 : i32 to index
      %swap3A_3469 = arith.constant 48 : index
      %swap3A_3470 = tpu.vector_load %arg11[%swap3A_3468, %swap3A_3469] {strides = array<i32>} : memref<32x144xf32, #tpu.memory_space<vmem>>, vector<1x16xf32>,
      %swap3A_3471 = vector.shape_cast %swap3A_3470 : vector<1x16xf32> to vector<16xf32>
      %swap3A_3472 = vector.shape_cast %get3A_3466 : vector<16xf32> to vector<1x16xf32>
      tpu.vector_store %arg11[%swap3A_3468, %swap3A_3469], %swap3A_3472 {strides = array<i32>} : memref<32x144xf32, #tpu.memory_space<vmem>>, vector<1x16xf32>,
      %get3A_3473 = arith.constant 29 : i32
      %get3A_3474 = arith.index_cast %get3A_3473 : i32 to index
      %get3A_3475 = arith.constant 64 : index
      %get3A_3476 = tpu.vector_load %arg10[%get3A_3474, %get3A_3475] {strides = array<i32>} : memref<32x128xf32, #tpu.memory_space<vmem>>, vector<1x16xf32>,
      %get3A_3477 = vector.shape_cast %get3A_3476 : vector<1x16xf32> to vector<16xf32>
      %swap3A_3478 = arith.constant 29 : i32
      %swap3A_3479 = arith.index_cast %swap3A_3478 : i32 to index
      %swap3A_3480 = arith.constant 64 : index
      %swap3A_3481 = tpu.vector_load %arg11[%swap3A_3479, %swap3A_3480] {strides = array<i32>} : memref<32x144xf32, #tpu.memory_space<vmem>>, vector<1x16xf32>,
      %swap3A_3482 = vector.shape_cast %swap3A_3481 : vector<1x16xf32> to vector<16xf32>
      %swap3A_3483 = vector.shape_cast %get3A_3477 : vector<16xf32> to vector<1x16xf32>
      tpu.vector_store %arg11[%swap3A_3479, %swap3A_3480], %swap3A_3483 {strides = array<i32>} : memref<32x144xf32, #tpu.memory_space<vmem>>, vector<1x16xf32>,
      %get3A_3484 = arith.constant 29 : i32
      %get3A_3485 = arith.index_cast %get3A_3484 : i32 to index
      %get3A_3486 = arith.constant 80 : index
      %get3A_3487 = tpu.vector_load %arg10[%get3A_3485, %get3A_3486] {strides = array<i32>} : memref<32x128xf32, #tpu.memory_space<vmem>>, vector<1x16xf32>,
      %get3A_3488 = vector.shape_cast %get3A_3487 : vector<1x16xf32> to vector<16xf32>
      %swap3A_3489 = arith.constant 29 : i32
      %swap3A_3490 = arith.index_cast %swap3A_3489 : i32 to index
      %swap3A_3491 = arith.constant 80 : index
      %swap3A_3492 = tpu.vector_load %arg11[%swap3A_3490, %swap3A_3491] {strides = array<i32>} : memref<32x144xf32, #tpu.memory_space<vmem>>, vector<1x16xf32>,
      %swap3A_3493 = vector.shape_cast %swap3A_3492 : vector<1x16xf32> to vector<16xf32>
      %swap3A_3494 = vector.shape_cast %get3A_3488 : vector<16xf32> to vector<1x16xf32>
      tpu.vector_store %arg11[%swap3A_3490, %swap3A_3491], %swap3A_3494 {strides = array<i32>} : memref<32x144xf32, #tpu.memory_space<vmem>>, vector<1x16xf32>,
      %get3A_3495 = arith.constant 29 : i32
      %get3A_3496 = arith.index_cast %get3A_3495 : i32 to index
      %get3A_3497 = arith.constant 96 : index
      %get3A_3498 = tpu.vector_load %arg10[%get3A_3496, %get3A_3497] {strides = array<i32>} : memref<32x128xf32, #tpu.memory_space<vmem>>, vector<1x16xf32>,
      %get3A_3499 = vector.shape_cast %get3A_3498 : vector<1x16xf32> to vector<16xf32>
      %swap3A_3500 = arith.constant 29 : i32
      %swap3A_3501 = arith.index_cast %swap3A_3500 : i32 to index
      %swap3A_3502 = arith.constant 96 : index
      %swap3A_3503 = tpu.vector_load %arg11[%swap3A_3501, %swap3A_3502] {strides = array<i32>} : memref<32x144xf32, #tpu.memory_space<vmem>>, vector<1x16xf32>,
      %swap3A_3504 = vector.shape_cast %swap3A_3503 : vector<1x16xf32> to vector<16xf32>
      %swap3A_3505 = vector.shape_cast %get3A_3499 : vector<16xf32> to vector<1x16xf32>
      tpu.vector_store %arg11[%swap3A_3501, %swap3A_3502], %swap3A_3505 {strides = array<i32>} : memref<32x144xf32, #tpu.memory_space<vmem>>, vector<1x16xf32>,
      %get3A_3506 = arith.constant 29 : i32
      %get3A_3507 = arith.index_cast %get3A_3506 : i32 to index
      %get3A_3508 = arith.constant 112 : index
      %get3A_3509 = tpu.vector_load %arg10[%get3A_3507, %get3A_3508] {strides = array<i32>} : memref<32x128xf32, #tpu.memory_space<vmem>>, vector<1x16xf32>,
      %get3A_3510 = vector.shape_cast %get3A_3509 : vector<1x16xf32> to vector<16xf32>
      %swap3A_3511 = arith.constant 29 : i32
      %swap3A_3512 = arith.index_cast %swap3A_3511 : i32 to index
      %swap3A_3513 = arith.constant 112 : index
      %swap3A_3514 = tpu.vector_load %arg11[%swap3A_3512, %swap3A_3513] {strides = array<i32>} : memref<32x144xf32, #tpu.memory_space<vmem>>, vector<1x16xf32>,
      %swap3A_3515 = vector.shape_cast %swap3A_3514 : vector<1x16xf32> to vector<16xf32>
      %swap3A_3516 = vector.shape_cast %get3A_3510 : vector<16xf32> to vector<1x16xf32>
      tpu.vector_store %arg11[%swap3A_3512, %swap3A_3513], %swap3A_3516 {strides = array<i32>} : memref<32x144xf32, #tpu.memory_space<vmem>>, vector<1x16xf32>,
      %get3A_3517 = arith.constant 30 : i32
      %get3A_3518 = arith.index_cast %get3A_3517 : i32 to index
      %get3A_3519 = arith.constant 0 : index
      %get3A_3520 = tpu.vector_load %arg10[%get3A_3518, %get3A_3519] {strides = array<i32>} : memref<32x128xf32, #tpu.memory_space<vmem>>, vector<1x16xf32>,
      %get3A_3521 = vector.shape_cast %get3A_3520 : vector<1x16xf32> to vector<16xf32>
      %swap3A_3522 = arith.constant 30 : i32
      %swap3A_3523 = arith.index_cast %swap3A_3522 : i32 to index
      %swap3A_3524 = arith.constant 0 : index
      %swap3A_3525 = tpu.vector_load %arg11[%swap3A_3523, %swap3A_3524] {strides = array<i32>} : memref<32x144xf32, #tpu.memory_space<vmem>>, vector<1x16xf32>,
      %swap3A_3526 = vector.shape_cast %swap3A_3525 : vector<1x16xf32> to vector<16xf32>
      %swap3A_3527 = vector.shape_cast %get3A_3521 : vector<16xf32> to vector<1x16xf32>
      tpu.vector_store %arg11[%swap3A_3523, %swap3A_3524], %swap3A_3527 {strides = array<i32>} : memref<32x144xf32, #tpu.memory_space<vmem>>, vector<1x16xf32>,
      %get3A_3528 = arith.constant 30 : i32
      %get3A_3529 = arith.index_cast %get3A_3528 : i32 to index
      %get3A_3530 = arith.constant 16 : index
      %get3A_3531 = tpu.vector_load %arg10[%get3A_3529, %get3A_3530] {strides = array<i32>} : memref<32x128xf32, #tpu.memory_space<vmem>>, vector<1x16xf32>,
      %get3A_3532 = vector.shape_cast %get3A_3531 : vector<1x16xf32> to vector<16xf32>
      %swap3A_3533 = arith.constant 30 : i32
      %swap3A_3534 = arith.index_cast %swap3A_3533 : i32 to index
      %swap3A_3535 = arith.constant 16 : index
      %swap3A_3536 = tpu.vector_load %arg11[%swap3A_3534, %swap3A_3535] {strides = array<i32>} : memref<32x144xf32, #tpu.memory_space<vmem>>, vector<1x16xf32>,
      %swap3A_3537 = vector.shape_cast %swap3A_3536 : vector<1x16xf32> to vector<16xf32>
      %swap3A_3538 = vector.shape_cast %get3A_3532 : vector<16xf32> to vector<1x16xf32>
      tpu.vector_store %arg11[%swap3A_3534, %swap3A_3535], %swap3A_3538 {strides = array<i32>} : memref<32x144xf32, #tpu.memory_space<vmem>>, vector<1x16xf32>,
      %get3A_3539 = arith.constant 30 : i32
      %get3A_3540 = arith.index_cast %get3A_3539 : i32 to index
      %get3A_3541 = arith.constant 32 : index
      %get3A_3542 = tpu.vector_load %arg10[%get3A_3540, %get3A_3541] {strides = array<i32>} : memref<32x128xf32, #tpu.memory_space<vmem>>, vector<1x16xf32>,
      %get3A_3543 = vector.shape_cast %get3A_3542 : vector<1x16xf32> to vector<16xf32>
      %swap3A_3544 = arith.constant 30 : i32
      %swap3A_3545 = arith.index_cast %swap3A_3544 : i32 to index
      %swap3A_3546 = arith.constant 32 : index
      %swap3A_3547 = tpu.vector_load %arg11[%swap3A_3545, %swap3A_3546] {strides = array<i32>} : memref<32x144xf32, #tpu.memory_space<vmem>>, vector<1x16xf32>,
      %swap3A_3548 = vector.shape_cast %swap3A_3547 : vector<1x16xf32> to vector<16xf32>
      %swap3A_3549 = vector.shape_cast %get3A_3543 : vector<16xf32> to vector<1x16xf32>
      tpu.vector_store %arg11[%swap3A_3545, %swap3A_3546], %swap3A_3549 {strides = array<i32>} : memref<32x144xf32, #tpu.memory_space<vmem>>, vector<1x16xf32>,
      %get3A_3550 = arith.constant 30 : i32
      %get3A_3551 = arith.index_cast %get3A_3550 : i32 to index
      %get3A_3552 = arith.constant 48 : index
      %get3A_3553 = tpu.vector_load %arg10[%get3A_3551, %get3A_3552] {strides = array<i32>} : memref<32x128xf32, #tpu.memory_space<vmem>>, vector<1x16xf32>,
      %get3A_3554 = vector.shape_cast %get3A_3553 : vector<1x16xf32> to vector<16xf32>
      %swap3A_3555 = arith.constant 30 : i32
      %swap3A_3556 = arith.index_cast %swap3A_3555 : i32 to index
      %swap3A_3557 = arith.constant 48 : index
      %swap3A_3558 = tpu.vector_load %arg11[%swap3A_3556, %swap3A_3557] {strides = array<i32>} : memref<32x144xf32, #tpu.memory_space<vmem>>, vector<1x16xf32>,
      %swap3A_3559 = vector.shape_cast %swap3A_3558 : vector<1x16xf32> to vector<16xf32>
      %swap3A_3560 = vector.shape_cast %get3A_3554 : vector<16xf32> to vector<1x16xf32>
      tpu.vector_store %arg11[%swap3A_3556, %swap3A_3557], %swap3A_3560 {strides = array<i32>} : memref<32x144xf32, #tpu.memory_space<vmem>>, vector<1x16xf32>,
      %get3A_3561 = arith.constant 30 : i32
      %get3A_3562 = arith.index_cast %get3A_3561 : i32 to index
      %get3A_3563 = arith.constant 64 : index
      %get3A_3564 = tpu.vector_load %arg10[%get3A_3562, %get3A_3563] {strides = array<i32>} : memref<32x128xf32, #tpu.memory_space<vmem>>, vector<1x16xf32>,
      %get3A_3565 = vector.shape_cast %get3A_3564 : vector<1x16xf32> to vector<16xf32>
      %swap3A_3566 = arith.constant 30 : i32
      %swap3A_3567 = arith.index_cast %swap3A_3566 : i32 to index
      %swap3A_3568 = arith.constant 64 : index
      %swap3A_3569 = tpu.vector_load %arg11[%swap3A_3567, %swap3A_3568] {strides = array<i32>} : memref<32x144xf32, #tpu.memory_space<vmem>>, vector<1x16xf32>,
      %swap3A_3570 = vector.shape_cast %swap3A_3569 : vector<1x16xf32> to vector<16xf32>
      %swap3A_3571 = vector.shape_cast %get3A_3565 : vector<16xf32> to vector<1x16xf32>
      tpu.vector_store %arg11[%swap3A_3567, %swap3A_3568], %swap3A_3571 {strides = array<i32>} : memref<32x144xf32, #tpu.memory_space<vmem>>, vector<1x16xf32>,
      %get3A_3572 = arith.constant 30 : i32
      %get3A_3573 = arith.index_cast %get3A_3572 : i32 to index
      %get3A_3574 = arith.constant 80 : index
      %get3A_3575 = tpu.vector_load %arg10[%get3A_3573, %get3A_3574] {strides = array<i32>} : memref<32x128xf32, #tpu.memory_space<vmem>>, vector<1x16xf32>,
      %get3A_3576 = vector.shape_cast %get3A_3575 : vector<1x16xf32> to vector<16xf32>
      %swap3A_3577 = arith.constant 30 : i32
      %swap3A_3578 = arith.index_cast %swap3A_3577 : i32 to index
      %swap3A_3579 = arith.constant 80 : index
      %swap3A_3580 = tpu.vector_load %arg11[%swap3A_3578, %swap3A_3579] {strides = array<i32>} : memref<32x144xf32, #tpu.memory_space<vmem>>, vector<1x16xf32>,
      %swap3A_3581 = vector.shape_cast %swap3A_3580 : vector<1x16xf32> to vector<16xf32>
      %swap3A_3582 = vector.shape_cast %get3A_3576 : vector<16xf32> to vector<1x16xf32>
      tpu.vector_store %arg11[%swap3A_3578, %swap3A_3579], %swap3A_3582 {strides = array<i32>} : memref<32x144xf32, #tpu.memory_space<vmem>>, vector<1x16xf32>,
      %get3A_3583 = arith.constant 30 : i32
      %get3A_3584 = arith.index_cast %get3A_3583 : i32 to index
      %get3A_3585 = arith.constant 96 : index
      %get3A_3586 = tpu.vector_load %arg10[%get3A_3584, %get3A_3585] {strides = array<i32>} : memref<32x128xf32, #tpu.memory_space<vmem>>, vector<1x16xf32>,
      %get3A_3587 = vector.shape_cast %get3A_3586 : vector<1x16xf32> to vector<16xf32>
      %swap3A_3588 = arith.constant 30 : i32
      %swap3A_3589 = arith.index_cast %swap3A_3588 : i32 to index
      %swap3A_3590 = arith.constant 96 : index
      %swap3A_3591 = tpu.vector_load %arg11[%swap3A_3589, %swap3A_3590] {strides = array<i32>} : memref<32x144xf32, #tpu.memory_space<vmem>>, vector<1x16xf32>,
      %swap3A_3592 = vector.shape_cast %swap3A_3591 : vector<1x16xf32> to vector<16xf32>
      %swap3A_3593 = vector.shape_cast %get3A_3587 : vector<16xf32> to vector<1x16xf32>
      tpu.vector_store %arg11[%swap3A_3589, %swap3A_3590], %swap3A_3593 {strides = array<i32>} : memref<32x144xf32, #tpu.memory_space<vmem>>, vector<1x16xf32>,
      %get3A_3594 = arith.constant 30 : i32
      %get3A_3595 = arith.index_cast %get3A_3594 : i32 to index
      %get3A_3596 = arith.constant 112 : index
      %get3A_3597 = tpu.vector_load %arg10[%get3A_3595, %get3A_3596] {strides = array<i32>} : memref<32x128xf32, #tpu.memory_space<vmem>>, vector<1x16xf32>,
      %get3A_3598 = vector.shape_cast %get3A_3597 : vector<1x16xf32> to vector<16xf32>
      %swap3A_3599 = arith.constant 30 : i32
      %swap3A_3600 = arith.index_cast %swap3A_3599 : i32 to index
      %swap3A_3601 = arith.constant 112 : index
      %swap3A_3602 = tpu.vector_load %arg11[%swap3A_3600, %swap3A_3601] {strides = array<i32>} : memref<32x144xf32, #tpu.memory_space<vmem>>, vector<1x16xf32>,
      %swap3A_3603 = vector.shape_cast %swap3A_3602 : vector<1x16xf32> to vector<16xf32>
      %swap3A_3604 = vector.shape_cast %get3A_3598 : vector<16xf32> to vector<1x16xf32>
      tpu.vector_store %arg11[%swap3A_3600, %swap3A_3601], %swap3A_3604 {strides = array<i32>} : memref<32x144xf32, #tpu.memory_space<vmem>>, vector<1x16xf32>,
      %get3A_3605 = arith.constant 31 : i32
      %get3A_3606 = arith.index_cast %get3A_3605 : i32 to index
      %get3A_3607 = arith.constant 0 : index
      %get3A_3608 = tpu.vector_load %arg10[%get3A_3606, %get3A_3607] {strides = array<i32>} : memref<32x128xf32, #tpu.memory_space<vmem>>, vector<1x16xf32>,
      %get3A_3609 = vector.shape_cast %get3A_3608 : vector<1x16xf32> to vector<16xf32>
      %swap3A_3610 = arith.constant 31 : i32
      %swap3A_3611 = arith.index_cast %swap3A_3610 : i32 to index
      %swap3A_3612 = arith.constant 0 : index
      %swap3A_3613 = tpu.vector_load %arg11[%swap3A_3611, %swap3A_3612] {strides = array<i32>} : memref<32x144xf32, #tpu.memory_space<vmem>>, vector<1x16xf32>,
      %swap3A_3614 = vector.shape_cast %swap3A_3613 : vector<1x16xf32> to vector<16xf32>
      %swap3A_3615 = vector.shape_cast %get3A_3609 : vector<16xf32> to vector<1x16xf32>
      tpu.vector_store %arg11[%swap3A_3611, %swap3A_3612], %swap3A_3615 {strides = array<i32>} : memref<32x144xf32, #tpu.memory_space<vmem>>, vector<1x16xf32>,
      %get3A_3616 = arith.constant 31 : i32
      %get3A_3617 = arith.index_cast %get3A_3616 : i32 to index
      %get3A_3618 = arith.constant 16 : index
      %get3A_3619 = tpu.vector_load %arg10[%get3A_3617, %get3A_3618] {strides = array<i32>} : memref<32x128xf32, #tpu.memory_space<vmem>>, vector<1x16xf32>,
      %get3A_3620 = vector.shape_cast %get3A_3619 : vector<1x16xf32> to vector<16xf32>
      %swap3A_3621 = arith.constant 31 : i32
      %swap3A_3622 = arith.index_cast %swap3A_3621 : i32 to index
      %swap3A_3623 = arith.constant 16 : index
      %swap3A_3624 = tpu.vector_load %arg11[%swap3A_3622, %swap3A_3623] {strides = array<i32>} : memref<32x144xf32, #tpu.memory_space<vmem>>, vector<1x16xf32>,
      %swap3A_3625 = vector.shape_cast %swap3A_3624 : vector<1x16xf32> to vector<16xf32>
      %swap3A_3626 = vector.shape_cast %get3A_3620 : vector<16xf32> to vector<1x16xf32>
      tpu.vector_store %arg11[%swap3A_3622, %swap3A_3623], %swap3A_3626 {strides = array<i32>} : memref<32x144xf32, #tpu.memory_space<vmem>>, vector<1x16xf32>,
      %get3A_3627 = arith.constant 31 : i32
      %get3A_3628 = arith.index_cast %get3A_3627 : i32 to index
      %get3A_3629 = arith.constant 32 : index
      %get3A_3630 = tpu.vector_load %arg10[%get3A_3628, %get3A_3629] {strides = array<i32>} : memref<32x128xf32, #tpu.memory_space<vmem>>, vector<1x16xf32>,
      %get3A_3631 = vector.shape_cast %get3A_3630 : vector<1x16xf32> to vector<16xf32>
      %swap3A_3632 = arith.constant 31 : i32
      %swap3A_3633 = arith.index_cast %swap3A_3632 : i32 to index
      %swap3A_3634 = arith.constant 32 : index
      %swap3A_3635 = tpu.vector_load %arg11[%swap3A_3633, %swap3A_3634] {strides = array<i32>} : memref<32x144xf32, #tpu.memory_space<vmem>>, vector<1x16xf32>,
      %swap3A_3636 = vector.shape_cast %swap3A_3635 : vector<1x16xf32> to vector<16xf32>
      %swap3A_3637 = vector.shape_cast %get3A_3631 : vector<16xf32> to vector<1x16xf32>
      tpu.vector_store %arg11[%swap3A_3633, %swap3A_3634], %swap3A_3637 {strides = array<i32>} : memref<32x144xf32, #tpu.memory_space<vmem>>, vector<1x16xf32>,
      %get3A_3638 = arith.constant 31 : i32
      %get3A_3639 = arith.index_cast %get3A_3638 : i32 to index
      %get3A_3640 = arith.constant 48 : index
      %get3A_3641 = tpu.vector_load %arg10[%get3A_3639, %get3A_3640] {strides = array<i32>} : memref<32x128xf32, #tpu.memory_space<vmem>>, vector<1x16xf32>,
      %get3A_3642 = vector.shape_cast %get3A_3641 : vector<1x16xf32> to vector<16xf32>
      %swap3A_3643 = arith.constant 31 : i32
      %swap3A_3644 = arith.index_cast %swap3A_3643 : i32 to index
      %swap3A_3645 = arith.constant 48 : index
      %swap3A_3646 = tpu.vector_load %arg11[%swap3A_3644, %swap3A_3645] {strides = array<i32>} : memref<32x144xf32, #tpu.memory_space<vmem>>, vector<1x16xf32>,
      %swap3A_3647 = vector.shape_cast %swap3A_3646 : vector<1x16xf32> to vector<16xf32>
      %swap3A_3648 = vector.shape_cast %get3A_3642 : vector<16xf32> to vector<1x16xf32>
      tpu.vector_store %arg11[%swap3A_3644, %swap3A_3645], %swap3A_3648 {strides = array<i32>} : memref<32x144xf32, #tpu.memory_space<vmem>>, vector<1x16xf32>,
      %get3A_3649 = arith.constant 31 : i32
      %get3A_3650 = arith.index_cast %get3A_3649 : i32 to index
      %get3A_3651 = arith.constant 64 : index
      %get3A_3652 = tpu.vector_load %arg10[%get3A_3650, %get3A_3651] {strides = array<i32>} : memref<32x128xf32, #tpu.memory_space<vmem>>, vector<1x16xf32>,
      %get3A_3653 = vector.shape_cast %get3A_3652 : vector<1x16xf32> to vector<16xf32>
      %swap3A_3654 = arith.constant 31 : i32
      %swap3A_3655 = arith.index_cast %swap3A_3654 : i32 to index
      %swap3A_3656 = arith.constant 64 : index
      %swap3A_3657 = tpu.vector_load %arg11[%swap3A_3655, %swap3A_3656] {strides = array<i32>} : memref<32x144xf32, #tpu.memory_space<vmem>>, vector<1x16xf32>,
      %swap3A_3658 = vector.shape_cast %swap3A_3657 : vector<1x16xf32> to vector<16xf32>
      %swap3A_3659 = vector.shape_cast %get3A_3653 : vector<16xf32> to vector<1x16xf32>
      tpu.vector_store %arg11[%swap3A_3655, %swap3A_3656], %swap3A_3659 {strides = array<i32>} : memref<32x144xf32, #tpu.memory_space<vmem>>, vector<1x16xf32>,
      %get3A_3660 = arith.constant 31 : i32
      %get3A_3661 = arith.index_cast %get3A_3660 : i32 to index
      %get3A_3662 = arith.constant 80 : index
      %get3A_3663 = tpu.vector_load %arg10[%get3A_3661, %get3A_3662] {strides = array<i32>} : memref<32x128xf32, #tpu.memory_space<vmem>>, vector<1x16xf32>,
      %get3A_3664 = vector.shape_cast %get3A_3663 : vector<1x16xf32> to vector<16xf32>
      %swap3A_3665 = arith.constant 31 : i32
      %swap3A_3666 = arith.index_cast %swap3A_3665 : i32 to index
      %swap3A_3667 = arith.constant 80 : index
      %swap3A_3668 = tpu.vector_load %arg11[%swap3A_3666, %swap3A_3667] {strides = array<i32>} : memref<32x144xf32, #tpu.memory_space<vmem>>, vector<1x16xf32>,
      %swap3A_3669 = vector.shape_cast %swap3A_3668 : vector<1x16xf32> to vector<16xf32>
      %swap3A_3670 = vector.shape_cast %get3A_3664 : vector<16xf32> to vector<1x16xf32>
      tpu.vector_store %arg11[%swap3A_3666, %swap3A_3667], %swap3A_3670 {strides = array<i32>} : memref<32x144xf32, #tpu.memory_space<vmem>>, vector<1x16xf32>,
      %get3A_3671 = arith.constant 31 : i32
      %get3A_3672 = arith.index_cast %get3A_3671 : i32 to index
      %get3A_3673 = arith.constant 96 : index
      %get3A_3674 = tpu.vector_load %arg10[%get3A_3672, %get3A_3673] {strides = array<i32>} : memref<32x128xf32, #tpu.memory_space<vmem>>, vector<1x16xf32>,
      %get3A_3675 = vector.shape_cast %get3A_3674 : vector<1x16xf32> to vector<16xf32>
      %swap3A_3676 = arith.constant 31 : i32
      %swap3A_3677 = arith.index_cast %swap3A_3676 : i32 to index
      %swap3A_3678 = arith.constant 96 : index
      %swap3A_3679 = tpu.vector_load %arg11[%swap3A_3677, %swap3A_3678] {strides = array<i32>} : memref<32x144xf32, #tpu.memory_space<vmem>>, vector<1x16xf32>,
      %swap3A_3680 = vector.shape_cast %swap3A_3679 : vector<1x16xf32> to vector<16xf32>
      %swap3A_3681 = vector.shape_cast %get3A_3675 : vector<16xf32> to vector<1x16xf32>
      tpu.vector_store %arg11[%swap3A_3677, %swap3A_3678], %swap3A_3681 {strides = array<i32>} : memref<32x144xf32, #tpu.memory_space<vmem>>, vector<1x16xf32>,
      %get3A_3682 = arith.constant 31 : i32
      %get3A_3683 = arith.index_cast %get3A_3682 : i32 to index
      %get3A_3684 = arith.constant 112 : index
      %get3A_3685 = tpu.vector_load %arg10[%get3A_3683, %get3A_3684] {strides = array<i32>} : memref<32x128xf32, #tpu.memory_space<vmem>>, vector<1x16xf32>,
      %get3A_3686 = vector.shape_cast %get3A_3685 : vector<1x16xf32> to vector<16xf32>
      %swap3A_3687 = arith.constant 31 : i32
      %swap3A_3688 = arith.index_cast %swap3A_3687 : i32 to index
      %swap3A_3689 = arith.constant 112 : index
      %swap3A_3690 = tpu.vector_load %arg11[%swap3A_3688, %swap3A_3689] {strides = array<i32>} : memref<32x144xf32, #tpu.memory_space<vmem>>, vector<1x16xf32>,
      %swap3A_3691 = vector.shape_cast %swap3A_3690 : vector<1x16xf32> to vector<16xf32>
      %swap3A_3692 = vector.shape_cast %get3A_3686 : vector<16xf32> to vector<1x16xf32>
      tpu.vector_store %arg11[%swap3A_3688, %swap3A_3689], %swap3A_3692 {strides = array<i32>} : memref<32x144xf32, #tpu.memory_space<vmem>>, vector<1x16xf32>,
      %add3A_3693 = arith.constant 16 : i32
      %add3A_3694 = arith.addi %min3A_5, %add3A_3693 : i32
      %dma_start3A_3695 = arith.constant 16 : i32
      %dma_start3A_3696 = arith.constant 0 : i32
      %dma_start3A_3697 = tpu.memref_slice %arg11[%dma_start3A_3695, %dma_start3A_3696] : memref<32x144xf32, #tpu.memory_space<vmem>> -> memref<16x144xf32, #tpu.memory_space<vmem>>
      %dma_start3A_3698 = arith.constant 0 : i32
      %dma_start3A_3699 = tpu.memref_slice %arg6[%add3A_3694, %dma_start3A_3698] : memref<424x144xf32, #tpu.memory_space<hbm>> -> memref<16x144xf32, #tpu.memory_space<hbm>>
      %dma_start3A_3700 = arith.constant 0 : i32
      %dma_start3A_3701 = tpu.memref_slice %arg6[%add3A_3694, %dma_start3A_3700] : memref<424x144xf32, #tpu.memory_space<hbm>> -> memref<16x144xf32, #tpu.memory_space<hbm>>
      %dma_start3A_3702 = arith.constant 16 : i32
      %dma_start3A_3703 = arith.constant 0 : i32
      %dma_start3A_3704 = tpu.memref_slice %arg11[%dma_start3A_3702, %dma_start3A_3703] : memref<32x144xf32, #tpu.memory_space<vmem>> -> memref<16x144xf32, #tpu.memory_space<vmem>>
      tpu.enqueue_dma source(%dma_start3A_3704 : memref<16x144xf32, #tpu.memory_space<vmem>>) target(%dma_start3A_3701 : memref<16x144xf32, #tpu.memory_space<hbm>>) target_semaphore(%arg16 : memref<!tpu.dma_semaphore, #tpu.memory_space<semaphore_mem>>)
      %dma_wait3A_3705 = arith.constant 0 : i32
      %dma_wait3A_3706 = arith.constant 0 : i32
      %dma_wait3A_3707 = tpu.memref_slice %arg11[%dma_wait3A_3705, %dma_wait3A_3706] : memref<32x144xf32, #tpu.memory_space<vmem>> -> memref<16x144xf32, #tpu.memory_space<vmem>>
      %dma_wait3A_3708 = arith.constant 0 : i32
      %dma_wait3A_3709 = tpu.memref_slice %arg6[%add3A_2268, %dma_wait3A_3708] : memref<424x144xf32, #tpu.memory_space<hbm>> -> memref<16x144xf32, #tpu.memory_space<hbm>>
      %dma_wait3A_3710 = arith.constant 0 : i32
      %dma_wait3A_3711 = tpu.memref_slice %arg6[%add3A_2268, %dma_wait3A_3710] : memref<424x144xf32, #tpu.memory_space<hbm>> -> memref<16x144xf32, #tpu.memory_space<hbm>>
      %dma_wait3A_3712 = arith.constant 0 : i32
      %dma_wait3A_3713 = arith.constant 0 : i32
      %dma_wait3A_3714 = tpu.memref_slice %arg11[%dma_wait3A_3712, %dma_wait3A_3713] : memref<32x144xf32, #tpu.memory_space<vmem>> -> memref<16x144xf32, #tpu.memory_space<vmem>>
      tpu.wait_dma2 semaphore(%arg16 : memref<!tpu.dma_semaphore, #tpu.memory_space<semaphore_mem>>) src(%dma_wait3A_3714 : memref<16x144xf32, #tpu.memory_space<vmem>>) dst(%dma_wait3A_3711 : memref<16x144xf32, #tpu.memory_space<hbm>>)
      %dma_wait3A_3715 = arith.constant 16 : i32
      %dma_wait3A_3716 = arith.constant 0 : i32
      %dma_wait3A_3717 = tpu.memref_slice %arg11[%dma_wait3A_3715, %dma_wait3A_3716] : memref<32x144xf32, #tpu.memory_space<vmem>> -> memref<16x144xf32, #tpu.memory_space<vmem>>
      %dma_wait3A_3718 = arith.constant 0 : i32
      %dma_wait3A_3719 = tpu.memref_slice %arg6[%add3A_3694, %dma_wait3A_3718] : memref<424x144xf32, #tpu.memory_space<hbm>> -> memref<16x144xf32, #tpu.memory_space<hbm>>
      %dma_wait3A_3720 = arith.constant 0 : i32
      %dma_wait3A_3721 = tpu.memref_slice %arg6[%add3A_3694, %dma_wait3A_3720] : memref<424x144xf32, #tpu.memory_space<hbm>> -> memref<16x144xf32, #tpu.memory_space<hbm>>
      %dma_wait3A_3722 = arith.constant 16 : i32
      %dma_wait3A_3723 = arith.constant 0 : i32
      %dma_wait3A_3724 = tpu.memref_slice %arg11[%dma_wait3A_3722, %dma_wait3A_3723] : memref<32x144xf32, #tpu.memory_space<vmem>> -> memref<16x144xf32, #tpu.memory_space<vmem>>
      tpu.wait_dma2 semaphore(%arg16 : memref<!tpu.dma_semaphore, #tpu.memory_space<semaphore_mem>>) src(%dma_wait3A_3724 : memref<16x144xf32, #tpu.memory_space<vmem>>) dst(%dma_wait3A_3721 : memref<16x144xf32, #tpu.memory_space<hbm>>)
    } else {
    }
    return
  }
}

</mosaic_0001>

<sc_bundles>
// kernel: _emb.3.cloned.1.call-start
scs
__scs_entry_jumppad:
0x0: {  	(pc) =	sbr.rel $0x88, $3  }
0x1: {  	(tag) =	ssettag $0x0;
	lr =	simm.s32 $0x1  }
0x2: {  	[smem:$0x3F9D] =	sst lr;
	_ =	strace $0xD0000000  }
0x3: {  	_ = 	snop  }
0x4: {  	_ = 	snop  }
0x5: {  	_ = 	snop  }
0x6: {  	_ = 	snop  }
0x7: {  	_ = 	snop  }
__scs_overlays_trampoline_lowered:
0x8: {  	[smem:$0x3FAC] =	sst s0  }
0x9: {  	[smem:$0x3FAD] =	sst s1  }
0xa: {  	[smem:$0x3FAE] =	sst s2  }
0xb: {  	[smem:$0x3FAF] =	sst s3  }
0xc: {  	[smem:$0x3FB0] =	sst s4  }
0xd: {  	[smem:$0x3FB1] =	sst s5  }
0xe: {  	[smem:$0x3FB2] =	sst s6  }
0xf: {  	[smem:$0x3FB3] =	sst s7  }
0x10: {  	[smem:$0x3FB4] =	sst s8  }
0x11: {  	[smem:$0x3FB5] =	sst s9;
	s0 =	simm.s32 @!p0 $0x0  }
0x12: {  	s1 =	sld [smem:$0x3F9B];
	s0 =	simm.s32 @p0 $0x1  }
0x13: {  	[smem:$0x3FB6] =	sst s0;
	s0 =	simm.s32 @!p1 $0x0  }
0x14: {  	s2 =	sld [smem:$0x3F9A];
	s0 =	simm.s32 @p1 $0x1  }
0x15: {  	[smem:$0x3FB7] =	sst s0;
	s0 =	simm.s32 @!p2 $0x0  }
0x16: {  	s3 =	sld [smem:$0x3FDB];
	s0 =	simm.s32 @p2 $0x1  }
0x17: {  	s4 =	simm.s32 $0x1BF5;
	[smem:$0x3FB9] =	sst s0  }
0x18: {  	s0 =	sld [smem:$0x3F9C];
	_ =	swait.ge [sflag:s4], $0x0  }
0x19: {  	s7 =	sld [smem:$0x3F9D]  }
0x1a: {  	s8 =	sadd.s32 $0xFFFFE003, lr  }
0x1b: {  	s9 =	sadd.s32 $0xFFFFFEF7, lr;
	s5 =	simm.s32 $0xFFFFFFFF;
	p2 =	slt.u32 s8, $0xFFFFF086  }
0x1c: {  	p1 =	slt.u32 s9, $0xF7A;
	s5 =	simm.s32 @!p2 $0x0  }
0x1d: {  	s5 =	simm.s32 @p1 $0x1;
	p0 =	seq.s32 s7, s2  }
0x1e: {  	s7 =	smul.u32 @!p0 $0xF7A, s2;
	p2 =	seq.s32 @!p0 s5, $0x0  }
0x1f: {  	s9 =	smul.u32 $0xF7A, s1;
	s8 =	simm.s32 @!p0 $0x1BF5;
	p2 =	por !p2, p0  }
0x20: {  	[sflag:s8] =	ssyncset.s32 @!p0 $0xFFFFF086;
	s6 =	sadd.s32 @!p0 s3, s7;
	s7 =	simm.s32 @!p0 $0x108  }
0x21: {  	s3 =	sadd.s32 s3, s9;
	s6 =	sadd.s32 @!p0 $0x88, s6;
	s7 =	simm.s32 @p2 $0x1082  }
0x22: {  	[simem:s7], [sflag:s8] =	dma.local @!p0 [hbm:s6], $0xF7A  }
0x23: {  	s9 =	sor.u32 $0xD0000000, s2;
	s6 =	simm.s32 $0x108;
	_ =	swait.ge @!p0 [sflag:s8], $0x0  }
0x24: {  	s3 =	sadd.s32 $0x88, s3;
	s6 =	simm.s32 @!p1 $0x1082;
	[sflag:s4] =	ssyncset.s32 $0xFFFFF086  }
0x25: {  	[simem:s6], [sflag:s4] =	dma.local [hbm:s3], $0xF7A  }
0x26: {  	[smem:$0x3F9D] =	sst s1;
	(tag) =	ssettag s2;
	_ =	strace s9  }
0x27: {  	s1 =	sld [smem:$0x3FAD]  }
0x28: {  	s2 =	sld [smem:$0x3FAE]  }
0x29: {  	s4 =	sld [smem:$0x3FB0]  }
0x2a: {  	p0 =	seq.s32 s5, $0x0;
	s5 =	sld [smem:$0x3FB1]  }
0x2b: {  	s6 =	sld [smem:$0x3FB2]  }
0x2c: {  	s7 =	sld [smem:$0x3FB3]  }
0x2d: {  	s3 =	simm.s32 $0x108;
	s8 =	sld [smem:$0x3FB4]  }
0x2e: {  	s3 =	simm.s32 @!p0 $0x1082;
	s9 =	sld [smem:$0x3FB5]  }
0x2f: {  	lr =	sadd.s32 s0, s3;
	s0 =	sld [smem:$0x3FAC]  }
0x30: {  	s3 =	sld [smem:$0x3FAF]  }
0x31: {  	[smem:$0x3FB8] =	sst s10  }
0x32: {  	s10 =	sld [smem:$0x3FB6];
	_ =	sdelay $0x3  }
0x33: {  	p0 =	seq.s32 s10, $0x1;
	s10 =	sld [smem:$0x3FB8];
	_ =	sdelay $0x3  }
0x34: {  	[smem:$0x3FB8] =	sst s10  }
0x35: {  	s10 =	sld [smem:$0x3FB7];
	_ =	sdelay $0x3  }
0x36: {  	p1 =	seq.s32 s10, $0x1;
	s10 =	sld [smem:$0x3FB8];
	_ =	sdelay $0x3  }
0x37: {  	[smem:$0x3FB8] =	sst s10  }
0x38: {  	s10 =	sld [smem:$0x3FB9]  }
0x39: {  	_ = 	snop;
	(pc) =	sbr.ind lr, $3  }
0x3a: {  	_ = 	snop  }
0x3b: {  	_ = 	snop  }
0x3c: {  	p2 =	seq.s32 s10, $0x1;
	s10 =	sld [smem:$0x3FB8]  }
0x3d: {  	_ =	shalt  }
0x3e: {  	_ =	shalt  }
0x3f: {  	_ =	shalt  }
0x40: {  	_ =	shalt  }
0x41: {  	_ =	shalt  }
0x42: {  	_ =	shalt  }
0x43: {  	_ =	shalt  }
0x44: {  	_ =	shalt  }
0x45: {  	_ =	shalt  }
0x46: {  	_ =	shalt  }
0x47: {  	_ =	shalt  }
0x48: {  	_ =	shalt  }
0x49: {  	_ =	shalt  }
0x4a: {  	_ =	shalt  }
0x4b: {  	_ =	shalt  }
0x4c: {  	_ =	shalt  }
0x4d: {  	_ =	shalt  }
0x4e: {  	_ =	shalt  }
0x4f: {  	_ =	shalt  }
0x50: {  	_ =	shalt  }
0x51: {  	_ =	shalt  }
0x52: {  	_ =	shalt  }
0x53: {  	_ =	shalt  }
0x54: {  	_ =	shalt  }
0x55: {  	_ =	shalt  }
0x56: {  	_ =	shalt  }
0x57: {  	_ =	shalt  }
0x58: {  	_ =	shalt  }
0x59: {  	_ =	shalt  }
0x5a: {  	_ =	shalt  }
0x5b: {  	_ =	shalt  }
0x5c: {  	_ =	shalt  }
0x5d: {  	_ =	shalt  }
0x5e: {  	_ =	shalt  }
0x5f: {  	_ =	shalt  }
0x60: {  	_ =	shalt  }
0x61: {  	_ =	shalt  }
0x62: {  	_ =	shalt  }
0x63: {  	_ =	shalt  }
0x64: {  	_ =	shalt  }
0x65: {  	_ =	shalt  }
0x66: {  	_ =	shalt  }
0x67: {  	_ =	shalt  }
0x68: {  	_ =	shalt  }
0x69: {  	_ =	shalt  }
0x6a: {  	_ =	shalt  }
0x6b: {  	_ =	shalt  }
0x6c: {  	_ =	shalt  }
0x6d: {  	_ =	shalt  }
0x6e: {  	_ =	shalt  }
0x6f: {  	_ =	shalt  }
0x70: {  	_ =	shalt  }
0x71: {  	_ =	shalt  }
0x72: {  	_ =	shalt  }
0x73: {  	_ =	shalt  }
0x74: {  	_ =	shalt  }
0x75: {  	_ =	shalt  }
0x76: {  	_ =	shalt  }
0x77: {  	_ =	shalt  }
0x78: {  	_ =	shalt  }
0x79: {  	_ =	shalt  }
0x7a: {  	_ =	shalt  }
0x7b: {  	_ =	shalt  }
0x7c: {  	_ =	shalt  }
0x7d: {  	_ =	shalt  }
0x7e: {  	_ =	shalt  }
0x7f: {  	_ =	shalt  }
0x80: {  	_ =	shalt  }
0x81: {  	_ =	shalt  }
0x82: {  	_ =	shalt  }
0x83: {  	_ =	shalt  }
0x84: {  	_ =	shalt  }
0x85: {  	_ =	shalt  }
0x86: {  	_ =	shalt  }
0x87: {  	_ =	shalt  }
.Lfunc_end0:
.L_simem_size_0:
called_computation_lowered:
.L_overlay_start_0:
0x88: {  	s0 =	sld [smem:$0x3FD9]  }
0x89: {  	s1 =	sld [smem:$0x3FFE];
	_ =	sdelay $0x3  }
0x8a: {  	s0 =	sadd.s32 s1, s0  }
0x8b: {  	[smem:$0x3FC4] =	sst s0  }
0x8c: {  	_ = 	snop  }
0x8d: {  	s0 =	sld [smem:$0x3FC9]  }
0x8e: {  	s16 =	sld [smem:$0x3FC8]  }
0x8f: {  	s2 =	sld [smem:$0x3FC7]  }
0x90: {  	s3 =	sld [smem:$0x3FC6];
	(tm) =	ssettm $0x1  }
0x91: {  	s4 =	sld [smem:$0x3FFB];
	_ =	sdelay $0x3  }
0x92: {  	_ =	strace s4  }
0x93: {  	s4 =	sld [smem:$0x3FFC];
	_ =	sdelay $0x3  }
0x94: {  	_ =	strace s4  }
0x95: {  	s4 =	sld [smem:$0x3FFD];
	_ =	sdelay $0x3  }
0x96: {  	_ =	strace s4  }
0x97: {  	_ =	strace $0x8FFFFFFF  }
0x98: {  	s17 =	sld [smem:$0x3FDB];
	_ =	sdelay $0x1  }
0x99: {  	s5 =	simm.s32 $_scs_section_size  }
0x9a: {  	s6 =	simm.s32 $_size__tile_overlayer_lowered;
	s7 =	simm.s32 $_tile_overlayer_lowered  }
0x9b: {  	s20 =	simm.s32 $0x1BFF;
	s19 =	sshll.u32 s7, $0x1;
	s4 =	sadd.s32 s5, s17  }
0x9c: {  	s8 =	simm.s32 $0x0;
	s18 =	sshll.u32 s6, $0x1;
	s6 =	sadd.s32 s19, s4  }
0x9d: {  	[timem:s8], [sflag:s20] =	dma.local [hbm:s6], s18  }
0x9e: {  	_ =	swait.ge [sflag:s20], s18  }
0x9f: {  	s5 =	ssub.s32 $0x0, s18;
	[sflag:s20] =	ssyncset.done $0x0  }
0xa0: {  	[sflag:s20] =	ssyncadd.s32 s5;
	_ =	sdelay $0x1  }
0xa1: {  	s21 =	simm.s32 $0x1B8B  }
0xa2: {  	_ =	swait.ge [sflag:s21], $0x1  }
0xa3: {  	[sflag:s21] =	ssyncset.done $0x0  }
0xa4: {  	s23 =	simm.s32 $0x1B8E;
	s22 =	sld [smem:$0x3FFE];
	[sflag:s21] =	ssyncadd.s32 $0xFFFFFFFF  }
0xa5: {  	s24 =	simm.s32 $execute0_lowered;
	[smem:$0x3FD2] =	sst s23  }
0xa6: {  	s6 =	sshll.u32 s24, $0x1;
	_ =	strace $0x80000046;
	[dreg:$0x1] =	wrdreg $0xFFFFFFFF  }
0xa7: {  	s25 =	simm.s32 $_size_execute0_lowered;
	s4 =	sadd.s32 s4, s6;
	[dreg:$0x0] =	wrdreg $0x0  }
0xa8: {  	s6 =	sshll.u32 s25, $0x1;
	[dreg:$0x2] =	wrdreg s4  }
0xa9: {  	[dreg:$0x3] =	wrdreg s6  }
0xaa: {  	[dreg:$0x4] =	wrdreg $0xC0  }
0xab: {  	_ =	task [dreg:s8], $0x5FFFF  }
0xac: {  	[dreg:$0x1] =	wrdreg $0xFFFFFFFF  }
0xad: {  	[dreg:$0x0] =	wrdreg $0x60  }
0xae: {  	[dreg:$0x2] =	wrdreg s0  }
0xaf: {  	[dreg:$0x3] =	wrdreg s16  }
0xb0: {  	[dreg:$0x4] =	wrdreg s2  }
0xb1: {  	[dreg:$0x5] =	wrdreg s3  }
0xb2: {  	[dreg:$0x6] =	wrdreg s22  }
0xb3: {  	[dreg:$0x7] =	wrdreg $0x9  }
0xb4: {  	_ =	task.clear_ibuf [dreg:s8], $0x8FFFF;
	_ =	strace $0x90000046  }
0xb5: {  	s26 =	simm.s32 $0x9;
	_ =	strace $0x80000048  }
0xb6: {  	_ =	swait.ge [sflag:s26], $0x1  }
0xb7: {  	[sflag:s26] =	ssyncadd.s32 $0xFFFFFFFF  }
0xb8: {  	_ =	strace $0x90000048  }
0xb9: {  	_ =	sfence  }
0xba: {  	s28 =	sld [smem:$0x0];
	_ =	sdelay $0x1  }
0xbb: {  	s29 =	srdreg.scid  }
0xbc: {  	s30 =	sshll.u32 s29, $0xD;
	s31 =	sshrl.u32 s29, $0x2  }
0xbd: {  	s1 =	sand.u32 $0x1, s29;
	s2 =	sand.u32 $0x4000, s30;
	s0 =	sadd.s32 s31, s28  }
0xbe: {  	s1 =	sor.u32 s2, s1;
	s0 =	sshll.u32 s0, $0x11  }
0xbf: {  	s0 =	sor.u32 s0, s1  }
0xc0: {  	s0 =	sadd.s32 $0x8F2B, s0  }
0xc1: {  	[sflag:s0] =	ssyncadd.remote.s32 $0x1  }
0xc2: {  	_ =	sfence.sel $0xFFFF  }
0xc3: {  	[dreg:$0x0] =	wrdreg $0xFFFFFFFF;
	(pc) =	sbr.abs _section_cstart, $3  }
0xc4: {  	[dreg:$0x1] =	wrdreg $0xFFFFFFFF  }
0xc5: {  	_ =	task.clear_ibuf [dreg:s8], $0x2FFFF;
	_ =	strace $0x9FFFFFFF  }
0xc6: {  	(tm) =	ssettm $0x7FFFFFFF  }
0xc7: {  	_ =	shalt  }
tec
execute0_lowered:
.L_overlay_start_1:
0x0: {  	(tag) =	ssettag $0x1  }
0x1: {  	s8 =	rddreg [dreg:$0x0];
	s1 =	stileid.u32  }
0x2: {  	s7 =	rddreg [dreg:$0x1];
	p0 =	sgt.u32 s1, $0xD  }
.Ltmp0:
0x3: {  	s5 =	rddreg [dreg:$0x2];
	(pc) =	sbr.rel @p0 .LBB2_2-.Ltmp0, $4  }
0x4: {  	s6 =	rddreg [dreg:$0x3]  }
0x5: {  	s3 =	rddreg [dreg:$0x4];
	s2 =	simm.s32 $0x0  }
0x6: {  	[smem:$0x7FF] =	sst s2  }
0x7: {  	s0 =	rddreg [dreg:$0x5];
	_ =	strace $0x80000047  }
0x8: {  	s4 =	sshll.u32 s1, $0x5  }
0x9: {  	s4 =	smin.u32 s4, $0x188  }
0xa: {  	s9 =	sshrl.u32 s4, $0x3  }
0xb: {  	s8 =	sadd.s32 s8, s9  }
0xc: {  	[tilespmem:s2], [sflag:$0x1] =	stream.linear.gather [hbm4b:s8+s2], $0x20, $0x38;
	[tilespmem:$0x3300] =	vst v63  }
0xd: {  	s20 =	simm.s32 $0x80;
	s7 =	sadd.s32 s7, s9  }
0xe: {  	[tilespmem:s20], [sflag:$0x2] =	stream.linear.gather [hbm4b:s7+s2], $0x20, $0x38;
	[tilespmem:$0x3300] =	vst v63  }
0xf: {  	s21 =	simm.s32 $0x100;
	s22 =	simm.s32 $0x1  }
0x10: {  	[tilespmem:s21], [sflag:$0x3] =	stream.linear.gather [hbm4b:s6+s2], $0x200, $0x38;
	[tilespmem:$0x3300] =	vst v63  }
0x11: {  	_ =	swait.ge [sflag:s22], $0x20  }
0x12: {  	[sflag:s22] =	ssyncset.done $0x0  }
0x13: {  	[sflag:s22] =	ssyncadd.s32 $0xFFFFFFE0  }
0x14: {  	v0 =	vld [tilespmem:$0x0];
	_ =	sdelay $0x6  }
0x15: {  	vm0 =	vmmov $0xffff;
	s23 =	simm.s32 $0x300  }
0x16: {  	[tilespmem:s23], [sflag:$0x4] =	stream.indirect_vreg.gather [hbm4b:s5+s2], $0x80, v0, vm0, $0xb8;
	[tilespmem:$0x3300] =	vst v63  }
0x17: {  	v0 =	vld [tilespmem:$0x10];
	_ =	sdelay $0x6  }
0x18: {  	s24 =	simm.s32 $0xB00;
	s25 =	simm.s32 $0x2  }
0x19: {  	[tilespmem:s24], [sflag:$0x4] =	stream.indirect_vreg.gather [hbm4b:s5+s2], $0x80, v0, vm0, $0xb8;
	[tilespmem:$0x3300] =	vst v63  }
0x1a: {  	_ =	swait.ge [sflag:s25], $0x20  }
0x1b: {  	[sflag:s25] =	ssyncset.done $0x0  }
0x1c: {  	[sflag:s25] =	ssyncadd.s32 $0xFFFFFFE0  }
0x1d: {  	v24 =	vld [tilespmem:$0x80];
	_ =	sdelay $0x1  }
0x1e: {  	s26 =	simm.s32 $0x3  }
0x1f: {  	v4 =	vld [tilespmem:$0x90];
	_ =	swait.ge [sflag:s26], $0x200  }
0x20: {  	v27 =	vimm.s32 $0x0;
	v17 =	vimm.s32 $0x1;
	v22 =	vimm.s32 $0x2;
	[sflag:s26] =	ssyncset.done $0x0  }
0x21: {  	v13 =	vimm.s32 $0x3;
	v14 =	vimm.s32 $0x4;
	[sflag:s26] =	ssyncadd.s32 $0xFFFFFE00;
	v5 =	vperm.xlane v24, v27  }
0x22: {  	v18 =	vimm.s32 $0x5;
	v0 =	vld [tilespmem:$0x100];
	v8 =	vperm.xlane v24, v17;
	v9 =	vperm.xlane v24, v22  }
0x23: {  	v19 =	vimm.s32 $0x6;
	v2 =	vld [tilespmem:$0x180];
	v12 =	vperm.xlane v24, v13;
	v15 =	vperm.xlane v24, v14  }
0x24: {  	v1 =	vld [tilespmem:$0x200];
	v55 =	vperm.xlane v24, v18;
	v21 =	vperm.xlane v24, v19  }
0x25: {  	v3 =	vld [tilespmem:$0x280];
	v18 =	vperm.xlane v4, v18;
	v19 =	vperm.xlane v4, v19;
	v6 =	vand.u32 $0x1, v5  }
0x26: {  	v5 =	vshrl.u32 v5, $0x1;
	v10 =	vand.u32 $0x1, v8;
	v11 =	vand.u32 $0x1, v9  }
0x27: {  	v44 =	vshrl.u32 v8, $0x1;
	v9 =	vshrl.u32 v9, $0x1;
	v16 =	vand.u32 $0x1, v12  }
0x28: {  	v49 =	vand.u32 $0x1, v15;
	v50 =	vshrl.u32 v12, $0x1;
	v23 =	vand.u32 $0x1, v55  }
0x29: {  	v57 =	vand.u32 $0x1, v21;
	v2 =	vsub.f32 v2, v0;
	v6 =	vcvt.s32.f32 v6  }
0x2a: {  	v3 =	vsub.f32 v3, v1;
	v10 =	vcvt.s32.f32 v10;
	v45 =	vcvt.s32.f32 v11  }
0x2b: {  	v5 =	vand.u32 $0x1, v5;
	v48 =	vcvt.s32.f32 v16;
	v51 =	vcvt.s32.f32 v49  }
0x2c: {  	v9 =	vand.u32 $0x1, v9;
	v56 =	vcvt.s32.f32 v23;
	v59 =	vcvt.s32.f32 v57  }
0x2d: {  	v15 =	vshrl.u32 v15, $0x1;
	v5 =	vcvt.s32.f32 v5;
	v9 =	vcvt.s32.f32 v9  }
0x2e: {  	v58 =	vshrl.u32 v55, $0x1;
	v7 =	vmul.f32 v6, v2;
	v6 =	vmul.f32 v6, v3  }
0x2f: {  	v21 =	vshrl.u32 v21, $0x1;
	v46 =	vmul.f32 v10, v2;
	v10 =	vmul.f32 v10, v3  }
0x30: {  	v15 =	vand.u32 $0x1, v15;
	v47 =	vmul.f32 v45, v2;
	v8 =	vmul.f32 v45, v3  }
0x31: {  	v21 =	vand.u32 $0x1, v21;
	v52 =	vmul.f32 v48, v2;
	v53 =	vmul.f32 v51, v2  }
0x32: {  	v12 =	vmul.f32 v51, v3;
	v7 =	vadd.f32 v7, v0;
	v6 =	vadd.f32 v6, v1  }
0x33: {  	v60 =	vmul.f32 v56, v2;
	v11 =	vadd.f32 v46, v0;
	v10 =	vadd.f32 v10, v1  }
0x34: {  	v62 =	vmul.f32 v59, v2;
	v8 =	vadd.f32 v8, v1;
	v6 =	vsub.f32 v6, v7  }
0x35: {  	v16 =	vadd.f32 v52, v0;
	v54 =	vadd.f32 v12, v1;
	v12 =	vmul.f32 v59, v3  }
0x36: {  	v28 =	vadd.f32 v62, v0;
	v5 =	vmul.f32 v5, v6;
	v6 =	vand.u32 $0x1, v44  }
0x37: {  	v10 =	vsub.f32 v10, v11;
	v12 =	vadd.f32 v12, v1;
	v6 =	vcvt.s32.f32 v6  }
0x38: {  	v15 =	vcvt.s32.f32 v15;
	v5 =	vadd.f32 v5, v7;
	v7 =	vadd.f32 v47, v0  }
0x39: {  	v20 =	vadd.f32 v53, v0;
	v63 =	vadd.f32 v60, v0;
	v6 =	vmul.f32 v6, v10  }
0x3a: {  	v12 =	vsub.f32 v12, v28;
	v10 =	vmul.f32 v48, v3;
	v8 =	vsub.f32 v8, v7  }
0x3b: {  	v21 =	vcvt.s32.f32 v21;
	v6 =	vadd.f32 v6, v11;
	v11 =	vsub.f32 v54, v20  }
0x3c: {  	v10 =	vadd.f32 v10, v1;
	v8 =	vmul.f32 v9, v8;
	v9 =	vand.u32 $0x1, v50  }
0x3d: {  	v9 =	vcvt.s32.f32 v9;
	v26 =	vmul.f32 v15, v11;
	v11 =	vand.u32 $0x1, v58  }
0x3e: {  	v10 =	vsub.f32 v10, v16;
	v15 =	vimm.s32 $0x7;
	v61 =	vcvt.s32.f32 v11  }
0x3f: {  	v7 =	vadd.f32 v8, v7;
	v25 =	vperm.xlane v24, v15;
	v15 =	vperm.xlane v4, v15  }
0x40: {  	v11 =	vimm.s32 $0x8;
	v9 =	vmul.f32 v9, v10;
	v10 =	vmul.f32 v56, v3  }
0x41: {  	v29 =	vperm.xlane v24, v11;
	v11 =	vperm.xlane v4, v11;
	v30 =	vand.u32 $0x1, v25  }
0x42: {  	v45 =	vshrl.u32 v25, $0x1;
	v25 =	vimm.s32 $0x9;
	v10 =	vadd.f32 v10, v1  }
0x43: {  	v43 =	vcvt.s32.f32 v30;
	v44 =	vand.u32 $0x1, v29;
	v30 =	vmul.f32 v21, v12  }
0x44: {  	v12 =	vand.u32 $0x1, v45;
	v8 =	vadd.f32 v9, v16;
	v29 =	vshrl.u32 v29, $0x1  }
0x45: {  	v51 =	vperm.xlane v24, v25;
	v16 =	vimm.s32 $0xA;
	v25 =	vperm.xlane v4, v25  }
0x46: {  	v48 =	vcvt.s32.f32 v12;
	v29 =	vand.u32 $0x1, v29;
	v34 =	vperm.xlane v24, v16  }
0x47: {  	v16 =	vperm.xlane v4, v16;
	v10 =	vsub.f32 v10, v63;
	v46 =	vmul.f32 v43, v2  }
0x48: {  	v47 =	vmul.f32 v43, v3;
	v29 =	vcvt.s32.f32 v29;
	v35 =	vand.u32 $0x1, v51  }
0x49: {  	v54 =	vshrl.u32 v51, $0x1;
	v28 =	vadd.f32 v30, v28;
	v52 =	vcvt.s32.f32 v35  }
0x4a: {  	v53 =	vand.u32 $0x1, v34;
	v56 =	vand.u32 $0x1, v54;
	v34 =	vshrl.u32 v34, $0x1  }
0x4b: {  	v31 =	vmul.f32 v61, v10;
	v10 =	vcvt.s32.f32 v44;
	v32 =	vadd.f32 v46, v0  }
0x4c: {  	v50 =	vadd.f32 v47, v1;
	v55 =	vcvt.s32.f32 v53;
	v57 =	vcvt.s32.f32 v56  }
0x4d: {  	v34 =	vand.u32 $0x1, v34;
	v35 =	vmul.f32 v52, v2;
	v9 =	vmul.f32 v52, v3  }
0x4e: {  	v49 =	vmul.f32 v10, v2;
	v10 =	vmul.f32 v10, v3;
	v21 =	vsub.f32 v50, v32  }
0x4f: {  	v58 =	vmul.f32 v55, v2;
	v35 =	vadd.f32 v35, v0;
	v9 =	vadd.f32 v9, v1  }
0x50: {  	v12 =	vmul.f32 v55, v3;
	v33 =	vadd.f32 v49, v0;
	v10 =	vadd.f32 v10, v1  }
0x51: {  	v36 =	vmul.f32 v48, v21;
	v37 =	vadd.f32 v58, v0;
	v21 =	vimm.s32 $0xB  }
0x52: {  	v12 =	vadd.f32 v12, v1;
	v38 =	vperm.xlane v24, v21;
	v9 =	vsub.f32 v9, v35  }
0x53: {  	v34 =	vcvt.s32.f32 v34;
	v21 =	vperm.xlane v4, v21;
	v10 =	vsub.f32 v10, v33  }
0x54: {  	v12 =	vsub.f32 v12, v37;
	v40 =	vand.u32 $0x1, v38;
	v41 =	vmul.f32 v57, v9  }
0x55: {  	v61 =	vshrl.u32 v38, $0x1;
	v57 =	vperm.xlane v4, v27;
	v29 =	vmul.f32 v29, v10  }
0x56: {  	v10 =	vadd.f32 v26, v20;
	v20 =	vimm.s32 $0xC;
	v59 =	vcvt.s32.f32 v40  }
0x57: {  	v34 =	vmul.f32 v34, v12;
	v12 =	vand.u32 $0x1, v61;
	v26 =	vadd.f32 v31, v63  }
0x58: {  	v39 =	vperm.xlane v24, v20;
	v63 =	vcvt.s32.f32 v12;
	v12 =	vimm.s32 $0xD  }
0x59: {  	v61 =	vand.u32 $0x1, v57;
	v40 =	vmul.f32 v59, v2;
	v9 =	vmul.f32 v59, v3  }
0x5a: {  	v43 =	vperm.xlane v24, v12;
	v12 =	vperm.xlane v4, v12;
	v60 =	vand.u32 $0x1, v39  }
0x5b: {  	v51 =	vshrl.u32 v39, $0x1;
	v62 =	vcvt.s32.f32 v60;
	v31 =	vadd.f32 v40, v0  }
0x5c: {  	v49 =	vadd.f32 v9, v1;
	v9 =	vimm.s32 $0xE;
	v38 =	vand.u32 $0x1, v51  }
0x5d: {  	v45 =	vand.u32 $0x1, v43;
	v44 =	vperm.xlane v24, v9;
	v38 =	vcvt.s32.f32 v38  }
0x5e: {  	v55 =	vshrl.u32 v43, $0x1;
	v52 =	vcvt.s32.f32 v45;
	v9 =	vperm.xlane v4, v9  }
0x5f: {  	v48 =	vmul.f32 v62, v2;
	v50 =	vmul.f32 v62, v3;
	v40 =	vsub.f32 v49, v31  }
0x60: {  	v53 =	vand.u32 $0x1, v44;
	v56 =	vmul.f32 v52, v2;
	v23 =	vmul.f32 v52, v3  }
0x61: {  	v44 =	vshrl.u32 v44, $0x1;
	v52 =	vperm.xlane v4, v17;
	v39 =	vadd.f32 v48, v0  }
0x62: {  	v42 =	vadd.f32 v50, v1;
	v40 =	vmul.f32 v63, v40;
	v54 =	vcvt.s32.f32 v53  }
0x63: {  	v44 =	vand.u32 $0x1, v44;
	v63 =	vcvt.s32.f32 v61;
	v43 =	vadd.f32 v56, v0  }
0x64: {  	v23 =	vadd.f32 v23, v1;
	v44 =	vcvt.s32.f32 v44;
	v45 =	vmul.f32 v54, v2  }
0x65: {  	v61 =	vshrl.u32 v52, $0x1;
	v30 =	vmul.f32 v54, v3;
	v50 =	vmul.f32 v63, v2  }
0x66: {  	v42 =	vsub.f32 v42, v39;
	v51 =	vmul.f32 v63, v3;
	v54 =	vperm.xlane v4, v22  }
0x67: {  	v22 =	vadd.f32 v40, v31;
	v63 =	vperm.xlane v4, v13;
	v46 =	vsub.f32 v23, v43  }
0x68: {  	v23 =	vimm.s32 $0xF;
	v38 =	vmul.f32 v38, v42;
	v42 =	vand.u32 $0x1, v55  }
0x69: {  	v45 =	vadd.f32 v45, v0;
	v30 =	vadd.f32 v30, v1;
	v47 =	vperm.xlane v24, v23  }
0x6a: {  	v24 =	vadd.f32 v36, v32;
	v36 =	vshrl.u32 v57, $0x1;
	v55 =	vand.u32 $0x1, v52  }
0x6b: {  	v57 =	vand.u32 $0x1, v54;
	[tilespmem:$0x2080] =	vst v22;
	v22 =	vand.u32 $0x1, v9;
	v9 =	vshrl.u32 v9, $0x1  }
0x6c: {  	v42 =	vcvt.s32.f32 v42;
	v36 =	vand.u32 $0x1, v36;
	v56 =	vcvt.s32.f32 v55  }
0x6d: {  	v9 =	vand.u32 $0x1, v9;
	v30 =	vsub.f32 v30, v45;
	v58 =	vand.u32 $0x1, v47  }
0x6e: {  	v59 =	vshrl.u32 v47, $0x1;
	v36 =	vcvt.s32.f32 v36;
	v17 =	vadd.f32 v38, v39  }
0x6f: {  	[tilespmem:$0x1A00] =	vst v28;
	v39 =	vand.u32 $0x1, v61;
	v28 =	vcvt.s32.f32 v9;
	v32 =	vmul.f32 v42, v46  }
0x70: {  	v27 =	vcvt.s32.f32 v58;
	v60 =	vand.u32 $0x1, v59;
	v58 =	vcvt.s32.f32 v57  }
0x71: {  	v59 =	vmul.f32 v56, v2;
	v39 =	vcvt.s32.f32 v39;
	v57 =	vand.u32 $0x1, v18  }
0x72: {  	v18 =	vshrl.u32 v18, $0x1;
	v46 =	vand.u32 $0x1, v25;
	v25 =	vshrl.u32 v25, $0x1  }
0x73: {  	v42 =	vmul.f32 v44, v30;
	v30 =	vadd.f32 v29, v33;
	v62 =	vcvt.s32.f32 v60  }
0x74: {  	v29 =	vadd.f32 v41, v35;
	v60 =	vmul.f32 v56, v3;
	v18 =	vand.u32 $0x1, v18  }
0x75: {  	v44 =	vand.u32 $0x1, v11;
	v11 =	vshrl.u32 v11, $0x1;
	v48 =	vmul.f32 v27, v2  }
0x76: {  	v49 =	vmul.f32 v27, v3;
	v27 =	vadd.f32 v34, v37;
	v34 =	vadd.f32 v50, v0  }
0x77: {  	v37 =	vadd.f32 v51, v1;
	v31 =	vmul.f32 v58, v3;
	v13 =	vadd.f32 v32, v43  }
0x78: {  	v50 =	vshrl.u32 v63, $0x1;
	v18 =	vcvt.s32.f32 v18;
	v38 =	vadd.f32 v60, v1  }
0x79: {  	v11 =	vand.u32 $0x1, v11;
	v32 =	vadd.f32 v42, v45;
	v35 =	vadd.f32 v48, v0  }
0x7a: {  	v11 =	vcvt.s32.f32 v11;
	v41 =	vadd.f32 v49, v1;
	v37 =	vsub.f32 v37, v34  }
0x7b: {  	v31 =	vadd.f32 v31, v1;
	v48 =	vperm.xlane v4, v14;
	v49 =	vand.u32 $0x1, v63  }
0x7c: {  	v14 =	vcvt.s32.f32 v49;
	v53 =	vsub.f32 v41, v35;
	v36 =	vmul.f32 v36, v37  }
0x7d: {  	v37 =	vadd.f32 v59, v0;
	v41 =	vshrl.u32 v54, $0x1;
	v51 =	vand.u32 $0x1, v48  }
0x7e: {  	v59 =	vand.u32 $0x1, v19;
	v43 =	vcvt.s32.f32 v51;
	v54 =	vmul.f32 v14, v3  }
0x7f: {  	v41 =	vand.u32 $0x1, v41;
	v60 =	vcvt.s32.f32 v59;
	v33 =	vmul.f32 v62, v53  }
0x80: {  	v19 =	vshrl.u32 v19, $0x1;
	v62 =	vmul.f32 v58, v2;
	v41 =	vcvt.s32.f32 v41  }
0x81: {  	v19 =	vand.u32 $0x1, v19;
	v53 =	vmul.f32 v14, v2;
	v58 =	vcvt.s32.f32 v57  }
0x82: {  	v38 =	vsub.f32 v38, v37;
	v19 =	vcvt.s32.f32 v19;
	v55 =	vmul.f32 v43, v2  }
0x83: {  	v14 =	vadd.f32 v36, v34;
	v56 =	vmul.f32 v43, v3;
	v63 =	vmul.f32 v60, v2  }
0x84: {  	v40 =	vadd.f32 v62, v0;
	v38 =	vmul.f32 v39, v38;
	v39 =	vshrl.u32 v48, $0x1  }
0x85: {  	v61 =	vmul.f32 v58, v2;
	v62 =	vmul.f32 v58, v3;
	v48 =	vand.u32 $0x1, v16  }
0x86: {  	v58 =	vand.u32 $0x1, v21;
	v21 =	vshrl.u32 v21, $0x1;
	[tilespmem:$0x2700] =	vst v14;
	v14 =	vcvt.s32.f32 v22  }
0x87: {  	v34 =	vadd.f32 v55, v0;
	v36 =	vadd.f32 v56, v1;
	v39 =	vand.u32 $0x1, v39  }
0x88: {  	v42 =	vadd.f32 v63, v0;
	v55 =	vshrl.u32 v16, $0x1;
	v56 =	vperm.xlane v4, v20  }
0x89: {  	v16 =	vcvt.s32.f32 v58;
	v21 =	vand.u32 $0x1, v21;
	v4 =	vperm.xlane v4, v23  }
0x8a: {  	v31 =	vsub.f32 v31, v40;
	v39 =	vcvt.s32.f32 v39;
	v37 =	vadd.f32 v38, v37  }
0x8b: {  	[tilespmem:$0x1880] =	vst v8;
	v38 =	vmul.f32 v60, v3;
	v8 =	vand.u32 $0x1, v55;
	v21 =	vcvt.s32.f32 v21  }
0x8c: {  	[tilespmem:$0x1980] =	vst v26;
	v26 =	vmul.f32 v14, v2;
	v14 =	vmul.f32 v14, v3;
	v36 =	vsub.f32 v36, v34  }
0x8d: {  	v20 =	vand.u32 $0x1, v56;
	v8 =	vcvt.s32.f32 v8;
	v59 =	vmul.f32 v16, v2  }
0x8e: {  	v16 =	vmul.f32 v16, v3;
	v23 =	vand.u32 $0x1, v4;
	v4 =	vshrl.u32 v4, $0x1  }
0x8f: {  	v41 =	vmul.f32 v41, v31;
	v31 =	vand.u32 $0x1, v50;
	v38 =	vadd.f32 v38, v1  }
0x90: {  	[tilespmem:$0x2000] =	vst v27;
	v50 =	vand.u32 $0x1, v25;
	v20 =	vcvt.s32.f32 v20;
	v27 =	vadd.f32 v26, v0  }
0x91: {  	v14 =	vadd.f32 v14, v1;
	v52 =	vcvt.s32.f32 v31;
	v31 =	vadd.f32 v33, v35  }
0x92: {  	v4 =	vand.u32 $0x1, v4;
	v33 =	vadd.f32 v53, v0;
	v35 =	vadd.f32 v54, v1  }
0x93: {  	[tilespmem:$0x1A80] =	vst v24;
	v36 =	vmul.f32 v39, v36;
	v24 =	vadd.f32 v59, v0;
	v16 =	vadd.f32 v16, v1  }
0x94: {  	v51 =	vcvt.s32.f32 v50;
	v39 =	vadd.f32 v41, v40;
	v40 =	vadd.f32 v61, v0  }
0x95: {  	v4 =	vcvt.s32.f32 v4;
	v41 =	vadd.f32 v62, v1;
	v38 =	vsub.f32 v38, v42  }
0x96: {  	v60 =	vmul.f32 v20, v2;
	v20 =	vmul.f32 v20, v3;
	v62 =	vand.u32 $0x1, v12  }
0x97: {  	[tilespmem:$0x1F80] =	vst v29;
	v12 =	vshrl.u32 v12, $0x1;
	v29 =	vsub.f32 v14, v27;
	v35 =	vsub.f32 v35, v33  }
0x98: {  	v34 =	vadd.f32 v36, v34;
	v16 =	vsub.f32 v16, v24;
	v63 =	vcvt.s32.f32 v62  }
0x99: {  	v12 =	vand.u32 $0x1, v12;
	v41 =	vsub.f32 v41, v40;
	v19 =	vmul.f32 v19, v38  }
0x9a: {  	v38 =	vcvt.s32.f32 v44;
	v25 =	vadd.f32 v60, v0;
	v20 =	vadd.f32 v20, v1  }
0x9b: {  	v35 =	vmul.f32 v52, v35;
	v18 =	vmul.f32 v18, v41;
	v41 =	vand.u32 $0x1, v15  }
0x9c: {  	v15 =	vshrl.u32 v15, $0x1;
	v19 =	vadd.f32 v19, v42;
	v45 =	vmul.f32 v38, v2  }
0x9d: {  	[tilespmem:$0x1700] =	vst v5;
	v38 =	vmul.f32 v38, v3;
	v33 =	vadd.f32 v35, v33;
	v35 =	vcvt.s32.f32 v41  }
0x9e: {  	[tilespmem:$0x1780] =	vst v6;
	v61 =	vsub.f32 v20, v25;
	v20 =	vmul.f32 v21, v16;
	v21 =	vmul.f32 v63, v2  }
0x9f: {  	[tilespmem:$0x1800] =	vst v7;
	v18 =	vadd.f32 v18, v40;
	v40 =	vadd.f32 v45, v0;
	v43 =	vmul.f32 v35, v2  }
0xa0: {  	[tilespmem:$0x1900] =	vst v10;
	v41 =	vcvt.s32.f32 v46;
	v38 =	vadd.f32 v38, v1;
	v10 =	vadd.f32 v21, v0  }
0xa1: {  	[tilespmem:$0x2100] =	vst v17;
	v35 =	vmul.f32 v35, v3;
	v36 =	vadd.f32 v43, v0;
	v43 =	vcvt.s32.f32 v48  }
0xa2: {  	[tilespmem:$0x1F00] =	vst v30;
	v47 =	vmul.f32 v41, v2;
	v41 =	vmul.f32 v41, v3;
	v38 =	vsub.f32 v38, v40  }
0xa3: {  	[tilespmem:$0x2180] =	vst v13;
	v35 =	vadd.f32 v35, v1;
	v53 =	vmul.f32 v43, v2;
	v54 =	vmul.f32 v43, v3  }
0xa4: {  	[tilespmem:$0x2200] =	vst v32;
	v16 =	vcvt.s32.f32 v23;
	v42 =	vadd.f32 v47, v0;
	v41 =	vadd.f32 v41, v1  }
0xa5: {  	[tilespmem:$0x2780] =	vst v37;
	v15 =	vand.u32 $0x1, v15;
	v57 =	vadd.f32 v53, v0;
	v7 =	vadd.f32 v54, v1  }
0xa6: {  	[tilespmem:$0x2280] =	vst v31;
	v15 =	vcvt.s32.f32 v15;
	v35 =	vsub.f32 v35, v36;
	v52 =	vsub.f32 v41, v42  }
0xa7: {  	[tilespmem:$0x2800] =	vst v39;
	v11 =	vmul.f32 v11, v38;
	v2 =	vmul.f32 v16, v2;
	v7 =	vsub.f32 v7, v57  }
0xa8: {  	[tilespmem:$0x2900] =	vst v34;
	v13 =	vadd.f32 v20, v24;
	v49 =	vmul.f32 v15, v35;
	v6 =	vmul.f32 v51, v52  }
0xa9: {  	[tilespmem:$0x2A00] =	vst v19;
	v11 =	vadd.f32 v11, v40;
	v7 =	vmul.f32 v8, v7;
	v8 =	vmul.f32 v63, v3  }
0xaa: {  	[tilespmem:$0x2880] =	vst v33;
	v15 =	vshrl.u32 v56, $0x1;
	v0 =	vadd.f32 v2, v0;
	v3 =	vmul.f32 v16, v3  }
0xab: {  	[tilespmem:$0x2980] =	vst v18;
	v2 =	vmul.f32 v28, v29;
	v15 =	vand.u32 $0x1, v15;
	v8 =	vadd.f32 v8, v1  }
0xac: {  	[tilespmem:$0x3080] =	vst v13;
	v5 =	vadd.f32 v49, v36;
	v15 =	vcvt.s32.f32 v15;
	v1 =	vadd.f32 v3, v1  }
0xad: {  	v12 =	vcvt.s32.f32 v12;
	[tilespmem:$0x2F00] =	vst v11;
	v6 =	vadd.f32 v6, v42;
	v8 =	vsub.f32 v8, v10  }
0xae: {  	v2 =	vadd.f32 v2, v27;
	v15 =	vmul.f32 v15, v61;
	[tilespmem:$0x2A80] =	vst v5;
	v1 =	vsub.f32 v1, v0  }
0xaf: {  	[tilespmem:$0x2F80] =	vst v6;
	v7 =	vadd.f32 v7, v57;
	v30 =	vmul.f32 v12, v8  }
0xb0: {  	[tilespmem:$0x3200] =	vst v2;
	v31 =	vadd.f32 v15, v25;
	v1 =	vmul.f32 v4, v1  }
0xb1: {  	[tilespmem:$0x3000] =	vst v7;
	v32 =	vadd.f32 v30, v10  }
0xb2: {  	[tilespmem:$0x3100] =	vst v31;
	v0 =	vadd.f32 v1, v0  }
0xb3: {  	[tilespmem:$0x3180] =	vst v32  }
0xb4: {  	s28 =	simm.s32 $0x4;
	[tilespmem:$0x3280] =	vst v0  }
0xb5: {  	_ =	swait.ge [sflag:s28], $0x800  }
0xb6: {  	[sflag:s28] =	ssyncset.done $0x0  }
0xb7: {  	[sflag:s28] =	ssyncadd.s32 $0xFFFFF800  }
0xb8: {  	v33 =	vld [tilespmem:$0x300]  }
0xb9: {  	v34 =	vld [tilespmem:$0x310]  }
0xba: {  	v35 =	vld [tilespmem:$0x320]  }
0xbb: {  	v36 =	vld [tilespmem:$0x330]  }
0xbc: {  	v37 =	vld [tilespmem:$0x340]  }
0xbd: {  	v38 =	vld [tilespmem:$0x350];
	[tilespmem:$0x1300] =	vst v33  }
0xbe: {  	v39 =	vld [tilespmem:$0x360];
	[tilespmem:$0x1310] =	vst v34  }
0xbf: {  	v40 =	vld [tilespmem:$0x370];
	[tilespmem:$0x1320] =	vst v35  }
0xc0: {  	v41 =	vld [tilespmem:$0x380];
	[tilespmem:$0x1330] =	vst v36  }
0xc1: {  	v42 =	vld [tilespmem:$0x390];
	[tilespmem:$0x1340] =	vst v37  }
0xc2: {  	[tilespmem:$0x1350] =	vst v38  }
0xc3: {  	[tilespmem:$0x1360] =	vst v39  }
0xc4: {  	[tilespmem:$0x1370] =	vst v40  }
0xc5: {  	[tilespmem:$0x1380] =	vst v41  }
0xc6: {  	[tilespmem:$0x1390] =	vst v42  }
0xc7: {  	v0 =	vld [tilespmem:$0x3A0]  }
0xc8: {  	v43 =	vld [tilespmem:$0x3B0]  }
0xc9: {  	v44 =	vld [tilespmem:$0x3C0]  }
0xca: {  	v45 =	vld [tilespmem:$0x3D0]  }
0xcb: {  	v46 =	vld [tilespmem:$0x3E0]  }
0xcc: {  	v47 =	vld [tilespmem:$0x3F0];
	[tilespmem:$0x13A0] =	vst v0  }
0xcd: {  	v48 =	vld [tilespmem:$0x400];
	[tilespmem:$0x13B0] =	vst v43  }
0xce: {  	v49 =	vld [tilespmem:$0x410];
	[tilespmem:$0x13C0] =	vst v44  }
0xcf: {  	v50 =	vld [tilespmem:$0x420];
	[tilespmem:$0x13D0] =	vst v45  }
0xd0: {  	v51 =	vld [tilespmem:$0x430];
	[tilespmem:$0x13E0] =	vst v46  }
0xd1: {  	v52 =	vld [tilespmem:$0x440];
	[tilespmem:$0x13F0] =	vst v47  }
0xd2: {  	v53 =	vld [tilespmem:$0x450];
	[tilespmem:$0x1400] =	vst v48  }
0xd3: {  	v54 =	vld [tilespmem:$0x460];
	[tilespmem:$0x1410] =	vst v49  }
0xd4: {  	v55 =	vld [tilespmem:$0x470];
	[tilespmem:$0x1420] =	vst v50  }
0xd5: {  	v56 =	vld [tilespmem:$0x480];
	[tilespmem:$0x1430] =	vst v51  }
0xd6: {  	v57 =	vld [tilespmem:$0x490];
	[tilespmem:$0x1440] =	vst v52  }
0xd7: {  	v58 =	vld [tilespmem:$0x4A0];
	[tilespmem:$0x1450] =	vst v53  }
0xd8: {  	v59 =	vld [tilespmem:$0x4B0];
	[tilespmem:$0x1460] =	vst v54  }
0xd9: {  	v60 =	vld [tilespmem:$0x4C0];
	[tilespmem:$0x1470] =	vst v55  }
0xda: {  	v61 =	vld [tilespmem:$0x4D0];
	[tilespmem:$0x1480] =	vst v56  }
0xdb: {  	v62 =	vld [tilespmem:$0x4E0];
	[tilespmem:$0x1490] =	vst v57  }
0xdc: {  	v63 =	vld [tilespmem:$0x4F0];
	[tilespmem:$0x14A0] =	vst v58  }
0xdd: {  	v8 =	vld [tilespmem:$0x500];
	[tilespmem:$0x14B0] =	vst v59  }
0xde: {  	v9 =	vld [tilespmem:$0x510];
	[tilespmem:$0x14C0] =	vst v60  }
0xdf: {  	v10 =	vld [tilespmem:$0x520];
	[tilespmem:$0x14D0] =	vst v61  }
0xe0: {  	v11 =	vld [tilespmem:$0x530];
	[tilespmem:$0x14E0] =	vst v62  }
0xe1: {  	v12 =	vld [tilespmem:$0x540];
	[tilespmem:$0x14F0] =	vst v63  }
0xe2: {  	v13 =	vld [tilespmem:$0x550];
	[tilespmem:$0x1500] =	vst v8  }
0xe3: {  	v14 =	vld [tilespmem:$0x560];
	[tilespmem:$0x1510] =	vst v9  }
0xe4: {  	v15 =	vld [tilespmem:$0x570];
	[tilespmem:$0x1520] =	vst v10  }
0xe5: {  	v16 =	vld [tilespmem:$0x580];
	[tilespmem:$0x1530] =	vst v11  }
0xe6: {  	v17 =	vld [tilespmem:$0x590];
	[tilespmem:$0x1540] =	vst v12  }
0xe7: {  	v18 =	vld [tilespmem:$0x5A0];
	[tilespmem:$0x1550] =	vst v13  }
0xe8: {  	v19 =	vld [tilespmem:$0x5B0];
	[tilespmem:$0x1560] =	vst v14  }
0xe9: {  	v20 =	vld [tilespmem:$0x5C0];
	[tilespmem:$0x1570] =	vst v15  }
0xea: {  	v21 =	vld [tilespmem:$0x5D0];
	[tilespmem:$0x1580] =	vst v16  }
0xeb: {  	v22 =	vld [tilespmem:$0x5E0];
	[tilespmem:$0x1590] =	vst v17  }
0xec: {  	v23 =	vld [tilespmem:$0x5F0];
	[tilespmem:$0x15A0] =	vst v18  }
0xed: {  	v24 =	vld [tilespmem:$0x600];
	[tilespmem:$0x15B0] =	vst v19  }
0xee: {  	v25 =	vld [tilespmem:$0x610];
	[tilespmem:$0x15C0] =	vst v20  }
0xef: {  	v26 =	vld [tilespmem:$0x620];
	[tilespmem:$0x15D0] =	vst v21  }
0xf0: {  	v27 =	vld [tilespmem:$0x630];
	[tilespmem:$0x15E0] =	vst v22  }
0xf1: {  	v28 =	vld [tilespmem:$0x640];
	[tilespmem:$0x15F0] =	vst v23  }
0xf2: {  	v29 =	vld [tilespmem:$0x650];
	[tilespmem:$0x1600] =	vst v24  }
0xf3: {  	v30 =	vld [tilespmem:$0x660];
	[tilespmem:$0x1610] =	vst v25  }
0xf4: {  	v31 =	vld [tilespmem:$0x670];
	[tilespmem:$0x1620] =	vst v26  }
0xf5: {  	v32 =	vld [tilespmem:$0x680];
	[tilespmem:$0x1630] =	vst v27  }
0xf6: {  	v33 =	vld [tilespmem:$0x690];
	[tilespmem:$0x1640] =	vst v28  }
0xf7: {  	v34 =	vld [tilespmem:$0x6A0];
	[tilespmem:$0x1650] =	vst v29  }
0xf8: {  	v35 =	vld [tilespmem:$0x6B0];
	[tilespmem:$0x1660] =	vst v30  }
0xf9: {  	v36 =	vld [tilespmem:$0x6C0];
	[tilespmem:$0x1670] =	vst v31  }
0xfa: {  	v37 =	vld [tilespmem:$0x6D0];
	[tilespmem:$0x1680] =	vst v32  }
0xfb: {  	v38 =	vld [tilespmem:$0x6E0];
	[tilespmem:$0x1690] =	vst v33  }
0xfc: {  	v39 =	vld [tilespmem:$0x6F0];
	[tilespmem:$0x16A0] =	vst v34  }
0xfd: {  	v40 =	vld [tilespmem:$0x700];
	[tilespmem:$0x16B0] =	vst v35  }
0xfe: {  	v41 =	vld [tilespmem:$0x710];
	[tilespmem:$0x16C0] =	vst v36  }
0xff: {  	v42 =	vld [tilespmem:$0x720];
	[tilespmem:$0x16D0] =	vst v37  }
0x100: {  	[tilespmem:$0x16E0] =	vst v38;
	v43 =	vld [tilespmem:$0x730]  }
0x101: {  	[tilespmem:$0x16F0] =	vst v39;
	v44 =	vld [tilespmem:$0x740]  }
0x102: {  	[tilespmem:$0x1B00] =	vst v40;
	v45 =	vld [tilespmem:$0x750]  }
0x103: {  	[tilespmem:$0x1B10] =	vst v41;
	v46 =	vld [tilespmem:$0x760]  }
0x104: {  	[tilespmem:$0x1B20] =	vst v42;
	v47 =	vld [tilespmem:$0x770]  }
0x105: {  	v48 =	vld [tilespmem:$0x780];
	[tilespmem:$0x1B30] =	vst v43  }
0x106: {  	v49 =	vld [tilespmem:$0x790];
	[tilespmem:$0x1B40] =	vst v44  }
0x107: {  	v50 =	vld [tilespmem:$0x7A0];
	[tilespmem:$0x1B50] =	vst v45  }
0x108: {  	v51 =	vld [tilespmem:$0x7B0];
	[tilespmem:$0x1B60] =	vst v46  }
0x109: {  	v52 =	vld [tilespmem:$0x7C0];
	[tilespmem:$0x1B70] =	vst v47  }
0x10a: {  	v53 =	vld [tilespmem:$0x7D0];
	[tilespmem:$0x1B80] =	vst v48  }
0x10b: {  	v54 =	vld [tilespmem:$0x7E0];
	[tilespmem:$0x1B90] =	vst v49  }
0x10c: {  	v55 =	vld [tilespmem:$0x7F0];
	[tilespmem:$0x1BA0] =	vst v50  }
0x10d: {  	v56 =	vld [tilespmem:$0x800];
	[tilespmem:$0x1BB0] =	vst v51  }
0x10e: {  	v57 =	vld [tilespmem:$0x810];
	[tilespmem:$0x1BC0] =	vst v52  }
0x10f: {  	v58 =	vld [tilespmem:$0x820];
	[tilespmem:$0x1BD0] =	vst v53  }
0x110: {  	v59 =	vld [tilespmem:$0x830];
	[tilespmem:$0x1BE0] =	vst v54  }
0x111: {  	v60 =	vld [tilespmem:$0x840];
	[tilespmem:$0x1BF0] =	vst v55  }
0x112: {  	v61 =	vld [tilespmem:$0x850];
	[tilespmem:$0x1C00] =	vst v56  }
0x113: {  	v62 =	vld [tilespmem:$0x860];
	[tilespmem:$0x1C10] =	vst v57  }
0x114: {  	v63 =	vld [tilespmem:$0x870];
	[tilespmem:$0x1C20] =	vst v58  }
0x115: {  	v8 =	vld [tilespmem:$0x880];
	[tilespmem:$0x1C30] =	vst v59  }
0x116: {  	v9 =	vld [tilespmem:$0x890];
	[tilespmem:$0x1C40] =	vst v60  }
0x117: {  	v10 =	vld [tilespmem:$0x8A0];
	[tilespmem:$0x1C50] =	vst v61  }
0x118: {  	v11 =	vld [tilespmem:$0x8B0];
	[tilespmem:$0x1C60] =	vst v62  }
0x119: {  	v12 =	vld [tilespmem:$0x8C0];
	[tilespmem:$0x1C70] =	vst v63  }
0x11a: {  	v13 =	vld [tilespmem:$0x8D0];
	[tilespmem:$0x1C80] =	vst v8  }
0x11b: {  	v14 =	vld [tilespmem:$0x8E0];
	[tilespmem:$0x1C90] =	vst v9  }
0x11c: {  	v15 =	vld [tilespmem:$0x8F0];
	[tilespmem:$0x1CA0] =	vst v10  }
0x11d: {  	v16 =	vld [tilespmem:$0x900];
	[tilespmem:$0x1CB0] =	vst v11  }
0x11e: {  	v17 =	vld [tilespmem:$0x910];
	[tilespmem:$0x1CC0] =	vst v12  }
0x11f: {  	v18 =	vld [tilespmem:$0x920];
	[tilespmem:$0x1CD0] =	vst v13  }
0x120: {  	v19 =	vld [tilespmem:$0x930];
	[tilespmem:$0x1CE0] =	vst v14  }
0x121: {  	v20 =	vld [tilespmem:$0x940];
	[tilespmem:$0x1CF0] =	vst v15  }
0x122: {  	v21 =	vld [tilespmem:$0x950];
	[tilespmem:$0x1D00] =	vst v16  }
0x123: {  	v22 =	vld [tilespmem:$0x960];
	[tilespmem:$0x1D10] =	vst v17  }
0x124: {  	v23 =	vld [tilespmem:$0x970];
	[tilespmem:$0x1D20] =	vst v18  }
0x125: {  	v24 =	vld [tilespmem:$0x980];
	[tilespmem:$0x1D30] =	vst v19  }
0x126: {  	v25 =	vld [tilespmem:$0x990];
	[tilespmem:$0x1D40] =	vst v20  }
0x127: {  	v26 =	vld [tilespmem:$0x9A0];
	[tilespmem:$0x1D50] =	vst v21  }
0x128: {  	v27 =	vld [tilespmem:$0x9B0];
	[tilespmem:$0x1D60] =	vst v22  }
0x129: {  	v28 =	vld [tilespmem:$0x9C0];
	[tilespmem:$0x1D70] =	vst v23  }
0x12a: {  	v29 =	vld [tilespmem:$0x9D0];
	[tilespmem:$0x1D80] =	vst v24  }
0x12b: {  	v30 =	vld [tilespmem:$0x9E0];
	[tilespmem:$0x1D90] =	vst v25  }
0x12c: {  	v31 =	vld [tilespmem:$0x9F0];
	[tilespmem:$0x1DA0] =	vst v26  }
0x12d: {  	v32 =	vld [tilespmem:$0xA00];
	[tilespmem:$0x1DB0] =	vst v27  }
0x12e: {  	v33 =	vld [tilespmem:$0xA10];
	[tilespmem:$0x1DC0] =	vst v28  }
0x12f: {  	v34 =	vld [tilespmem:$0xA20];
	[tilespmem:$0x1DD0] =	vst v29  }
0x130: {  	v35 =	vld [tilespmem:$0xA30];
	[tilespmem:$0x1DE0] =	vst v30  }
0x131: {  	v36 =	vld [tilespmem:$0xA40];
	[tilespmem:$0x1DF0] =	vst v31  }
0x132: {  	v37 =	vld [tilespmem:$0xA50];
	[tilespmem:$0x1E00] =	vst v32  }
0x133: {  	v38 =	vld [tilespmem:$0xA60];
	[tilespmem:$0x1E10] =	vst v33  }
0x134: {  	v39 =	vld [tilespmem:$0xA70];
	[tilespmem:$0x1E20] =	vst v34  }
0x135: {  	v40 =	vld [tilespmem:$0xA80];
	[tilespmem:$0x1E30] =	vst v35  }
0x136: {  	v41 =	vld [tilespmem:$0xA90];
	[tilespmem:$0x1E40] =	vst v36  }
0x137: {  	v42 =	vld [tilespmem:$0xAA0];
	[tilespmem:$0x1E50] =	vst v37  }
0x138: {  	[tilespmem:$0x1E60] =	vst v38;
	v43 =	vld [tilespmem:$0xAB0]  }
0x139: {  	[tilespmem:$0x1E70] =	vst v39;
	v44 =	vld [tilespmem:$0xAC0]  }
0x13a: {  	[tilespmem:$0x1E80] =	vst v40;
	v45 =	vld [tilespmem:$0xAD0]  }
0x13b: {  	[tilespmem:$0x1E90] =	vst v41;
	v46 =	vld [tilespmem:$0xAE0]  }
0x13c: {  	[tilespmem:$0x1EA0] =	vst v42;
	v47 =	vld [tilespmem:$0xAF0]  }
0x13d: {  	[tilespmem:$0x1EB0] =	vst v43  }
0x13e: {  	[tilespmem:$0x1EC0] =	vst v44  }
0x13f: {  	[tilespmem:$0x1ED0] =	vst v45  }
0x140: {  	s3 =	sadd.s32 $0x400, s3;
	s4 =	sshll.u32 s4, $0x5;
	[tilespmem:$0x1EE0] =	vst v46  }
0x141: {  	s29 =	simm.s32 $0x1300;
	s3 =	sadd.s32 s3, s4;
	[tilespmem:$0x1EF0] =	vst v47  }
0x142: {  	[hbm4b:s3+s2] =	stream.linear.scatter [tilespmem:s29], [sflag:$0x5], $0x1000, $0x38;
	[tilespmem:$0x3300] =	vst v63  }
0x143: {  	_ =	swait.ge [sflag:s28], $0x800  }
0x144: {  	[sflag:s28] =	ssyncset.done $0x0  }
0x145: {  	[sflag:s28] =	ssyncadd.s32 $0xFFFFF800  }
0x146: {  	v48 =	vld [tilespmem:$0xB00]  }
0x147: {  	v49 =	vld [tilespmem:$0xB10]  }
0x148: {  	v50 =	vld [tilespmem:$0xB20]  }
0x149: {  	v51 =	vld [tilespmem:$0xB30]  }
0x14a: {  	v52 =	vld [tilespmem:$0xB40]  }
0x14b: {  	v53 =	vld [tilespmem:$0xB50];
	[tilespmem:$0x2300] =	vst v48  }
0x14c: {  	v54 =	vld [tilespmem:$0xB60];
	[tilespmem:$0x2310] =	vst v49  }
0x14d: {  	v55 =	vld [tilespmem:$0xB70];
	[tilespmem:$0x2320] =	vst v50  }
0x14e: {  	v56 =	vld [tilespmem:$0xB80];
	[tilespmem:$0x2330] =	vst v51  }
0x14f: {  	v57 =	vld [tilespmem:$0xB90];
	[tilespmem:$0x2340] =	vst v52  }
0x150: {  	v58 =	vld [tilespmem:$0xBA0];
	[tilespmem:$0x2350] =	vst v53  }
0x151: {  	v59 =	vld [tilespmem:$0xBB0];
	[tilespmem:$0x2360] =	vst v54  }
0x152: {  	v60 =	vld [tilespmem:$0xBC0];
	[tilespmem:$0x2370] =	vst v55  }
0x153: {  	v61 =	vld [tilespmem:$0xBD0];
	[tilespmem:$0x2380] =	vst v56  }
0x154: {  	v62 =	vld [tilespmem:$0xBE0];
	[tilespmem:$0x2390] =	vst v57  }
0x155: {  	v63 =	vld [tilespmem:$0xBF0];
	[tilespmem:$0x23A0] =	vst v58  }
0x156: {  	v8 =	vld [tilespmem:$0xC00];
	[tilespmem:$0x23B0] =	vst v59  }
0x157: {  	v9 =	vld [tilespmem:$0xC10];
	[tilespmem:$0x23C0] =	vst v60  }
0x158: {  	v10 =	vld [tilespmem:$0xC20];
	[tilespmem:$0x23D0] =	vst v61  }
0x159: {  	v11 =	vld [tilespmem:$0xC30];
	[tilespmem:$0x23E0] =	vst v62  }
0x15a: {  	v12 =	vld [tilespmem:$0xC40];
	[tilespmem:$0x23F0] =	vst v63  }
0x15b: {  	v13 =	vld [tilespmem:$0xC50];
	[tilespmem:$0x2400] =	vst v8  }
0x15c: {  	v14 =	vld [tilespmem:$0xC60];
	[tilespmem:$0x2410] =	vst v9  }
0x15d: {  	v15 =	vld [tilespmem:$0xC70];
	[tilespmem:$0x2420] =	vst v10  }
0x15e: {  	v16 =	vld [tilespmem:$0xC80];
	[tilespmem:$0x2430] =	vst v11  }
0x15f: {  	v17 =	vld [tilespmem:$0xC90];
	[tilespmem:$0x2440] =	vst v12  }
0x160: {  	v18 =	vld [tilespmem:$0xCA0];
	[tilespmem:$0x2450] =	vst v13  }
0x161: {  	v19 =	vld [tilespmem:$0xCB0];
	[tilespmem:$0x2460] =	vst v14  }
0x162: {  	v20 =	vld [tilespmem:$0xCC0];
	[tilespmem:$0x2470] =	vst v15  }
0x163: {  	v21 =	vld [tilespmem:$0xCD0];
	[tilespmem:$0x2480] =	vst v16  }
0x164: {  	v22 =	vld [tilespmem:$0xCE0];
	[tilespmem:$0x2490] =	vst v17  }
0x165: {  	v23 =	vld [tilespmem:$0xCF0];
	[tilespmem:$0x24A0] =	vst v18  }
0x166: {  	v24 =	vld [tilespmem:$0xD00];
	[tilespmem:$0x24B0] =	vst v19  }
0x167: {  	v25 =	vld [tilespmem:$0xD10];
	[tilespmem:$0x24C0] =	vst v20  }
0x168: {  	v26 =	vld [tilespmem:$0xD20];
	[tilespmem:$0x24D0] =	vst v21  }
0x169: {  	v27 =	vld [tilespmem:$0xD30];
	[tilespmem:$0x24E0] =	vst v22  }
0x16a: {  	v28 =	vld [tilespmem:$0xD40];
	[tilespmem:$0x24F0] =	vst v23  }
0x16b: {  	v29 =	vld [tilespmem:$0xD50];
	[tilespmem:$0x2500] =	vst v24  }
0x16c: {  	v30 =	vld [tilespmem:$0xD60];
	[tilespmem:$0x2510] =	vst v25  }
0x16d: {  	v31 =	vld [tilespmem:$0xD70];
	[tilespmem:$0x2520] =	vst v26  }
0x16e: {  	v32 =	vld [tilespmem:$0xD80];
	[tilespmem:$0x2530] =	vst v27  }
0x16f: {  	v33 =	vld [tilespmem:$0xD90];
	[tilespmem:$0x2540] =	vst v28  }
0x170: {  	v34 =	vld [tilespmem:$0xDA0];
	[tilespmem:$0x2550] =	vst v29  }
0x171: {  	v35 =	vld [tilespmem:$0xDB0];
	[tilespmem:$0x2560] =	vst v30  }
0x172: {  	v36 =	vld [tilespmem:$0xDC0];
	[tilespmem:$0x2570] =	vst v31  }
0x173: {  	v37 =	vld [tilespmem:$0xDD0];
	[tilespmem:$0x2580] =	vst v32  }
0x174: {  	v38 =	vld [tilespmem:$0xDE0];
	[tilespmem:$0x2590] =	vst v33  }
0x175: {  	v39 =	vld [tilespmem:$0xDF0];
	[tilespmem:$0x25A0] =	vst v34  }
0x176: {  	v40 =	vld [tilespmem:$0xE00];
	[tilespmem:$0x25B0] =	vst v35  }
0x177: {  	v41 =	vld [tilespmem:$0xE10];
	[tilespmem:$0x25C0] =	vst v36  }
0x178: {  	v42 =	vld [tilespmem:$0xE20];
	[tilespmem:$0x25D0] =	vst v37  }
0x179: {  	v43 =	vld [tilespmem:$0xE30];
	[tilespmem:$0x25E0] =	vst v38  }
0x17a: {  	v44 =	vld [tilespmem:$0xE40];
	[tilespmem:$0x25F0] =	vst v39  }
0x17b: {  	v45 =	vld [tilespmem:$0xE50];
	[tilespmem:$0x2600] =	vst v40  }
0x17c: {  	v46 =	vld [tilespmem:$0xE60];
	[tilespmem:$0x2610] =	vst v41  }
0x17d: {  	v47 =	vld [tilespmem:$0xE70];
	[tilespmem:$0x2620] =	vst v42  }
0x17e: {  	[tilespmem:$0x2630] =	vst v43;
	v48 =	vld [tilespmem:$0xE80]  }
0x17f: {  	[tilespmem:$0x2640] =	vst v44;
	v49 =	vld [tilespmem:$0xE90]  }
0x180: {  	[tilespmem:$0x2650] =	vst v45;
	v50 =	vld [tilespmem:$0xEA0]  }
0x181: {  	[tilespmem:$0x2660] =	vst v46;
	v51 =	vld [tilespmem:$0xEB0]  }
0x182: {  	[tilespmem:$0x2670] =	vst v47;
	v52 =	vld [tilespmem:$0xEC0]  }
0x183: {  	v53 =	vld [tilespmem:$0xED0];
	[tilespmem:$0x2680] =	vst v48  }
0x184: {  	v54 =	vld [tilespmem:$0xEE0];
	[tilespmem:$0x2690] =	vst v49  }
0x185: {  	v55 =	vld [tilespmem:$0xEF0];
	[tilespmem:$0x26A0] =	vst v50  }
0x186: {  	v56 =	vld [tilespmem:$0xF00];
	[tilespmem:$0x26B0] =	vst v51  }
0x187: {  	v57 =	vld [tilespmem:$0xF10];
	[tilespmem:$0x26C0] =	vst v52  }
0x188: {  	v58 =	vld [tilespmem:$0xF20];
	[tilespmem:$0x26D0] =	vst v53  }
0x189: {  	v59 =	vld [tilespmem:$0xF30];
	[tilespmem:$0x26E0] =	vst v54  }
0x18a: {  	v60 =	vld [tilespmem:$0xF40];
	[tilespmem:$0x26F0] =	vst v55  }
0x18b: {  	v61 =	vld [tilespmem:$0xF50];
	[tilespmem:$0x2B00] =	vst v56  }
0x18c: {  	v62 =	vld [tilespmem:$0xF60];
	[tilespmem:$0x2B10] =	vst v57  }
0x18d: {  	v63 =	vld [tilespmem:$0xF70];
	[tilespmem:$0x2B20] =	vst v58  }
0x18e: {  	v8 =	vld [tilespmem:$0xF80];
	[tilespmem:$0x2B30] =	vst v59  }
0x18f: {  	v9 =	vld [tilespmem:$0xF90];
	[tilespmem:$0x2B40] =	vst v60  }
0x190: {  	v10 =	vld [tilespmem:$0xFA0];
	[tilespmem:$0x2B50] =	vst v61  }
0x191: {  	v11 =	vld [tilespmem:$0xFB0];
	[tilespmem:$0x2B60] =	vst v62  }
0x192: {  	v12 =	vld [tilespmem:$0xFC0];
	[tilespmem:$0x2B70] =	vst v63  }
0x193: {  	v13 =	vld [tilespmem:$0xFD0];
	[tilespmem:$0x2B80] =	vst v8  }
0x194: {  	v14 =	vld [tilespmem:$0xFE0];
	[tilespmem:$0x2B90] =	vst v9  }
0x195: {  	v15 =	vld [tilespmem:$0xFF0];
	[tilespmem:$0x2BA0] =	vst v10  }
0x196: {  	v16 =	vld [tilespmem:$0x1000];
	[tilespmem:$0x2BB0] =	vst v11  }
0x197: {  	v17 =	vld [tilespmem:$0x1010];
	[tilespmem:$0x2BC0] =	vst v12  }
0x198: {  	v18 =	vld [tilespmem:$0x1020];
	[tilespmem:$0x2BD0] =	vst v13  }
0x199: {  	v19 =	vld [tilespmem:$0x1030];
	[tilespmem:$0x2BE0] =	vst v14  }
0x19a: {  	v20 =	vld [tilespmem:$0x1040];
	[tilespmem:$0x2BF0] =	vst v15  }
0x19b: {  	v21 =	vld [tilespmem:$0x1050];
	[tilespmem:$0x2C00] =	vst v16  }
0x19c: {  	v22 =	vld [tilespmem:$0x1060];
	[tilespmem:$0x2C10] =	vst v17  }
0x19d: {  	v23 =	vld [tilespmem:$0x1070];
	[tilespmem:$0x2C20] =	vst v18  }
0x19e: {  	v24 =	vld [tilespmem:$0x1080];
	[tilespmem:$0x2C30] =	vst v19  }
0x19f: {  	v25 =	vld [tilespmem:$0x1090];
	[tilespmem:$0x2C40] =	vst v20  }
0x1a0: {  	v26 =	vld [tilespmem:$0x10A0];
	[tilespmem:$0x2C50] =	vst v21  }
0x1a1: {  	v27 =	vld [tilespmem:$0x10B0];
	[tilespmem:$0x2C60] =	vst v22  }
0x1a2: {  	v28 =	vld [tilespmem:$0x10C0];
	[tilespmem:$0x2C70] =	vst v23  }
0x1a3: {  	v29 =	vld [tilespmem:$0x10D0];
	[tilespmem:$0x2C80] =	vst v24  }
0x1a4: {  	v30 =	vld [tilespmem:$0x10E0];
	[tilespmem:$0x2C90] =	vst v25  }
0x1a5: {  	v31 =	vld [tilespmem:$0x10F0];
	[tilespmem:$0x2CA0] =	vst v26  }
0x1a6: {  	v32 =	vld [tilespmem:$0x1100];
	[tilespmem:$0x2CB0] =	vst v27  }
0x1a7: {  	v33 =	vld [tilespmem:$0x1110];
	[tilespmem:$0x2CC0] =	vst v28  }
0x1a8: {  	v34 =	vld [tilespmem:$0x1120];
	[tilespmem:$0x2CD0] =	vst v29  }
0x1a9: {  	v35 =	vld [tilespmem:$0x1130];
	[tilespmem:$0x2CE0] =	vst v30  }
0x1aa: {  	v36 =	vld [tilespmem:$0x1140];
	[tilespmem:$0x2CF0] =	vst v31  }
0x1ab: {  	v37 =	vld [tilespmem:$0x1150];
	[tilespmem:$0x2D00] =	vst v32  }
0x1ac: {  	v38 =	vld [tilespmem:$0x1160];
	[tilespmem:$0x2D10] =	vst v33  }
0x1ad: {  	v39 =	vld [tilespmem:$0x1170];
	[tilespmem:$0x2D20] =	vst v34  }
0x1ae: {  	v40 =	vld [tilespmem:$0x1180];
	[tilespmem:$0x2D30] =	vst v35  }
0x1af: {  	v41 =	vld [tilespmem:$0x1190];
	[tilespmem:$0x2D40] =	vst v36  }
0x1b0: {  	v42 =	vld [tilespmem:$0x11A0];
	[tilespmem:$0x2D50] =	vst v37  }
0x1b1: {  	v43 =	vld [tilespmem:$0x11B0];
	[tilespmem:$0x2D60] =	vst v38  }
0x1b2: {  	v44 =	vld [tilespmem:$0x11C0];
	[tilespmem:$0x2D70] =	vst v39  }
0x1b3: {  	v45 =	vld [tilespmem:$0x11D0];
	[tilespmem:$0x2D80] =	vst v40  }
0x1b4: {  	v46 =	vld [tilespmem:$0x11E0];
	[tilespmem:$0x2D90] =	vst v41  }
0x1b5: {  	v47 =	vld [tilespmem:$0x11F0];
	[tilespmem:$0x2DA0] =	vst v42  }
0x1b6: {  	[tilespmem:$0x2DB0] =	vst v43;
	v48 =	vld [tilespmem:$0x1200]  }
0x1b7: {  	[tilespmem:$0x2DC0] =	vst v44;
	v49 =	vld [tilespmem:$0x1210]  }
0x1b8: {  	[tilespmem:$0x2DD0] =	vst v45;
	v50 =	vld [tilespmem:$0x1220]  }
0x1b9: {  	[tilespmem:$0x2DE0] =	vst v46;
	v51 =	vld [tilespmem:$0x1230]  }
0x1ba: {  	[tilespmem:$0x2DF0] =	vst v47;
	v52 =	vld [tilespmem:$0x1240]  }
0x1bb: {  	v53 =	vld [tilespmem:$0x1250];
	[tilespmem:$0x2E00] =	vst v48  }
0x1bc: {  	v54 =	vld [tilespmem:$0x1260];
	[tilespmem:$0x2E10] =	vst v49  }
0x1bd: {  	v55 =	vld [tilespmem:$0x1270];
	[tilespmem:$0x2E20] =	vst v50  }
0x1be: {  	v56 =	vld [tilespmem:$0x1280];
	[tilespmem:$0x2E30] =	vst v51  }
0x1bf: {  	v57 =	vld [tilespmem:$0x1290];
	[tilespmem:$0x2E40] =	vst v52  }
0x1c0: {  	v58 =	vld [tilespmem:$0x12A0];
	[tilespmem:$0x2E50] =	vst v53  }
0x1c1: {  	v59 =	vld [tilespmem:$0x12B0];
	[tilespmem:$0x2E60] =	vst v54  }
0x1c2: {  	v60 =	vld [tilespmem:$0x12C0];
	[tilespmem:$0x2E70] =	vst v55  }
0x1c3: {  	v61 =	vld [tilespmem:$0x12D0];
	[tilespmem:$0x2E80] =	vst v56  }
0x1c4: {  	v62 =	vld [tilespmem:$0x12E0];
	[tilespmem:$0x2E90] =	vst v57  }
0x1c5: {  	v63 =	vld [tilespmem:$0x12F0];
	[tilespmem:$0x2EA0] =	vst v58  }
0x1c6: {  	[tilespmem:$0x2EB0] =	vst v59  }
0x1c7: {  	[tilespmem:$0x2EC0] =	vst v60  }
0x1c8: {  	[tilespmem:$0x2ED0] =	vst v61  }
0x1c9: {  	[tilespmem:$0x2EE0] =	vst v62  }
0x1ca: {  	s30 =	simm.s32 $0x2300;
	s31 =	simm.s32 $0x5;
	s3 =	sadd.s32 $0x200, s3;
	[tilespmem:$0x2EF0] =	vst v63  }
0x1cb: {  	[hbm4b:s3+s2] =	stream.linear.scatter [tilespmem:s30], [sflag:$0x5], $0x1000, $0x38;
	[tilespmem:$0x3300] =	vst v63  }
0x1cc: {  	_ =	swait.ge [sflag:s31], $0x1000  }
0x1cd: {  	[sflag:s31] =	ssyncset.done $0x0  }
0x1ce: {  	[sflag:s31] =	ssyncadd.s32 $0xFFFFF000  }
0x1cf: {  	_ =	swait.ge [sflag:s31], $0x1000  }
0x1d0: {  	[sflag:s31] =	ssyncset.done $0x0  }
0x1d1: {  	[sflag:s31] =	ssyncadd.s32 $0xFFFFF000  }
.LBB2_2:
0x1d2: {  	_ =	sfence.sel $0x180000  }
0x1d3: {  	[bflag:$0x0] =	sbarrier.arrive $0xFFFF  }
0x1d4: {  	p0 =	sne.s32 s1, $0x0;
	_ =	strace $0x90000047  }
0x1d5: {  	s0 =	sadd.s32 @!p0 $0x100000, s0;
	[bflag:$0x2] =	sbarrier.arrive $0xFFFF  }
0x1d6: {  	[sflag:s0] =	ssyncadd.tile.s32 @!p0 $0x1;
	_ =	shalt  }
.Lfunc_end2:
_tile_overlayer_lowered:
.L_overlay_start_2:
0x1d7: {  	(tag) =	ssettag $0x2  }
0x1d8: {  	s0 =	rddreg [dreg:$0x0];
	s2 =	stileid.u32  }
0x1d9: {  	s1 =	rddreg [dreg:$0x1];
	p0 =	sne.s32 s2, $0x0  }
0x1da: {  	s3 =	rddreg [dreg:$0x2];
	[bflag:$0x3] =	sbarrier.arrive $0xFFFF;
	s2 =	simm.s32 @!p0 $0x1C06  }
0x1db: {  	[timem:s3], [sflag:s2] =	dma.local @!p0 [hbm:s0], s1  }
0x1dc: {  	s0 =	simm.s32 @!p0 $0x6  }
0x1dd: {  	_ =	swait.ge @!p0 [sflag:s0], s1  }
0x1de: {  	s1 =	ssub.s32 @!p0 $0x0, s1;
	[sflag:s0] =	ssyncset.done @!p0 $0x0  }
0x1df: {  	[sflag:s0] =	ssyncadd.s32 @!p0 s1  }
0x1e0: {  	[bflag:$0x3] =	sbarrier.arrive $0xFFFF  }
0x1e1: {  	_ =	shalt  }

</sc_bundles>
